<compile_context>
chip_gen: v7x
topology: tpu7x:2x2x1
jax: 0.10.2.dev20260603
libtpu: 0.0.44.dev20260713+nightly
codegen_flags: <defaults>
</compile_context>

<pallas_src>
import functools

import jax
import jax.numpy as jnp
from jax import lax
from jax.experimental import pallas as pl
from jax.experimental.pallas import tpu as pltpu
from jax.experimental.pallas import tpu_sc as plsc

B, S, D_MODEL, H = 1, 2048, 768, 12
D = D_MODEL // H
G = 32
TOP1, WIN = 8, 512
N1 = S // G
SCALE = D ** -0.5

TQ = 512
TK = 512
NQT = S // TQ
NKT = S // TK

NEG_INF = float("-inf")


def _proj_rope_kernel(x_ref, w_ref, cos_ref, sin_ref, q_ref, k_ref, v_ref):
    y = jnp.dot(x_ref[...].astype(jnp.bfloat16), w_ref[...].astype(jnp.bfloat16), preferred_element_type=jnp.float32)
    c = cos_ref[...]
    s = sin_ref[...]
    q_ref[...] = y[:, 0:D_MODEL] * c + y[:, D_MODEL:2 * D_MODEL] * s
    k_ref[...] = y[:, 2 * D_MODEL:3 * D_MODEL] * c + y[:, 3 * D_MODEL:4 * D_MODEL] * s
    v_ref[...] = y[:, 4 * D_MODEL:5 * D_MODEL]


def _lod1_kernel(kg_ref, w_ref, o_ref):
    g = pl.program_id(1)

    @pl.when(g == 0)
    def _():
        o_ref[...] = jnp.zeros_like(o_ref)

    o_ref[...] += jax.lax.dot_general(
        kg_ref[0].astype(jnp.bfloat16), w_ref[0].astype(jnp.bfloat16),
        (((1,), (1,)), ((), ())), preferred_element_type=jnp.float32)


def _s1_kernel(q_ref, k1_ref, o_ref):
    o_ref[...] = jax.lax.dot_general(
        q_ref[0], k1_ref[...], (((1,), (1,)), ((), ())),
        preferred_element_type=jnp.float32,
        precision=jax.lax.Precision.HIGHEST)


_GD = jax.lax.GatherDimensionNumbers(
    offset_dims=(), collapsed_slice_dims=(0,), start_index_map=(0,))

ROWS = H * S
NW = 32
RPW = ROWS // NW
CH = 256


def _sc_top8_body(s1_hbm, sel_hbm, buf_v, out_v):
    wid = lax.axis_index("s") * 2 + lax.axis_index("c")
    base = wid * RPW
    ninf = jnp.full((16,), NEG_INF, dtype=jnp.float32)
    ones = jnp.full((16,), 1.0, dtype=jnp.float32)
    zeros = jnp.full((16,), 0.0, dtype=jnp.float32)
    lane = lax.iota(jnp.int32, 16)
    for chunk in range(RPW // CH):
        cbase = base + chunk * CH
        pltpu.sync_copy(s1_hbm.at[pl.ds(cbase * N1, CH * N1)], buf_v)

        def row_body(r, carry):
            w = [buf_v[pl.ds(r * N1 + j * 16, 16)] for j in range(4)]
            selb = [None] * 4
            for _t in range(TOP1):
                m = jnp.maximum(jnp.maximum(w[0], w[1]),
                                jnp.maximum(w[2], w[3]))
                for sh in (1, 2, 4, 8):
                    m = jnp.maximum(m, lax.gather(
                        m, (lane ^ sh)[:, None], _GD, (1,),
                        mode=lax.GatherScatterMode.PROMISE_IN_BOUNDS))
                mx = m
                for j in range(4):
                    hit = w[j] == mx
                    selb[j] = hit if _t == 0 else (selb[j] | hit)
                    w[j] = jnp.where(hit, ninf, w[j])
            for j in range(4):
                out_v[pl.ds(r * N1 + j * 16, 16)] = jnp.where(selb[j], ones, zeros)
            return carry

        lax.fori_loop(0, CH, row_body, 0)
        pltpu.sync_copy(out_v, sel_hbm.at[pl.ds(cbase * N1, CH * N1)])


def _sc_top8(s1):
    fn = functools.partial(
        pl.kernel,
        out_type=jax.ShapeDtypeStruct((ROWS * N1,), jnp.float32),
        mesh=plsc.VectorSubcoreMesh(core_axis_name="c", subcore_axis_name="s"),
        scratch_types=[
            pltpu.VMEM((CH * N1,), jnp.float32),
            pltpu.VMEM((CH * N1,), jnp.float32),
        ],
    )(_sc_top8_body)
    return fn(s1.reshape(ROWS * N1)).reshape(ROWS, N1)


def _flash_kernel(q_ref, k_ref, v_ref, sel_in_ref, o_ref,
                  acc_ref, m_ref, l_ref):
    qi = pl.program_id(1)
    ki = pl.program_id(2)
    last = (qi * TQ + TQ - 1) // TK

    @pl.when(ki == 0)
    def _init():
        acc_ref[...] = jnp.zeros_like(acc_ref)
        m_ref[...] = jnp.full_like(m_ref, NEG_INF)
        l_ref[...] = jnp.zeros_like(l_ref)

    @pl.when(ki <= last)
    def _body():
        s = jax.lax.dot_general(
            q_ref[0].astype(jnp.bfloat16), k_ref[0].astype(jnp.bfloat16),
            (((1,), (1,)), ((), ())), preferred_element_type=jnp.float32) * SCALE
        row = qi * TQ + jax.lax.broadcasted_iota(jnp.int32, (TQ, TK), 0)
        col = ki * TK + jax.lax.broadcasted_iota(jnp.int32, (TQ, TK), 1)
        causal = col <= row
        local = causal & (col >= row - (WIN - 1))
        eb = jax.lax.broadcasted_iota(jnp.int32, (N1, TK), 0)
        ec = jax.lax.broadcasted_iota(jnp.int32, (N1, TK), 1) // G + ki * (TK // G)
        e = (eb == ec).astype(jnp.bfloat16)
        routed = jnp.dot(sel_in_ref[...].astype(jnp.bfloat16), e,
                         preferred_element_type=jnp.float32) > 0.5
        mask = local | (routed & causal)
        s = jnp.where(mask, s, NEG_INF)

        m_prev = m_ref[:, :1]
        l_prev = l_ref[:, :1]
        m_new = jnp.maximum(m_prev, jnp.max(s, axis=1, keepdims=True))
        m_safe = jnp.where(m_new == NEG_INF, 0.0, m_new)
        alpha = jnp.exp(m_prev - m_safe)
        p = jnp.exp(s - m_safe)
        l_ref[:, :1] = l_prev * alpha + jnp.sum(p, axis=1, keepdims=True)
        acc_ref[...] = acc_ref[...] * alpha + jnp.dot(
            p.astype(jnp.bfloat16), v_ref[0].astype(jnp.bfloat16),
            preferred_element_type=jnp.float32)
        m_ref[:, :1] = m_new

    @pl.when(ki == last)
    def _fin():
        o_ref[0] = acc_ref[...] / l_ref[:, :1]


def _oproj_kernel(a_ref, w_ref, o_ref):
    o_ref[...] = jnp.dot(a_ref[...].astype(jnp.bfloat16), w_ref[...].astype(jnp.bfloat16),
                         preferred_element_type=jnp.float32)


def _rot_weight(W):
    W4 = W.reshape(H, 2, D // 2, D_MODEL)
    return jnp.concatenate([-W4[:, 1], W4[:, 0]], axis=1).reshape(D_MODEL, D_MODEL)


def kernel(x, Wq, Wk, Wv, Wo, Wk1, Wv1, Wk2, Wv2):
    x2 = x[0]
    Wcat = jnp.concatenate(
        [Wq.T, _rot_weight(Wq).T, Wk.T, _rot_weight(Wk).T, Wv.T], axis=1)

    inv_freq = 1.0 / (10000.0 ** (jnp.arange(0, D, 2, dtype=jnp.float32) / D))
    t = jnp.arange(S, dtype=jnp.float32)
    emb = jnp.concatenate([jnp.outer(t, inv_freq)] * 2, axis=-1)
    cosb = jnp.tile(jnp.cos(emb), (1, H))
    sinb = jnp.tile(jnp.sin(emb), (1, H))

    q2, k2, v2 = pl.pallas_call(
        _proj_rope_kernel,
        grid=(NQT,),
        in_specs=[
            pl.BlockSpec((TQ, D_MODEL), lambda i: (i, 0)),
            pl.BlockSpec((D_MODEL, 5 * D_MODEL), lambda i: (0, 0)),
            pl.BlockSpec((TQ, D_MODEL), lambda i: (i, 0)),
            pl.BlockSpec((TQ, D_MODEL), lambda i: (i, 0)),
        ],
        out_specs=[pl.BlockSpec((TQ, D_MODEL), lambda i: (i, 0))] * 3,
        out_shape=[jax.ShapeDtypeStruct((S, D_MODEL), jnp.float32)] * 3,
    )(x2, Wcat, cosb, sinb)

    q3 = q2.reshape(S, H, D).transpose(1, 0, 2)
    k3 = k2.reshape(S, H, D).transpose(1, 0, 2)
    v3 = v2.reshape(S, H, D).transpose(1, 0, 2)

    kg = k2.reshape(N1, G, H, D).transpose(2, 1, 0, 3).reshape(H * G, N1, D)
    k1 = pl.pallas_call(
        _lod1_kernel,
        grid=(H, G),
        in_specs=[
            pl.BlockSpec((1, N1, D), lambda h, g: (h * G + g, 0, 0)),
            pl.BlockSpec((1, D, D), lambda h, g: (g, 0, 0)),
        ],
        out_specs=pl.BlockSpec((N1, D), lambda h, g: (h, 0)),
        out_shape=jax.ShapeDtypeStruct((H * N1, D), jnp.float32),
    )(kg, Wk1.reshape(D, G, D).transpose(1, 0, 2))

    s1 = pl.pallas_call(
        _s1_kernel,
        grid=(H, NQT),
        in_specs=[
            pl.BlockSpec((1, TQ, D), lambda h, qi: (h, qi, 0)),
            pl.BlockSpec((N1, D), lambda h, qi: (h, 0)),
        ],
        out_specs=pl.BlockSpec((TQ, N1), lambda h, qi: (h * NQT + qi, 0)),
        out_shape=jax.ShapeDtypeStruct((H * S, N1), jnp.float32),
    )(q3, k1)

    sel = _sc_top8(s1)

    attn = pl.pallas_call(
        _flash_kernel,
        grid=(H, NQT, NKT),
        in_specs=[
            pl.BlockSpec((1, TQ, D), lambda h, qi, ki: (h, qi, 0)),
            pl.BlockSpec((1, TK, D), lambda h, qi, ki: (h, ki, 0)),
            pl.BlockSpec((1, TK, D), lambda h, qi, ki: (h, ki, 0)),
            pl.BlockSpec((TQ, N1), lambda h, qi, ki: (h * NQT + qi, 0)),
        ],
        out_specs=pl.BlockSpec((1, TQ, D), lambda h, qi, ki: (h, qi, 0)),
        out_shape=jax.ShapeDtypeStruct((H, S, D), jnp.float32),
        scratch_shapes=[
            pltpu.VMEM((TQ, D), jnp.float32),
            pltpu.VMEM((TQ, 128), jnp.float32),
            pltpu.VMEM((TQ, 128), jnp.float32),
        ],
    )(q3, k3, v3, sel)

    attn2 = attn.transpose(1, 0, 2).reshape(S, D_MODEL)
    out = pl.pallas_call(
        _oproj_kernel,
        grid=(NQT,),
        in_specs=[
            pl.BlockSpec((TQ, D_MODEL), lambda i: (i, 0)),
            pl.BlockSpec((D_MODEL, D_MODEL), lambda i: (0, 0)),
        ],
        out_specs=pl.BlockSpec((TQ, D_MODEL), lambda i: (i, 0)),
        out_shape=jax.ShapeDtypeStruct((S, D_MODEL), jnp.float32),
    )(attn2, Wo.T)
    return out[None]

# --- scband reference (transcript-rebuilt; emitter-appended) ---
"""Pipeline reference for scband-lodattention-30588757082705 (READ-ONLY COPY).

The authoritative reference and input builder live on the scoring server;
editing this copy changes nothing except your own understanding.
"""

import jax, jax.numpy as jnp
import numpy as np
from jax import lax

B, S, D_MODEL, H = 1, 2048, 768, 12
D = D_MODEL // H
G = 32
TOP2, TOP1, WIN = 4, 8, 512


def _rotate_half(x):
    x1, x2 = jnp.split(x, 2, axis=-1)
    return jnp.concatenate([-x2, x1], axis=-1)


def _rope(q, k):
    Dh = q.shape[-1]
    Ss = q.shape[2]
    inv_freq = 1.0 / (10000.0 ** (jnp.arange(0, Dh, 2, dtype=jnp.float32) / Dh))
    t = jnp.arange(Ss, dtype=jnp.float32)
    freqs = jnp.outer(t, inv_freq)
    emb = jnp.concatenate([freqs, freqs], axis=-1)
    cos = jnp.cos(emb)[None, None]
    sin = jnp.sin(emb)[None, None]
    return q * cos + _rotate_half(q) * sin, k * cos + _rotate_half(k) * sin


def _forward(x, Wq, Wk, Wv, Wo, Wk1, Wv1, Wk2, Wv2):
    Bb, Ss, dm = x.shape
    scale = D ** (-0.5)
    q = (x @ Wq.T).reshape(Bb, Ss, H, D).transpose(0, 2, 1, 3)
    k = (x @ Wk.T).reshape(Bb, Ss, H, D).transpose(0, 2, 1, 3)
    v = (x @ Wv.T).reshape(Bb, Ss, H, D).transpose(0, 2, 1, 3)
    q, k = _rope(q, k)
    n1 = Ss // G
    usable1 = n1 * G
    kg1 = k[:, :, :usable1].reshape(Bb, H, n1, G * D)
    vg1 = v[:, :, :usable1].reshape(Bb, H, n1, G * D)
    k1 = kg1 @ Wk1.T
    v1 = vg1 @ Wv1.T
    n2 = n1 // G
    if n2 > 0:
        usable2 = n2 * G
        k2 = k1[:, :, :usable2].reshape(Bb, H, n2, G * D) @ Wk2.T
        v2 = v1[:, :, :usable2].reshape(Bb, H, n2, G * D) @ Wv2.T
    else:
        k2, v2, n2 = k1, v1, n1
    scores2 = jnp.einsum('bhsd,bhnd->bhsn', q, k2) * scale
    qpos = jnp.arange(Ss)
    lod2_end = jnp.arange(n2) * G * G + G * G - 1
    causal2 = lod2_end[None, :] < qpos[:, None]
    scores2 = jnp.where(causal2[None, None], scores2, -jnp.inf)
    top2 = min(TOP2, n2)
    _, i2 = lax.top_k(scores2, top2)
    lod1_idx = jnp.clip(i2[..., None] * G + jnp.arange(G), None, n1 - 1).reshape(Bb, H, Ss, top2 * G)
    k1g = jnp.take_along_axis(k1[:, :, None], lod1_idx[..., None], axis=3)
    scores1 = jnp.einsum('bhsd,bhskd->bhsk', q, k1g) * scale
    top1 = min(TOP1, scores1.shape[-1])
    _, r1 = lax.top_k(scores1, top1)
    a1 = jnp.take_along_axis(lod1_idx, r1, axis=-1)
    pos = jnp.clip(a1[..., None] * G + jnp.arange(G), None, Ss - 1).reshape(Bb, H, Ss, top1 * G)
    mask = jnp.zeros((Bb, H, Ss, Ss), dtype=bool)
    bi = jnp.arange(Bb)[:, None, None, None]
    hi = jnp.arange(H)[None, :, None, None]
    si = jnp.arange(Ss)[None, None, :, None]
    mask = mask.at[bi, hi, si, pos].set(True)
    col = qpos[None, :]
    row = qpos[:, None]
    local = (col <= row) & (col >= row - WIN + 1)
    mask = mask | local[None, None]
    mask = mask & (col <= row)[None, None]
    scores = jnp.einsum('bhsd,bhtd->bhst', q, k) * scale
    scores = jnp.where(mask, scores, -jnp.inf)
    attn = jax.nn.softmax(scores, axis=-1)
    attn = jnp.where(jnp.isnan(attn), 0.0, attn)
    out = jnp.einsum('bhst,bhtd->bhsd', attn, v)
    out = out.transpose(0, 2, 1, 3).reshape(Bb, Ss, dm)
    return out @ Wo.T


def setup_inputs(seed: int = 0):
    key = jax.random.key(seed)
    ks = jax.random.split(key, 10)
    inp = {}
    inp['x'] = jax.random.normal(ks[0], (B, S, D_MODEL), dtype=jnp.float32)
    inp['Wq'] = jax.random.normal(ks[1], (D_MODEL, D_MODEL), dtype=jnp.float32) * 0.02
    inp['Wk'] = jax.random.normal(ks[2], (D_MODEL, D_MODEL), dtype=jnp.float32) * 0.02
    inp['Wv'] = jax.random.normal(ks[3], (D_MODEL, D_MODEL), dtype=jnp.float32) * 0.02
    inp['Wo'] = jax.random.normal(ks[4], (D_MODEL, D_MODEL), dtype=jnp.float32) * 0.02
    inp['Wk1'] = jax.random.normal(ks[5], (D, D * G), dtype=jnp.float32) * 0.02
    inp['Wv1'] = jax.random.normal(ks[6], (D, D * G), dtype=jnp.float32) * 0.02
    inp['Wk2'] = jax.random.normal(ks[7], (D, D * G), dtype=jnp.float32) * 0.02
    inp['Wv2'] = jax.random.normal(ks[8], (D, D * G), dtype=jnp.float32) * 0.02
    return inp


def reference(x, Wq, Wk, Wv, Wo, Wk1, Wv1, Wk2, Wv2):
    return _forward(x, Wq, Wk, Wv, Wo, Wk1, Wv1, Wk2, Wv2)

if __name__ == "__main__":
    import jax
    _d = setup_inputs()
    print(jax.jit(kernel)(*tuple(_d.values())))

</pallas_src>

<mosaic_0001>
#map = affine_map<(d0, d1) -> (0)>
module attributes {stable_mosaic.version = 14 : i64} {
  func.func @_sc_top8_body(%arg0: i32, %arg1: i32, %arg2: memref<1572864xf32, #tpu.memory_space<hbm>>, %arg3: memref<1572864xf32, #tpu.memory_space<hbm>>, %arg4: memref<16384xf32, #tpu.memory_space<vmem>>, %arg5: memref<16384xf32, #tpu.memory_space<vmem>>) attributes {dimension_semantics = [#tpu.dimension_semantics<core_parallel>, #tpu.dimension_semantics<subcore_parallel>], iteration_bounds = array<i64: 2, 16>, scalar_prefetch = 0 : i64, scratch_operands = 2 : i64, tpu.core_type = #tpu.core_type<sc_vector_subcore>, window_params = [{transform_indices = #map}, {transform_indices = #map}]} {
    %mul3A = arith.constant 2 : i32
    %mul3A_0 = arith.muli %arg1, %mul3A : i32
    %add3A = arith.addi %mul3A_0, %arg0 : i32
    %mul3A_1 = arith.constant 768 : i32
    %mul3A_2 = arith.muli %add3A, %mul3A_1 : i32
    %broadcast_in_dim3A = arith.constant 0xFF800000 : f32
    %broadcast_in_dim3A_3 = vector.broadcast %broadcast_in_dim3A : f32 to vector<16xf32>
    %broadcast_in_dim3A_4 = arith.constant 1.000000e+00 : f32
    %broadcast_in_dim3A_5 = vector.broadcast %broadcast_in_dim3A_4 : f32 to vector<16xf32>
    %broadcast_in_dim3A_6 = arith.constant 0.000000e+00 : f32
    %broadcast_in_dim3A_7 = vector.broadcast %broadcast_in_dim3A_6 : f32 to vector<16xf32>
    %iota3A = tpu.iota {dimensions = array<i32: 0>} : vector<16xi32>
    %add3A_8 = arith.constant 0 : i32
    %add3A_9 = arith.addi %mul3A_2, %add3A_8 : i32
    %mul3A_10 = arith.constant 64 : i32
    %mul3A_11 = arith.muli %add3A_9, %mul3A_10 : i32
    "tpu.region"() ({
      %run_scoped3A = tpu.sem_alloc : memref<!tpu.dma_semaphore, #tpu.memory_space<semaphore_mem>>
      %dma_start3A = tpu.memref_slice %arg2[%mul3A_11] : memref<1572864xf32, #tpu.memory_space<hbm>> -> memref<16384xf32, #tpu.memory_space<hbm>>
      %dma_start3A_43 = tpu.memref_slice %arg2[%mul3A_11] : memref<1572864xf32, #tpu.memory_space<hbm>> -> memref<16384xf32, #tpu.memory_space<hbm>>
      tpu.enqueue_dma source(%dma_start3A_43 : memref<16384xf32, #tpu.memory_space<hbm>>) target(%arg4 : memref<16384xf32, #tpu.memory_space<vmem>>) target_semaphore(%run_scoped3A : memref<!tpu.dma_semaphore, #tpu.memory_space<semaphore_mem>>)
      %dma_wait3A = tpu.memref_slice %arg2[%mul3A_11] : memref<1572864xf32, #tpu.memory_space<hbm>> -> memref<16384xf32, #tpu.memory_space<hbm>>
      %dma_wait3A_44 = tpu.memref_slice %arg2[%mul3A_11] : memref<1572864xf32, #tpu.memory_space<hbm>> -> memref<16384xf32, #tpu.memory_space<hbm>>
      tpu.wait_dma2 semaphore(%run_scoped3A : memref<!tpu.dma_semaphore, #tpu.memory_space<semaphore_mem>>) src(%dma_wait3A_44 : memref<16384xf32, #tpu.memory_space<hbm>>) dst(%arg4 : memref<16384xf32, #tpu.memory_space<vmem>>)
      tpu.yield
    }) : () -> ()
    %scan3A = arith.constant 0 : i32
    %scan3A_12 = arith.constant 0 : i32
    %scan3A_13 = arith.constant 256 : i32
    %scan3A_14 = arith.addi %scan3A_12, %scan3A_13 : i32
    %scan3A_15 = arith.constant 1 : i32
    scf.for %scan3A_43 = %scan3A_12 to %scan3A_14 step %scan3A_15  : i32 {
      %mul3A_44 = arith.constant 64 : i32
      %mul3A_45 = arith.muli %scan3A_43, %mul3A_44 : i32
      %add3A_46 = arith.constant 0 : i32
      %add3A_47 = arith.addi %mul3A_45, %add3A_46 : i32
      %get3A = arith.index_cast %add3A_47 : i32 to index
      %get3A_48 = tpu.vector_load %arg4[%get3A] {strides = array<i32>} : memref<16384xf32, #tpu.memory_space<vmem>>, vector<16xf32>,
      %get3A_49 = vector.shape_cast %get3A_48 : vector<16xf32> to vector<16xf32>
      %mul3A_50 = arith.constant 64 : i32
      %mul3A_51 = arith.muli %scan3A_43, %mul3A_50 : i32
      %add3A_52 = arith.constant 16 : i32
      %add3A_53 = arith.addi %mul3A_51, %add3A_52 : i32
      %get3A_54 = arith.index_cast %add3A_53 : i32 to index
      %get3A_55 = tpu.vector_load %arg4[%get3A_54] {strides = array<i32>} : memref<16384xf32, #tpu.memory_space<vmem>>, vector<16xf32>,
      %get3A_56 = vector.shape_cast %get3A_55 : vector<16xf32> to vector<16xf32>
      %mul3A_57 = arith.constant 64 : i32
      %mul3A_58 = arith.muli %scan3A_43, %mul3A_57 : i32
      %add3A_59 = arith.constant 32 : i32
      %add3A_60 = arith.addi %mul3A_58, %add3A_59 : i32
      %get3A_61 = arith.index_cast %add3A_60 : i32 to index
      %get3A_62 = tpu.vector_load %arg4[%get3A_61] {strides = array<i32>} : memref<16384xf32, #tpu.memory_space<vmem>>, vector<16xf32>,
      %get3A_63 = vector.shape_cast %get3A_62 : vector<16xf32> to vector<16xf32>
      %mul3A_64 = arith.constant 64 : i32
      %mul3A_65 = arith.muli %scan3A_43, %mul3A_64 : i32
      %add3A_66 = arith.constant 48 : i32
      %add3A_67 = arith.addi %mul3A_65, %add3A_66 : i32
      %get3A_68 = arith.index_cast %add3A_67 : i32 to index
      %get3A_69 = tpu.vector_load %arg4[%get3A_68] {strides = array<i32>} : memref<16384xf32, #tpu.memory_space<vmem>>, vector<16xf32>,
      %get3A_70 = vector.shape_cast %get3A_69 : vector<16xf32> to vector<16xf32>
      %max3A = arith.maximumf %get3A_49, %get3A_56 : vector<16xf32>
      %max3A_71 = arith.maximumf %get3A_63, %get3A_70 : vector<16xf32>
      %max3A_72 = arith.maximumf %max3A, %max3A_71 : vector<16xf32>
      %xor3A = arith.constant 1 : i32
      %xor3A_73 = vector.broadcast %xor3A : i32 to vector<16xi32>
      %xor3A_74 = arith.xori %iota3A, %xor3A_73 : vector<16xi32>
      %broadcast_in_dim3A_75 = vector.shape_cast %xor3A_74 : vector<16xi32> to vector<16x1xi32>
      %gather3A = vector.shape_cast %broadcast_in_dim3A_75 : vector<16x1xi32> to vector<16xi32>
      %gather3A_76 = tpu.dynamic_gather %max3A_72[%gather3A] in [0] : vector<16xf32>, vector<16xi32> -> vector<16xf32>
      %max3A_77 = arith.maximumf %max3A_72, %gather3A_76 : vector<16xf32>
      %xor3A_78 = arith.constant 2 : i32
      %xor3A_79 = vector.broadcast %xor3A_78 : i32 to vector<16xi32>
      %xor3A_80 = arith.xori %iota3A, %xor3A_79 : vector<16xi32>
      %broadcast_in_dim3A_81 = vector.shape_cast %xor3A_80 : vector<16xi32> to vector<16x1xi32>
      %gather3A_82 = vector.shape_cast %broadcast_in_dim3A_81 : vector<16x1xi32> to vector<16xi32>
      %gather3A_83 = tpu.dynamic_gather %max3A_77[%gather3A_82] in [0] : vector<16xf32>, vector<16xi32> -> vector<16xf32>
      %max3A_84 = arith.maximumf %max3A_77, %gather3A_83 : vector<16xf32>
      %xor3A_85 = arith.constant 4 : i32
      %xor3A_86 = vector.broadcast %xor3A_85 : i32 to vector<16xi32>
      %xor3A_87 = arith.xori %iota3A, %xor3A_86 : vector<16xi32>
      %broadcast_in_dim3A_88 = vector.shape_cast %xor3A_87 : vector<16xi32> to vector<16x1xi32>
      %gather3A_89 = vector.shape_cast %broadcast_in_dim3A_88 : vector<16x1xi32> to vector<16xi32>
      %gather3A_90 = tpu.dynamic_gather %max3A_84[%gather3A_89] in [0] : vector<16xf32>, vector<16xi32> -> vector<16xf32>
      %max3A_91 = arith.maximumf %max3A_84, %gather3A_90 : vector<16xf32>
      %xor3A_92 = arith.constant 8 : i32
      %xor3A_93 = vector.broadcast %xor3A_92 : i32 to vector<16xi32>
      %xor3A_94 = arith.xori %iota3A, %xor3A_93 : vector<16xi32>
      %broadcast_in_dim3A_95 = vector.shape_cast %xor3A_94 : vector<16xi32> to vector<16x1xi32>
      %gather3A_96 = vector.shape_cast %broadcast_in_dim3A_95 : vector<16x1xi32> to vector<16xi32>
      %gather3A_97 = tpu.dynamic_gather %max3A_91[%gather3A_96] in [0] : vector<16xf32>, vector<16xi32> -> vector<16xf32>
      %max3A_98 = arith.maximumf %max3A_91, %gather3A_97 : vector<16xf32>
      %eq3A = arith.cmpf oeq, %get3A_49, %max3A_98 : vector<16xf32>
      %select_n3A = arith.select %eq3A, %broadcast_in_dim3A_3, %get3A_49 : vector<16xi1>, vector<16xf32>
      %eq3A_99 = arith.cmpf oeq, %get3A_56, %max3A_98 : vector<16xf32>
      %select_n3A_100 = arith.select %eq3A_99, %broadcast_in_dim3A_3, %get3A_56 : vector<16xi1>, vector<16xf32>
      %eq3A_101 = arith.cmpf oeq, %get3A_63, %max3A_98 : vector<16xf32>
      %select_n3A_102 = arith.select %eq3A_101, %broadcast_in_dim3A_3, %get3A_63 : vector<16xi1>, vector<16xf32>
      %eq3A_103 = arith.cmpf oeq, %get3A_70, %max3A_98 : vector<16xf32>
      %select_n3A_104 = arith.select %eq3A_103, %broadcast_in_dim3A_3, %get3A_70 : vector<16xi1>, vector<16xf32>
      %max3A_105 = arith.maximumf %select_n3A, %select_n3A_100 : vector<16xf32>
      %max3A_106 = arith.maximumf %select_n3A_102, %select_n3A_104 : vector<16xf32>
      %max3A_107 = arith.maximumf %max3A_105, %max3A_106 : vector<16xf32>
      %xor3A_108 = arith.constant 1 : i32
      %xor3A_109 = vector.broadcast %xor3A_108 : i32 to vector<16xi32>
      %xor3A_110 = arith.xori %iota3A, %xor3A_109 : vector<16xi32>
      %broadcast_in_dim3A_111 = vector.shape_cast %xor3A_110 : vector<16xi32> to vector<16x1xi32>
      %gather3A_112 = vector.shape_cast %broadcast_in_dim3A_111 : vector<16x1xi32> to vector<16xi32>
      %gather3A_113 = tpu.dynamic_gather %max3A_107[%gather3A_112] in [0] : vector<16xf32>, vector<16xi32> -> vector<16xf32>
      %max3A_114 = arith.maximumf %max3A_107, %gather3A_113 : vector<16xf32>
      %xor3A_115 = arith.constant 2 : i32
      %xor3A_116 = vector.broadcast %xor3A_115 : i32 to vector<16xi32>
      %xor3A_117 = arith.xori %iota3A, %xor3A_116 : vector<16xi32>
      %broadcast_in_dim3A_118 = vector.shape_cast %xor3A_117 : vector<16xi32> to vector<16x1xi32>
      %gather3A_119 = vector.shape_cast %broadcast_in_dim3A_118 : vector<16x1xi32> to vector<16xi32>
      %gather3A_120 = tpu.dynamic_gather %max3A_114[%gather3A_119] in [0] : vector<16xf32>, vector<16xi32> -> vector<16xf32>
      %max3A_121 = arith.maximumf %max3A_114, %gather3A_120 : vector<16xf32>
      %xor3A_122 = arith.constant 4 : i32
      %xor3A_123 = vector.broadcast %xor3A_122 : i32 to vector<16xi32>
      %xor3A_124 = arith.xori %iota3A, %xor3A_123 : vector<16xi32>
      %broadcast_in_dim3A_125 = vector.shape_cast %xor3A_124 : vector<16xi32> to vector<16x1xi32>
      %gather3A_126 = vector.shape_cast %broadcast_in_dim3A_125 : vector<16x1xi32> to vector<16xi32>
      %gather3A_127 = tpu.dynamic_gather %max3A_121[%gather3A_126] in [0] : vector<16xf32>, vector<16xi32> -> vector<16xf32>
      %max3A_128 = arith.maximumf %max3A_121, %gather3A_127 : vector<16xf32>
      %xor3A_129 = arith.constant 8 : i32
      %xor3A_130 = vector.broadcast %xor3A_129 : i32 to vector<16xi32>
      %xor3A_131 = arith.xori %iota3A, %xor3A_130 : vector<16xi32>
      %broadcast_in_dim3A_132 = vector.shape_cast %xor3A_131 : vector<16xi32> to vector<16x1xi32>
      %gather3A_133 = vector.shape_cast %broadcast_in_dim3A_132 : vector<16x1xi32> to vector<16xi32>
      %gather3A_134 = tpu.dynamic_gather %max3A_128[%gather3A_133] in [0] : vector<16xf32>, vector<16xi32> -> vector<16xf32>
      %max3A_135 = arith.maximumf %max3A_128, %gather3A_134 : vector<16xf32>
      %eq3A_136 = arith.cmpf oeq, %select_n3A, %max3A_135 : vector<16xf32>
      %or3A = arith.ori %eq3A, %eq3A_136 : vector<16xi1>
      %select_n3A_137 = arith.select %eq3A_136, %broadcast_in_dim3A_3, %select_n3A : vector<16xi1>, vector<16xf32>
      %eq3A_138 = arith.cmpf oeq, %select_n3A_100, %max3A_135 : vector<16xf32>
      %or3A_139 = arith.ori %eq3A_99, %eq3A_138 : vector<16xi1>
      %select_n3A_140 = arith.select %eq3A_138, %broadcast_in_dim3A_3, %select_n3A_100 : vector<16xi1>, vector<16xf32>
      %eq3A_141 = arith.cmpf oeq, %select_n3A_102, %max3A_135 : vector<16xf32>
      %or3A_142 = arith.ori %eq3A_101, %eq3A_141 : vector<16xi1>
      %select_n3A_143 = arith.select %eq3A_141, %broadcast_in_dim3A_3, %select_n3A_102 : vector<16xi1>, vector<16xf32>
      %eq3A_144 = arith.cmpf oeq, %select_n3A_104, %max3A_135 : vector<16xf32>
      %or3A_145 = arith.ori %eq3A_103, %eq3A_144 : vector<16xi1>
      %select_n3A_146 = arith.select %eq3A_144, %broadcast_in_dim3A_3, %select_n3A_104 : vector<16xi1>, vector<16xf32>
      %max3A_147 = arith.maximumf %select_n3A_137, %select_n3A_140 : vector<16xf32>
      %max3A_148 = arith.maximumf %select_n3A_143, %select_n3A_146 : vector<16xf32>
      %max3A_149 = arith.maximumf %max3A_147, %max3A_148 : vector<16xf32>
      %xor3A_150 = arith.constant 1 : i32
      %xor3A_151 = vector.broadcast %xor3A_150 : i32 to vector<16xi32>
      %xor3A_152 = arith.xori %iota3A, %xor3A_151 : vector<16xi32>
      %broadcast_in_dim3A_153 = vector.shape_cast %xor3A_152 : vector<16xi32> to vector<16x1xi32>
      %gather3A_154 = vector.shape_cast %broadcast_in_dim3A_153 : vector<16x1xi32> to vector<16xi32>
      %gather3A_155 = tpu.dynamic_gather %max3A_149[%gather3A_154] in [0] : vector<16xf32>, vector<16xi32> -> vector<16xf32>
      %max3A_156 = arith.maximumf %max3A_149, %gather3A_155 : vector<16xf32>
      %xor3A_157 = arith.constant 2 : i32
      %xor3A_158 = vector.broadcast %xor3A_157 : i32 to vector<16xi32>
      %xor3A_159 = arith.xori %iota3A, %xor3A_158 : vector<16xi32>
      %broadcast_in_dim3A_160 = vector.shape_cast %xor3A_159 : vector<16xi32> to vector<16x1xi32>
      %gather3A_161 = vector.shape_cast %broadcast_in_dim3A_160 : vector<16x1xi32> to vector<16xi32>
      %gather3A_162 = tpu.dynamic_gather %max3A_156[%gather3A_161] in [0] : vector<16xf32>, vector<16xi32> -> vector<16xf32>
      %max3A_163 = arith.maximumf %max3A_156, %gather3A_162 : vector<16xf32>
      %xor3A_164 = arith.constant 4 : i32
      %xor3A_165 = vector.broadcast %xor3A_164 : i32 to vector<16xi32>
      %xor3A_166 = arith.xori %iota3A, %xor3A_165 : vector<16xi32>
      %broadcast_in_dim3A_167 = vector.shape_cast %xor3A_166 : vector<16xi32> to vector<16x1xi32>
      %gather3A_168 = vector.shape_cast %broadcast_in_dim3A_167 : vector<16x1xi32> to vector<16xi32>
      %gather3A_169 = tpu.dynamic_gather %max3A_163[%gather3A_168] in [0] : vector<16xf32>, vector<16xi32> -> vector<16xf32>
      %max3A_170 = arith.maximumf %max3A_163, %gather3A_169 : vector<16xf32>
      %xor3A_171 = arith.constant 8 : i32
      %xor3A_172 = vector.broadcast %xor3A_171 : i32 to vector<16xi32>
      %xor3A_173 = arith.xori %iota3A, %xor3A_172 : vector<16xi32>
      %broadcast_in_dim3A_174 = vector.shape_cast %xor3A_173 : vector<16xi32> to vector<16x1xi32>
      %gather3A_175 = vector.shape_cast %broadcast_in_dim3A_174 : vector<16x1xi32> to vector<16xi32>
      %gather3A_176 = tpu.dynamic_gather %max3A_170[%gather3A_175] in [0] : vector<16xf32>, vector<16xi32> -> vector<16xf32>
      %max3A_177 = arith.maximumf %max3A_170, %gather3A_176 : vector<16xf32>
      %eq3A_178 = arith.cmpf oeq, %select_n3A_137, %max3A_177 : vector<16xf32>
      %or3A_179 = arith.ori %or3A, %eq3A_178 : vector<16xi1>
      %select_n3A_180 = arith.select %eq3A_178, %broadcast_in_dim3A_3, %select_n3A_137 : vector<16xi1>, vector<16xf32>
      %eq3A_181 = arith.cmpf oeq, %select_n3A_140, %max3A_177 : vector<16xf32>
      %or3A_182 = arith.ori %or3A_139, %eq3A_181 : vector<16xi1>
      %select_n3A_183 = arith.select %eq3A_181, %broadcast_in_dim3A_3, %select_n3A_140 : vector<16xi1>, vector<16xf32>
      %eq3A_184 = arith.cmpf oeq, %select_n3A_143, %max3A_177 : vector<16xf32>
      %or3A_185 = arith.ori %or3A_142, %eq3A_184 : vector<16xi1>
      %select_n3A_186 = arith.select %eq3A_184, %broadcast_in_dim3A_3, %select_n3A_143 : vector<16xi1>, vector<16xf32>
      %eq3A_187 = arith.cmpf oeq, %select_n3A_146, %max3A_177 : vector<16xf32>
      %or3A_188 = arith.ori %or3A_145, %eq3A_187 : vector<16xi1>
      %select_n3A_189 = arith.select %eq3A_187, %broadcast_in_dim3A_3, %select_n3A_146 : vector<16xi1>, vector<16xf32>
      %max3A_190 = arith.maximumf %select_n3A_180, %select_n3A_183 : vector<16xf32>
      %max3A_191 = arith.maximumf %select_n3A_186, %select_n3A_189 : vector<16xf32>
      %max3A_192 = arith.maximumf %max3A_190, %max3A_191 : vector<16xf32>
      %xor3A_193 = arith.constant 1 : i32
      %xor3A_194 = vector.broadcast %xor3A_193 : i32 to vector<16xi32>
      %xor3A_195 = arith.xori %iota3A, %xor3A_194 : vector<16xi32>
      %broadcast_in_dim3A_196 = vector.shape_cast %xor3A_195 : vector<16xi32> to vector<16x1xi32>
      %gather3A_197 = vector.shape_cast %broadcast_in_dim3A_196 : vector<16x1xi32> to vector<16xi32>
      %gather3A_198 = tpu.dynamic_gather %max3A_192[%gather3A_197] in [0] : vector<16xf32>, vector<16xi32> -> vector<16xf32>
      %max3A_199 = arith.maximumf %max3A_192, %gather3A_198 : vector<16xf32>
      %xor3A_200 = arith.constant 2 : i32
      %xor3A_201 = vector.broadcast %xor3A_200 : i32 to vector<16xi32>
      %xor3A_202 = arith.xori %iota3A, %xor3A_201 : vector<16xi32>
      %broadcast_in_dim3A_203 = vector.shape_cast %xor3A_202 : vector<16xi32> to vector<16x1xi32>
      %gather3A_204 = vector.shape_cast %broadcast_in_dim3A_203 : vector<16x1xi32> to vector<16xi32>
      %gather3A_205 = tpu.dynamic_gather %max3A_199[%gather3A_204] in [0] : vector<16xf32>, vector<16xi32> -> vector<16xf32>
      %max3A_206 = arith.maximumf %max3A_199, %gather3A_205 : vector<16xf32>
      %xor3A_207 = arith.constant 4 : i32
      %xor3A_208 = vector.broadcast %xor3A_207 : i32 to vector<16xi32>
      %xor3A_209 = arith.xori %iota3A, %xor3A_208 : vector<16xi32>
      %broadcast_in_dim3A_210 = vector.shape_cast %xor3A_209 : vector<16xi32> to vector<16x1xi32>
      %gather3A_211 = vector.shape_cast %broadcast_in_dim3A_210 : vector<16x1xi32> to vector<16xi32>
      %gather3A_212 = tpu.dynamic_gather %max3A_206[%gather3A_211] in [0] : vector<16xf32>, vector<16xi32> -> vector<16xf32>
      %max3A_213 = arith.maximumf %max3A_206, %gather3A_212 : vector<16xf32>
      %xor3A_214 = arith.constant 8 : i32
      %xor3A_215 = vector.broadcast %xor3A_214 : i32 to vector<16xi32>
      %xor3A_216 = arith.xori %iota3A, %xor3A_215 : vector<16xi32>
      %broadcast_in_dim3A_217 = vector.shape_cast %xor3A_216 : vector<16xi32> to vector<16x1xi32>
      %gather3A_218 = vector.shape_cast %broadcast_in_dim3A_217 : vector<16x1xi32> to vector<16xi32>
      %gather3A_219 = tpu.dynamic_gather %max3A_213[%gather3A_218] in [0] : vector<16xf32>, vector<16xi32> -> vector<16xf32>
      %max3A_220 = arith.maximumf %max3A_213, %gather3A_219 : vector<16xf32>
      %eq3A_221 = arith.cmpf oeq, %select_n3A_180, %max3A_220 : vector<16xf32>
      %or3A_222 = arith.ori %or3A_179, %eq3A_221 : vector<16xi1>
      %select_n3A_223 = arith.select %eq3A_221, %broadcast_in_dim3A_3, %select_n3A_180 : vector<16xi1>, vector<16xf32>
      %eq3A_224 = arith.cmpf oeq, %select_n3A_183, %max3A_220 : vector<16xf32>
      %or3A_225 = arith.ori %or3A_182, %eq3A_224 : vector<16xi1>
      %select_n3A_226 = arith.select %eq3A_224, %broadcast_in_dim3A_3, %select_n3A_183 : vector<16xi1>, vector<16xf32>
      %eq3A_227 = arith.cmpf oeq, %select_n3A_186, %max3A_220 : vector<16xf32>
      %or3A_228 = arith.ori %or3A_185, %eq3A_227 : vector<16xi1>
      %select_n3A_229 = arith.select %eq3A_227, %broadcast_in_dim3A_3, %select_n3A_186 : vector<16xi1>, vector<16xf32>
      %eq3A_230 = arith.cmpf oeq, %select_n3A_189, %max3A_220 : vector<16xf32>
      %or3A_231 = arith.ori %or3A_188, %eq3A_230 : vector<16xi1>
      %select_n3A_232 = arith.select %eq3A_230, %broadcast_in_dim3A_3, %select_n3A_189 : vector<16xi1>, vector<16xf32>
      %max3A_233 = arith.maximumf %select_n3A_223, %select_n3A_226 : vector<16xf32>
      %max3A_234 = arith.maximumf %select_n3A_229, %select_n3A_232 : vector<16xf32>
      %max3A_235 = arith.maximumf %max3A_233, %max3A_234 : vector<16xf32>
      %xor3A_236 = arith.constant 1 : i32
      %xor3A_237 = vector.broadcast %xor3A_236 : i32 to vector<16xi32>
      %xor3A_238 = arith.xori %iota3A, %xor3A_237 : vector<16xi32>
      %broadcast_in_dim3A_239 = vector.shape_cast %xor3A_238 : vector<16xi32> to vector<16x1xi32>
      %gather3A_240 = vector.shape_cast %broadcast_in_dim3A_239 : vector<16x1xi32> to vector<16xi32>
      %gather3A_241 = tpu.dynamic_gather %max3A_235[%gather3A_240] in [0] : vector<16xf32>, vector<16xi32> -> vector<16xf32>
      %max3A_242 = arith.maximumf %max3A_235, %gather3A_241 : vector<16xf32>
      %xor3A_243 = arith.constant 2 : i32
      %xor3A_244 = vector.broadcast %xor3A_243 : i32 to vector<16xi32>
      %xor3A_245 = arith.xori %iota3A, %xor3A_244 : vector<16xi32>
      %broadcast_in_dim3A_246 = vector.shape_cast %xor3A_245 : vector<16xi32> to vector<16x1xi32>
      %gather3A_247 = vector.shape_cast %broadcast_in_dim3A_246 : vector<16x1xi32> to vector<16xi32>
      %gather3A_248 = tpu.dynamic_gather %max3A_242[%gather3A_247] in [0] : vector<16xf32>, vector<16xi32> -> vector<16xf32>
      %max3A_249 = arith.maximumf %max3A_242, %gather3A_248 : vector<16xf32>
      %xor3A_250 = arith.constant 4 : i32
      %xor3A_251 = vector.broadcast %xor3A_250 : i32 to vector<16xi32>
      %xor3A_252 = arith.xori %iota3A, %xor3A_251 : vector<16xi32>
      %broadcast_in_dim3A_253 = vector.shape_cast %xor3A_252 : vector<16xi32> to vector<16x1xi32>
      %gather3A_254 = vector.shape_cast %broadcast_in_dim3A_253 : vector<16x1xi32> to vector<16xi32>
      %gather3A_255 = tpu.dynamic_gather %max3A_249[%gather3A_254] in [0] : vector<16xf32>, vector<16xi32> -> vector<16xf32>
      %max3A_256 = arith.maximumf %max3A_249, %gather3A_255 : vector<16xf32>
      %xor3A_257 = arith.constant 8 : i32
      %xor3A_258 = vector.broadcast %xor3A_257 : i32 to vector<16xi32>
      %xor3A_259 = arith.xori %iota3A, %xor3A_258 : vector<16xi32>
      %broadcast_in_dim3A_260 = vector.shape_cast %xor3A_259 : vector<16xi32> to vector<16x1xi32>
      %gather3A_261 = vector.shape_cast %broadcast_in_dim3A_260 : vector<16x1xi32> to vector<16xi32>
      %gather3A_262 = tpu.dynamic_gather %max3A_256[%gather3A_261] in [0] : vector<16xf32>, vector<16xi32> -> vector<16xf32>
      %max3A_263 = arith.maximumf %max3A_256, %gather3A_262 : vector<16xf32>
      %eq3A_264 = arith.cmpf oeq, %select_n3A_223, %max3A_263 : vector<16xf32>
      %or3A_265 = arith.ori %or3A_222, %eq3A_264 : vector<16xi1>
      %select_n3A_266 = arith.select %eq3A_264, %broadcast_in_dim3A_3, %select_n3A_223 : vector<16xi1>, vector<16xf32>
      %eq3A_267 = arith.cmpf oeq, %select_n3A_226, %max3A_263 : vector<16xf32>
      %or3A_268 = arith.ori %or3A_225, %eq3A_267 : vector<16xi1>
      %select_n3A_269 = arith.select %eq3A_267, %broadcast_in_dim3A_3, %select_n3A_226 : vector<16xi1>, vector<16xf32>
      %eq3A_270 = arith.cmpf oeq, %select_n3A_229, %max3A_263 : vector<16xf32>
      %or3A_271 = arith.ori %or3A_228, %eq3A_270 : vector<16xi1>
      %select_n3A_272 = arith.select %eq3A_270, %broadcast_in_dim3A_3, %select_n3A_229 : vector<16xi1>, vector<16xf32>
      %eq3A_273 = arith.cmpf oeq, %select_n3A_232, %max3A_263 : vector<16xf32>
      %or3A_274 = arith.ori %or3A_231, %eq3A_273 : vector<16xi1>
      %select_n3A_275 = arith.select %eq3A_273, %broadcast_in_dim3A_3, %select_n3A_232 : vector<16xi1>, vector<16xf32>
      %max3A_276 = arith.maximumf %select_n3A_266, %select_n3A_269 : vector<16xf32>
      %max3A_277 = arith.maximumf %select_n3A_272, %select_n3A_275 : vector<16xf32>
      %max3A_278 = arith.maximumf %max3A_276, %max3A_277 : vector<16xf32>
      %xor3A_279 = arith.constant 1 : i32
      %xor3A_280 = vector.broadcast %xor3A_279 : i32 to vector<16xi32>
      %xor3A_281 = arith.xori %iota3A, %xor3A_280 : vector<16xi32>
      %broadcast_in_dim3A_282 = vector.shape_cast %xor3A_281 : vector<16xi32> to vector<16x1xi32>
      %gather3A_283 = vector.shape_cast %broadcast_in_dim3A_282 : vector<16x1xi32> to vector<16xi32>
      %gather3A_284 = tpu.dynamic_gather %max3A_278[%gather3A_283] in [0] : vector<16xf32>, vector<16xi32> -> vector<16xf32>
      %max3A_285 = arith.maximumf %max3A_278, %gather3A_284 : vector<16xf32>
      %xor3A_286 = arith.constant 2 : i32
      %xor3A_287 = vector.broadcast %xor3A_286 : i32 to vector<16xi32>
      %xor3A_288 = arith.xori %iota3A, %xor3A_287 : vector<16xi32>
      %broadcast_in_dim3A_289 = vector.shape_cast %xor3A_288 : vector<16xi32> to vector<16x1xi32>
      %gather3A_290 = vector.shape_cast %broadcast_in_dim3A_289 : vector<16x1xi32> to vector<16xi32>
      %gather3A_291 = tpu.dynamic_gather %max3A_285[%gather3A_290] in [0] : vector<16xf32>, vector<16xi32> -> vector<16xf32>
      %max3A_292 = arith.maximumf %max3A_285, %gather3A_291 : vector<16xf32>
      %xor3A_293 = arith.constant 4 : i32
      %xor3A_294 = vector.broadcast %xor3A_293 : i32 to vector<16xi32>
      %xor3A_295 = arith.xori %iota3A, %xor3A_294 : vector<16xi32>
      %broadcast_in_dim3A_296 = vector.shape_cast %xor3A_295 : vector<16xi32> to vector<16x1xi32>
      %gather3A_297 = vector.shape_cast %broadcast_in_dim3A_296 : vector<16x1xi32> to vector<16xi32>
      %gather3A_298 = tpu.dynamic_gather %max3A_292[%gather3A_297] in [0] : vector<16xf32>, vector<16xi32> -> vector<16xf32>
      %max3A_299 = arith.maximumf %max3A_292, %gather3A_298 : vector<16xf32>
      %xor3A_300 = arith.constant 8 : i32
      %xor3A_301 = vector.broadcast %xor3A_300 : i32 to vector<16xi32>
      %xor3A_302 = arith.xori %iota3A, %xor3A_301 : vector<16xi32>
      %broadcast_in_dim3A_303 = vector.shape_cast %xor3A_302 : vector<16xi32> to vector<16x1xi32>
      %gather3A_304 = vector.shape_cast %broadcast_in_dim3A_303 : vector<16x1xi32> to vector<16xi32>
      %gather3A_305 = tpu.dynamic_gather %max3A_299[%gather3A_304] in [0] : vector<16xf32>, vector<16xi32> -> vector<16xf32>
      %max3A_306 = arith.maximumf %max3A_299, %gather3A_305 : vector<16xf32>
      %eq3A_307 = arith.cmpf oeq, %select_n3A_266, %max3A_306 : vector<16xf32>
      %or3A_308 = arith.ori %or3A_265, %eq3A_307 : vector<16xi1>
      %select_n3A_309 = arith.select %eq3A_307, %broadcast_in_dim3A_3, %select_n3A_266 : vector<16xi1>, vector<16xf32>
      %eq3A_310 = arith.cmpf oeq, %select_n3A_269, %max3A_306 : vector<16xf32>
      %or3A_311 = arith.ori %or3A_268, %eq3A_310 : vector<16xi1>
      %select_n3A_312 = arith.select %eq3A_310, %broadcast_in_dim3A_3, %select_n3A_269 : vector<16xi1>, vector<16xf32>
      %eq3A_313 = arith.cmpf oeq, %select_n3A_272, %max3A_306 : vector<16xf32>
      %or3A_314 = arith.ori %or3A_271, %eq3A_313 : vector<16xi1>
      %select_n3A_315 = arith.select %eq3A_313, %broadcast_in_dim3A_3, %select_n3A_272 : vector<16xi1>, vector<16xf32>
      %eq3A_316 = arith.cmpf oeq, %select_n3A_275, %max3A_306 : vector<16xf32>
      %or3A_317 = arith.ori %or3A_274, %eq3A_316 : vector<16xi1>
      %select_n3A_318 = arith.select %eq3A_316, %broadcast_in_dim3A_3, %select_n3A_275 : vector<16xi1>, vector<16xf32>
      %max3A_319 = arith.maximumf %select_n3A_309, %select_n3A_312 : vector<16xf32>
      %max3A_320 = arith.maximumf %select_n3A_315, %select_n3A_318 : vector<16xf32>
      %max3A_321 = arith.maximumf %max3A_319, %max3A_320 : vector<16xf32>
      %xor3A_322 = arith.constant 1 : i32
      %xor3A_323 = vector.broadcast %xor3A_322 : i32 to vector<16xi32>
      %xor3A_324 = arith.xori %iota3A, %xor3A_323 : vector<16xi32>
      %broadcast_in_dim3A_325 = vector.shape_cast %xor3A_324 : vector<16xi32> to vector<16x1xi32>
      %gather3A_326 = vector.shape_cast %broadcast_in_dim3A_325 : vector<16x1xi32> to vector<16xi32>
      %gather3A_327 = tpu.dynamic_gather %max3A_321[%gather3A_326] in [0] : vector<16xf32>, vector<16xi32> -> vector<16xf32>
      %max3A_328 = arith.maximumf %max3A_321, %gather3A_327 : vector<16xf32>
      %xor3A_329 = arith.constant 2 : i32
      %xor3A_330 = vector.broadcast %xor3A_329 : i32 to vector<16xi32>
      %xor3A_331 = arith.xori %iota3A, %xor3A_330 : vector<16xi32>
      %broadcast_in_dim3A_332 = vector.shape_cast %xor3A_331 : vector<16xi32> to vector<16x1xi32>
      %gather3A_333 = vector.shape_cast %broadcast_in_dim3A_332 : vector<16x1xi32> to vector<16xi32>
      %gather3A_334 = tpu.dynamic_gather %max3A_328[%gather3A_333] in [0] : vector<16xf32>, vector<16xi32> -> vector<16xf32>
      %max3A_335 = arith.maximumf %max3A_328, %gather3A_334 : vector<16xf32>
      %xor3A_336 = arith.constant 4 : i32
      %xor3A_337 = vector.broadcast %xor3A_336 : i32 to vector<16xi32>
      %xor3A_338 = arith.xori %iota3A, %xor3A_337 : vector<16xi32>
      %broadcast_in_dim3A_339 = vector.shape_cast %xor3A_338 : vector<16xi32> to vector<16x1xi32>
      %gather3A_340 = vector.shape_cast %broadcast_in_dim3A_339 : vector<16x1xi32> to vector<16xi32>
      %gather3A_341 = tpu.dynamic_gather %max3A_335[%gather3A_340] in [0] : vector<16xf32>, vector<16xi32> -> vector<16xf32>
      %max3A_342 = arith.maximumf %max3A_335, %gather3A_341 : vector<16xf32>
      %xor3A_343 = arith.constant 8 : i32
      %xor3A_344 = vector.broadcast %xor3A_343 : i32 to vector<16xi32>
      %xor3A_345 = arith.xori %iota3A, %xor3A_344 : vector<16xi32>
      %broadcast_in_dim3A_346 = vector.shape_cast %xor3A_345 : vector<16xi32> to vector<16x1xi32>
      %gather3A_347 = vector.shape_cast %broadcast_in_dim3A_346 : vector<16x1xi32> to vector<16xi32>
      %gather3A_348 = tpu.dynamic_gather %max3A_342[%gather3A_347] in [0] : vector<16xf32>, vector<16xi32> -> vector<16xf32>
      %max3A_349 = arith.maximumf %max3A_342, %gather3A_348 : vector<16xf32>
      %eq3A_350 = arith.cmpf oeq, %select_n3A_309, %max3A_349 : vector<16xf32>
      %or3A_351 = arith.ori %or3A_308, %eq3A_350 : vector<16xi1>
      %select_n3A_352 = arith.select %eq3A_350, %broadcast_in_dim3A_3, %select_n3A_309 : vector<16xi1>, vector<16xf32>
      %eq3A_353 = arith.cmpf oeq, %select_n3A_312, %max3A_349 : vector<16xf32>
      %or3A_354 = arith.ori %or3A_311, %eq3A_353 : vector<16xi1>
      %select_n3A_355 = arith.select %eq3A_353, %broadcast_in_dim3A_3, %select_n3A_312 : vector<16xi1>, vector<16xf32>
      %eq3A_356 = arith.cmpf oeq, %select_n3A_315, %max3A_349 : vector<16xf32>
      %or3A_357 = arith.ori %or3A_314, %eq3A_356 : vector<16xi1>
      %select_n3A_358 = arith.select %eq3A_356, %broadcast_in_dim3A_3, %select_n3A_315 : vector<16xi1>, vector<16xf32>
      %eq3A_359 = arith.cmpf oeq, %select_n3A_318, %max3A_349 : vector<16xf32>
      %or3A_360 = arith.ori %or3A_317, %eq3A_359 : vector<16xi1>
      %select_n3A_361 = arith.select %eq3A_359, %broadcast_in_dim3A_3, %select_n3A_318 : vector<16xi1>, vector<16xf32>
      %max3A_362 = arith.maximumf %select_n3A_352, %select_n3A_355 : vector<16xf32>
      %max3A_363 = arith.maximumf %select_n3A_358, %select_n3A_361 : vector<16xf32>
      %max3A_364 = arith.maximumf %max3A_362, %max3A_363 : vector<16xf32>
      %xor3A_365 = arith.constant 1 : i32
      %xor3A_366 = vector.broadcast %xor3A_365 : i32 to vector<16xi32>
      %xor3A_367 = arith.xori %iota3A, %xor3A_366 : vector<16xi32>
      %broadcast_in_dim3A_368 = vector.shape_cast %xor3A_367 : vector<16xi32> to vector<16x1xi32>
      %gather3A_369 = vector.shape_cast %broadcast_in_dim3A_368 : vector<16x1xi32> to vector<16xi32>
      %gather3A_370 = tpu.dynamic_gather %max3A_364[%gather3A_369] in [0] : vector<16xf32>, vector<16xi32> -> vector<16xf32>
      %max3A_371 = arith.maximumf %max3A_364, %gather3A_370 : vector<16xf32>
      %xor3A_372 = arith.constant 2 : i32
      %xor3A_373 = vector.broadcast %xor3A_372 : i32 to vector<16xi32>
      %xor3A_374 = arith.xori %iota3A, %xor3A_373 : vector<16xi32>
      %broadcast_in_dim3A_375 = vector.shape_cast %xor3A_374 : vector<16xi32> to vector<16x1xi32>
      %gather3A_376 = vector.shape_cast %broadcast_in_dim3A_375 : vector<16x1xi32> to vector<16xi32>
      %gather3A_377 = tpu.dynamic_gather %max3A_371[%gather3A_376] in [0] : vector<16xf32>, vector<16xi32> -> vector<16xf32>
      %max3A_378 = arith.maximumf %max3A_371, %gather3A_377 : vector<16xf32>
      %xor3A_379 = arith.constant 4 : i32
      %xor3A_380 = vector.broadcast %xor3A_379 : i32 to vector<16xi32>
      %xor3A_381 = arith.xori %iota3A, %xor3A_380 : vector<16xi32>
      %broadcast_in_dim3A_382 = vector.shape_cast %xor3A_381 : vector<16xi32> to vector<16x1xi32>
      %gather3A_383 = vector.shape_cast %broadcast_in_dim3A_382 : vector<16x1xi32> to vector<16xi32>
      %gather3A_384 = tpu.dynamic_gather %max3A_378[%gather3A_383] in [0] : vector<16xf32>, vector<16xi32> -> vector<16xf32>
      %max3A_385 = arith.maximumf %max3A_378, %gather3A_384 : vector<16xf32>
      %xor3A_386 = arith.constant 8 : i32
      %xor3A_387 = vector.broadcast %xor3A_386 : i32 to vector<16xi32>
      %xor3A_388 = arith.xori %iota3A, %xor3A_387 : vector<16xi32>
      %broadcast_in_dim3A_389 = vector.shape_cast %xor3A_388 : vector<16xi32> to vector<16x1xi32>
      %gather3A_390 = vector.shape_cast %broadcast_in_dim3A_389 : vector<16x1xi32> to vector<16xi32>
      %gather3A_391 = tpu.dynamic_gather %max3A_385[%gather3A_390] in [0] : vector<16xf32>, vector<16xi32> -> vector<16xf32>
      %max3A_392 = arith.maximumf %max3A_385, %gather3A_391 : vector<16xf32>
      %eq3A_393 = arith.cmpf oeq, %select_n3A_352, %max3A_392 : vector<16xf32>
      %or3A_394 = arith.ori %or3A_351, %eq3A_393 : vector<16xi1>
      %select_n3A_395 = arith.select %eq3A_393, %broadcast_in_dim3A_3, %select_n3A_352 : vector<16xi1>, vector<16xf32>
      %eq3A_396 = arith.cmpf oeq, %select_n3A_355, %max3A_392 : vector<16xf32>
      %or3A_397 = arith.ori %or3A_354, %eq3A_396 : vector<16xi1>
      %select_n3A_398 = arith.select %eq3A_396, %broadcast_in_dim3A_3, %select_n3A_355 : vector<16xi1>, vector<16xf32>
      %eq3A_399 = arith.cmpf oeq, %select_n3A_358, %max3A_392 : vector<16xf32>
      %or3A_400 = arith.ori %or3A_357, %eq3A_399 : vector<16xi1>
      %select_n3A_401 = arith.select %eq3A_399, %broadcast_in_dim3A_3, %select_n3A_358 : vector<16xi1>, vector<16xf32>
      %eq3A_402 = arith.cmpf oeq, %select_n3A_361, %max3A_392 : vector<16xf32>
      %or3A_403 = arith.ori %or3A_360, %eq3A_402 : vector<16xi1>
      %select_n3A_404 = arith.select %eq3A_402, %broadcast_in_dim3A_3, %select_n3A_361 : vector<16xi1>, vector<16xf32>
      %select_n3A_405 = arith.select %or3A_394, %broadcast_in_dim3A_5, %broadcast_in_dim3A_7 : vector<16xi1>, vector<16xf32>
      %mul3A_406 = arith.constant 64 : i32
      %mul3A_407 = arith.muli %scan3A_43, %mul3A_406 : i32
      %add3A_408 = arith.constant 0 : i32
      %add3A_409 = arith.addi %mul3A_407, %add3A_408 : i32
      %swap3A = arith.index_cast %add3A_409 : i32 to index
      %swap3A_410 = tpu.vector_load %arg5[%swap3A] {strides = array<i32>} : memref<16384xf32, #tpu.memory_space<vmem>>, vector<16xf32>,
      %swap3A_411 = vector.shape_cast %swap3A_410 : vector<16xf32> to vector<16xf32>
      %swap3A_412 = vector.shape_cast %select_n3A_405 : vector<16xf32> to vector<16xf32>
      tpu.vector_store %arg5[%swap3A], %swap3A_412 {strides = array<i32>} : memref<16384xf32, #tpu.memory_space<vmem>>, vector<16xf32>,
      %select_n3A_413 = arith.select %or3A_397, %broadcast_in_dim3A_5, %broadcast_in_dim3A_7 : vector<16xi1>, vector<16xf32>
      %mul3A_414 = arith.constant 64 : i32
      %mul3A_415 = arith.muli %scan3A_43, %mul3A_414 : i32
      %add3A_416 = arith.constant 16 : i32
      %add3A_417 = arith.addi %mul3A_415, %add3A_416 : i32
      %swap3A_418 = arith.index_cast %add3A_417 : i32 to index
      %swap3A_419 = tpu.vector_load %arg5[%swap3A_418] {strides = array<i32>} : memref<16384xf32, #tpu.memory_space<vmem>>, vector<16xf32>,
      %swap3A_420 = vector.shape_cast %swap3A_419 : vector<16xf32> to vector<16xf32>
      %swap3A_421 = vector.shape_cast %select_n3A_413 : vector<16xf32> to vector<16xf32>
      tpu.vector_store %arg5[%swap3A_418], %swap3A_421 {strides = array<i32>} : memref<16384xf32, #tpu.memory_space<vmem>>, vector<16xf32>,
      %select_n3A_422 = arith.select %or3A_400, %broadcast_in_dim3A_5, %broadcast_in_dim3A_7 : vector<16xi1>, vector<16xf32>
      %mul3A_423 = arith.constant 64 : i32
      %mul3A_424 = arith.muli %scan3A_43, %mul3A_423 : i32
      %add3A_425 = arith.constant 32 : i32
      %add3A_426 = arith.addi %mul3A_424, %add3A_425 : i32
      %swap3A_427 = arith.index_cast %add3A_426 : i32 to index
      %swap3A_428 = tpu.vector_load %arg5[%swap3A_427] {strides = array<i32>} : memref<16384xf32, #tpu.memory_space<vmem>>, vector<16xf32>,
      %swap3A_429 = vector.shape_cast %swap3A_428 : vector<16xf32> to vector<16xf32>
      %swap3A_430 = vector.shape_cast %select_n3A_422 : vector<16xf32> to vector<16xf32>
      tpu.vector_store %arg5[%swap3A_427], %swap3A_430 {strides = array<i32>} : memref<16384xf32, #tpu.memory_space<vmem>>, vector<16xf32>,
      %select_n3A_431 = arith.select %or3A_403, %broadcast_in_dim3A_5, %broadcast_in_dim3A_7 : vector<16xi1>, vector<16xf32>
      %mul3A_432 = arith.constant 64 : i32
      %mul3A_433 = arith.muli %scan3A_43, %mul3A_432 : i32
      %add3A_434 = arith.constant 48 : i32
      %add3A_435 = arith.addi %mul3A_433, %add3A_434 : i32
      %swap3A_436 = arith.index_cast %add3A_435 : i32 to index
      %swap3A_437 = tpu.vector_load %arg5[%swap3A_436] {strides = array<i32>} : memref<16384xf32, #tpu.memory_space<vmem>>, vector<16xf32>,
      %swap3A_438 = vector.shape_cast %swap3A_437 : vector<16xf32> to vector<16xf32>
      %swap3A_439 = vector.shape_cast %select_n3A_431 : vector<16xf32> to vector<16xf32>
      tpu.vector_store %arg5[%swap3A_436], %swap3A_439 {strides = array<i32>} : memref<16384xf32, #tpu.memory_space<vmem>>, vector<16xf32>,
    }
    %scan3A_16 = arith.constant 256 : i32
    %mul3A_17 = arith.constant 64 : i32
    %mul3A_18 = arith.muli %add3A_9, %mul3A_17 : i32
    "tpu.region"() ({
      %run_scoped3A = tpu.sem_alloc : memref<!tpu.dma_semaphore, #tpu.memory_space<semaphore_mem>>
      %dma_start3A = tpu.memref_slice %arg3[%mul3A_18] : memref<1572864xf32, #tpu.memory_space<hbm>> -> memref<16384xf32, #tpu.memory_space<hbm>>
      %dma_start3A_43 = tpu.memref_slice %arg3[%mul3A_18] : memref<1572864xf32, #tpu.memory_space<hbm>> -> memref<16384xf32, #tpu.memory_space<hbm>>
      tpu.enqueue_dma source(%arg5 : memref<16384xf32, #tpu.memory_space<vmem>>) target(%dma_start3A_43 : memref<16384xf32, #tpu.memory_space<hbm>>) target_semaphore(%run_scoped3A : memref<!tpu.dma_semaphore, #tpu.memory_space<semaphore_mem>>)
      %dma_wait3A = tpu.memref_slice %arg3[%mul3A_18] : memref<1572864xf32, #tpu.memory_space<hbm>> -> memref<16384xf32, #tpu.memory_space<hbm>>
      %dma_wait3A_44 = tpu.memref_slice %arg3[%mul3A_18] : memref<1572864xf32, #tpu.memory_space<hbm>> -> memref<16384xf32, #tpu.memory_space<hbm>>
      tpu.wait_dma2 semaphore(%run_scoped3A : memref<!tpu.dma_semaphore, #tpu.memory_space<semaphore_mem>>) src(%arg5 : memref<16384xf32, #tpu.memory_space<vmem>>) dst(%dma_wait3A_44 : memref<16384xf32, #tpu.memory_space<hbm>>)
      tpu.yield
    }) : () -> ()
    %add3A_19 = arith.constant 256 : i32
    %add3A_20 = arith.addi %mul3A_2, %add3A_19 : i32
    %mul3A_21 = arith.constant 64 : i32
    %mul3A_22 = arith.muli %add3A_20, %mul3A_21 : i32
    "tpu.region"() ({
      %run_scoped3A = tpu.sem_alloc : memref<!tpu.dma_semaphore, #tpu.memory_space<semaphore_mem>>
      %dma_start3A = tpu.memref_slice %arg2[%mul3A_22] : memref<1572864xf32, #tpu.memory_space<hbm>> -> memref<16384xf32, #tpu.memory_space<hbm>>
      %dma_start3A_43 = tpu.memref_slice %arg2[%mul3A_22] : memref<1572864xf32, #tpu.memory_space<hbm>> -> memref<16384xf32, #tpu.memory_space<hbm>>
      tpu.enqueue_dma source(%dma_start3A_43 : memref<16384xf32, #tpu.memory_space<hbm>>) target(%arg4 : memref<16384xf32, #tpu.memory_space<vmem>>) target_semaphore(%run_scoped3A : memref<!tpu.dma_semaphore, #tpu.memory_space<semaphore_mem>>)
      %dma_wait3A = tpu.memref_slice %arg2[%mul3A_22] : memref<1572864xf32, #tpu.memory_space<hbm>> -> memref<16384xf32, #tpu.memory_space<hbm>>
      %dma_wait3A_44 = tpu.memref_slice %arg2[%mul3A_22] : memref<1572864xf32, #tpu.memory_space<hbm>> -> memref<16384xf32, #tpu.memory_space<hbm>>
      tpu.wait_dma2 semaphore(%run_scoped3A : memref<!tpu.dma_semaphore, #tpu.memory_space<semaphore_mem>>) src(%dma_wait3A_44 : memref<16384xf32, #tpu.memory_space<hbm>>) dst(%arg4 : memref<16384xf32, #tpu.memory_space<vmem>>)
      tpu.yield
    }) : () -> ()
    %scan3A_23 = arith.constant 0 : i32
    %scan3A_24 = arith.constant 0 : i32
    %scan3A_25 = arith.constant 256 : i32
    %scan3A_26 = arith.addi %scan3A_24, %scan3A_25 : i32
    %scan3A_27 = arith.constant 1 : i32
    scf.for %scan3A_43 = %scan3A_24 to %scan3A_26 step %scan3A_27  : i32 {
      %mul3A_44 = arith.constant 64 : i32
      %mul3A_45 = arith.muli %scan3A_43, %mul3A_44 : i32
      %add3A_46 = arith.constant 0 : i32
      %add3A_47 = arith.addi %mul3A_45, %add3A_46 : i32
      %get3A = arith.index_cast %add3A_47 : i32 to index
      %get3A_48 = tpu.vector_load %arg4[%get3A] {strides = array<i32>} : memref<16384xf32, #tpu.memory_space<vmem>>, vector<16xf32>,
      %get3A_49 = vector.shape_cast %get3A_48 : vector<16xf32> to vector<16xf32>
      %mul3A_50 = arith.constant 64 : i32
      %mul3A_51 = arith.muli %scan3A_43, %mul3A_50 : i32
      %add3A_52 = arith.constant 16 : i32
      %add3A_53 = arith.addi %mul3A_51, %add3A_52 : i32
      %get3A_54 = arith.index_cast %add3A_53 : i32 to index
      %get3A_55 = tpu.vector_load %arg4[%get3A_54] {strides = array<i32>} : memref<16384xf32, #tpu.memory_space<vmem>>, vector<16xf32>,
      %get3A_56 = vector.shape_cast %get3A_55 : vector<16xf32> to vector<16xf32>
      %mul3A_57 = arith.constant 64 : i32
      %mul3A_58 = arith.muli %scan3A_43, %mul3A_57 : i32
      %add3A_59 = arith.constant 32 : i32
      %add3A_60 = arith.addi %mul3A_58, %add3A_59 : i32
      %get3A_61 = arith.index_cast %add3A_60 : i32 to index
      %get3A_62 = tpu.vector_load %arg4[%get3A_61] {strides = array<i32>} : memref<16384xf32, #tpu.memory_space<vmem>>, vector<16xf32>,
      %get3A_63 = vector.shape_cast %get3A_62 : vector<16xf32> to vector<16xf32>
      %mul3A_64 = arith.constant 64 : i32
      %mul3A_65 = arith.muli %scan3A_43, %mul3A_64 : i32
      %add3A_66 = arith.constant 48 : i32
      %add3A_67 = arith.addi %mul3A_65, %add3A_66 : i32
      %get3A_68 = arith.index_cast %add3A_67 : i32 to index
      %get3A_69 = tpu.vector_load %arg4[%get3A_68] {strides = array<i32>} : memref<16384xf32, #tpu.memory_space<vmem>>, vector<16xf32>,
      %get3A_70 = vector.shape_cast %get3A_69 : vector<16xf32> to vector<16xf32>
      %max3A = arith.maximumf %get3A_49, %get3A_56 : vector<16xf32>
      %max3A_71 = arith.maximumf %get3A_63, %get3A_70 : vector<16xf32>
      %max3A_72 = arith.maximumf %max3A, %max3A_71 : vector<16xf32>
      %xor3A = arith.constant 1 : i32
      %xor3A_73 = vector.broadcast %xor3A : i32 to vector<16xi32>
      %xor3A_74 = arith.xori %iota3A, %xor3A_73 : vector<16xi32>
      %broadcast_in_dim3A_75 = vector.shape_cast %xor3A_74 : vector<16xi32> to vector<16x1xi32>
      %gather3A = vector.shape_cast %broadcast_in_dim3A_75 : vector<16x1xi32> to vector<16xi32>
      %gather3A_76 = tpu.dynamic_gather %max3A_72[%gather3A] in [0] : vector<16xf32>, vector<16xi32> -> vector<16xf32>
      %max3A_77 = arith.maximumf %max3A_72, %gather3A_76 : vector<16xf32>
      %xor3A_78 = arith.constant 2 : i32
      %xor3A_79 = vector.broadcast %xor3A_78 : i32 to vector<16xi32>
      %xor3A_80 = arith.xori %iota3A, %xor3A_79 : vector<16xi32>
      %broadcast_in_dim3A_81 = vector.shape_cast %xor3A_80 : vector<16xi32> to vector<16x1xi32>
      %gather3A_82 = vector.shape_cast %broadcast_in_dim3A_81 : vector<16x1xi32> to vector<16xi32>
      %gather3A_83 = tpu.dynamic_gather %max3A_77[%gather3A_82] in [0] : vector<16xf32>, vector<16xi32> -> vector<16xf32>
      %max3A_84 = arith.maximumf %max3A_77, %gather3A_83 : vector<16xf32>
      %xor3A_85 = arith.constant 4 : i32
      %xor3A_86 = vector.broadcast %xor3A_85 : i32 to vector<16xi32>
      %xor3A_87 = arith.xori %iota3A, %xor3A_86 : vector<16xi32>
      %broadcast_in_dim3A_88 = vector.shape_cast %xor3A_87 : vector<16xi32> to vector<16x1xi32>
      %gather3A_89 = vector.shape_cast %broadcast_in_dim3A_88 : vector<16x1xi32> to vector<16xi32>
      %gather3A_90 = tpu.dynamic_gather %max3A_84[%gather3A_89] in [0] : vector<16xf32>, vector<16xi32> -> vector<16xf32>
      %max3A_91 = arith.maximumf %max3A_84, %gather3A_90 : vector<16xf32>
      %xor3A_92 = arith.constant 8 : i32
      %xor3A_93 = vector.broadcast %xor3A_92 : i32 to vector<16xi32>
      %xor3A_94 = arith.xori %iota3A, %xor3A_93 : vector<16xi32>
      %broadcast_in_dim3A_95 = vector.shape_cast %xor3A_94 : vector<16xi32> to vector<16x1xi32>
      %gather3A_96 = vector.shape_cast %broadcast_in_dim3A_95 : vector<16x1xi32> to vector<16xi32>
      %gather3A_97 = tpu.dynamic_gather %max3A_91[%gather3A_96] in [0] : vector<16xf32>, vector<16xi32> -> vector<16xf32>
      %max3A_98 = arith.maximumf %max3A_91, %gather3A_97 : vector<16xf32>
      %eq3A = arith.cmpf oeq, %get3A_49, %max3A_98 : vector<16xf32>
      %select_n3A = arith.select %eq3A, %broadcast_in_dim3A_3, %get3A_49 : vector<16xi1>, vector<16xf32>
      %eq3A_99 = arith.cmpf oeq, %get3A_56, %max3A_98 : vector<16xf32>
      %select_n3A_100 = arith.select %eq3A_99, %broadcast_in_dim3A_3, %get3A_56 : vector<16xi1>, vector<16xf32>
      %eq3A_101 = arith.cmpf oeq, %get3A_63, %max3A_98 : vector<16xf32>
      %select_n3A_102 = arith.select %eq3A_101, %broadcast_in_dim3A_3, %get3A_63 : vector<16xi1>, vector<16xf32>
      %eq3A_103 = arith.cmpf oeq, %get3A_70, %max3A_98 : vector<16xf32>
      %select_n3A_104 = arith.select %eq3A_103, %broadcast_in_dim3A_3, %get3A_70 : vector<16xi1>, vector<16xf32>
      %max3A_105 = arith.maximumf %select_n3A, %select_n3A_100 : vector<16xf32>
      %max3A_106 = arith.maximumf %select_n3A_102, %select_n3A_104 : vector<16xf32>
      %max3A_107 = arith.maximumf %max3A_105, %max3A_106 : vector<16xf32>
      %xor3A_108 = arith.constant 1 : i32
      %xor3A_109 = vector.broadcast %xor3A_108 : i32 to vector<16xi32>
      %xor3A_110 = arith.xori %iota3A, %xor3A_109 : vector<16xi32>
      %broadcast_in_dim3A_111 = vector.shape_cast %xor3A_110 : vector<16xi32> to vector<16x1xi32>
      %gather3A_112 = vector.shape_cast %broadcast_in_dim3A_111 : vector<16x1xi32> to vector<16xi32>
      %gather3A_113 = tpu.dynamic_gather %max3A_107[%gather3A_112] in [0] : vector<16xf32>, vector<16xi32> -> vector<16xf32>
      %max3A_114 = arith.maximumf %max3A_107, %gather3A_113 : vector<16xf32>
      %xor3A_115 = arith.constant 2 : i32
      %xor3A_116 = vector.broadcast %xor3A_115 : i32 to vector<16xi32>
      %xor3A_117 = arith.xori %iota3A, %xor3A_116 : vector<16xi32>
      %broadcast_in_dim3A_118 = vector.shape_cast %xor3A_117 : vector<16xi32> to vector<16x1xi32>
      %gather3A_119 = vector.shape_cast %broadcast_in_dim3A_118 : vector<16x1xi32> to vector<16xi32>
      %gather3A_120 = tpu.dynamic_gather %max3A_114[%gather3A_119] in [0] : vector<16xf32>, vector<16xi32> -> vector<16xf32>
      %max3A_121 = arith.maximumf %max3A_114, %gather3A_120 : vector<16xf32>
      %xor3A_122 = arith.constant 4 : i32
      %xor3A_123 = vector.broadcast %xor3A_122 : i32 to vector<16xi32>
      %xor3A_124 = arith.xori %iota3A, %xor3A_123 : vector<16xi32>
      %broadcast_in_dim3A_125 = vector.shape_cast %xor3A_124 : vector<16xi32> to vector<16x1xi32>
      %gather3A_126 = vector.shape_cast %broadcast_in_dim3A_125 : vector<16x1xi32> to vector<16xi32>
      %gather3A_127 = tpu.dynamic_gather %max3A_121[%gather3A_126] in [0] : vector<16xf32>, vector<16xi32> -> vector<16xf32>
      %max3A_128 = arith.maximumf %max3A_121, %gather3A_127 : vector<16xf32>
      %xor3A_129 = arith.constant 8 : i32
      %xor3A_130 = vector.broadcast %xor3A_129 : i32 to vector<16xi32>
      %xor3A_131 = arith.xori %iota3A, %xor3A_130 : vector<16xi32>
      %broadcast_in_dim3A_132 = vector.shape_cast %xor3A_131 : vector<16xi32> to vector<16x1xi32>
      %gather3A_133 = vector.shape_cast %broadcast_in_dim3A_132 : vector<16x1xi32> to vector<16xi32>
      %gather3A_134 = tpu.dynamic_gather %max3A_128[%gather3A_133] in [0] : vector<16xf32>, vector<16xi32> -> vector<16xf32>
      %max3A_135 = arith.maximumf %max3A_128, %gather3A_134 : vector<16xf32>
      %eq3A_136 = arith.cmpf oeq, %select_n3A, %max3A_135 : vector<16xf32>
      %or3A = arith.ori %eq3A, %eq3A_136 : vector<16xi1>
      %select_n3A_137 = arith.select %eq3A_136, %broadcast_in_dim3A_3, %select_n3A : vector<16xi1>, vector<16xf32>
      %eq3A_138 = arith.cmpf oeq, %select_n3A_100, %max3A_135 : vector<16xf32>
      %or3A_139 = arith.ori %eq3A_99, %eq3A_138 : vector<16xi1>
      %select_n3A_140 = arith.select %eq3A_138, %broadcast_in_dim3A_3, %select_n3A_100 : vector<16xi1>, vector<16xf32>
      %eq3A_141 = arith.cmpf oeq, %select_n3A_102, %max3A_135 : vector<16xf32>
      %or3A_142 = arith.ori %eq3A_101, %eq3A_141 : vector<16xi1>
      %select_n3A_143 = arith.select %eq3A_141, %broadcast_in_dim3A_3, %select_n3A_102 : vector<16xi1>, vector<16xf32>
      %eq3A_144 = arith.cmpf oeq, %select_n3A_104, %max3A_135 : vector<16xf32>
      %or3A_145 = arith.ori %eq3A_103, %eq3A_144 : vector<16xi1>
      %select_n3A_146 = arith.select %eq3A_144, %broadcast_in_dim3A_3, %select_n3A_104 : vector<16xi1>, vector<16xf32>
      %max3A_147 = arith.maximumf %select_n3A_137, %select_n3A_140 : vector<16xf32>
      %max3A_148 = arith.maximumf %select_n3A_143, %select_n3A_146 : vector<16xf32>
      %max3A_149 = arith.maximumf %max3A_147, %max3A_148 : vector<16xf32>
      %xor3A_150 = arith.constant 1 : i32
      %xor3A_151 = vector.broadcast %xor3A_150 : i32 to vector<16xi32>
      %xor3A_152 = arith.xori %iota3A, %xor3A_151 : vector<16xi32>
      %broadcast_in_dim3A_153 = vector.shape_cast %xor3A_152 : vector<16xi32> to vector<16x1xi32>
      %gather3A_154 = vector.shape_cast %broadcast_in_dim3A_153 : vector<16x1xi32> to vector<16xi32>
      %gather3A_155 = tpu.dynamic_gather %max3A_149[%gather3A_154] in [0] : vector<16xf32>, vector<16xi32> -> vector<16xf32>
      %max3A_156 = arith.maximumf %max3A_149, %gather3A_155 : vector<16xf32>
      %xor3A_157 = arith.constant 2 : i32
      %xor3A_158 = vector.broadcast %xor3A_157 : i32 to vector<16xi32>
      %xor3A_159 = arith.xori %iota3A, %xor3A_158 : vector<16xi32>
      %broadcast_in_dim3A_160 = vector.shape_cast %xor3A_159 : vector<16xi32> to vector<16x1xi32>
      %gather3A_161 = vector.shape_cast %broadcast_in_dim3A_160 : vector<16x1xi32> to vector<16xi32>
      %gather3A_162 = tpu.dynamic_gather %max3A_156[%gather3A_161] in [0] : vector<16xf32>, vector<16xi32> -> vector<16xf32>
      %max3A_163 = arith.maximumf %max3A_156, %gather3A_162 : vector<16xf32>
      %xor3A_164 = arith.constant 4 : i32
      %xor3A_165 = vector.broadcast %xor3A_164 : i32 to vector<16xi32>
      %xor3A_166 = arith.xori %iota3A, %xor3A_165 : vector<16xi32>
      %broadcast_in_dim3A_167 = vector.shape_cast %xor3A_166 : vector<16xi32> to vector<16x1xi32>
      %gather3A_168 = vector.shape_cast %broadcast_in_dim3A_167 : vector<16x1xi32> to vector<16xi32>
      %gather3A_169 = tpu.dynamic_gather %max3A_163[%gather3A_168] in [0] : vector<16xf32>, vector<16xi32> -> vector<16xf32>
      %max3A_170 = arith.maximumf %max3A_163, %gather3A_169 : vector<16xf32>
      %xor3A_171 = arith.constant 8 : i32
      %xor3A_172 = vector.broadcast %xor3A_171 : i32 to vector<16xi32>
      %xor3A_173 = arith.xori %iota3A, %xor3A_172 : vector<16xi32>
      %broadcast_in_dim3A_174 = vector.shape_cast %xor3A_173 : vector<16xi32> to vector<16x1xi32>
      %gather3A_175 = vector.shape_cast %broadcast_in_dim3A_174 : vector<16x1xi32> to vector<16xi32>
      %gather3A_176 = tpu.dynamic_gather %max3A_170[%gather3A_175] in [0] : vector<16xf32>, vector<16xi32> -> vector<16xf32>
      %max3A_177 = arith.maximumf %max3A_170, %gather3A_176 : vector<16xf32>
      %eq3A_178 = arith.cmpf oeq, %select_n3A_137, %max3A_177 : vector<16xf32>
      %or3A_179 = arith.ori %or3A, %eq3A_178 : vector<16xi1>
      %select_n3A_180 = arith.select %eq3A_178, %broadcast_in_dim3A_3, %select_n3A_137 : vector<16xi1>, vector<16xf32>
      %eq3A_181 = arith.cmpf oeq, %select_n3A_140, %max3A_177 : vector<16xf32>
      %or3A_182 = arith.ori %or3A_139, %eq3A_181 : vector<16xi1>
      %select_n3A_183 = arith.select %eq3A_181, %broadcast_in_dim3A_3, %select_n3A_140 : vector<16xi1>, vector<16xf32>
      %eq3A_184 = arith.cmpf oeq, %select_n3A_143, %max3A_177 : vector<16xf32>
      %or3A_185 = arith.ori %or3A_142, %eq3A_184 : vector<16xi1>
      %select_n3A_186 = arith.select %eq3A_184, %broadcast_in_dim3A_3, %select_n3A_143 : vector<16xi1>, vector<16xf32>
      %eq3A_187 = arith.cmpf oeq, %select_n3A_146, %max3A_177 : vector<16xf32>
      %or3A_188 = arith.ori %or3A_145, %eq3A_187 : vector<16xi1>
      %select_n3A_189 = arith.select %eq3A_187, %broadcast_in_dim3A_3, %select_n3A_146 : vector<16xi1>, vector<16xf32>
      %max3A_190 = arith.maximumf %select_n3A_180, %select_n3A_183 : vector<16xf32>
      %max3A_191 = arith.maximumf %select_n3A_186, %select_n3A_189 : vector<16xf32>
      %max3A_192 = arith.maximumf %max3A_190, %max3A_191 : vector<16xf32>
      %xor3A_193 = arith.constant 1 : i32
      %xor3A_194 = vector.broadcast %xor3A_193 : i32 to vector<16xi32>
      %xor3A_195 = arith.xori %iota3A, %xor3A_194 : vector<16xi32>
      %broadcast_in_dim3A_196 = vector.shape_cast %xor3A_195 : vector<16xi32> to vector<16x1xi32>
      %gather3A_197 = vector.shape_cast %broadcast_in_dim3A_196 : vector<16x1xi32> to vector<16xi32>
      %gather3A_198 = tpu.dynamic_gather %max3A_192[%gather3A_197] in [0] : vector<16xf32>, vector<16xi32> -> vector<16xf32>
      %max3A_199 = arith.maximumf %max3A_192, %gather3A_198 : vector<16xf32>
      %xor3A_200 = arith.constant 2 : i32
      %xor3A_201 = vector.broadcast %xor3A_200 : i32 to vector<16xi32>
      %xor3A_202 = arith.xori %iota3A, %xor3A_201 : vector<16xi32>
      %broadcast_in_dim3A_203 = vector.shape_cast %xor3A_202 : vector<16xi32> to vector<16x1xi32>
      %gather3A_204 = vector.shape_cast %broadcast_in_dim3A_203 : vector<16x1xi32> to vector<16xi32>
      %gather3A_205 = tpu.dynamic_gather %max3A_199[%gather3A_204] in [0] : vector<16xf32>, vector<16xi32> -> vector<16xf32>
      %max3A_206 = arith.maximumf %max3A_199, %gather3A_205 : vector<16xf32>
      %xor3A_207 = arith.constant 4 : i32
      %xor3A_208 = vector.broadcast %xor3A_207 : i32 to vector<16xi32>
      %xor3A_209 = arith.xori %iota3A, %xor3A_208 : vector<16xi32>
      %broadcast_in_dim3A_210 = vector.shape_cast %xor3A_209 : vector<16xi32> to vector<16x1xi32>
      %gather3A_211 = vector.shape_cast %broadcast_in_dim3A_210 : vector<16x1xi32> to vector<16xi32>
      %gather3A_212 = tpu.dynamic_gather %max3A_206[%gather3A_211] in [0] : vector<16xf32>, vector<16xi32> -> vector<16xf32>
      %max3A_213 = arith.maximumf %max3A_206, %gather3A_212 : vector<16xf32>
      %xor3A_214 = arith.constant 8 : i32
      %xor3A_215 = vector.broadcast %xor3A_214 : i32 to vector<16xi32>
      %xor3A_216 = arith.xori %iota3A, %xor3A_215 : vector<16xi32>
      %broadcast_in_dim3A_217 = vector.shape_cast %xor3A_216 : vector<16xi32> to vector<16x1xi32>
      %gather3A_218 = vector.shape_cast %broadcast_in_dim3A_217 : vector<16x1xi32> to vector<16xi32>
      %gather3A_219 = tpu.dynamic_gather %max3A_213[%gather3A_218] in [0] : vector<16xf32>, vector<16xi32> -> vector<16xf32>
      %max3A_220 = arith.maximumf %max3A_213, %gather3A_219 : vector<16xf32>
      %eq3A_221 = arith.cmpf oeq, %select_n3A_180, %max3A_220 : vector<16xf32>
      %or3A_222 = arith.ori %or3A_179, %eq3A_221 : vector<16xi1>
      %select_n3A_223 = arith.select %eq3A_221, %broadcast_in_dim3A_3, %select_n3A_180 : vector<16xi1>, vector<16xf32>
      %eq3A_224 = arith.cmpf oeq, %select_n3A_183, %max3A_220 : vector<16xf32>
      %or3A_225 = arith.ori %or3A_182, %eq3A_224 : vector<16xi1>
      %select_n3A_226 = arith.select %eq3A_224, %broadcast_in_dim3A_3, %select_n3A_183 : vector<16xi1>, vector<16xf32>
      %eq3A_227 = arith.cmpf oeq, %select_n3A_186, %max3A_220 : vector<16xf32>
      %or3A_228 = arith.ori %or3A_185, %eq3A_227 : vector<16xi1>
      %select_n3A_229 = arith.select %eq3A_227, %broadcast_in_dim3A_3, %select_n3A_186 : vector<16xi1>, vector<16xf32>
      %eq3A_230 = arith.cmpf oeq, %select_n3A_189, %max3A_220 : vector<16xf32>
      %or3A_231 = arith.ori %or3A_188, %eq3A_230 : vector<16xi1>
      %select_n3A_232 = arith.select %eq3A_230, %broadcast_in_dim3A_3, %select_n3A_189 : vector<16xi1>, vector<16xf32>
      %max3A_233 = arith.maximumf %select_n3A_223, %select_n3A_226 : vector<16xf32>
      %max3A_234 = arith.maximumf %select_n3A_229, %select_n3A_232 : vector<16xf32>
      %max3A_235 = arith.maximumf %max3A_233, %max3A_234 : vector<16xf32>
      %xor3A_236 = arith.constant 1 : i32
      %xor3A_237 = vector.broadcast %xor3A_236 : i32 to vector<16xi32>
      %xor3A_238 = arith.xori %iota3A, %xor3A_237 : vector<16xi32>
      %broadcast_in_dim3A_239 = vector.shape_cast %xor3A_238 : vector<16xi32> to vector<16x1xi32>
      %gather3A_240 = vector.shape_cast %broadcast_in_dim3A_239 : vector<16x1xi32> to vector<16xi32>
      %gather3A_241 = tpu.dynamic_gather %max3A_235[%gather3A_240] in [0] : vector<16xf32>, vector<16xi32> -> vector<16xf32>
      %max3A_242 = arith.maximumf %max3A_235, %gather3A_241 : vector<16xf32>
      %xor3A_243 = arith.constant 2 : i32
      %xor3A_244 = vector.broadcast %xor3A_243 : i32 to vector<16xi32>
      %xor3A_245 = arith.xori %iota3A, %xor3A_244 : vector<16xi32>
      %broadcast_in_dim3A_246 = vector.shape_cast %xor3A_245 : vector<16xi32> to vector<16x1xi32>
      %gather3A_247 = vector.shape_cast %broadcast_in_dim3A_246 : vector<16x1xi32> to vector<16xi32>
      %gather3A_248 = tpu.dynamic_gather %max3A_242[%gather3A_247] in [0] : vector<16xf32>, vector<16xi32> -> vector<16xf32>
      %max3A_249 = arith.maximumf %max3A_242, %gather3A_248 : vector<16xf32>
      %xor3A_250 = arith.constant 4 : i32
      %xor3A_251 = vector.broadcast %xor3A_250 : i32 to vector<16xi32>
      %xor3A_252 = arith.xori %iota3A, %xor3A_251 : vector<16xi32>
      %broadcast_in_dim3A_253 = vector.shape_cast %xor3A_252 : vector<16xi32> to vector<16x1xi32>
      %gather3A_254 = vector.shape_cast %broadcast_in_dim3A_253 : vector<16x1xi32> to vector<16xi32>
      %gather3A_255 = tpu.dynamic_gather %max3A_249[%gather3A_254] in [0] : vector<16xf32>, vector<16xi32> -> vector<16xf32>
      %max3A_256 = arith.maximumf %max3A_249, %gather3A_255 : vector<16xf32>
      %xor3A_257 = arith.constant 8 : i32
      %xor3A_258 = vector.broadcast %xor3A_257 : i32 to vector<16xi32>
      %xor3A_259 = arith.xori %iota3A, %xor3A_258 : vector<16xi32>
      %broadcast_in_dim3A_260 = vector.shape_cast %xor3A_259 : vector<16xi32> to vector<16x1xi32>
      %gather3A_261 = vector.shape_cast %broadcast_in_dim3A_260 : vector<16x1xi32> to vector<16xi32>
      %gather3A_262 = tpu.dynamic_gather %max3A_256[%gather3A_261] in [0] : vector<16xf32>, vector<16xi32> -> vector<16xf32>
      %max3A_263 = arith.maximumf %max3A_256, %gather3A_262 : vector<16xf32>
      %eq3A_264 = arith.cmpf oeq, %select_n3A_223, %max3A_263 : vector<16xf32>
      %or3A_265 = arith.ori %or3A_222, %eq3A_264 : vector<16xi1>
      %select_n3A_266 = arith.select %eq3A_264, %broadcast_in_dim3A_3, %select_n3A_223 : vector<16xi1>, vector<16xf32>
      %eq3A_267 = arith.cmpf oeq, %select_n3A_226, %max3A_263 : vector<16xf32>
      %or3A_268 = arith.ori %or3A_225, %eq3A_267 : vector<16xi1>
      %select_n3A_269 = arith.select %eq3A_267, %broadcast_in_dim3A_3, %select_n3A_226 : vector<16xi1>, vector<16xf32>
      %eq3A_270 = arith.cmpf oeq, %select_n3A_229, %max3A_263 : vector<16xf32>
      %or3A_271 = arith.ori %or3A_228, %eq3A_270 : vector<16xi1>
      %select_n3A_272 = arith.select %eq3A_270, %broadcast_in_dim3A_3, %select_n3A_229 : vector<16xi1>, vector<16xf32>
      %eq3A_273 = arith.cmpf oeq, %select_n3A_232, %max3A_263 : vector<16xf32>
      %or3A_274 = arith.ori %or3A_231, %eq3A_273 : vector<16xi1>
      %select_n3A_275 = arith.select %eq3A_273, %broadcast_in_dim3A_3, %select_n3A_232 : vector<16xi1>, vector<16xf32>
      %max3A_276 = arith.maximumf %select_n3A_266, %select_n3A_269 : vector<16xf32>
      %max3A_277 = arith.maximumf %select_n3A_272, %select_n3A_275 : vector<16xf32>
      %max3A_278 = arith.maximumf %max3A_276, %max3A_277 : vector<16xf32>
      %xor3A_279 = arith.constant 1 : i32
      %xor3A_280 = vector.broadcast %xor3A_279 : i32 to vector<16xi32>
      %xor3A_281 = arith.xori %iota3A, %xor3A_280 : vector<16xi32>
      %broadcast_in_dim3A_282 = vector.shape_cast %xor3A_281 : vector<16xi32> to vector<16x1xi32>
      %gather3A_283 = vector.shape_cast %broadcast_in_dim3A_282 : vector<16x1xi32> to vector<16xi32>
      %gather3A_284 = tpu.dynamic_gather %max3A_278[%gather3A_283] in [0] : vector<16xf32>, vector<16xi32> -> vector<16xf32>
      %max3A_285 = arith.maximumf %max3A_278, %gather3A_284 : vector<16xf32>
      %xor3A_286 = arith.constant 2 : i32
      %xor3A_287 = vector.broadcast %xor3A_286 : i32 to vector<16xi32>
      %xor3A_288 = arith.xori %iota3A, %xor3A_287 : vector<16xi32>
      %broadcast_in_dim3A_289 = vector.shape_cast %xor3A_288 : vector<16xi32> to vector<16x1xi32>
      %gather3A_290 = vector.shape_cast %broadcast_in_dim3A_289 : vector<16x1xi32> to vector<16xi32>
      %gather3A_291 = tpu.dynamic_gather %max3A_285[%gather3A_290] in [0] : vector<16xf32>, vector<16xi32> -> vector<16xf32>
      %max3A_292 = arith.maximumf %max3A_285, %gather3A_291 : vector<16xf32>
      %xor3A_293 = arith.constant 4 : i32
      %xor3A_294 = vector.broadcast %xor3A_293 : i32 to vector<16xi32>
      %xor3A_295 = arith.xori %iota3A, %xor3A_294 : vector<16xi32>
      %broadcast_in_dim3A_296 = vector.shape_cast %xor3A_295 : vector<16xi32> to vector<16x1xi32>
      %gather3A_297 = vector.shape_cast %broadcast_in_dim3A_296 : vector<16x1xi32> to vector<16xi32>
      %gather3A_298 = tpu.dynamic_gather %max3A_292[%gather3A_297] in [0] : vector<16xf32>, vector<16xi32> -> vector<16xf32>
      %max3A_299 = arith.maximumf %max3A_292, %gather3A_298 : vector<16xf32>
      %xor3A_300 = arith.constant 8 : i32
      %xor3A_301 = vector.broadcast %xor3A_300 : i32 to vector<16xi32>
      %xor3A_302 = arith.xori %iota3A, %xor3A_301 : vector<16xi32>
      %broadcast_in_dim3A_303 = vector.shape_cast %xor3A_302 : vector<16xi32> to vector<16x1xi32>
      %gather3A_304 = vector.shape_cast %broadcast_in_dim3A_303 : vector<16x1xi32> to vector<16xi32>
      %gather3A_305 = tpu.dynamic_gather %max3A_299[%gather3A_304] in [0] : vector<16xf32>, vector<16xi32> -> vector<16xf32>
      %max3A_306 = arith.maximumf %max3A_299, %gather3A_305 : vector<16xf32>
      %eq3A_307 = arith.cmpf oeq, %select_n3A_266, %max3A_306 : vector<16xf32>
      %or3A_308 = arith.ori %or3A_265, %eq3A_307 : vector<16xi1>
      %select_n3A_309 = arith.select %eq3A_307, %broadcast_in_dim3A_3, %select_n3A_266 : vector<16xi1>, vector<16xf32>
      %eq3A_310 = arith.cmpf oeq, %select_n3A_269, %max3A_306 : vector<16xf32>
      %or3A_311 = arith.ori %or3A_268, %eq3A_310 : vector<16xi1>
      %select_n3A_312 = arith.select %eq3A_310, %broadcast_in_dim3A_3, %select_n3A_269 : vector<16xi1>, vector<16xf32>
      %eq3A_313 = arith.cmpf oeq, %select_n3A_272, %max3A_306 : vector<16xf32>
      %or3A_314 = arith.ori %or3A_271, %eq3A_313 : vector<16xi1>
      %select_n3A_315 = arith.select %eq3A_313, %broadcast_in_dim3A_3, %select_n3A_272 : vector<16xi1>, vector<16xf32>
      %eq3A_316 = arith.cmpf oeq, %select_n3A_275, %max3A_306 : vector<16xf32>
      %or3A_317 = arith.ori %or3A_274, %eq3A_316 : vector<16xi1>
      %select_n3A_318 = arith.select %eq3A_316, %broadcast_in_dim3A_3, %select_n3A_275 : vector<16xi1>, vector<16xf32>
      %max3A_319 = arith.maximumf %select_n3A_309, %select_n3A_312 : vector<16xf32>
      %max3A_320 = arith.maximumf %select_n3A_315, %select_n3A_318 : vector<16xf32>
      %max3A_321 = arith.maximumf %max3A_319, %max3A_320 : vector<16xf32>
      %xor3A_322 = arith.constant 1 : i32
      %xor3A_323 = vector.broadcast %xor3A_322 : i32 to vector<16xi32>
      %xor3A_324 = arith.xori %iota3A, %xor3A_323 : vector<16xi32>
      %broadcast_in_dim3A_325 = vector.shape_cast %xor3A_324 : vector<16xi32> to vector<16x1xi32>
      %gather3A_326 = vector.shape_cast %broadcast_in_dim3A_325 : vector<16x1xi32> to vector<16xi32>
      %gather3A_327 = tpu.dynamic_gather %max3A_321[%gather3A_326] in [0] : vector<16xf32>, vector<16xi32> -> vector<16xf32>
      %max3A_328 = arith.maximumf %max3A_321, %gather3A_327 : vector<16xf32>
      %xor3A_329 = arith.constant 2 : i32
      %xor3A_330 = vector.broadcast %xor3A_329 : i32 to vector<16xi32>
      %xor3A_331 = arith.xori %iota3A, %xor3A_330 : vector<16xi32>
      %broadcast_in_dim3A_332 = vector.shape_cast %xor3A_331 : vector<16xi32> to vector<16x1xi32>
      %gather3A_333 = vector.shape_cast %broadcast_in_dim3A_332 : vector<16x1xi32> to vector<16xi32>
      %gather3A_334 = tpu.dynamic_gather %max3A_328[%gather3A_333] in [0] : vector<16xf32>, vector<16xi32> -> vector<16xf32>
      %max3A_335 = arith.maximumf %max3A_328, %gather3A_334 : vector<16xf32>
      %xor3A_336 = arith.constant 4 : i32
      %xor3A_337 = vector.broadcast %xor3A_336 : i32 to vector<16xi32>
      %xor3A_338 = arith.xori %iota3A, %xor3A_337 : vector<16xi32>
      %broadcast_in_dim3A_339 = vector.shape_cast %xor3A_338 : vector<16xi32> to vector<16x1xi32>
      %gather3A_340 = vector.shape_cast %broadcast_in_dim3A_339 : vector<16x1xi32> to vector<16xi32>
      %gather3A_341 = tpu.dynamic_gather %max3A_335[%gather3A_340] in [0] : vector<16xf32>, vector<16xi32> -> vector<16xf32>
      %max3A_342 = arith.maximumf %max3A_335, %gather3A_341 : vector<16xf32>
      %xor3A_343 = arith.constant 8 : i32
      %xor3A_344 = vector.broadcast %xor3A_343 : i32 to vector<16xi32>
      %xor3A_345 = arith.xori %iota3A, %xor3A_344 : vector<16xi32>
      %broadcast_in_dim3A_346 = vector.shape_cast %xor3A_345 : vector<16xi32> to vector<16x1xi32>
      %gather3A_347 = vector.shape_cast %broadcast_in_dim3A_346 : vector<16x1xi32> to vector<16xi32>
      %gather3A_348 = tpu.dynamic_gather %max3A_342[%gather3A_347] in [0] : vector<16xf32>, vector<16xi32> -> vector<16xf32>
      %max3A_349 = arith.maximumf %max3A_342, %gather3A_348 : vector<16xf32>
      %eq3A_350 = arith.cmpf oeq, %select_n3A_309, %max3A_349 : vector<16xf32>
      %or3A_351 = arith.ori %or3A_308, %eq3A_350 : vector<16xi1>
      %select_n3A_352 = arith.select %eq3A_350, %broadcast_in_dim3A_3, %select_n3A_309 : vector<16xi1>, vector<16xf32>
      %eq3A_353 = arith.cmpf oeq, %select_n3A_312, %max3A_349 : vector<16xf32>
      %or3A_354 = arith.ori %or3A_311, %eq3A_353 : vector<16xi1>
      %select_n3A_355 = arith.select %eq3A_353, %broadcast_in_dim3A_3, %select_n3A_312 : vector<16xi1>, vector<16xf32>
      %eq3A_356 = arith.cmpf oeq, %select_n3A_315, %max3A_349 : vector<16xf32>
      %or3A_357 = arith.ori %or3A_314, %eq3A_356 : vector<16xi1>
      %select_n3A_358 = arith.select %eq3A_356, %broadcast_in_dim3A_3, %select_n3A_315 : vector<16xi1>, vector<16xf32>
      %eq3A_359 = arith.cmpf oeq, %select_n3A_318, %max3A_349 : vector<16xf32>
      %or3A_360 = arith.ori %or3A_317, %eq3A_359 : vector<16xi1>
      %select_n3A_361 = arith.select %eq3A_359, %broadcast_in_dim3A_3, %select_n3A_318 : vector<16xi1>, vector<16xf32>
      %max3A_362 = arith.maximumf %select_n3A_352, %select_n3A_355 : vector<16xf32>
      %max3A_363 = arith.maximumf %select_n3A_358, %select_n3A_361 : vector<16xf32>
      %max3A_364 = arith.maximumf %max3A_362, %max3A_363 : vector<16xf32>
      %xor3A_365 = arith.constant 1 : i32
      %xor3A_366 = vector.broadcast %xor3A_365 : i32 to vector<16xi32>
      %xor3A_367 = arith.xori %iota3A, %xor3A_366 : vector<16xi32>
      %broadcast_in_dim3A_368 = vector.shape_cast %xor3A_367 : vector<16xi32> to vector<16x1xi32>
      %gather3A_369 = vector.shape_cast %broadcast_in_dim3A_368 : vector<16x1xi32> to vector<16xi32>
      %gather3A_370 = tpu.dynamic_gather %max3A_364[%gather3A_369] in [0] : vector<16xf32>, vector<16xi32> -> vector<16xf32>
      %max3A_371 = arith.maximumf %max3A_364, %gather3A_370 : vector<16xf32>
      %xor3A_372 = arith.constant 2 : i32
      %xor3A_373 = vector.broadcast %xor3A_372 : i32 to vector<16xi32>
      %xor3A_374 = arith.xori %iota3A, %xor3A_373 : vector<16xi32>
      %broadcast_in_dim3A_375 = vector.shape_cast %xor3A_374 : vector<16xi32> to vector<16x1xi32>
      %gather3A_376 = vector.shape_cast %broadcast_in_dim3A_375 : vector<16x1xi32> to vector<16xi32>
      %gather3A_377 = tpu.dynamic_gather %max3A_371[%gather3A_376] in [0] : vector<16xf32>, vector<16xi32> -> vector<16xf32>
      %max3A_378 = arith.maximumf %max3A_371, %gather3A_377 : vector<16xf32>
      %xor3A_379 = arith.constant 4 : i32
      %xor3A_380 = vector.broadcast %xor3A_379 : i32 to vector<16xi32>
      %xor3A_381 = arith.xori %iota3A, %xor3A_380 : vector<16xi32>
      %broadcast_in_dim3A_382 = vector.shape_cast %xor3A_381 : vector<16xi32> to vector<16x1xi32>
      %gather3A_383 = vector.shape_cast %broadcast_in_dim3A_382 : vector<16x1xi32> to vector<16xi32>
      %gather3A_384 = tpu.dynamic_gather %max3A_378[%gather3A_383] in [0] : vector<16xf32>, vector<16xi32> -> vector<16xf32>
      %max3A_385 = arith.maximumf %max3A_378, %gather3A_384 : vector<16xf32>
      %xor3A_386 = arith.constant 8 : i32
      %xor3A_387 = vector.broadcast %xor3A_386 : i32 to vector<16xi32>
      %xor3A_388 = arith.xori %iota3A, %xor3A_387 : vector<16xi32>
      %broadcast_in_dim3A_389 = vector.shape_cast %xor3A_388 : vector<16xi32> to vector<16x1xi32>
      %gather3A_390 = vector.shape_cast %broadcast_in_dim3A_389 : vector<16x1xi32> to vector<16xi32>
      %gather3A_391 = tpu.dynamic_gather %max3A_385[%gather3A_390] in [0] : vector<16xf32>, vector<16xi32> -> vector<16xf32>
      %max3A_392 = arith.maximumf %max3A_385, %gather3A_391 : vector<16xf32>
      %eq3A_393 = arith.cmpf oeq, %select_n3A_352, %max3A_392 : vector<16xf32>
      %or3A_394 = arith.ori %or3A_351, %eq3A_393 : vector<16xi1>
      %select_n3A_395 = arith.select %eq3A_393, %broadcast_in_dim3A_3, %select_n3A_352 : vector<16xi1>, vector<16xf32>
      %eq3A_396 = arith.cmpf oeq, %select_n3A_355, %max3A_392 : vector<16xf32>
      %or3A_397 = arith.ori %or3A_354, %eq3A_396 : vector<16xi1>
      %select_n3A_398 = arith.select %eq3A_396, %broadcast_in_dim3A_3, %select_n3A_355 : vector<16xi1>, vector<16xf32>
      %eq3A_399 = arith.cmpf oeq, %select_n3A_358, %max3A_392 : vector<16xf32>
      %or3A_400 = arith.ori %or3A_357, %eq3A_399 : vector<16xi1>
      %select_n3A_401 = arith.select %eq3A_399, %broadcast_in_dim3A_3, %select_n3A_358 : vector<16xi1>, vector<16xf32>
      %eq3A_402 = arith.cmpf oeq, %select_n3A_361, %max3A_392 : vector<16xf32>
      %or3A_403 = arith.ori %or3A_360, %eq3A_402 : vector<16xi1>
      %select_n3A_404 = arith.select %eq3A_402, %broadcast_in_dim3A_3, %select_n3A_361 : vector<16xi1>, vector<16xf32>
      %select_n3A_405 = arith.select %or3A_394, %broadcast_in_dim3A_5, %broadcast_in_dim3A_7 : vector<16xi1>, vector<16xf32>
      %mul3A_406 = arith.constant 64 : i32
      %mul3A_407 = arith.muli %scan3A_43, %mul3A_406 : i32
      %add3A_408 = arith.constant 0 : i32
      %add3A_409 = arith.addi %mul3A_407, %add3A_408 : i32
      %swap3A = arith.index_cast %add3A_409 : i32 to index
      %swap3A_410 = tpu.vector_load %arg5[%swap3A] {strides = array<i32>} : memref<16384xf32, #tpu.memory_space<vmem>>, vector<16xf32>,
      %swap3A_411 = vector.shape_cast %swap3A_410 : vector<16xf32> to vector<16xf32>
      %swap3A_412 = vector.shape_cast %select_n3A_405 : vector<16xf32> to vector<16xf32>
      tpu.vector_store %arg5[%swap3A], %swap3A_412 {strides = array<i32>} : memref<16384xf32, #tpu.memory_space<vmem>>, vector<16xf32>,
      %select_n3A_413 = arith.select %or3A_397, %broadcast_in_dim3A_5, %broadcast_in_dim3A_7 : vector<16xi1>, vector<16xf32>
      %mul3A_414 = arith.constant 64 : i32
      %mul3A_415 = arith.muli %scan3A_43, %mul3A_414 : i32
      %add3A_416 = arith.constant 16 : i32
      %add3A_417 = arith.addi %mul3A_415, %add3A_416 : i32
      %swap3A_418 = arith.index_cast %add3A_417 : i32 to index
      %swap3A_419 = tpu.vector_load %arg5[%swap3A_418] {strides = array<i32>} : memref<16384xf32, #tpu.memory_space<vmem>>, vector<16xf32>,
      %swap3A_420 = vector.shape_cast %swap3A_419 : vector<16xf32> to vector<16xf32>
      %swap3A_421 = vector.shape_cast %select_n3A_413 : vector<16xf32> to vector<16xf32>
      tpu.vector_store %arg5[%swap3A_418], %swap3A_421 {strides = array<i32>} : memref<16384xf32, #tpu.memory_space<vmem>>, vector<16xf32>,
      %select_n3A_422 = arith.select %or3A_400, %broadcast_in_dim3A_5, %broadcast_in_dim3A_7 : vector<16xi1>, vector<16xf32>
      %mul3A_423 = arith.constant 64 : i32
      %mul3A_424 = arith.muli %scan3A_43, %mul3A_423 : i32
      %add3A_425 = arith.constant 32 : i32
      %add3A_426 = arith.addi %mul3A_424, %add3A_425 : i32
      %swap3A_427 = arith.index_cast %add3A_426 : i32 to index
      %swap3A_428 = tpu.vector_load %arg5[%swap3A_427] {strides = array<i32>} : memref<16384xf32, #tpu.memory_space<vmem>>, vector<16xf32>,
      %swap3A_429 = vector.shape_cast %swap3A_428 : vector<16xf32> to vector<16xf32>
      %swap3A_430 = vector.shape_cast %select_n3A_422 : vector<16xf32> to vector<16xf32>
      tpu.vector_store %arg5[%swap3A_427], %swap3A_430 {strides = array<i32>} : memref<16384xf32, #tpu.memory_space<vmem>>, vector<16xf32>,
      %select_n3A_431 = arith.select %or3A_403, %broadcast_in_dim3A_5, %broadcast_in_dim3A_7 : vector<16xi1>, vector<16xf32>
      %mul3A_432 = arith.constant 64 : i32
      %mul3A_433 = arith.muli %scan3A_43, %mul3A_432 : i32
      %add3A_434 = arith.constant 48 : i32
      %add3A_435 = arith.addi %mul3A_433, %add3A_434 : i32
      %swap3A_436 = arith.index_cast %add3A_435 : i32 to index
      %swap3A_437 = tpu.vector_load %arg5[%swap3A_436] {strides = array<i32>} : memref<16384xf32, #tpu.memory_space<vmem>>, vector<16xf32>,
      %swap3A_438 = vector.shape_cast %swap3A_437 : vector<16xf32> to vector<16xf32>
      %swap3A_439 = vector.shape_cast %select_n3A_431 : vector<16xf32> to vector<16xf32>
      tpu.vector_store %arg5[%swap3A_436], %swap3A_439 {strides = array<i32>} : memref<16384xf32, #tpu.memory_space<vmem>>, vector<16xf32>,
    }
    %scan3A_28 = arith.constant 256 : i32
    %mul3A_29 = arith.constant 64 : i32
    %mul3A_30 = arith.muli %add3A_20, %mul3A_29 : i32
    "tpu.region"() ({
      %run_scoped3A = tpu.sem_alloc : memref<!tpu.dma_semaphore, #tpu.memory_space<semaphore_mem>>
      %dma_start3A = tpu.memref_slice %arg3[%mul3A_30] : memref<1572864xf32, #tpu.memory_space<hbm>> -> memref<16384xf32, #tpu.memory_space<hbm>>
      %dma_start3A_43 = tpu.memref_slice %arg3[%mul3A_30] : memref<1572864xf32, #tpu.memory_space<hbm>> -> memref<16384xf32, #tpu.memory_space<hbm>>
      tpu.enqueue_dma source(%arg5 : memref<16384xf32, #tpu.memory_space<vmem>>) target(%dma_start3A_43 : memref<16384xf32, #tpu.memory_space<hbm>>) target_semaphore(%run_scoped3A : memref<!tpu.dma_semaphore, #tpu.memory_space<semaphore_mem>>)
      %dma_wait3A = tpu.memref_slice %arg3[%mul3A_30] : memref<1572864xf32, #tpu.memory_space<hbm>> -> memref<16384xf32, #tpu.memory_space<hbm>>
      %dma_wait3A_44 = tpu.memref_slice %arg3[%mul3A_30] : memref<1572864xf32, #tpu.memory_space<hbm>> -> memref<16384xf32, #tpu.memory_space<hbm>>
      tpu.wait_dma2 semaphore(%run_scoped3A : memref<!tpu.dma_semaphore, #tpu.memory_space<semaphore_mem>>) src(%arg5 : memref<16384xf32, #tpu.memory_space<vmem>>) dst(%dma_wait3A_44 : memref<16384xf32, #tpu.memory_space<hbm>>)
      tpu.yield
    }) : () -> ()
    %add3A_31 = arith.constant 512 : i32
    %add3A_32 = arith.addi %mul3A_2, %add3A_31 : i32
    %mul3A_33 = arith.constant 64 : i32
    %mul3A_34 = arith.muli %add3A_32, %mul3A_33 : i32
    "tpu.region"() ({
      %run_scoped3A = tpu.sem_alloc : memref<!tpu.dma_semaphore, #tpu.memory_space<semaphore_mem>>
      %dma_start3A = tpu.memref_slice %arg2[%mul3A_34] : memref<1572864xf32, #tpu.memory_space<hbm>> -> memref<16384xf32, #tpu.memory_space<hbm>>
      %dma_start3A_43 = tpu.memref_slice %arg2[%mul3A_34] : memref<1572864xf32, #tpu.memory_space<hbm>> -> memref<16384xf32, #tpu.memory_space<hbm>>
      tpu.enqueue_dma source(%dma_start3A_43 : memref<16384xf32, #tpu.memory_space<hbm>>) target(%arg4 : memref<16384xf32, #tpu.memory_space<vmem>>) target_semaphore(%run_scoped3A : memref<!tpu.dma_semaphore, #tpu.memory_space<semaphore_mem>>)
      %dma_wait3A = tpu.memref_slice %arg2[%mul3A_34] : memref<1572864xf32, #tpu.memory_space<hbm>> -> memref<16384xf32, #tpu.memory_space<hbm>>
      %dma_wait3A_44 = tpu.memref_slice %arg2[%mul3A_34] : memref<1572864xf32, #tpu.memory_space<hbm>> -> memref<16384xf32, #tpu.memory_space<hbm>>
      tpu.wait_dma2 semaphore(%run_scoped3A : memref<!tpu.dma_semaphore, #tpu.memory_space<semaphore_mem>>) src(%dma_wait3A_44 : memref<16384xf32, #tpu.memory_space<hbm>>) dst(%arg4 : memref<16384xf32, #tpu.memory_space<vmem>>)
      tpu.yield
    }) : () -> ()
    %scan3A_35 = arith.constant 0 : i32
    %scan3A_36 = arith.constant 0 : i32
    %scan3A_37 = arith.constant 256 : i32
    %scan3A_38 = arith.addi %scan3A_36, %scan3A_37 : i32
    %scan3A_39 = arith.constant 1 : i32
    scf.for %scan3A_43 = %scan3A_36 to %scan3A_38 step %scan3A_39  : i32 {
      %mul3A_44 = arith.constant 64 : i32
      %mul3A_45 = arith.muli %scan3A_43, %mul3A_44 : i32
      %add3A_46 = arith.constant 0 : i32
      %add3A_47 = arith.addi %mul3A_45, %add3A_46 : i32
      %get3A = arith.index_cast %add3A_47 : i32 to index
      %get3A_48 = tpu.vector_load %arg4[%get3A] {strides = array<i32>} : memref<16384xf32, #tpu.memory_space<vmem>>, vector<16xf32>,
      %get3A_49 = vector.shape_cast %get3A_48 : vector<16xf32> to vector<16xf32>
      %mul3A_50 = arith.constant 64 : i32
      %mul3A_51 = arith.muli %scan3A_43, %mul3A_50 : i32
      %add3A_52 = arith.constant 16 : i32
      %add3A_53 = arith.addi %mul3A_51, %add3A_52 : i32
      %get3A_54 = arith.index_cast %add3A_53 : i32 to index
      %get3A_55 = tpu.vector_load %arg4[%get3A_54] {strides = array<i32>} : memref<16384xf32, #tpu.memory_space<vmem>>, vector<16xf32>,
      %get3A_56 = vector.shape_cast %get3A_55 : vector<16xf32> to vector<16xf32>
      %mul3A_57 = arith.constant 64 : i32
      %mul3A_58 = arith.muli %scan3A_43, %mul3A_57 : i32
      %add3A_59 = arith.constant 32 : i32
      %add3A_60 = arith.addi %mul3A_58, %add3A_59 : i32
      %get3A_61 = arith.index_cast %add3A_60 : i32 to index
      %get3A_62 = tpu.vector_load %arg4[%get3A_61] {strides = array<i32>} : memref<16384xf32, #tpu.memory_space<vmem>>, vector<16xf32>,
      %get3A_63 = vector.shape_cast %get3A_62 : vector<16xf32> to vector<16xf32>
      %mul3A_64 = arith.constant 64 : i32
      %mul3A_65 = arith.muli %scan3A_43, %mul3A_64 : i32
      %add3A_66 = arith.constant 48 : i32
      %add3A_67 = arith.addi %mul3A_65, %add3A_66 : i32
      %get3A_68 = arith.index_cast %add3A_67 : i32 to index
      %get3A_69 = tpu.vector_load %arg4[%get3A_68] {strides = array<i32>} : memref<16384xf32, #tpu.memory_space<vmem>>, vector<16xf32>,
      %get3A_70 = vector.shape_cast %get3A_69 : vector<16xf32> to vector<16xf32>
      %max3A = arith.maximumf %get3A_49, %get3A_56 : vector<16xf32>
      %max3A_71 = arith.maximumf %get3A_63, %get3A_70 : vector<16xf32>
      %max3A_72 = arith.maximumf %max3A, %max3A_71 : vector<16xf32>
      %xor3A = arith.constant 1 : i32
      %xor3A_73 = vector.broadcast %xor3A : i32 to vector<16xi32>
      %xor3A_74 = arith.xori %iota3A, %xor3A_73 : vector<16xi32>
      %broadcast_in_dim3A_75 = vector.shape_cast %xor3A_74 : vector<16xi32> to vector<16x1xi32>
      %gather3A = vector.shape_cast %broadcast_in_dim3A_75 : vector<16x1xi32> to vector<16xi32>
      %gather3A_76 = tpu.dynamic_gather %max3A_72[%gather3A] in [0] : vector<16xf32>, vector<16xi32> -> vector<16xf32>
      %max3A_77 = arith.maximumf %max3A_72, %gather3A_76 : vector<16xf32>
      %xor3A_78 = arith.constant 2 : i32
      %xor3A_79 = vector.broadcast %xor3A_78 : i32 to vector<16xi32>
      %xor3A_80 = arith.xori %iota3A, %xor3A_79 : vector<16xi32>
      %broadcast_in_dim3A_81 = vector.shape_cast %xor3A_80 : vector<16xi32> to vector<16x1xi32>
      %gather3A_82 = vector.shape_cast %broadcast_in_dim3A_81 : vector<16x1xi32> to vector<16xi32>
      %gather3A_83 = tpu.dynamic_gather %max3A_77[%gather3A_82] in [0] : vector<16xf32>, vector<16xi32> -> vector<16xf32>
      %max3A_84 = arith.maximumf %max3A_77, %gather3A_83 : vector<16xf32>
      %xor3A_85 = arith.constant 4 : i32
      %xor3A_86 = vector.broadcast %xor3A_85 : i32 to vector<16xi32>
      %xor3A_87 = arith.xori %iota3A, %xor3A_86 : vector<16xi32>
      %broadcast_in_dim3A_88 = vector.shape_cast %xor3A_87 : vector<16xi32> to vector<16x1xi32>
      %gather3A_89 = vector.shape_cast %broadcast_in_dim3A_88 : vector<16x1xi32> to vector<16xi32>
      %gather3A_90 = tpu.dynamic_gather %max3A_84[%gather3A_89] in [0] : vector<16xf32>, vector<16xi32> -> vector<16xf32>
      %max3A_91 = arith.maximumf %max3A_84, %gather3A_90 : vector<16xf32>
      %xor3A_92 = arith.constant 8 : i32
      %xor3A_93 = vector.broadcast %xor3A_92 : i32 to vector<16xi32>
      %xor3A_94 = arith.xori %iota3A, %xor3A_93 : vector<16xi32>
      %broadcast_in_dim3A_95 = vector.shape_cast %xor3A_94 : vector<16xi32> to vector<16x1xi32>
      %gather3A_96 = vector.shape_cast %broadcast_in_dim3A_95 : vector<16x1xi32> to vector<16xi32>
      %gather3A_97 = tpu.dynamic_gather %max3A_91[%gather3A_96] in [0] : vector<16xf32>, vector<16xi32> -> vector<16xf32>
      %max3A_98 = arith.maximumf %max3A_91, %gather3A_97 : vector<16xf32>
      %eq3A = arith.cmpf oeq, %get3A_49, %max3A_98 : vector<16xf32>
      %select_n3A = arith.select %eq3A, %broadcast_in_dim3A_3, %get3A_49 : vector<16xi1>, vector<16xf32>
      %eq3A_99 = arith.cmpf oeq, %get3A_56, %max3A_98 : vector<16xf32>
      %select_n3A_100 = arith.select %eq3A_99, %broadcast_in_dim3A_3, %get3A_56 : vector<16xi1>, vector<16xf32>
      %eq3A_101 = arith.cmpf oeq, %get3A_63, %max3A_98 : vector<16xf32>
      %select_n3A_102 = arith.select %eq3A_101, %broadcast_in_dim3A_3, %get3A_63 : vector<16xi1>, vector<16xf32>
      %eq3A_103 = arith.cmpf oeq, %get3A_70, %max3A_98 : vector<16xf32>
      %select_n3A_104 = arith.select %eq3A_103, %broadcast_in_dim3A_3, %get3A_70 : vector<16xi1>, vector<16xf32>
      %max3A_105 = arith.maximumf %select_n3A, %select_n3A_100 : vector<16xf32>
      %max3A_106 = arith.maximumf %select_n3A_102, %select_n3A_104 : vector<16xf32>
      %max3A_107 = arith.maximumf %max3A_105, %max3A_106 : vector<16xf32>
      %xor3A_108 = arith.constant 1 : i32
      %xor3A_109 = vector.broadcast %xor3A_108 : i32 to vector<16xi32>
      %xor3A_110 = arith.xori %iota3A, %xor3A_109 : vector<16xi32>
      %broadcast_in_dim3A_111 = vector.shape_cast %xor3A_110 : vector<16xi32> to vector<16x1xi32>
      %gather3A_112 = vector.shape_cast %broadcast_in_dim3A_111 : vector<16x1xi32> to vector<16xi32>
      %gather3A_113 = tpu.dynamic_gather %max3A_107[%gather3A_112] in [0] : vector<16xf32>, vector<16xi32> -> vector<16xf32>
      %max3A_114 = arith.maximumf %max3A_107, %gather3A_113 : vector<16xf32>
      %xor3A_115 = arith.constant 2 : i32
      %xor3A_116 = vector.broadcast %xor3A_115 : i32 to vector<16xi32>
      %xor3A_117 = arith.xori %iota3A, %xor3A_116 : vector<16xi32>
      %broadcast_in_dim3A_118 = vector.shape_cast %xor3A_117 : vector<16xi32> to vector<16x1xi32>
      %gather3A_119 = vector.shape_cast %broadcast_in_dim3A_118 : vector<16x1xi32> to vector<16xi32>
      %gather3A_120 = tpu.dynamic_gather %max3A_114[%gather3A_119] in [0] : vector<16xf32>, vector<16xi32> -> vector<16xf32>
      %max3A_121 = arith.maximumf %max3A_114, %gather3A_120 : vector<16xf32>
      %xor3A_122 = arith.constant 4 : i32
      %xor3A_123 = vector.broadcast %xor3A_122 : i32 to vector<16xi32>
      %xor3A_124 = arith.xori %iota3A, %xor3A_123 : vector<16xi32>
      %broadcast_in_dim3A_125 = vector.shape_cast %xor3A_124 : vector<16xi32> to vector<16x1xi32>
      %gather3A_126 = vector.shape_cast %broadcast_in_dim3A_125 : vector<16x1xi32> to vector<16xi32>
      %gather3A_127 = tpu.dynamic_gather %max3A_121[%gather3A_126] in [0] : vector<16xf32>, vector<16xi32> -> vector<16xf32>
      %max3A_128 = arith.maximumf %max3A_121, %gather3A_127 : vector<16xf32>
      %xor3A_129 = arith.constant 8 : i32
      %xor3A_130 = vector.broadcast %xor3A_129 : i32 to vector<16xi32>
      %xor3A_131 = arith.xori %iota3A, %xor3A_130 : vector<16xi32>
      %broadcast_in_dim3A_132 = vector.shape_cast %xor3A_131 : vector<16xi32> to vector<16x1xi32>
      %gather3A_133 = vector.shape_cast %broadcast_in_dim3A_132 : vector<16x1xi32> to vector<16xi32>
      %gather3A_134 = tpu.dynamic_gather %max3A_128[%gather3A_133] in [0] : vector<16xf32>, vector<16xi32> -> vector<16xf32>
      %max3A_135 = arith.maximumf %max3A_128, %gather3A_134 : vector<16xf32>
      %eq3A_136 = arith.cmpf oeq, %select_n3A, %max3A_135 : vector<16xf32>
      %or3A = arith.ori %eq3A, %eq3A_136 : vector<16xi1>
      %select_n3A_137 = arith.select %eq3A_136, %broadcast_in_dim3A_3, %select_n3A : vector<16xi1>, vector<16xf32>
      %eq3A_138 = arith.cmpf oeq, %select_n3A_100, %max3A_135 : vector<16xf32>
      %or3A_139 = arith.ori %eq3A_99, %eq3A_138 : vector<16xi1>
      %select_n3A_140 = arith.select %eq3A_138, %broadcast_in_dim3A_3, %select_n3A_100 : vector<16xi1>, vector<16xf32>
      %eq3A_141 = arith.cmpf oeq, %select_n3A_102, %max3A_135 : vector<16xf32>
      %or3A_142 = arith.ori %eq3A_101, %eq3A_141 : vector<16xi1>
      %select_n3A_143 = arith.select %eq3A_141, %broadcast_in_dim3A_3, %select_n3A_102 : vector<16xi1>, vector<16xf32>
      %eq3A_144 = arith.cmpf oeq, %select_n3A_104, %max3A_135 : vector<16xf32>
      %or3A_145 = arith.ori %eq3A_103, %eq3A_144 : vector<16xi1>
      %select_n3A_146 = arith.select %eq3A_144, %broadcast_in_dim3A_3, %select_n3A_104 : vector<16xi1>, vector<16xf32>
      %max3A_147 = arith.maximumf %select_n3A_137, %select_n3A_140 : vector<16xf32>
      %max3A_148 = arith.maximumf %select_n3A_143, %select_n3A_146 : vector<16xf32>
      %max3A_149 = arith.maximumf %max3A_147, %max3A_148 : vector<16xf32>
      %xor3A_150 = arith.constant 1 : i32
      %xor3A_151 = vector.broadcast %xor3A_150 : i32 to vector<16xi32>
      %xor3A_152 = arith.xori %iota3A, %xor3A_151 : vector<16xi32>
      %broadcast_in_dim3A_153 = vector.shape_cast %xor3A_152 : vector<16xi32> to vector<16x1xi32>
      %gather3A_154 = vector.shape_cast %broadcast_in_dim3A_153 : vector<16x1xi32> to vector<16xi32>
      %gather3A_155 = tpu.dynamic_gather %max3A_149[%gather3A_154] in [0] : vector<16xf32>, vector<16xi32> -> vector<16xf32>
      %max3A_156 = arith.maximumf %max3A_149, %gather3A_155 : vector<16xf32>
      %xor3A_157 = arith.constant 2 : i32
      %xor3A_158 = vector.broadcast %xor3A_157 : i32 to vector<16xi32>
      %xor3A_159 = arith.xori %iota3A, %xor3A_158 : vector<16xi32>
      %broadcast_in_dim3A_160 = vector.shape_cast %xor3A_159 : vector<16xi32> to vector<16x1xi32>
      %gather3A_161 = vector.shape_cast %broadcast_in_dim3A_160 : vector<16x1xi32> to vector<16xi32>
      %gather3A_162 = tpu.dynamic_gather %max3A_156[%gather3A_161] in [0] : vector<16xf32>, vector<16xi32> -> vector<16xf32>
      %max3A_163 = arith.maximumf %max3A_156, %gather3A_162 : vector<16xf32>
      %xor3A_164 = arith.constant 4 : i32
      %xor3A_165 = vector.broadcast %xor3A_164 : i32 to vector<16xi32>
      %xor3A_166 = arith.xori %iota3A, %xor3A_165 : vector<16xi32>
      %broadcast_in_dim3A_167 = vector.shape_cast %xor3A_166 : vector<16xi32> to vector<16x1xi32>
      %gather3A_168 = vector.shape_cast %broadcast_in_dim3A_167 : vector<16x1xi32> to vector<16xi32>
      %gather3A_169 = tpu.dynamic_gather %max3A_163[%gather3A_168] in [0] : vector<16xf32>, vector<16xi32> -> vector<16xf32>
      %max3A_170 = arith.maximumf %max3A_163, %gather3A_169 : vector<16xf32>
      %xor3A_171 = arith.constant 8 : i32
      %xor3A_172 = vector.broadcast %xor3A_171 : i32 to vector<16xi32>
      %xor3A_173 = arith.xori %iota3A, %xor3A_172 : vector<16xi32>
      %broadcast_in_dim3A_174 = vector.shape_cast %xor3A_173 : vector<16xi32> to vector<16x1xi32>
      %gather3A_175 = vector.shape_cast %broadcast_in_dim3A_174 : vector<16x1xi32> to vector<16xi32>
      %gather3A_176 = tpu.dynamic_gather %max3A_170[%gather3A_175] in [0] : vector<16xf32>, vector<16xi32> -> vector<16xf32>
      %max3A_177 = arith.maximumf %max3A_170, %gather3A_176 : vector<16xf32>
      %eq3A_178 = arith.cmpf oeq, %select_n3A_137, %max3A_177 : vector<16xf32>
      %or3A_179 = arith.ori %or3A, %eq3A_178 : vector<16xi1>
      %select_n3A_180 = arith.select %eq3A_178, %broadcast_in_dim3A_3, %select_n3A_137 : vector<16xi1>, vector<16xf32>
      %eq3A_181 = arith.cmpf oeq, %select_n3A_140, %max3A_177 : vector<16xf32>
      %or3A_182 = arith.ori %or3A_139, %eq3A_181 : vector<16xi1>
      %select_n3A_183 = arith.select %eq3A_181, %broadcast_in_dim3A_3, %select_n3A_140 : vector<16xi1>, vector<16xf32>
      %eq3A_184 = arith.cmpf oeq, %select_n3A_143, %max3A_177 : vector<16xf32>
      %or3A_185 = arith.ori %or3A_142, %eq3A_184 : vector<16xi1>
      %select_n3A_186 = arith.select %eq3A_184, %broadcast_in_dim3A_3, %select_n3A_143 : vector<16xi1>, vector<16xf32>
      %eq3A_187 = arith.cmpf oeq, %select_n3A_146, %max3A_177 : vector<16xf32>
      %or3A_188 = arith.ori %or3A_145, %eq3A_187 : vector<16xi1>
      %select_n3A_189 = arith.select %eq3A_187, %broadcast_in_dim3A_3, %select_n3A_146 : vector<16xi1>, vector<16xf32>
      %max3A_190 = arith.maximumf %select_n3A_180, %select_n3A_183 : vector<16xf32>
      %max3A_191 = arith.maximumf %select_n3A_186, %select_n3A_189 : vector<16xf32>
      %max3A_192 = arith.maximumf %max3A_190, %max3A_191 : vector<16xf32>
      %xor3A_193 = arith.constant 1 : i32
      %xor3A_194 = vector.broadcast %xor3A_193 : i32 to vector<16xi32>
      %xor3A_195 = arith.xori %iota3A, %xor3A_194 : vector<16xi32>
      %broadcast_in_dim3A_196 = vector.shape_cast %xor3A_195 : vector<16xi32> to vector<16x1xi32>
      %gather3A_197 = vector.shape_cast %broadcast_in_dim3A_196 : vector<16x1xi32> to vector<16xi32>
      %gather3A_198 = tpu.dynamic_gather %max3A_192[%gather3A_197] in [0] : vector<16xf32>, vector<16xi32> -> vector<16xf32>
      %max3A_199 = arith.maximumf %max3A_192, %gather3A_198 : vector<16xf32>
      %xor3A_200 = arith.constant 2 : i32
      %xor3A_201 = vector.broadcast %xor3A_200 : i32 to vector<16xi32>
      %xor3A_202 = arith.xori %iota3A, %xor3A_201 : vector<16xi32>
      %broadcast_in_dim3A_203 = vector.shape_cast %xor3A_202 : vector<16xi32> to vector<16x1xi32>
      %gather3A_204 = vector.shape_cast %broadcast_in_dim3A_203 : vector<16x1xi32> to vector<16xi32>
      %gather3A_205 = tpu.dynamic_gather %max3A_199[%gather3A_204] in [0] : vector<16xf32>, vector<16xi32> -> vector<16xf32>
      %max3A_206 = arith.maximumf %max3A_199, %gather3A_205 : vector<16xf32>
      %xor3A_207 = arith.constant 4 : i32
      %xor3A_208 = vector.broadcast %xor3A_207 : i32 to vector<16xi32>
      %xor3A_209 = arith.xori %iota3A, %xor3A_208 : vector<16xi32>
      %broadcast_in_dim3A_210 = vector.shape_cast %xor3A_209 : vector<16xi32> to vector<16x1xi32>
      %gather3A_211 = vector.shape_cast %broadcast_in_dim3A_210 : vector<16x1xi32> to vector<16xi32>
      %gather3A_212 = tpu.dynamic_gather %max3A_206[%gather3A_211] in [0] : vector<16xf32>, vector<16xi32> -> vector<16xf32>
      %max3A_213 = arith.maximumf %max3A_206, %gather3A_212 : vector<16xf32>
      %xor3A_214 = arith.constant 8 : i32
      %xor3A_215 = vector.broadcast %xor3A_214 : i32 to vector<16xi32>
      %xor3A_216 = arith.xori %iota3A, %xor3A_215 : vector<16xi32>
      %broadcast_in_dim3A_217 = vector.shape_cast %xor3A_216 : vector<16xi32> to vector<16x1xi32>
      %gather3A_218 = vector.shape_cast %broadcast_in_dim3A_217 : vector<16x1xi32> to vector<16xi32>
      %gather3A_219 = tpu.dynamic_gather %max3A_213[%gather3A_218] in [0] : vector<16xf32>, vector<16xi32> -> vector<16xf32>
      %max3A_220 = arith.maximumf %max3A_213, %gather3A_219 : vector<16xf32>
      %eq3A_221 = arith.cmpf oeq, %select_n3A_180, %max3A_220 : vector<16xf32>
      %or3A_222 = arith.ori %or3A_179, %eq3A_221 : vector<16xi1>
      %select_n3A_223 = arith.select %eq3A_221, %broadcast_in_dim3A_3, %select_n3A_180 : vector<16xi1>, vector<16xf32>
      %eq3A_224 = arith.cmpf oeq, %select_n3A_183, %max3A_220 : vector<16xf32>
      %or3A_225 = arith.ori %or3A_182, %eq3A_224 : vector<16xi1>
      %select_n3A_226 = arith.select %eq3A_224, %broadcast_in_dim3A_3, %select_n3A_183 : vector<16xi1>, vector<16xf32>
      %eq3A_227 = arith.cmpf oeq, %select_n3A_186, %max3A_220 : vector<16xf32>
      %or3A_228 = arith.ori %or3A_185, %eq3A_227 : vector<16xi1>
      %select_n3A_229 = arith.select %eq3A_227, %broadcast_in_dim3A_3, %select_n3A_186 : vector<16xi1>, vector<16xf32>
      %eq3A_230 = arith.cmpf oeq, %select_n3A_189, %max3A_220 : vector<16xf32>
      %or3A_231 = arith.ori %or3A_188, %eq3A_230 : vector<16xi1>
      %select_n3A_232 = arith.select %eq3A_230, %broadcast_in_dim3A_3, %select_n3A_189 : vector<16xi1>, vector<16xf32>
      %max3A_233 = arith.maximumf %select_n3A_223, %select_n3A_226 : vector<16xf32>
      %max3A_234 = arith.maximumf %select_n3A_229, %select_n3A_232 : vector<16xf32>
      %max3A_235 = arith.maximumf %max3A_233, %max3A_234 : vector<16xf32>
      %xor3A_236 = arith.constant 1 : i32
      %xor3A_237 = vector.broadcast %xor3A_236 : i32 to vector<16xi32>
      %xor3A_238 = arith.xori %iota3A, %xor3A_237 : vector<16xi32>
      %broadcast_in_dim3A_239 = vector.shape_cast %xor3A_238 : vector<16xi32> to vector<16x1xi32>
      %gather3A_240 = vector.shape_cast %broadcast_in_dim3A_239 : vector<16x1xi32> to vector<16xi32>
      %gather3A_241 = tpu.dynamic_gather %max3A_235[%gather3A_240] in [0] : vector<16xf32>, vector<16xi32> -> vector<16xf32>
      %max3A_242 = arith.maximumf %max3A_235, %gather3A_241 : vector<16xf32>
      %xor3A_243 = arith.constant 2 : i32
      %xor3A_244 = vector.broadcast %xor3A_243 : i32 to vector<16xi32>
      %xor3A_245 = arith.xori %iota3A, %xor3A_244 : vector<16xi32>
      %broadcast_in_dim3A_246 = vector.shape_cast %xor3A_245 : vector<16xi32> to vector<16x1xi32>
      %gather3A_247 = vector.shape_cast %broadcast_in_dim3A_246 : vector<16x1xi32> to vector<16xi32>
      %gather3A_248 = tpu.dynamic_gather %max3A_242[%gather3A_247] in [0] : vector<16xf32>, vector<16xi32> -> vector<16xf32>
      %max3A_249 = arith.maximumf %max3A_242, %gather3A_248 : vector<16xf32>
      %xor3A_250 = arith.constant 4 : i32
      %xor3A_251 = vector.broadcast %xor3A_250 : i32 to vector<16xi32>
      %xor3A_252 = arith.xori %iota3A, %xor3A_251 : vector<16xi32>
      %broadcast_in_dim3A_253 = vector.shape_cast %xor3A_252 : vector<16xi32> to vector<16x1xi32>
      %gather3A_254 = vector.shape_cast %broadcast_in_dim3A_253 : vector<16x1xi32> to vector<16xi32>
      %gather3A_255 = tpu.dynamic_gather %max3A_249[%gather3A_254] in [0] : vector<16xf32>, vector<16xi32> -> vector<16xf32>
      %max3A_256 = arith.maximumf %max3A_249, %gather3A_255 : vector<16xf32>
      %xor3A_257 = arith.constant 8 : i32
      %xor3A_258 = vector.broadcast %xor3A_257 : i32 to vector<16xi32>
      %xor3A_259 = arith.xori %iota3A, %xor3A_258 : vector<16xi32>
      %broadcast_in_dim3A_260 = vector.shape_cast %xor3A_259 : vector<16xi32> to vector<16x1xi32>
      %gather3A_261 = vector.shape_cast %broadcast_in_dim3A_260 : vector<16x1xi32> to vector<16xi32>
      %gather3A_262 = tpu.dynamic_gather %max3A_256[%gather3A_261] in [0] : vector<16xf32>, vector<16xi32> -> vector<16xf32>
      %max3A_263 = arith.maximumf %max3A_256, %gather3A_262 : vector<16xf32>
      %eq3A_264 = arith.cmpf oeq, %select_n3A_223, %max3A_263 : vector<16xf32>
      %or3A_265 = arith.ori %or3A_222, %eq3A_264 : vector<16xi1>
      %select_n3A_266 = arith.select %eq3A_264, %broadcast_in_dim3A_3, %select_n3A_223 : vector<16xi1>, vector<16xf32>
      %eq3A_267 = arith.cmpf oeq, %select_n3A_226, %max3A_263 : vector<16xf32>
      %or3A_268 = arith.ori %or3A_225, %eq3A_267 : vector<16xi1>
      %select_n3A_269 = arith.select %eq3A_267, %broadcast_in_dim3A_3, %select_n3A_226 : vector<16xi1>, vector<16xf32>
      %eq3A_270 = arith.cmpf oeq, %select_n3A_229, %max3A_263 : vector<16xf32>
      %or3A_271 = arith.ori %or3A_228, %eq3A_270 : vector<16xi1>
      %select_n3A_272 = arith.select %eq3A_270, %broadcast_in_dim3A_3, %select_n3A_229 : vector<16xi1>, vector<16xf32>
      %eq3A_273 = arith.cmpf oeq, %select_n3A_232, %max3A_263 : vector<16xf32>
      %or3A_274 = arith.ori %or3A_231, %eq3A_273 : vector<16xi1>
      %select_n3A_275 = arith.select %eq3A_273, %broadcast_in_dim3A_3, %select_n3A_232 : vector<16xi1>, vector<16xf32>
      %max3A_276 = arith.maximumf %select_n3A_266, %select_n3A_269 : vector<16xf32>
      %max3A_277 = arith.maximumf %select_n3A_272, %select_n3A_275 : vector<16xf32>
      %max3A_278 = arith.maximumf %max3A_276, %max3A_277 : vector<16xf32>
      %xor3A_279 = arith.constant 1 : i32
      %xor3A_280 = vector.broadcast %xor3A_279 : i32 to vector<16xi32>
      %xor3A_281 = arith.xori %iota3A, %xor3A_280 : vector<16xi32>
      %broadcast_in_dim3A_282 = vector.shape_cast %xor3A_281 : vector<16xi32> to vector<16x1xi32>
      %gather3A_283 = vector.shape_cast %broadcast_in_dim3A_282 : vector<16x1xi32> to vector<16xi32>
      %gather3A_284 = tpu.dynamic_gather %max3A_278[%gather3A_283] in [0] : vector<16xf32>, vector<16xi32> -> vector<16xf32>
      %max3A_285 = arith.maximumf %max3A_278, %gather3A_284 : vector<16xf32>
      %xor3A_286 = arith.constant 2 : i32
      %xor3A_287 = vector.broadcast %xor3A_286 : i32 to vector<16xi32>
      %xor3A_288 = arith.xori %iota3A, %xor3A_287 : vector<16xi32>
      %broadcast_in_dim3A_289 = vector.shape_cast %xor3A_288 : vector<16xi32> to vector<16x1xi32>
      %gather3A_290 = vector.shape_cast %broadcast_in_dim3A_289 : vector<16x1xi32> to vector<16xi32>
      %gather3A_291 = tpu.dynamic_gather %max3A_285[%gather3A_290] in [0] : vector<16xf32>, vector<16xi32> -> vector<16xf32>
      %max3A_292 = arith.maximumf %max3A_285, %gather3A_291 : vector<16xf32>
      %xor3A_293 = arith.constant 4 : i32
      %xor3A_294 = vector.broadcast %xor3A_293 : i32 to vector<16xi32>
      %xor3A_295 = arith.xori %iota3A, %xor3A_294 : vector<16xi32>
      %broadcast_in_dim3A_296 = vector.shape_cast %xor3A_295 : vector<16xi32> to vector<16x1xi32>
      %gather3A_297 = vector.shape_cast %broadcast_in_dim3A_296 : vector<16x1xi32> to vector<16xi32>
      %gather3A_298 = tpu.dynamic_gather %max3A_292[%gather3A_297] in [0] : vector<16xf32>, vector<16xi32> -> vector<16xf32>
      %max3A_299 = arith.maximumf %max3A_292, %gather3A_298 : vector<16xf32>
      %xor3A_300 = arith.constant 8 : i32
      %xor3A_301 = vector.broadcast %xor3A_300 : i32 to vector<16xi32>
      %xor3A_302 = arith.xori %iota3A, %xor3A_301 : vector<16xi32>
      %broadcast_in_dim3A_303 = vector.shape_cast %xor3A_302 : vector<16xi32> to vector<16x1xi32>
      %gather3A_304 = vector.shape_cast %broadcast_in_dim3A_303 : vector<16x1xi32> to vector<16xi32>
      %gather3A_305 = tpu.dynamic_gather %max3A_299[%gather3A_304] in [0] : vector<16xf32>, vector<16xi32> -> vector<16xf32>
      %max3A_306 = arith.maximumf %max3A_299, %gather3A_305 : vector<16xf32>
      %eq3A_307 = arith.cmpf oeq, %select_n3A_266, %max3A_306 : vector<16xf32>
      %or3A_308 = arith.ori %or3A_265, %eq3A_307 : vector<16xi1>
      %select_n3A_309 = arith.select %eq3A_307, %broadcast_in_dim3A_3, %select_n3A_266 : vector<16xi1>, vector<16xf32>
      %eq3A_310 = arith.cmpf oeq, %select_n3A_269, %max3A_306 : vector<16xf32>
      %or3A_311 = arith.ori %or3A_268, %eq3A_310 : vector<16xi1>
      %select_n3A_312 = arith.select %eq3A_310, %broadcast_in_dim3A_3, %select_n3A_269 : vector<16xi1>, vector<16xf32>
      %eq3A_313 = arith.cmpf oeq, %select_n3A_272, %max3A_306 : vector<16xf32>
      %or3A_314 = arith.ori %or3A_271, %eq3A_313 : vector<16xi1>
      %select_n3A_315 = arith.select %eq3A_313, %broadcast_in_dim3A_3, %select_n3A_272 : vector<16xi1>, vector<16xf32>
      %eq3A_316 = arith.cmpf oeq, %select_n3A_275, %max3A_306 : vector<16xf32>
      %or3A_317 = arith.ori %or3A_274, %eq3A_316 : vector<16xi1>
      %select_n3A_318 = arith.select %eq3A_316, %broadcast_in_dim3A_3, %select_n3A_275 : vector<16xi1>, vector<16xf32>
      %max3A_319 = arith.maximumf %select_n3A_309, %select_n3A_312 : vector<16xf32>
      %max3A_320 = arith.maximumf %select_n3A_315, %select_n3A_318 : vector<16xf32>
      %max3A_321 = arith.maximumf %max3A_319, %max3A_320 : vector<16xf32>
      %xor3A_322 = arith.constant 1 : i32
      %xor3A_323 = vector.broadcast %xor3A_322 : i32 to vector<16xi32>
      %xor3A_324 = arith.xori %iota3A, %xor3A_323 : vector<16xi32>
      %broadcast_in_dim3A_325 = vector.shape_cast %xor3A_324 : vector<16xi32> to vector<16x1xi32>
      %gather3A_326 = vector.shape_cast %broadcast_in_dim3A_325 : vector<16x1xi32> to vector<16xi32>
      %gather3A_327 = tpu.dynamic_gather %max3A_321[%gather3A_326] in [0] : vector<16xf32>, vector<16xi32> -> vector<16xf32>
      %max3A_328 = arith.maximumf %max3A_321, %gather3A_327 : vector<16xf32>
      %xor3A_329 = arith.constant 2 : i32
      %xor3A_330 = vector.broadcast %xor3A_329 : i32 to vector<16xi32>
      %xor3A_331 = arith.xori %iota3A, %xor3A_330 : vector<16xi32>
      %broadcast_in_dim3A_332 = vector.shape_cast %xor3A_331 : vector<16xi32> to vector<16x1xi32>
      %gather3A_333 = vector.shape_cast %broadcast_in_dim3A_332 : vector<16x1xi32> to vector<16xi32>
      %gather3A_334 = tpu.dynamic_gather %max3A_328[%gather3A_333] in [0] : vector<16xf32>, vector<16xi32> -> vector<16xf32>
      %max3A_335 = arith.maximumf %max3A_328, %gather3A_334 : vector<16xf32>
      %xor3A_336 = arith.constant 4 : i32
      %xor3A_337 = vector.broadcast %xor3A_336 : i32 to vector<16xi32>
      %xor3A_338 = arith.xori %iota3A, %xor3A_337 : vector<16xi32>
      %broadcast_in_dim3A_339 = vector.shape_cast %xor3A_338 : vector<16xi32> to vector<16x1xi32>
      %gather3A_340 = vector.shape_cast %broadcast_in_dim3A_339 : vector<16x1xi32> to vector<16xi32>
      %gather3A_341 = tpu.dynamic_gather %max3A_335[%gather3A_340] in [0] : vector<16xf32>, vector<16xi32> -> vector<16xf32>
      %max3A_342 = arith.maximumf %max3A_335, %gather3A_341 : vector<16xf32>
      %xor3A_343 = arith.constant 8 : i32
      %xor3A_344 = vector.broadcast %xor3A_343 : i32 to vector<16xi32>
      %xor3A_345 = arith.xori %iota3A, %xor3A_344 : vector<16xi32>
      %broadcast_in_dim3A_346 = vector.shape_cast %xor3A_345 : vector<16xi32> to vector<16x1xi32>
      %gather3A_347 = vector.shape_cast %broadcast_in_dim3A_346 : vector<16x1xi32> to vector<16xi32>
      %gather3A_348 = tpu.dynamic_gather %max3A_342[%gather3A_347] in [0] : vector<16xf32>, vector<16xi32> -> vector<16xf32>
      %max3A_349 = arith.maximumf %max3A_342, %gather3A_348 : vector<16xf32>
      %eq3A_350 = arith.cmpf oeq, %select_n3A_309, %max3A_349 : vector<16xf32>
      %or3A_351 = arith.ori %or3A_308, %eq3A_350 : vector<16xi1>
      %select_n3A_352 = arith.select %eq3A_350, %broadcast_in_dim3A_3, %select_n3A_309 : vector<16xi1>, vector<16xf32>
      %eq3A_353 = arith.cmpf oeq, %select_n3A_312, %max3A_349 : vector<16xf32>
      %or3A_354 = arith.ori %or3A_311, %eq3A_353 : vector<16xi1>
      %select_n3A_355 = arith.select %eq3A_353, %broadcast_in_dim3A_3, %select_n3A_312 : vector<16xi1>, vector<16xf32>
      %eq3A_356 = arith.cmpf oeq, %select_n3A_315, %max3A_349 : vector<16xf32>
      %or3A_357 = arith.ori %or3A_314, %eq3A_356 : vector<16xi1>
      %select_n3A_358 = arith.select %eq3A_356, %broadcast_in_dim3A_3, %select_n3A_315 : vector<16xi1>, vector<16xf32>
      %eq3A_359 = arith.cmpf oeq, %select_n3A_318, %max3A_349 : vector<16xf32>
      %or3A_360 = arith.ori %or3A_317, %eq3A_359 : vector<16xi1>
      %select_n3A_361 = arith.select %eq3A_359, %broadcast_in_dim3A_3, %select_n3A_318 : vector<16xi1>, vector<16xf32>
      %max3A_362 = arith.maximumf %select_n3A_352, %select_n3A_355 : vector<16xf32>
      %max3A_363 = arith.maximumf %select_n3A_358, %select_n3A_361 : vector<16xf32>
      %max3A_364 = arith.maximumf %max3A_362, %max3A_363 : vector<16xf32>
      %xor3A_365 = arith.constant 1 : i32
      %xor3A_366 = vector.broadcast %xor3A_365 : i32 to vector<16xi32>
      %xor3A_367 = arith.xori %iota3A, %xor3A_366 : vector<16xi32>
      %broadcast_in_dim3A_368 = vector.shape_cast %xor3A_367 : vector<16xi32> to vector<16x1xi32>
      %gather3A_369 = vector.shape_cast %broadcast_in_dim3A_368 : vector<16x1xi32> to vector<16xi32>
      %gather3A_370 = tpu.dynamic_gather %max3A_364[%gather3A_369] in [0] : vector<16xf32>, vector<16xi32> -> vector<16xf32>
      %max3A_371 = arith.maximumf %max3A_364, %gather3A_370 : vector<16xf32>
      %xor3A_372 = arith.constant 2 : i32
      %xor3A_373 = vector.broadcast %xor3A_372 : i32 to vector<16xi32>
      %xor3A_374 = arith.xori %iota3A, %xor3A_373 : vector<16xi32>
      %broadcast_in_dim3A_375 = vector.shape_cast %xor3A_374 : vector<16xi32> to vector<16x1xi32>
      %gather3A_376 = vector.shape_cast %broadcast_in_dim3A_375 : vector<16x1xi32> to vector<16xi32>
      %gather3A_377 = tpu.dynamic_gather %max3A_371[%gather3A_376] in [0] : vector<16xf32>, vector<16xi32> -> vector<16xf32>
      %max3A_378 = arith.maximumf %max3A_371, %gather3A_377 : vector<16xf32>
      %xor3A_379 = arith.constant 4 : i32
      %xor3A_380 = vector.broadcast %xor3A_379 : i32 to vector<16xi32>
      %xor3A_381 = arith.xori %iota3A, %xor3A_380 : vector<16xi32>
      %broadcast_in_dim3A_382 = vector.shape_cast %xor3A_381 : vector<16xi32> to vector<16x1xi32>
      %gather3A_383 = vector.shape_cast %broadcast_in_dim3A_382 : vector<16x1xi32> to vector<16xi32>
      %gather3A_384 = tpu.dynamic_gather %max3A_378[%gather3A_383] in [0] : vector<16xf32>, vector<16xi32> -> vector<16xf32>
      %max3A_385 = arith.maximumf %max3A_378, %gather3A_384 : vector<16xf32>
      %xor3A_386 = arith.constant 8 : i32
      %xor3A_387 = vector.broadcast %xor3A_386 : i32 to vector<16xi32>
      %xor3A_388 = arith.xori %iota3A, %xor3A_387 : vector<16xi32>
      %broadcast_in_dim3A_389 = vector.shape_cast %xor3A_388 : vector<16xi32> to vector<16x1xi32>
      %gather3A_390 = vector.shape_cast %broadcast_in_dim3A_389 : vector<16x1xi32> to vector<16xi32>
      %gather3A_391 = tpu.dynamic_gather %max3A_385[%gather3A_390] in [0] : vector<16xf32>, vector<16xi32> -> vector<16xf32>
      %max3A_392 = arith.maximumf %max3A_385, %gather3A_391 : vector<16xf32>
      %eq3A_393 = arith.cmpf oeq, %select_n3A_352, %max3A_392 : vector<16xf32>
      %or3A_394 = arith.ori %or3A_351, %eq3A_393 : vector<16xi1>
      %select_n3A_395 = arith.select %eq3A_393, %broadcast_in_dim3A_3, %select_n3A_352 : vector<16xi1>, vector<16xf32>
      %eq3A_396 = arith.cmpf oeq, %select_n3A_355, %max3A_392 : vector<16xf32>
      %or3A_397 = arith.ori %or3A_354, %eq3A_396 : vector<16xi1>
      %select_n3A_398 = arith.select %eq3A_396, %broadcast_in_dim3A_3, %select_n3A_355 : vector<16xi1>, vector<16xf32>
      %eq3A_399 = arith.cmpf oeq, %select_n3A_358, %max3A_392 : vector<16xf32>
      %or3A_400 = arith.ori %or3A_357, %eq3A_399 : vector<16xi1>
      %select_n3A_401 = arith.select %eq3A_399, %broadcast_in_dim3A_3, %select_n3A_358 : vector<16xi1>, vector<16xf32>
      %eq3A_402 = arith.cmpf oeq, %select_n3A_361, %max3A_392 : vector<16xf32>
      %or3A_403 = arith.ori %or3A_360, %eq3A_402 : vector<16xi1>
      %select_n3A_404 = arith.select %eq3A_402, %broadcast_in_dim3A_3, %select_n3A_361 : vector<16xi1>, vector<16xf32>
      %select_n3A_405 = arith.select %or3A_394, %broadcast_in_dim3A_5, %broadcast_in_dim3A_7 : vector<16xi1>, vector<16xf32>
      %mul3A_406 = arith.constant 64 : i32
      %mul3A_407 = arith.muli %scan3A_43, %mul3A_406 : i32
      %add3A_408 = arith.constant 0 : i32
      %add3A_409 = arith.addi %mul3A_407, %add3A_408 : i32
      %swap3A = arith.index_cast %add3A_409 : i32 to index
      %swap3A_410 = tpu.vector_load %arg5[%swap3A] {strides = array<i32>} : memref<16384xf32, #tpu.memory_space<vmem>>, vector<16xf32>,
      %swap3A_411 = vector.shape_cast %swap3A_410 : vector<16xf32> to vector<16xf32>
      %swap3A_412 = vector.shape_cast %select_n3A_405 : vector<16xf32> to vector<16xf32>
      tpu.vector_store %arg5[%swap3A], %swap3A_412 {strides = array<i32>} : memref<16384xf32, #tpu.memory_space<vmem>>, vector<16xf32>,
      %select_n3A_413 = arith.select %or3A_397, %broadcast_in_dim3A_5, %broadcast_in_dim3A_7 : vector<16xi1>, vector<16xf32>
      %mul3A_414 = arith.constant 64 : i32
      %mul3A_415 = arith.muli %scan3A_43, %mul3A_414 : i32
      %add3A_416 = arith.constant 16 : i32
      %add3A_417 = arith.addi %mul3A_415, %add3A_416 : i32
      %swap3A_418 = arith.index_cast %add3A_417 : i32 to index
      %swap3A_419 = tpu.vector_load %arg5[%swap3A_418] {strides = array<i32>} : memref<16384xf32, #tpu.memory_space<vmem>>, vector<16xf32>,
      %swap3A_420 = vector.shape_cast %swap3A_419 : vector<16xf32> to vector<16xf32>
      %swap3A_421 = vector.shape_cast %select_n3A_413 : vector<16xf32> to vector<16xf32>
      tpu.vector_store %arg5[%swap3A_418], %swap3A_421 {strides = array<i32>} : memref<16384xf32, #tpu.memory_space<vmem>>, vector<16xf32>,
      %select_n3A_422 = arith.select %or3A_400, %broadcast_in_dim3A_5, %broadcast_in_dim3A_7 : vector<16xi1>, vector<16xf32>
      %mul3A_423 = arith.constant 64 : i32
      %mul3A_424 = arith.muli %scan3A_43, %mul3A_423 : i32
      %add3A_425 = arith.constant 32 : i32
      %add3A_426 = arith.addi %mul3A_424, %add3A_425 : i32
      %swap3A_427 = arith.index_cast %add3A_426 : i32 to index
      %swap3A_428 = tpu.vector_load %arg5[%swap3A_427] {strides = array<i32>} : memref<16384xf32, #tpu.memory_space<vmem>>, vector<16xf32>,
      %swap3A_429 = vector.shape_cast %swap3A_428 : vector<16xf32> to vector<16xf32>
      %swap3A_430 = vector.shape_cast %select_n3A_422 : vector<16xf32> to vector<16xf32>
      tpu.vector_store %arg5[%swap3A_427], %swap3A_430 {strides = array<i32>} : memref<16384xf32, #tpu.memory_space<vmem>>, vector<16xf32>,
      %select_n3A_431 = arith.select %or3A_403, %broadcast_in_dim3A_5, %broadcast_in_dim3A_7 : vector<16xi1>, vector<16xf32>
      %mul3A_432 = arith.constant 64 : i32
      %mul3A_433 = arith.muli %scan3A_43, %mul3A_432 : i32
      %add3A_434 = arith.constant 48 : i32
      %add3A_435 = arith.addi %mul3A_433, %add3A_434 : i32
      %swap3A_436 = arith.index_cast %add3A_435 : i32 to index
      %swap3A_437 = tpu.vector_load %arg5[%swap3A_436] {strides = array<i32>} : memref<16384xf32, #tpu.memory_space<vmem>>, vector<16xf32>,
      %swap3A_438 = vector.shape_cast %swap3A_437 : vector<16xf32> to vector<16xf32>
      %swap3A_439 = vector.shape_cast %select_n3A_431 : vector<16xf32> to vector<16xf32>
      tpu.vector_store %arg5[%swap3A_436], %swap3A_439 {strides = array<i32>} : memref<16384xf32, #tpu.memory_space<vmem>>, vector<16xf32>,
    }
    %scan3A_40 = arith.constant 256 : i32
    %mul3A_41 = arith.constant 64 : i32
    %mul3A_42 = arith.muli %add3A_32, %mul3A_41 : i32
    "tpu.region"() ({
      %run_scoped3A = tpu.sem_alloc : memref<!tpu.dma_semaphore, #tpu.memory_space<semaphore_mem>>
      %dma_start3A = tpu.memref_slice %arg3[%mul3A_42] : memref<1572864xf32, #tpu.memory_space<hbm>> -> memref<16384xf32, #tpu.memory_space<hbm>>
      %dma_start3A_43 = tpu.memref_slice %arg3[%mul3A_42] : memref<1572864xf32, #tpu.memory_space<hbm>> -> memref<16384xf32, #tpu.memory_space<hbm>>
      tpu.enqueue_dma source(%arg5 : memref<16384xf32, #tpu.memory_space<vmem>>) target(%dma_start3A_43 : memref<16384xf32, #tpu.memory_space<hbm>>) target_semaphore(%run_scoped3A : memref<!tpu.dma_semaphore, #tpu.memory_space<semaphore_mem>>)
      %dma_wait3A = tpu.memref_slice %arg3[%mul3A_42] : memref<1572864xf32, #tpu.memory_space<hbm>> -> memref<16384xf32, #tpu.memory_space<hbm>>
      %dma_wait3A_44 = tpu.memref_slice %arg3[%mul3A_42] : memref<1572864xf32, #tpu.memory_space<hbm>> -> memref<16384xf32, #tpu.memory_space<hbm>>
      tpu.wait_dma2 semaphore(%run_scoped3A : memref<!tpu.dma_semaphore, #tpu.memory_space<semaphore_mem>>) src(%arg5 : memref<16384xf32, #tpu.memory_space<vmem>>) dst(%dma_wait3A_44 : memref<16384xf32, #tpu.memory_space<hbm>>)
      tpu.yield
    }) : () -> ()
    return
  }
}

module attributes {stable_mosaic.version = 14 : i64} {
  func.func @_proj_rope_kernel(%arg0: i32, %arg1: memref<512x768xf32, #tpu.memory_space<vmem>>, %arg2: memref<768x3840xf32, #tpu.memory_space<vmem>>, %arg3: memref<512x768xf32, #tpu.memory_space<vmem>>, %arg4: memref<512x768xf32, #tpu.memory_space<vmem>>, %arg5: memref<512x768xf32, #tpu.memory_space<vmem>>, %arg6: memref<512x768xf32, #tpu.memory_space<vmem>>, %arg7: memref<512x768xf32, #tpu.memory_space<vmem>>) attributes {dimension_semantics = [#tpu.dimension_semantics<arbitrary>], iteration_bounds = array<i64: 4>, scalar_prefetch = 0 : i64, scratch_operands = 0 : i64, tpu.core_type = #tpu.core_type<tc>, window_params = [{transform_indices = @transform_0, window_bounds = array<i64: 512, 768>}, {pipeline_mode = #tpu.pipeline_mode<synchronous>, transform_indices = @transform_1, window_bounds = array<i64: 768, 3840>}, {transform_indices = @transform_2, window_bounds = array<i64: 512, 768>}, {transform_indices = @transform_3, window_bounds = array<i64: 512, 768>}, {transform_indices = @transform_4, window_bounds = array<i64: 512, 768>}, {transform_indices = @transform_5, window_bounds = array<i64: 512, 768>}, {transform_indices = @transform_6, window_bounds = array<i64: 512, 768>}]} {
    %get3A = arith.constant 0 : index
    %get3A_0 = arith.constant 0 : index
    %get3A_1 = vector.load %arg1[%get3A, %get3A_0] : memref<512x768xf32, #tpu.memory_space<vmem>>, vector<512x768xf32>
    %convert_element_type3A = arith.truncf %get3A_1 : vector<512x768xf32> to vector<512x768xbf16>
    %get3A_2 = arith.constant 0 : index
    %get3A_3 = arith.constant 0 : index
    %get3A_4 = vector.load %arg2[%get3A_2, %get3A_3] : memref<768x3840xf32, #tpu.memory_space<vmem>>, vector<768x3840xf32>
    %convert_element_type3A_5 = arith.truncf %get3A_4 : vector<768x3840xf32> to vector<768x3840xbf16>
    %dot_general3A = arith.constant dense<0.000000e+00> : vector<512x3840xf32>
    %dot_general3A_6 = tpu.matmul %convert_element_type3A, %convert_element_type3A_5, %dot_general3A {dimension_numbers = #tpu.dot_dimension_numbers<[1], [0], [0], [1], [0, 0, 1, 1], [], []>, transpose_lhs_hint = false} : vector<512x768xbf16>, vector<768x3840xbf16>, vector<512x3840xf32> -> vector<512x3840xf32>
    %get3A_7 = arith.constant 0 : index
    %get3A_8 = arith.constant 0 : index
    %get3A_9 = vector.load %arg3[%get3A_7, %get3A_8] : memref<512x768xf32, #tpu.memory_space<vmem>>, vector<512x768xf32>
    %get3A_10 = arith.constant 0 : index
    %get3A_11 = arith.constant 0 : index
    %get3A_12 = vector.load %arg4[%get3A_10, %get3A_11] : memref<512x768xf32, #tpu.memory_space<vmem>>, vector<512x768xf32>
    %slice3A = vector.extract_strided_slice %dot_general3A_6 {offsets = [0, 0], sizes = [512, 768], strides = [1, 1]} : vector<512x3840xf32> to vector<512x768xf32>
    %mul3A = arith.mulf %slice3A, %get3A_9 : vector<512x768xf32>
    %slice3A_13 = vector.extract_strided_slice %dot_general3A_6 {offsets = [0, 768], sizes = [512, 768], strides = [1, 1]} : vector<512x3840xf32> to vector<512x768xf32>
    %mul3A_14 = arith.mulf %slice3A_13, %get3A_12 : vector<512x768xf32>
    %add3A = arith.addf %mul3A, %mul3A_14 : vector<512x768xf32>
    %swap3A = arith.constant 0 : index
    %swap3A_15 = arith.constant 0 : index
    %swap3A_16 = vector.load %arg5[%swap3A, %swap3A_15] : memref<512x768xf32, #tpu.memory_space<vmem>>, vector<512x768xf32>
    tpu.vector_store %arg5[%swap3A, %swap3A_15], %add3A {strides = array<i32>} : memref<512x768xf32, #tpu.memory_space<vmem>>, vector<512x768xf32>,
    %slice3A_17 = vector.extract_strided_slice %dot_general3A_6 {offsets = [0, 1536], sizes = [512, 768], strides = [1, 1]} : vector<512x3840xf32> to vector<512x768xf32>
    %mul3A_18 = arith.mulf %slice3A_17, %get3A_9 : vector<512x768xf32>
    %slice3A_19 = vector.extract_strided_slice %dot_general3A_6 {offsets = [0, 2304], sizes = [512, 768], strides = [1, 1]} : vector<512x3840xf32> to vector<512x768xf32>
    %mul3A_20 = arith.mulf %slice3A_19, %get3A_12 : vector<512x768xf32>
    %add3A_21 = arith.addf %mul3A_18, %mul3A_20 : vector<512x768xf32>
    %swap3A_22 = arith.constant 0 : index
    %swap3A_23 = arith.constant 0 : index
    %swap3A_24 = vector.load %arg6[%swap3A_22, %swap3A_23] : memref<512x768xf32, #tpu.memory_space<vmem>>, vector<512x768xf32>
    tpu.vector_store %arg6[%swap3A_22, %swap3A_23], %add3A_21 {strides = array<i32>} : memref<512x768xf32, #tpu.memory_space<vmem>>, vector<512x768xf32>,
    %slice3A_25 = vector.extract_strided_slice %dot_general3A_6 {offsets = [0, 3072], sizes = [512, 768], strides = [1, 1]} : vector<512x3840xf32> to vector<512x768xf32>
    %swap3A_26 = arith.constant 0 : index
    %swap3A_27 = arith.constant 0 : index
    %swap3A_28 = vector.load %arg7[%swap3A_26, %swap3A_27] : memref<512x768xf32, #tpu.memory_space<vmem>>, vector<512x768xf32>
    tpu.vector_store %arg7[%swap3A_26, %swap3A_27], %slice3A_25 {strides = array<i32>} : memref<512x768xf32, #tpu.memory_space<vmem>>, vector<512x768xf32>,
    return
  }
  func.func @transform_0(%arg0: i32) -> (i32, i32) {
    %c0_i32 = arith.constant 0 : i32
    %c0_i32_0 = arith.constant 0 : i32
    return %arg0, %c0_i32 : i32, i32
  }
  func.func @transform_1(%arg0: i32) -> (i32, i32) {
    %c0_i32 = arith.constant 0 : i32
    %c0_i32_0 = arith.constant 0 : i32
    %c0_i32_1 = arith.constant 0 : i32
    return %c0_i32, %c0_i32_0 : i32, i32
  }
  func.func @transform_2(%arg0: i32) -> (i32, i32) {
    %c0_i32 = arith.constant 0 : i32
    %c0_i32_0 = arith.constant 0 : i32
    return %arg0, %c0_i32 : i32, i32
  }
  func.func @transform_3(%arg0: i32) -> (i32, i32) {
    %c0_i32 = arith.constant 0 : i32
    %c0_i32_0 = arith.constant 0 : i32
    return %arg0, %c0_i32 : i32, i32
  }
  func.func @transform_4(%arg0: i32) -> (i32, i32) {
    %c0_i32 = arith.constant 0 : i32
    %c0_i32_0 = arith.constant 0 : i32
    return %arg0, %c0_i32 : i32, i32
  }
  func.func @transform_5(%arg0: i32) -> (i32, i32) {
    %c0_i32 = arith.constant 0 : i32
    %c0_i32_0 = arith.constant 0 : i32
    return %arg0, %c0_i32 : i32, i32
  }
  func.func @transform_6(%arg0: i32) -> (i32, i32) {
    %c0_i32 = arith.constant 0 : i32
    %c0_i32_0 = arith.constant 0 : i32
    return %arg0, %c0_i32 : i32, i32
  }
}

module attributes {stable_mosaic.version = 14 : i64} {
  func.func @_lod1_kernel(%arg0: i32, %arg1: i32, %arg2: memref<1x64x64xf32, #tpu.memory_space<vmem>>, %arg3: memref<1x64x64xf32, #tpu.memory_space<vmem>>, %arg4: memref<64x64xf32, #tpu.memory_space<vmem>>) attributes {dimension_semantics = [#tpu.dimension_semantics<arbitrary>, #tpu.dimension_semantics<arbitrary>], iteration_bounds = array<i64: 12, 32>, scalar_prefetch = 0 : i64, scratch_operands = 0 : i64, tpu.core_type = #tpu.core_type<tc>, window_params = [{transform_indices = @transform_0, window_bounds = array<i64: 1, 64, 64>}, {transform_indices = @transform_1, window_bounds = array<i64: 1, 64, 64>}, {transform_indices = @transform_2, window_bounds = array<i64: 64, 64>}]} {
    %eq3A = arith.constant 0 : i32
    %eq3A_0 = arith.cmpi eq, %arg1, %eq3A : i32
    %convert_element_type3A = arith.extui %eq3A_0 : i1 to i32
    %cond3A = arith.constant 0 : i32
    %cond3A_1 = arith.cmpi ne, %convert_element_type3A, %cond3A : i32
    scf.if %cond3A_1 {
      %broadcast_in_dim3A = arith.constant 0.000000e+00 : f32
      %broadcast_in_dim3A_19 = vector.broadcast %broadcast_in_dim3A : f32 to vector<64x64xf32>
      %swap3A_20 = arith.constant 0 : index
      %swap3A_21 = arith.constant 0 : index
      %swap3A_22 = vector.load %arg4[%swap3A_20, %swap3A_21] : memref<64x64xf32, #tpu.memory_space<vmem>>, vector<64x64xf32>
      tpu.vector_store %arg4[%swap3A_20, %swap3A_21], %broadcast_in_dim3A_19 {strides = array<i32>} : memref<64x64xf32, #tpu.memory_space<vmem>>, vector<64x64xf32>,
    } else {
    }
    %get3A = arith.constant 0 : index
    %get3A_2 = arith.constant 0 : index
    %get3A_3 = vector.load %arg4[%get3A, %get3A_2] : memref<64x64xf32, #tpu.memory_space<vmem>>, vector<64x64xf32>
    %get3A_4 = arith.constant 0 : index
    %get3A_5 = arith.constant 0 : index
    %get3A_6 = arith.constant 0 : index
    %get3A_7 = vector.load %arg2[%get3A_4, %get3A_5, %get3A_6] : memref<1x64x64xf32, #tpu.memory_space<vmem>>, vector<1x64x64xf32>
    %get3A_8 = vector.shape_cast %get3A_7 : vector<1x64x64xf32> to vector<64x64xf32>
    %convert_element_type3A_9 = arith.truncf %get3A_8 : vector<64x64xf32> to vector<64x64xbf16>
    %get3A_10 = arith.constant 0 : index
    %get3A_11 = arith.constant 0 : index
    %get3A_12 = arith.constant 0 : index
    %get3A_13 = vector.load %arg3[%get3A_10, %get3A_11, %get3A_12] : memref<1x64x64xf32, #tpu.memory_space<vmem>>, vector<1x64x64xf32>
    %get3A_14 = vector.shape_cast %get3A_13 : vector<1x64x64xf32> to vector<64x64xf32>
    %convert_element_type3A_15 = arith.truncf %get3A_14 : vector<64x64xf32> to vector<64x64xbf16>
    %dot_general3A = arith.constant dense<0.000000e+00> : vector<64x64xf32>
    %dot_general3A_16 = tpu.matmul %convert_element_type3A_9, %convert_element_type3A_15, %dot_general3A {dimension_numbers = #tpu.dot_dimension_numbers<[1], [1], [0], [0], [0, 0, 1, 0], [], []>, transpose_lhs_hint = false} : vector<64x64xbf16>, vector<64x64xbf16>, vector<64x64xf32> -> vector<64x64xf32>
    %add3A = arith.addf %get3A_3, %dot_general3A_16 : vector<64x64xf32>
    %swap3A = arith.constant 0 : index
    %swap3A_17 = arith.constant 0 : index
    %swap3A_18 = vector.load %arg4[%swap3A, %swap3A_17] : memref<64x64xf32, #tpu.memory_space<vmem>>, vector<64x64xf32>
    tpu.vector_store %arg4[%swap3A, %swap3A_17], %add3A {strides = array<i32>} : memref<64x64xf32, #tpu.memory_space<vmem>>, vector<64x64xf32>,
    return
  }
  func.func @transform_0(%arg0: i32, %arg1: i32) -> (i32, i32, i32) {
    %mul3A = arith.constant 32 : i32
    %mul3A_0 = arith.muli %arg0, %mul3A : i32
    %add3A = arith.addi %mul3A_0, %arg1 : i32
    %c0_i32 = arith.constant 0 : i32
    %c0_i32_1 = arith.constant 0 : i32
    %c0_i32_2 = arith.constant 0 : i32
    return %add3A, %c0_i32, %c0_i32_1 : i32, i32, i32
  }
  func.func @transform_1(%arg0: i32, %arg1: i32) -> (i32, i32, i32) {
    %c0_i32 = arith.constant 0 : i32
    %c0_i32_0 = arith.constant 0 : i32
    %c0_i32_1 = arith.constant 0 : i32
    return %arg1, %c0_i32, %c0_i32_0 : i32, i32, i32
  }
  func.func @transform_2(%arg0: i32, %arg1: i32) -> (i32, i32) {
    %c0_i32 = arith.constant 0 : i32
    %c0_i32_0 = arith.constant 0 : i32
    return %arg0, %c0_i32 : i32, i32
  }
}

module attributes {stable_mosaic.version = 14 : i64} {
  func.func @_s1_kernel(%arg0: i32, %arg1: i32, %arg2: memref<1x512x64xf32, #tpu.memory_space<vmem>>, %arg3: memref<64x64xf32, #tpu.memory_space<vmem>>, %arg4: memref<512x64xf32, #tpu.memory_space<vmem>>) attributes {dimension_semantics = [#tpu.dimension_semantics<arbitrary>, #tpu.dimension_semantics<arbitrary>], iteration_bounds = array<i64: 12, 4>, scalar_prefetch = 0 : i64, scratch_operands = 0 : i64, tpu.core_type = #tpu.core_type<tc>, window_params = [{transform_indices = @transform_0, window_bounds = array<i64: 1, 512, 64>}, {transform_indices = @transform_1, window_bounds = array<i64: 64, 64>}, {transform_indices = @transform_2, window_bounds = array<i64: 512, 64>}]} {
    %get3A = arith.constant 0 : index
    %get3A_0 = arith.constant 0 : index
    %get3A_1 = arith.constant 0 : index
    %get3A_2 = vector.load %arg2[%get3A, %get3A_0, %get3A_1] : memref<1x512x64xf32, #tpu.memory_space<vmem>>, vector<1x512x64xf32>
    %get3A_3 = vector.shape_cast %get3A_2 : vector<1x512x64xf32> to vector<512x64xf32>
    %get3A_4 = arith.constant 0 : index
    %get3A_5 = arith.constant 0 : index
    %get3A_6 = vector.load %arg3[%get3A_4, %get3A_5] : memref<64x64xf32, #tpu.memory_space<vmem>>, vector<64x64xf32>
    %dot_general3A = arith.constant dense<0.000000e+00> : vector<512x64xf32>
    %dot_general3A_7 = tpu.matmul %get3A_3, %get3A_6, %dot_general3A {dimension_numbers = #tpu.dot_dimension_numbers<[1], [1], [0], [0], [0, 0, 1, 0], [], []>, precision = #tpu.contract_precision<fp32>, transpose_lhs_hint = false} : vector<512x64xf32>, vector<64x64xf32>, vector<512x64xf32> -> vector<512x64xf32>
    %swap3A = arith.constant 0 : index
    %swap3A_8 = arith.constant 0 : index
    %swap3A_9 = vector.load %arg4[%swap3A, %swap3A_8] : memref<512x64xf32, #tpu.memory_space<vmem>>, vector<512x64xf32>
    tpu.vector_store %arg4[%swap3A, %swap3A_8], %dot_general3A_7 {strides = array<i32>} : memref<512x64xf32, #tpu.memory_space<vmem>>, vector<512x64xf32>,
    return
  }
  func.func @transform_0(%arg0: i32, %arg1: i32) -> (i32, i32, i32) {
    %c0_i32 = arith.constant 0 : i32
    %c0_i32_0 = arith.constant 0 : i32
    return %arg0, %arg1, %c0_i32 : i32, i32, i32
  }
  func.func @transform_1(%arg0: i32, %arg1: i32) -> (i32, i32) {
    %c0_i32 = arith.constant 0 : i32
    %c0_i32_0 = arith.constant 0 : i32
    return %arg0, %c0_i32 : i32, i32
  }
  func.func @transform_2(%arg0: i32, %arg1: i32) -> (i32, i32) {
    %mul3A = arith.constant 4 : i32
    %mul3A_0 = arith.muli %arg0, %mul3A : i32
    %add3A = arith.addi %mul3A_0, %arg1 : i32
    %c0_i32 = arith.constant 0 : i32
    %c0_i32_1 = arith.constant 0 : i32
    return %add3A, %c0_i32 : i32, i32
  }
}

module attributes {stable_mosaic.version = 14 : i64} {
  func.func @_flash_kernel(%arg0: i32, %arg1: i32, %arg2: i32, %arg3: memref<1x512x64xf32, #tpu.memory_space<vmem>>, %arg4: memref<1x512x64xf32, #tpu.memory_space<vmem>>, %arg5: memref<1x512x64xf32, #tpu.memory_space<vmem>>, %arg6: memref<512x64xf32, #tpu.memory_space<vmem>>, %arg7: memref<1x512x64xf32, #tpu.memory_space<vmem>>, %arg8: memref<512x64xf32, #tpu.memory_space<vmem>>, %arg9: memref<512x128xf32, #tpu.memory_space<vmem>>, %arg10: memref<512x128xf32, #tpu.memory_space<vmem>>) attributes {dimension_semantics = [#tpu.dimension_semantics<arbitrary>, #tpu.dimension_semantics<arbitrary>, #tpu.dimension_semantics<arbitrary>], iteration_bounds = array<i64: 12, 4, 4>, scalar_prefetch = 0 : i64, scratch_operands = 3 : i64, tpu.core_type = #tpu.core_type<tc>, window_params = [{transform_indices = @transform_0, window_bounds = array<i64: 1, 512, 64>}, {transform_indices = @transform_1, window_bounds = array<i64: 1, 512, 64>}, {transform_indices = @transform_2, window_bounds = array<i64: 1, 512, 64>}, {transform_indices = @transform_3, window_bounds = array<i64: 512, 64>}, {transform_indices = @transform_4, window_bounds = array<i64: 1, 512, 64>}]} {
    %mul3A = arith.constant 512 : i32
    %mul3A_0 = arith.muli %arg1, %mul3A : i32
    %add3A = arith.constant 512 : i32
    %add3A_1 = arith.addi %mul3A_0, %add3A : i32
    %sub3A = arith.constant 1 : i32
    %sub3A_2 = arith.subi %add3A_1, %sub3A : i32
    %jit3A = arith.constant 512 : i32
    %div3A = arith.divsi %sub3A_2, %jit3A : i32
    %sign3A = arith.constant 0 : i32
    %sign3A_3 = arith.cmpi sgt, %sub3A_2, %sign3A : i32
    %sign3A_4 = arith.extui %sign3A_3 : i1 to i32
    %sign3A_5 = arith.constant 0 : i32
    %sign3A_6 = arith.cmpi slt, %sub3A_2, %sign3A_5 : i32
    %sign3A_7 = arith.extui %sign3A_6 : i1 to i32
    %sign3A_8 = arith.subi %sign3A_4, %sign3A_7 : i32
    %sign3A_9 = arith.constant 0 : i32
    %sign3A_10 = arith.cmpi sgt, %jit3A, %sign3A_9 : i32
    %sign3A_11 = arith.extui %sign3A_10 : i1 to i32
    %sign3A_12 = arith.constant 0 : i32
    %sign3A_13 = arith.cmpi slt, %jit3A, %sign3A_12 : i32
    %sign3A_14 = arith.extui %sign3A_13 : i1 to i32
    %sign3A_15 = arith.subi %sign3A_11, %sign3A_14 : i32
    %ne3A = arith.cmpi ne, %sign3A_8, %sign3A_15 : i32
    %rem3A = arith.remsi %sub3A_2, %jit3A : i32
    %ne3A_16 = arith.constant 0 : i32
    %ne3A_17 = arith.cmpi ne, %rem3A, %ne3A_16 : i32
    %and3A = arith.andi %ne3A, %ne3A_17 : i1
    %sub3A_18 = arith.constant 1 : i32
    %sub3A_19 = arith.subi %div3A, %sub3A_18 : i32
    %select_n3A = arith.select %and3A, %sub3A_19, %div3A : i32
    %eq3A = arith.constant 0 : i32
    %eq3A_20 = arith.cmpi eq, %arg2, %eq3A : i32
    %convert_element_type3A = arith.extui %eq3A_20 : i1 to i32
    %cond3A = arith.constant 0 : i32
    %cond3A_21 = arith.cmpi ne, %convert_element_type3A, %cond3A : i32
    scf.if %cond3A_21 {
      %broadcast_in_dim3A = arith.constant 0.000000e+00 : f32
      %broadcast_in_dim3A_29 = vector.broadcast %broadcast_in_dim3A : f32 to vector<512x64xf32>
      %swap3A = arith.constant 0 : index
      %swap3A_30 = arith.constant 0 : index
      %swap3A_31 = vector.load %arg8[%swap3A, %swap3A_30] : memref<512x64xf32, #tpu.memory_space<vmem>>, vector<512x64xf32>
      tpu.vector_store %arg8[%swap3A, %swap3A_30], %broadcast_in_dim3A_29 {strides = array<i32>} : memref<512x64xf32, #tpu.memory_space<vmem>>, vector<512x64xf32>,
      %broadcast_in_dim3A_32 = arith.constant 0xFF800000 : f32
      %broadcast_in_dim3A_33 = vector.broadcast %broadcast_in_dim3A_32 : f32 to vector<512x128xf32>
      %swap3A_34 = arith.constant 0 : index
      %swap3A_35 = arith.constant 0 : index
      %swap3A_36 = vector.load %arg9[%swap3A_34, %swap3A_35] : memref<512x128xf32, #tpu.memory_space<vmem>>, vector<512x128xf32>
      tpu.vector_store %arg9[%swap3A_34, %swap3A_35], %broadcast_in_dim3A_33 {strides = array<i32>} : memref<512x128xf32, #tpu.memory_space<vmem>>, vector<512x128xf32>,
      %broadcast_in_dim3A_37 = arith.constant 0.000000e+00 : f32
      %broadcast_in_dim3A_38 = vector.broadcast %broadcast_in_dim3A_37 : f32 to vector<512x128xf32>
      %swap3A_39 = arith.constant 0 : index
      %swap3A_40 = arith.constant 0 : index
      %swap3A_41 = vector.load %arg10[%swap3A_39, %swap3A_40] : memref<512x128xf32, #tpu.memory_space<vmem>>, vector<512x128xf32>
      tpu.vector_store %arg10[%swap3A_39, %swap3A_40], %broadcast_in_dim3A_38 {strides = array<i32>} : memref<512x128xf32, #tpu.memory_space<vmem>>, vector<512x128xf32>,
    } else {
    }
    %le3A = arith.cmpi sle, %arg2, %select_n3A : i32
    %convert_element_type3A_22 = arith.extui %le3A : i1 to i32
    %cond3A_23 = arith.constant 0 : i32
    %cond3A_24 = arith.cmpi ne, %convert_element_type3A_22, %cond3A_23 : i32
    scf.if %cond3A_24 {
      %get3A = arith.constant 0 : index
      %get3A_29 = arith.constant 0 : index
      %get3A_30 = arith.constant 0 : index
      %get3A_31 = vector.load %arg3[%get3A, %get3A_29, %get3A_30] : memref<1x512x64xf32, #tpu.memory_space<vmem>>, vector<1x512x64xf32>
      %get3A_32 = vector.shape_cast %get3A_31 : vector<1x512x64xf32> to vector<512x64xf32>
      %convert_element_type3A_33 = arith.truncf %get3A_32 : vector<512x64xf32> to vector<512x64xbf16>
      %get3A_34 = arith.constant 0 : index
      %get3A_35 = arith.constant 0 : index
      %get3A_36 = arith.constant 0 : index
      %get3A_37 = vector.load %arg4[%get3A_34, %get3A_35, %get3A_36] : memref<1x512x64xf32, #tpu.memory_space<vmem>>, vector<1x512x64xf32>
      %get3A_38 = vector.shape_cast %get3A_37 : vector<1x512x64xf32> to vector<512x64xf32>
      %convert_element_type3A_39 = arith.truncf %get3A_38 : vector<512x64xf32> to vector<512x64xbf16>
      %dot_general3A = arith.constant dense<0.000000e+00> : vector<512x512xf32>
      %dot_general3A_40 = tpu.matmul %convert_element_type3A_33, %convert_element_type3A_39, %dot_general3A {dimension_numbers = #tpu.dot_dimension_numbers<[1], [1], [0], [0], [0, 0, 1, 0], [], []>, transpose_lhs_hint = false} : vector<512x64xbf16>, vector<512x64xbf16>, vector<512x512xf32> -> vector<512x512xf32>
      %mul3A_41 = arith.constant 1.250000e-01 : f32
      %mul3A_42 = vector.broadcast %mul3A_41 : f32 to vector<512x512xf32>
      %mul3A_43 = arith.mulf %dot_general3A_40, %mul3A_42 : vector<512x512xf32>
      %mul3A_44 = arith.constant 512 : i32
      %mul3A_45 = arith.muli %arg1, %mul3A_44 : i32
      %iota3A = tpu.iota {dimensions = array<i32: 0>} : vector<512x512xi32>
      %add3A_46 = vector.broadcast %mul3A_45 : i32 to vector<512x512xi32>
      %add3A_47 = arith.addi %add3A_46, %iota3A : vector<512x512xi32>
      %mul3A_48 = arith.constant 512 : i32
      %mul3A_49 = arith.muli %arg2, %mul3A_48 : i32
      %iota3A_50 = tpu.iota {dimensions = array<i32: 1>} : vector<512x512xi32>
      %add3A_51 = vector.broadcast %mul3A_49 : i32 to vector<512x512xi32>
      %add3A_52 = arith.addi %add3A_51, %iota3A_50 : vector<512x512xi32>
      %le3A_53 = arith.cmpi sle, %add3A_52, %add3A_47 : vector<512x512xi32>
      %sub3A_54 = arith.constant 511 : i32
      %sub3A_55 = vector.broadcast %sub3A_54 : i32 to vector<512x512xi32>
      %sub3A_56 = arith.subi %add3A_47, %sub3A_55 : vector<512x512xi32>
      %ge3A = arith.cmpi sge, %add3A_52, %sub3A_56 : vector<512x512xi32>
      %and3A_57 = arith.andi %le3A_53, %ge3A : vector<512x512xi1>
      %iota3A_58 = tpu.iota {dimensions = array<i32: 0>} : vector<64x512xi32>
      %iota3A_59 = tpu.iota {dimensions = array<i32: 1>} : vector<64x512xi32>
      %jit3A_60 = arith.constant 32 : i32
      %div3A_61 = vector.broadcast %jit3A_60 : i32 to vector<64x512xi32>
      %div3A_62 = arith.divsi %iota3A_59, %div3A_61 : vector<64x512xi32>
      %sign3A_63 = arith.constant 0 : i32
      %sign3A_64 = vector.broadcast %sign3A_63 : i32 to vector<64x512xi32>
      %sign3A_65 = arith.cmpi sgt, %iota3A_59, %sign3A_64 : vector<64x512xi32>
      %sign3A_66 = arith.extui %sign3A_65 : vector<64x512xi1> to vector<64x512xi32>
      %sign3A_67 = arith.constant 0 : i32
      %sign3A_68 = vector.broadcast %sign3A_67 : i32 to vector<64x512xi32>
      %sign3A_69 = arith.cmpi slt, %iota3A_59, %sign3A_68 : vector<64x512xi32>
      %sign3A_70 = arith.extui %sign3A_69 : vector<64x512xi1> to vector<64x512xi32>
      %sign3A_71 = arith.subi %sign3A_66, %sign3A_70 : vector<64x512xi32>
      %sign3A_72 = arith.constant 0 : i32
      %sign3A_73 = arith.cmpi sgt, %jit3A_60, %sign3A_72 : i32
      %sign3A_74 = arith.extui %sign3A_73 : i1 to i32
      %sign3A_75 = arith.constant 0 : i32
      %sign3A_76 = arith.cmpi slt, %jit3A_60, %sign3A_75 : i32
      %sign3A_77 = arith.extui %sign3A_76 : i1 to i32
      %sign3A_78 = arith.subi %sign3A_74, %sign3A_77 : i32
      %ne3A_79 = vector.broadcast %sign3A_78 : i32 to vector<64x512xi32>
      %ne3A_80 = arith.cmpi ne, %sign3A_71, %ne3A_79 : vector<64x512xi32>
      %rem3A_81 = vector.broadcast %jit3A_60 : i32 to vector<64x512xi32>
      %rem3A_82 = arith.remsi %iota3A_59, %rem3A_81 : vector<64x512xi32>
      %ne3A_83 = arith.constant 0 : i32
      %ne3A_84 = vector.broadcast %ne3A_83 : i32 to vector<64x512xi32>
      %ne3A_85 = arith.cmpi ne, %rem3A_82, %ne3A_84 : vector<64x512xi32>
      %and3A_86 = arith.andi %ne3A_80, %ne3A_85 : vector<64x512xi1>
      %sub3A_87 = arith.constant 1 : i32
      %sub3A_88 = vector.broadcast %sub3A_87 : i32 to vector<64x512xi32>
      %sub3A_89 = arith.subi %div3A_62, %sub3A_88 : vector<64x512xi32>
      %select_n3A_90 = arith.select %and3A_86, %sub3A_89, %div3A_62 : vector<64x512xi1>, vector<64x512xi32>
      %mul3A_91 = arith.constant 16 : i32
      %mul3A_92 = arith.muli %arg2, %mul3A_91 : i32
      %add3A_93 = vector.broadcast %mul3A_92 : i32 to vector<64x512xi32>
      %add3A_94 = arith.addi %select_n3A_90, %add3A_93 : vector<64x512xi32>
      %eq3A_95 = arith.cmpi eq, %iota3A_58, %add3A_94 : vector<64x512xi32>
      %convert_element_type3A_96 = arith.extui %eq3A_95 : vector<64x512xi1> to vector<64x512xi32>
      %convert_element_type3A_97 = arith.sitofp %convert_element_type3A_96 : vector<64x512xi32> to vector<64x512xf32>
      %convert_element_type3A_98 = arith.truncf %convert_element_type3A_97 : vector<64x512xf32> to vector<64x512xbf16>
      %get3A_99 = arith.constant 0 : index
      %get3A_100 = arith.constant 0 : index
      %get3A_101 = vector.load %arg6[%get3A_99, %get3A_100] : memref<512x64xf32, #tpu.memory_space<vmem>>, vector<512x64xf32>
      %convert_element_type3A_102 = arith.truncf %get3A_101 : vector<512x64xf32> to vector<512x64xbf16>
      %dot_general3A_103 = arith.constant dense<0.000000e+00> : vector<512x512xf32>
      %dot_general3A_104 = tpu.matmul %convert_element_type3A_102, %convert_element_type3A_98, %dot_general3A_103 {dimension_numbers = #tpu.dot_dimension_numbers<[1], [0], [0], [1], [0, 0, 1, 1], [], []>, transpose_lhs_hint = false} : vector<512x64xbf16>, vector<64x512xbf16>, vector<512x512xf32> -> vector<512x512xf32>
      %gt3A = arith.constant 5.000000e-01 : f32
      %gt3A_105 = vector.broadcast %gt3A : f32 to vector<512x512xf32>
      %gt3A_106 = arith.cmpf ogt, %dot_general3A_104, %gt3A_105 : vector<512x512xf32>
      %and3A_107 = arith.andi %gt3A_106, %le3A_53 : vector<512x512xi1>
      %or3A = arith.ori %and3A_57, %and3A_107 : vector<512x512xi1>
      %jit3A_108 = arith.constant 0xFF800000 : f32
      %broadcast_in_dim3A = vector.broadcast %jit3A_108 : f32 to vector<512x512xf32>
      %select_n3A_109 = arith.select %or3A, %mul3A_43, %broadcast_in_dim3A : vector<512x512xi1>, vector<512x512xf32>
      %get3A_110 = arith.constant 0 : index
      %get3A_111 = arith.constant 0 : index
      %get3A_112 = vector.load %arg9[%get3A_110, %get3A_111] : memref<512x128xf32, #tpu.memory_space<vmem>>, vector<512x1xf32>
      %get3A_113 = arith.constant 0 : index
      %get3A_114 = arith.constant 0 : index
      %get3A_115 = vector.load %arg10[%get3A_113, %get3A_114] : memref<512x128xf32, #tpu.memory_space<vmem>>, vector<512x1xf32>
      %reduce_max3A = arith.constant dense<0xFF800000> : vector<512xf32>
      %reduce_max3A_116 = vector.multi_reduction <maximumf>, %select_n3A_109, %reduce_max3A [1] : vector<512x512xf32> to vector<512xf32>
      %broadcast_in_dim3A_117 = vector.shape_cast %reduce_max3A_116 : vector<512xf32> to vector<512x1xf32>
      %max3A = arith.maximumf %get3A_112, %broadcast_in_dim3A_117 : vector<512x1xf32>
      %eq3A_118 = arith.constant 0xFF800000 : f32
      %eq3A_119 = vector.broadcast %eq3A_118 : f32 to vector<512x1xf32>
      %eq3A_120 = arith.cmpf oeq, %max3A, %eq3A_119 : vector<512x1xf32>
      %jit3A_121 = arith.constant 0.000000e+00 : f32
      %broadcast_in_dim3A_122 = vector.broadcast %jit3A_121 : f32 to vector<512x1xf32>
      %select_n3A_123 = arith.select %eq3A_120, %broadcast_in_dim3A_122, %max3A : vector<512x1xi1>, vector<512x1xf32>
      %sub3A_124 = arith.subf %get3A_112, %select_n3A_123 : vector<512x1xf32>
      %exp3A = math.exp %sub3A_124 : vector<512x1xf32>
      %sub3A_125 = vector.broadcast %select_n3A_123 : vector<512x1xf32> to vector<512x512xf32>
      %sub3A_126 = arith.subf %select_n3A_109, %sub3A_125 : vector<512x512xf32>
      %exp3A_127 = math.exp %sub3A_126 : vector<512x512xf32>
      %mul3A_128 = arith.mulf %get3A_115, %exp3A : vector<512x1xf32>
      %reduce_sum3A = arith.constant dense<0.000000e+00> : vector<512xf32>
      %reduce_sum3A_129 = vector.multi_reduction <add>, %exp3A_127, %reduce_sum3A [1] : vector<512x512xf32> to vector<512xf32>
      %broadcast_in_dim3A_130 = vector.shape_cast %reduce_sum3A_129 : vector<512xf32> to vector<512x1xf32>
      %add3A_131 = arith.addf %mul3A_128, %broadcast_in_dim3A_130 : vector<512x1xf32>
      %swap3A = arith.constant 0 : index
      %swap3A_132 = arith.constant 0 : index
      %swap3A_133 = vector.load %arg10[%swap3A, %swap3A_132] : memref<512x128xf32, #tpu.memory_space<vmem>>, vector<512x1xf32>
      tpu.vector_store %arg10[%swap3A, %swap3A_132], %add3A_131 {strides = array<i32>} : memref<512x128xf32, #tpu.memory_space<vmem>>, vector<512x1xf32>,
      %get3A_134 = arith.constant 0 : index
      %get3A_135 = arith.constant 0 : index
      %get3A_136 = vector.load %arg8[%get3A_134, %get3A_135] : memref<512x64xf32, #tpu.memory_space<vmem>>, vector<512x64xf32>
      %mul3A_137 = vector.broadcast %exp3A : vector<512x1xf32> to vector<512x64xf32>
      %mul3A_138 = arith.mulf %get3A_136, %mul3A_137 : vector<512x64xf32>
      %convert_element_type3A_139 = arith.truncf %exp3A_127 : vector<512x512xf32> to vector<512x512xbf16>
      %get3A_140 = arith.constant 0 : index
      %get3A_141 = arith.constant 0 : index
      %get3A_142 = arith.constant 0 : index
      %get3A_143 = vector.load %arg5[%get3A_140, %get3A_141, %get3A_142] : memref<1x512x64xf32, #tpu.memory_space<vmem>>, vector<1x512x64xf32>
      %get3A_144 = vector.shape_cast %get3A_143 : vector<1x512x64xf32> to vector<512x64xf32>
      %convert_element_type3A_145 = arith.truncf %get3A_144 : vector<512x64xf32> to vector<512x64xbf16>
      %dot_general3A_146 = arith.constant dense<0.000000e+00> : vector<512x64xf32>
      %dot_general3A_147 = tpu.matmul %convert_element_type3A_139, %convert_element_type3A_145, %dot_general3A_146 {dimension_numbers = #tpu.dot_dimension_numbers<[1], [0], [0], [1], [0, 0, 1, 1], [], []>, transpose_lhs_hint = false} : vector<512x512xbf16>, vector<512x64xbf16>, vector<512x64xf32> -> vector<512x64xf32>
      %add3A_148 = arith.addf %mul3A_138, %dot_general3A_147 : vector<512x64xf32>
      %swap3A_149 = arith.constant 0 : index
      %swap3A_150 = arith.constant 0 : index
      %swap3A_151 = vector.load %arg8[%swap3A_149, %swap3A_150] : memref<512x64xf32, #tpu.memory_space<vmem>>, vector<512x64xf32>
      tpu.vector_store %arg8[%swap3A_149, %swap3A_150], %add3A_148 {strides = array<i32>} : memref<512x64xf32, #tpu.memory_space<vmem>>, vector<512x64xf32>,
      %swap3A_152 = arith.constant 0 : index
      %swap3A_153 = arith.constant 0 : index
      %swap3A_154 = vector.load %arg9[%swap3A_152, %swap3A_153] : memref<512x128xf32, #tpu.memory_space<vmem>>, vector<512x1xf32>
      tpu.vector_store %arg9[%swap3A_152, %swap3A_153], %max3A {strides = array<i32>} : memref<512x128xf32, #tpu.memory_space<vmem>>, vector<512x1xf32>,
    } else {
    }
    %eq3A_25 = arith.cmpi eq, %arg2, %select_n3A : i32
    %convert_element_type3A_26 = arith.extui %eq3A_25 : i1 to i32
    %cond3A_27 = arith.constant 0 : i32
    %cond3A_28 = arith.cmpi ne, %convert_element_type3A_26, %cond3A_27 : i32
    scf.if %cond3A_28 {
      %get3A = arith.constant 0 : index
      %get3A_29 = arith.constant 0 : index
      %get3A_30 = vector.load %arg8[%get3A, %get3A_29] : memref<512x64xf32, #tpu.memory_space<vmem>>, vector<512x64xf32>
      %get3A_31 = arith.constant 0 : index
      %get3A_32 = arith.constant 0 : index
      %get3A_33 = vector.load %arg10[%get3A_31, %get3A_32] : memref<512x128xf32, #tpu.memory_space<vmem>>, vector<512x1xf32>
      %div3A_34 = vector.broadcast %get3A_33 : vector<512x1xf32> to vector<512x64xf32>
      %div3A_35 = arith.divf %get3A_30, %div3A_34 : vector<512x64xf32>
      %swap3A = arith.constant 0 : index
      %swap3A_36 = arith.constant 0 : index
      %swap3A_37 = arith.constant 0 : index
      %swap3A_38 = vector.load %arg7[%swap3A, %swap3A_36, %swap3A_37] : memref<1x512x64xf32, #tpu.memory_space<vmem>>, vector<1x512x64xf32>
      %swap3A_39 = vector.shape_cast %swap3A_38 : vector<1x512x64xf32> to vector<512x64xf32>
      %swap3A_40 = vector.shape_cast %div3A_35 : vector<512x64xf32> to vector<1x512x64xf32>
      tpu.vector_store %arg7[%swap3A, %swap3A_36, %swap3A_37], %swap3A_40 {strides = array<i32>} : memref<1x512x64xf32, #tpu.memory_space<vmem>>, vector<1x512x64xf32>,
    } else {
    }
    return
  }
  func.func @transform_0(%arg0: i32, %arg1: i32, %arg2: i32) -> (i32, i32, i32) {
    %c0_i32 = arith.constant 0 : i32
    %c0_i32_0 = arith.constant 0 : i32
    return %arg0, %arg1, %c0_i32 : i32, i32, i32
  }
  func.func @transform_1(%arg0: i32, %arg1: i32, %arg2: i32) -> (i32, i32, i32) {
    %c0_i32 = arith.constant 0 : i32
    %c0_i32_0 = arith.constant 0 : i32
    return %arg0, %arg2, %c0_i32 : i32, i32, i32
  }
  func.func @transform_2(%arg0: i32, %arg1: i32, %arg2: i32) -> (i32, i32, i32) {
    %c0_i32 = arith.constant 0 : i32
    %c0_i32_0 = arith.constant 0 : i32
    return %arg0, %arg2, %c0_i32 : i32, i32, i32
  }
  func.func @transform_3(%arg0: i32, %arg1: i32, %arg2: i32) -> (i32, i32) {
    %mul3A = arith.constant 4 : i32
    %mul3A_0 = arith.muli %arg0, %mul3A : i32
    %add3A = arith.addi %mul3A_0, %arg1 : i32
    %c0_i32 = arith.constant 0 : i32
    %c0_i32_1 = arith.constant 0 : i32
    return %add3A, %c0_i32 : i32, i32
  }
  func.func @transform_4(%arg0: i32, %arg1: i32, %arg2: i32) -> (i32, i32, i32) {
    %c0_i32 = arith.constant 0 : i32
    %c0_i32_0 = arith.constant 0 : i32
    return %arg0, %arg1, %c0_i32 : i32, i32, i32
  }
}

module attributes {stable_mosaic.version = 14 : i64} {
  func.func @_oproj_kernel(%arg0: i32, %arg1: memref<512x768xf32, #tpu.memory_space<vmem>>, %arg2: memref<768x768xf32, #tpu.memory_space<vmem>>, %arg3: memref<512x768xf32, #tpu.memory_space<vmem>>) attributes {dimension_semantics = [#tpu.dimension_semantics<arbitrary>], iteration_bounds = array<i64: 4>, scalar_prefetch = 0 : i64, scratch_operands = 0 : i64, tpu.core_type = #tpu.core_type<tc>, window_params = [{transform_indices = @transform_0, window_bounds = array<i64: 512, 768>}, {pipeline_mode = #tpu.pipeline_mode<synchronous>, transform_indices = @transform_1, window_bounds = array<i64: 768, 768>}, {transform_indices = @transform_2, window_bounds = array<i64: 512, 768>}]} {
    %get3A = arith.constant 0 : index
    %get3A_0 = arith.constant 0 : index
    %get3A_1 = vector.load %arg1[%get3A, %get3A_0] : memref<512x768xf32, #tpu.memory_space<vmem>>, vector<512x768xf32>
    %convert_element_type3A = arith.truncf %get3A_1 : vector<512x768xf32> to vector<512x768xbf16>
    %get3A_2 = arith.constant 0 : index
    %get3A_3 = arith.constant 0 : index
    %get3A_4 = vector.load %arg2[%get3A_2, %get3A_3] : memref<768x768xf32, #tpu.memory_space<vmem>>, vector<768x768xf32>
    %convert_element_type3A_5 = arith.truncf %get3A_4 : vector<768x768xf32> to vector<768x768xbf16>
    %dot_general3A = arith.constant dense<0.000000e+00> : vector<512x768xf32>
    %dot_general3A_6 = tpu.matmul %convert_element_type3A, %convert_element_type3A_5, %dot_general3A {dimension_numbers = #tpu.dot_dimension_numbers<[1], [0], [0], [1], [0, 0, 1, 1], [], []>, transpose_lhs_hint = false} : vector<512x768xbf16>, vector<768x768xbf16>, vector<512x768xf32> -> vector<512x768xf32>
    %swap3A = arith.constant 0 : index
    %swap3A_7 = arith.constant 0 : index
    %swap3A_8 = vector.load %arg3[%swap3A, %swap3A_7] : memref<512x768xf32, #tpu.memory_space<vmem>>, vector<512x768xf32>
    tpu.vector_store %arg3[%swap3A, %swap3A_7], %dot_general3A_6 {strides = array<i32>} : memref<512x768xf32, #tpu.memory_space<vmem>>, vector<512x768xf32>,
    return
  }
  func.func @transform_0(%arg0: i32) -> (i32, i32) {
    %c0_i32 = arith.constant 0 : i32
    %c0_i32_0 = arith.constant 0 : i32
    return %arg0, %c0_i32 : i32, i32
  }
  func.func @transform_1(%arg0: i32) -> (i32, i32) {
    %c0_i32 = arith.constant 0 : i32
    %c0_i32_0 = arith.constant 0 : i32
    %c0_i32_1 = arith.constant 0 : i32
    return %c0_i32, %c0_i32_0 : i32, i32
  }
  func.func @transform_2(%arg0: i32) -> (i32, i32) {
    %c0_i32 = arith.constant 0 : i32
    %c0_i32_0 = arith.constant 0 : i32
    return %arg0, %c0_i32 : i32, i32
  }
}

</mosaic_0001>

<sc_bundles>
// kernel: kernel.8.cloned.1.call-start
scs
__scs_entry_jumppad:
0x0: {  	(pc) =	sbr.rel $0x88, $3  }
0x1: {  	(tag) =	ssettag $0x0;
	lr =	simm.s32 $0x1  }
0x2: {  	[smem:$0x3F9B] =	sst lr;
	_ =	strace $0xD0000000  }
0x3: {  	_ = 	snop  }
0x4: {  	_ = 	snop  }
0x5: {  	_ = 	snop  }
0x6: {  	_ = 	snop  }
0x7: {  	_ = 	snop  }
__scs_overlays_trampoline_lowered:
0x8: {  	[smem:$0x3FAA] =	sst s0  }
0x9: {  	[smem:$0x3FAB] =	sst s1  }
0xa: {  	[smem:$0x3FAC] =	sst s2  }
0xb: {  	[smem:$0x3FAD] =	sst s3  }
0xc: {  	[smem:$0x3FAE] =	sst s4  }
0xd: {  	[smem:$0x3FAF] =	sst s5  }
0xe: {  	[smem:$0x3FB0] =	sst s6  }
0xf: {  	[smem:$0x3FB1] =	sst s7  }
0x10: {  	[smem:$0x3FB2] =	sst s8  }
0x11: {  	[smem:$0x3FB3] =	sst s9;
	s0 =	simm.s32 @!p0 $0x0  }
0x12: {  	s1 =	sld [smem:$0x3F99];
	s0 =	simm.s32 @p0 $0x1  }
0x13: {  	[smem:$0x3FB4] =	sst s0;
	s0 =	simm.s32 @!p1 $0x0  }
0x14: {  	s2 =	sld [smem:$0x3F98];
	s0 =	simm.s32 @p1 $0x1  }
0x15: {  	[smem:$0x3FB5] =	sst s0;
	s0 =	simm.s32 @!p2 $0x0  }
0x16: {  	s3 =	sld [smem:$0x3FDB];
	s0 =	simm.s32 @p2 $0x1  }
0x17: {  	s4 =	simm.s32 $0x1BF5;
	[smem:$0x3FB7] =	sst s0  }
0x18: {  	s0 =	sld [smem:$0x3F9A];
	_ =	swait.ge [sflag:s4], $0x0  }
0x19: {  	s7 =	sld [smem:$0x3F9B]  }
0x1a: {  	s8 =	sadd.s32 $0xFFFFE003, lr  }
0x1b: {  	s9 =	sadd.s32 $0xFFFFFEF7, lr;
	s5 =	simm.s32 $0xFFFFFFFF;
	p2 =	slt.u32 s8, $0xFFFFF086  }
0x1c: {  	p1 =	slt.u32 s9, $0xF7A;
	s5 =	simm.s32 @!p2 $0x0  }
0x1d: {  	s5 =	simm.s32 @p1 $0x1;
	p0 =	seq.s32 s7, s2  }
0x1e: {  	s7 =	smul.u32 @!p0 $0xF7A, s2;
	p2 =	seq.s32 @!p0 s5, $0x0  }
0x1f: {  	s9 =	smul.u32 $0xF7A, s1;
	s8 =	simm.s32 @!p0 $0x1BF5;
	p2 =	por !p2, p0  }
0x20: {  	[sflag:s8] =	ssyncset.s32 @!p0 $0xFFFFF086;
	s6 =	sadd.s32 @!p0 s3, s7;
	s7 =	simm.s32 @!p0 $0x108  }
0x21: {  	s3 =	sadd.s32 s3, s9;
	s6 =	sadd.s32 @!p0 $0x88, s6;
	s7 =	simm.s32 @p2 $0x1082  }
0x22: {  	[simem:s7], [sflag:s8] =	dma.local @!p0 [hbm:s6], $0xF7A  }
0x23: {  	s9 =	sor.u32 $0xD0000000, s2;
	s6 =	simm.s32 $0x108;
	_ =	swait.ge @!p0 [sflag:s8], $0x0  }
0x24: {  	s3 =	sadd.s32 $0x88, s3;
	s6 =	simm.s32 @!p1 $0x1082;
	[sflag:s4] =	ssyncset.s32 $0xFFFFF086  }
0x25: {  	[simem:s6], [sflag:s4] =	dma.local [hbm:s3], $0xF7A  }
0x26: {  	[smem:$0x3F9B] =	sst s1;
	(tag) =	ssettag s2;
	_ =	strace s9  }
0x27: {  	s1 =	sld [smem:$0x3FAB]  }
0x28: {  	s2 =	sld [smem:$0x3FAC]  }
0x29: {  	s4 =	sld [smem:$0x3FAE]  }
0x2a: {  	p0 =	seq.s32 s5, $0x0;
	s5 =	sld [smem:$0x3FAF]  }
0x2b: {  	s6 =	sld [smem:$0x3FB0]  }
0x2c: {  	s7 =	sld [smem:$0x3FB1]  }
0x2d: {  	s3 =	simm.s32 $0x108;
	s8 =	sld [smem:$0x3FB2]  }
0x2e: {  	s3 =	simm.s32 @!p0 $0x1082;
	s9 =	sld [smem:$0x3FB3]  }
0x2f: {  	lr =	sadd.s32 s0, s3;
	s0 =	sld [smem:$0x3FAA]  }
0x30: {  	s3 =	sld [smem:$0x3FAD]  }
0x31: {  	[smem:$0x3FB6] =	sst s10  }
0x32: {  	s10 =	sld [smem:$0x3FB4];
	_ =	sdelay $0x3  }
0x33: {  	p0 =	seq.s32 s10, $0x1;
	s10 =	sld [smem:$0x3FB6];
	_ =	sdelay $0x3  }
0x34: {  	[smem:$0x3FB6] =	sst s10  }
0x35: {  	s10 =	sld [smem:$0x3FB5];
	_ =	sdelay $0x3  }
0x36: {  	p1 =	seq.s32 s10, $0x1;
	s10 =	sld [smem:$0x3FB6];
	_ =	sdelay $0x3  }
0x37: {  	[smem:$0x3FB6] =	sst s10  }
0x38: {  	s10 =	sld [smem:$0x3FB7]  }
0x39: {  	_ = 	snop;
	(pc) =	sbr.ind lr, $3  }
0x3a: {  	_ = 	snop  }
0x3b: {  	_ = 	snop  }
0x3c: {  	p2 =	seq.s32 s10, $0x1;
	s10 =	sld [smem:$0x3FB6]  }
0x3d: {  	_ =	shalt  }
0x3e: {  	_ =	shalt  }
0x3f: {  	_ =	shalt  }
0x40: {  	_ =	shalt  }
0x41: {  	_ =	shalt  }
0x42: {  	_ =	shalt  }
0x43: {  	_ =	shalt  }
0x44: {  	_ =	shalt  }
0x45: {  	_ =	shalt  }
0x46: {  	_ =	shalt  }
0x47: {  	_ =	shalt  }
0x48: {  	_ =	shalt  }
0x49: {  	_ =	shalt  }
0x4a: {  	_ =	shalt  }
0x4b: {  	_ =	shalt  }
0x4c: {  	_ =	shalt  }
0x4d: {  	_ =	shalt  }
0x4e: {  	_ =	shalt  }
0x4f: {  	_ =	shalt  }
0x50: {  	_ =	shalt  }
0x51: {  	_ =	shalt  }
0x52: {  	_ =	shalt  }
0x53: {  	_ =	shalt  }
0x54: {  	_ =	shalt  }
0x55: {  	_ =	shalt  }
0x56: {  	_ =	shalt  }
0x57: {  	_ =	shalt  }
0x58: {  	_ =	shalt  }
0x59: {  	_ =	shalt  }
0x5a: {  	_ =	shalt  }
0x5b: {  	_ =	shalt  }
0x5c: {  	_ =	shalt  }
0x5d: {  	_ =	shalt  }
0x5e: {  	_ =	shalt  }
0x5f: {  	_ =	shalt  }
0x60: {  	_ =	shalt  }
0x61: {  	_ =	shalt  }
0x62: {  	_ =	shalt  }
0x63: {  	_ =	shalt  }
0x64: {  	_ =	shalt  }
0x65: {  	_ =	shalt  }
0x66: {  	_ =	shalt  }
0x67: {  	_ =	shalt  }
0x68: {  	_ =	shalt  }
0x69: {  	_ =	shalt  }
0x6a: {  	_ =	shalt  }
0x6b: {  	_ =	shalt  }
0x6c: {  	_ =	shalt  }
0x6d: {  	_ =	shalt  }
0x6e: {  	_ =	shalt  }
0x6f: {  	_ =	shalt  }
0x70: {  	_ =	shalt  }
0x71: {  	_ =	shalt  }
0x72: {  	_ =	shalt  }
0x73: {  	_ =	shalt  }
0x74: {  	_ =	shalt  }
0x75: {  	_ =	shalt  }
0x76: {  	_ =	shalt  }
0x77: {  	_ =	shalt  }
0x78: {  	_ =	shalt  }
0x79: {  	_ =	shalt  }
0x7a: {  	_ =	shalt  }
0x7b: {  	_ =	shalt  }
0x7c: {  	_ =	shalt  }
0x7d: {  	_ =	shalt  }
0x7e: {  	_ =	shalt  }
0x7f: {  	_ =	shalt  }
0x80: {  	_ =	shalt  }
0x81: {  	_ =	shalt  }
0x82: {  	_ =	shalt  }
0x83: {  	_ =	shalt  }
0x84: {  	_ =	shalt  }
0x85: {  	_ =	shalt  }
0x86: {  	_ =	shalt  }
0x87: {  	_ =	shalt  }
.Lfunc_end0:
.L_simem_size_0:
called_computation_lowered:
.L_overlay_start_0:
0x88: {  	s2 =	sld [smem:$0x3FD9]  }
0x89: {  	s3 =	sld [smem:$0x3FFE];
	_ =	sdelay $0x1  }
0x8a: {  	s1 =	srdreg.scid  }
0x8b: {  	s0 =	sand.u32 $0x1, s1  }
0x8c: {  	s17 =	sshll.u32 s0, $0xA;
	s2 =	sadd.s32 s3, s2  }
0x8d: {  	s2 =	sadd.s32 s2, s17  }
0x8e: {  	[smem:$0x3FC2] =	sst s2  }
0x8f: {  	_ = 	snop  }
0x90: {  	s2 =	sld [smem:$0x3FD0];
	(tm) =	ssettm $0x1  }
0x91: {  	s18 =	sld [smem:$0x3FFB];
	_ =	sdelay $0x3  }
0x92: {  	_ =	strace s18  }
0x93: {  	s3 =	sld [smem:$0x3FFC];
	_ =	sdelay $0x3  }
0x94: {  	_ =	strace s3  }
0x95: {  	s3 =	sld [smem:$0x3FFD];
	_ =	sdelay $0x3  }
0x96: {  	_ =	strace s3  }
0x97: {  	_ =	strace $0x8FFFFFFF  }
0x98: {  	s19 =	sld [smem:$0x3FDB];
	_ =	sdelay $0x1  }
0x99: {  	s4 =	simm.s32 $_scs_section_size  }
0x9a: {  	s5 =	simm.s32 $_size__tile_overlayer_lowered;
	s6 =	simm.s32 $_tile_overlayer_lowered  }
0x9b: {  	s22 =	simm.s32 $0x1BFF;
	s21 =	sshll.u32 s6, $0x1;
	s3 =	sadd.s32 s4, s19  }
0x9c: {  	s7 =	simm.s32 $0x0;
	s20 =	sshll.u32 s5, $0x1;
	s5 =	sadd.s32 s21, s3  }
0x9d: {  	[timem:s7], [sflag:s22] =	dma.local [hbm:s5], s20  }
0x9e: {  	_ =	swait.ge [sflag:s22], s20  }
0x9f: {  	s4 =	ssub.s32 $0x0, s20;
	[sflag:s22] =	ssyncset.done $0x0  }
0xa0: {  	[sflag:s22] =	ssyncadd.s32 s4;
	_ =	sdelay $0x1  }
0xa1: {  	s23 =	simm.s32 $0x1B8B  }
0xa2: {  	_ =	swait.ge [sflag:s23], $0x1  }
0xa3: {  	[sflag:s23] =	ssyncset.done $0x0  }
0xa4: {  	s25 =	simm.s32 $0x1B8E;
	s24 =	sld [smem:$0x3FFE];
	[sflag:s23] =	ssyncadd.s32 $0xFFFFFFFF  }
0xa5: {  	s26 =	simm.s32 $execute0_lowered;
	[smem:$0x3FD2] =	sst s25  }
0xa6: {  	s5 =	sshll.u32 s26, $0x1;
	_ =	strace $0x80000046;
	[dreg:$0x1] =	wrdreg $0xFFFFFFFF  }
0xa7: {  	s28 =	simm.s32 $_size_execute0_lowered;
	s3 =	sadd.s32 s3, s5;
	[dreg:$0x0] =	wrdreg $0x0  }
0xa8: {  	s5 =	sshll.u32 s28, $0x1;
	[dreg:$0x2] =	wrdreg s3  }
0xa9: {  	[dreg:$0x3] =	wrdreg s5  }
0xaa: {  	[dreg:$0x4] =	wrdreg $0xC0  }
0xab: {  	_ =	task [dreg:s7], $0x5FFFF  }
0xac: {  	[dreg:$0x1] =	wrdreg $0xFFFFFFFF  }
0xad: {  	[dreg:$0x0] =	wrdreg $0x60  }
0xae: {  	[dreg:$0x2] =	wrdreg s2  }
0xaf: {  	[dreg:$0x3] =	wrdreg s24  }
0xb0: {  	[dreg:$0x4] =	wrdreg $0x9  }
0xb1: {  	_ =	task.clear_ibuf [dreg:s7], $0x5FFFF;
	_ =	strace $0x90000046  }
0xb2: {  	s29 =	simm.s32 $0x9;
	_ =	strace $0x80000048  }
0xb3: {  	_ =	swait.ge [sflag:s29], $0x1  }
0xb4: {  	[sflag:s29] =	ssyncadd.s32 $0xFFFFFFFF  }
0xb5: {  	_ =	strace $0x90000048  }
0xb6: {  	_ =	sfence  }
0xb7: {  	s30 =	sld [smem:$0x0];
	_ =	sdelay $0x2  }
0xb8: {  	s31 =	sshll.u32 s1, $0xD;
	s1 =	sshrl.u32 s1, $0x2  }
0xb9: {  	s3 =	sand.u32 $0x4000, s31;
	s1 =	sadd.s32 s1, s30  }
0xba: {  	s0 =	sor.u32 s3, s0;
	s1 =	sshll.u32 s1, $0x11  }
0xbb: {  	s0 =	sor.u32 s1, s0  }
0xbc: {  	s0 =	sadd.s32 $0x8F2B, s0  }
0xbd: {  	[sflag:s0] =	ssyncadd.remote.s32 $0x1  }
0xbe: {  	_ =	sfence.sel $0xFFFF  }
0xbf: {  	[dreg:$0x0] =	wrdreg $0xFFFFFFFF;
	(pc) =	sbr.abs _section_cstart, $3  }
0xc0: {  	[dreg:$0x1] =	wrdreg $0xFFFFFFFF  }
0xc1: {  	_ =	task.clear_ibuf [dreg:s7], $0x2FFFF;
	_ =	strace $0x9FFFFFFF  }
0xc2: {  	(tm) =	ssettm $0x7FFFFFFF  }
0xc3: {  	_ =	shalt  }
tec
execute0_lowered:
.L_overlay_start_1:
0x0: {  	(tag) =	ssettag $0x1  }
0x1: {  	v0 =	vimm.s32 $0xEFCDAB89  }
0x2: {  	v1 =	vimm.s32 $0x67452301;
	v2 =	vimm.s32 $0xDCFE98BA;
	s7 =	rddreg [dreg:$0x0];
	v3 =	vimm.s32 $0x54761032  }
0x3: {  	s1 =	srdreg.scid;
	s0 =	stileid.u32;
	v4 =	vimm.s32 $0xBA98FEDC;
	v5 =	vimm.s32 $0x32107654;
	v6 =	vimm.s32 $0xFEDCBA98  }
0x4: {  	s3 =	rddreg [dreg:$0x1];
	v7 =	vimm.s32 $0x76543210;
	v0 =	vunpack.c.l.s4.s8 v0;
	v1 =	vunpack.c.l.s4.s8 v1;
	s4 =	sand.u32 $0x1, s1;
	s5 =	sshll.u32 s0, $0x1  }
0x5: {  	s2 =	simm.s32 $0x0;
	s11 =	simm.s32 $0x4000;
	v2 =	vunpack.c.l.s4.s8 v2;
	v3 =	vunpack.c.l.s4.s8 v3;
	v4 =	vunpack.c.l.s4.s8 v4;
	s5 =	sor.u32 s4, s5  }
0x6: {  	s12 =	simm.s32 $0x0;
	s1 =	rddreg [dreg:$0x2];
	v5 =	vunpack.c.l.s4.s8 v5;
	v6 =	vunpack.c.l.s4.s8 v6;
	v0 =	vunpack.c.0.s8.s32 v0;
	s6 =	smul.u32 $0xC000, s5  }
0x7: {  	[smem:$0x7FF] =	sst s2;
	s4 =	ssub.s32 $0x2, s4;
	v1 =	vunpack.c.0.s8.s32 v1;
	v2 =	vunpack.c.0.s8.s32 v2;
	s5 =	smul.u32 $0x1800, s5;
	v3 =	vunpack.c.0.s8.s32 v3  }
0x8: {  	s9 =	sadd.s32 $0x61400, s3;
	v7 =	vunpack.c.l.s4.s8 v7;
	_ =	strace $0x80000047;
	s8 =	sshrl.u32 s4, $0x1;
	v4 =	vunpack.c.0.s8.s32 v4;
	v5 =	vunpack.c.0.s8.s32 v5  }
0x9: {  	s10 =	ssub.s32 s4, s8;
	s31 =	sshrl.u32 s6, $0x3;
	v0 =	vcombine.low v1, v0;
	v1 =	vcombine.low v3, v2;
	s3 =	sadd.s32 s7, s5;
	v2 =	vunpack.c.0.s8.s32 v6  }
0xa: {  	s4 =	sadd.s32 s9, s5;
	v3 =	vcombine.low v5, v4;
	v4 =	vunpack.c.0.s8.s32 v7;
	s6 =	sadd.s32 $0x800, s31;
	s8 =	sadd.s32 $0x1000, s31  }
0xb: {  	s5 =	sadd.s32 s7, s6;
	s6 =	sadd.s32 s9, s6;
	s7 =	sadd.s32 s7, s8;
	v0 =	vand.u32 $0xF, v0;
	v1 =	vand.u32 $0xF, v1;
	v5 =	vand.u32 $0xF, v2  }
0xc: {  	s8 =	sadd.s32 s9, s8;
	s9 =	smax.u32 s10, $0x1;
	s10 =	simm.s32 $0x1;
	v2 =	vand.u32 $0xF, v3;
	v3 =	vcombine.low v5, v4;
	v4 =	vimm.f32 $0.0e+00  }
.LBB2_1:
0xd: {  	[tilespmem:s2], [sflag:$0x1] =	stream.linear.gather [hbm4b:s3+s2], $0x4000, $0x38;
	[tilespmem:$0x8000] =	vst v63  }
0xe: {  	_ =	swait.ge [sflag:s10], $0x4000  }
0xf: {  	[sflag:s10] =	ssyncset.done $0x0  }
0x10: {  	s13 =	simm.s32 $0x0;
	[sflag:s10] =	ssyncadd.s32 $0xFFFFC000  }
0x11: {  	v5 =	vld [tilespmem:s13+$0x0]  }
0x12: {  	v6 =	vld [tilespmem:s13+$0x10]  }
0x13: {  	v7 =	vld [tilespmem:s13+$0x20]  }
0x14: {  	v8 =	vld [tilespmem:s13+$0x30];
	_ =	sdelay $0x4  }
0x15: {  	v9 =	vmax.f32 v5, v6;
	v10 =	vmax.f32 v7, v8  }
0x16: {  	v9 =	vmax.f32 v9, v10  }
0x17: {  	v10 =	vperm.xlane v9, v0;
	_ =	sdelay $0x1  }
0x18: {  	v9 =	vmax.f32 v9, v10  }
0x19: {  	v10 =	vperm.xlane v9, v1;
	_ =	sdelay $0x1  }
0x1a: {  	v9 =	vmax.f32 v9, v10  }
0x1b: {  	v10 =	vperm.xlane v9, v2;
	_ =	sdelay $0x1  }
0x1c: {  	v9 =	vmax.f32 v9, v10  }
0x1d: {  	v10 =	vperm.xlane v9, v3;
	_ =	sdelay $0x1  }
0x1e: {  	v9 =	vmax.f32 v9, v10  }
0x1f: {  	vm10 =	veq.f32 v5, v9;
	vm8 =	veq.f32 v6, v9  }
0x20: {  	vm9 =	veq.f32 v7, v9;
	vm15 =	veq.f32 v8, v9;
	v5 =	vsel vm10, $0xFF800000, v5  }
0x21: {  	v6 =	vsel vm8, $0xFF800000, v6;
	v7 =	vsel vm9, $0xFF800000, v7;
	v8 =	vsel vm15, $0xFF800000, v8  }
0x22: {  	v9 =	vmax.f32 v5, v6;
	v10 =	vmax.f32 v7, v8  }
0x23: {  	v9 =	vmax.f32 v9, v10  }
0x24: {  	v10 =	vperm.xlane v9, v0;
	_ =	sdelay $0x1  }
0x25: {  	v9 =	vmax.f32 v9, v10  }
0x26: {  	v10 =	vperm.xlane v9, v1;
	_ =	sdelay $0x1  }
0x27: {  	v9 =	vmax.f32 v9, v10  }
0x28: {  	v10 =	vperm.xlane v9, v2;
	_ =	sdelay $0x1  }
0x29: {  	v9 =	vmax.f32 v9, v10  }
0x2a: {  	v10 =	vperm.xlane v9, v3;
	_ =	sdelay $0x1  }
0x2b: {  	v9 =	vmax.f32 v9, v10  }
0x2c: {  	vm14 =	veq.f32 v5, v9;
	vm11 =	veq.f32 v6, v9  }
0x2d: {  	vm12 =	veq.f32 v7, v9;
	vm4 =	veq.f32 v8, v9;
	v5 =	vsel vm14, $0xFF800000, v5  }
0x2e: {  	v6 =	vsel vm11, $0xFF800000, v6;
	v7 =	vsel vm12, $0xFF800000, v7;
	v8 =	vsel vm4, $0xFF800000, v8  }
0x2f: {  	v9 =	vmax.f32 v5, v6;
	v10 =	vmax.f32 v7, v8  }
0x30: {  	v9 =	vmax.f32 v9, v10  }
0x31: {  	v10 =	vperm.xlane v9, v0;
	_ =	sdelay $0x1  }
0x32: {  	v9 =	vmax.f32 v9, v10  }
0x33: {  	v10 =	vperm.xlane v9, v1;
	_ =	sdelay $0x1  }
0x34: {  	v9 =	vmax.f32 v9, v10  }
0x35: {  	v10 =	vperm.xlane v9, v2;
	_ =	sdelay $0x1  }
0x36: {  	v9 =	vmax.f32 v9, v10  }
0x37: {  	v10 =	vperm.xlane v9, v3;
	_ =	sdelay $0x1  }
0x38: {  	v9 =	vmax.f32 v9, v10  }
0x39: {  	v10 =	vimm.s32 $0x0;
	vm0 =	veq.f32 v5, v9  }
0x3a: {  	v10 =	vsel vm0, $0xFFFFFFFF, v10  }
0x3b: {  	vm2 =	veq.f32 v6, v9;
	[tilespmem:$0x1FDE0] =	vst v10;
	v10 =	vimm.s32 $0x0  }
0x3c: {  	vm1 =	veq.f32 v7, v9;
	v5 =	vsel vm0, $0xFF800000, v5;
	v10 =	vsel vm2, $0xFFFFFFFF, v10  }
0x3d: {  	vm0 =	veq.f32 v8, v9;
	v6 =	vsel vm2, $0xFF800000, v6;
	[tilespmem:$0x1FDF0] =	vst v10;
	v10 =	vimm.s32 $0x0  }
0x3e: {  	v7 =	vsel vm1, $0xFF800000, v7;
	v8 =	vsel vm0, $0xFF800000, v8;
	v10 =	vsel vm1, $0xFFFFFFFF, v10  }
0x3f: {  	v9 =	vmax.f32 v5, v6;
	[tilespmem:$0x1FE00] =	vst v10;
	v10 =	vmax.f32 v7, v8  }
0x40: {  	v9 =	vmax.f32 v9, v10  }
0x41: {  	v10 =	vperm.xlane v9, v0;
	_ =	sdelay $0x1  }
0x42: {  	v9 =	vmax.f32 v9, v10  }
0x43: {  	v10 =	vperm.xlane v9, v1;
	_ =	sdelay $0x1  }
0x44: {  	v9 =	vmax.f32 v9, v10  }
0x45: {  	v10 =	vperm.xlane v9, v2;
	_ =	sdelay $0x1  }
0x46: {  	v9 =	vmax.f32 v9, v10  }
0x47: {  	v10 =	vperm.xlane v9, v3;
	_ =	sdelay $0x1  }
0x48: {  	v9 =	vmax.f32 v9, v10  }
0x49: {  	v10 =	vimm.s32 $0x0;
	vm3 =	veq.f32 v5, v9  }
0x4a: {  	v10 =	vsel vm3, $0xFFFFFFFF, v10  }
0x4b: {  	vm2 =	veq.f32 v6, v9;
	[tilespmem:$0x1FFD0] =	vst v10;
	v10 =	vimm.s32 $0x0  }
0x4c: {  	vm1 =	veq.f32 v7, v9;
	vm5 =	veq.f32 v8, v9;
	v10 =	vsel vm2, $0xFFFFFFFF, v10  }
0x4d: {  	v5 =	vsel vm3, $0xFF800000, v5;
	v6 =	vsel vm2, $0xFF800000, v6;
	[tilespmem:$0x1FFE0] =	vst v10;
	v10 =	vimm.s32 $0x0  }
0x4e: {  	v7 =	vsel vm1, $0xFF800000, v7;
	v8 =	vsel vm5, $0xFF800000, v8;
	v10 =	vsel vm1, $0xFFFFFFFF, v10  }
0x4f: {  	v9 =	vmax.f32 v5, v6;
	[tilespmem:$0x1FFF0] =	vst v10;
	v10 =	vmax.f32 v7, v8  }
0x50: {  	v9 =	vmax.f32 v9, v10  }
0x51: {  	v10 =	vperm.xlane v9, v0;
	_ =	sdelay $0x1  }
0x52: {  	v9 =	vmax.f32 v9, v10  }
0x53: {  	v10 =	vperm.xlane v9, v1;
	_ =	sdelay $0x1  }
0x54: {  	v9 =	vmax.f32 v9, v10  }
0x55: {  	v10 =	vperm.xlane v9, v2;
	_ =	sdelay $0x1  }
0x56: {  	v9 =	vmax.f32 v9, v10  }
0x57: {  	v10 =	vperm.xlane v9, v3;
	_ =	sdelay $0x1  }
0x58: {  	v9 =	vmax.f32 v9, v10  }
0x59: {  	s14 =	simm.s32 $0x40;
	v11 =	vimm.s32 $0x0;
	v13 =	vimm.s32 $0x0;
	vm1 =	veq.f32 v5, v9  }
0x5a: {  	v12 =	vld [tilespmem:s14+$0x20];
	v11 =	vsel vm1, $0xFFFFFFFF, v11;
	v5 =	vsel vm1, $0xFF800000, v5;
	vm1 =	veq.f32 v6, v9  }
0x5b: {  	v10 =	vld [tilespmem:s14+$0x0];
	vm3 =	veq.f32 v7, v9;
	v13 =	vsel vm1, $0xFFFFFFFF, v13  }
0x5c: {  	vm2 =	veq.f32 v8, v9;
	v9 =	vld [tilespmem:s14+$0x30];
	v7 =	vsel vm3, $0xFF800000, v7;
	[tilespmem:$0x1FEB0] =	vst v13;
	v13 =	vimm.s32 $0x0  }
0x5d: {  	v8 =	vsel vm2, $0xFF800000, v8;
	[tilespmem:$0x1FE90] =	vst v11;
	v11 =	vld [tilespmem:s14+$0x10];
	v6 =	vsel vm1, $0xFF800000, v6;
	v13 =	vsel vm3, $0xFFFFFFFF, v13  }
0x5e: {  	v14 =	vmax.f32 v7, v8;
	[tilespmem:$0x1FED0] =	vst v13;
	v13 =	vmax.f32 v5, v6  }
0x5f: {  	v13 =	vmax.f32 v13, v14  }
0x60: {  	v14 =	vperm.xlane v13, v0;
	_ =	sdelay $0x1  }
0x61: {  	v16 =	vmax.f32 v12, v9;
	v15 =	vmax.f32 v10, v11;
	v13 =	vmax.f32 v13, v14  }
0x62: {  	v14 =	vmax.f32 v15, v16;
	v15 =	vperm.xlane v13, v1  }
0x63: {  	v16 =	vperm.xlane v14, v0  }
0x64: {  	v13 =	vmax.f32 v13, v15  }
0x65: {  	v14 =	vmax.f32 v14, v16;
	v15 =	vperm.xlane v13, v2  }
0x66: {  	v16 =	vperm.xlane v14, v1  }
0x67: {  	v13 =	vmax.f32 v13, v15  }
0x68: {  	v14 =	vmax.f32 v14, v16;
	v15 =	vperm.xlane v13, v3  }
0x69: {  	v16 =	vperm.xlane v14, v2  }
0x6a: {  	v13 =	vmax.f32 v13, v15  }
0x6b: {  	v14 =	vmax.f32 v14, v16;
	v16 =	vimm.s32 $0x0;
	vm1 =	veq.f32 v5, v13  }
0x6c: {  	vm3 =	veq.f32 v6, v13;
	vm6 =	veq.f32 v7, v13;
	v16 =	vsel vm1, $0xFFFFFFFF, v16  }
0x6d: {  	v5 =	vsel vm1, $0xFF800000, v5;
	vm1 =	veq.f32 v8, v13;
	v13 =	vimm.s32 $0x0  }
0x6e: {  	v13 =	vsel vm3, $0xFFFFFFFF, v13  }
0x6f: {  	[tilespmem:$0x1FD70] =	vst v13;
	v13 =	vimm.s32 $0x0  }
0x70: {  	v15 =	vperm.xlane v14, v3;
	v6 =	vsel vm3, $0xFF800000, v6;
	[tilespmem:$0x1FD60] =	vst v16;
	v13 =	vsel vm6, $0xFFFFFFFF, v13  }
0x71: {  	v8 =	vsel vm1, $0xFF800000, v8;
	v16 =	vimm.s32 $0x0;
	[tilespmem:$0x1FD80] =	vst v13;
	v13 =	vsel vm6, $0xFF800000, v7  }
0x72: {  	v7 =	vmax.f32 v14, v15;
	v14 =	vmax.f32 v5, v6;
	v15 =	vmax.f32 v13, v8  }
0x73: {  	vm3 =	veq.f32 v10, v7;
	vm13 =	veq.f32 v11, v7;
	vm6 =	veq.f32 v12, v7  }
0x74: {  	v14 =	vmax.f32 v14, v15;
	v15 =	vimm.s32 $0x0;
	v10 =	vsel vm3, $0xFF800000, v10  }
0x75: {  	v16 =	vsel vm6, $0xFFFFFFFF, v16;
	v11 =	vsel vm13, $0xFF800000, v11;
	v15 =	vsel vm3, $0xFFFFFFFF, v15  }
0x76: {  	vm3 =	veq.f32 v9, v7;
	v7 =	vimm.s32 $0x0;
	[tilespmem:$0x1FE20] =	vst v15;
	v15 =	vperm.xlane v14, v0  }
0x77: {  	v12 =	vsel vm6, $0xFF800000, v12;
	[tilespmem:$0x1FE70] =	vst v16;
	v7 =	vsel vm3, $0xFFFFFFFF, v7;
	v9 =	vsel vm3, $0xFF800000, v9  }
0x78: {  	[tilespmem:$0x1FD90] =	vst v7;
	v7 =	vmax.f32 v10, v11;
	v16 =	vmax.f32 v12, v9;
	v14 =	vmax.f32 v14, v15  }
0x79: {  	v7 =	vmax.f32 v7, v16;
	v15 =	vperm.xlane v14, v1  }
0x7a: {  	v16 =	vperm.xlane v7, v0  }
0x7b: {  	v14 =	vmax.f32 v14, v15  }
0x7c: {  	v7 =	vmax.f32 v7, v16;
	v15 =	vperm.xlane v14, v2  }
0x7d: {  	v16 =	vperm.xlane v7, v1  }
0x7e: {  	v14 =	vmax.f32 v14, v15  }
0x7f: {  	v7 =	vmax.f32 v7, v16;
	v15 =	vperm.xlane v14, v3  }
0x80: {  	v16 =	vperm.xlane v7, v2  }
0x81: {  	v14 =	vmax.f32 v14, v15  }
0x82: {  	v15 =	vmax.f32 v7, v16;
	v7 =	vimm.s32 $0x0;
	vm3 =	veq.f32 v5, v14  }
0x83: {  	v7 =	vsel vm3, $0xFFFFFFFF, v7  }
0x84: {  	vm7 =	veq.f32 v6, v14;
	[tilespmem:$0x1FDA0] =	vst v7;
	v7 =	vsel vm3, $0xFF800000, v5;
	v5 =	vimm.s32 $0x0  }
0x85: {  	v5 =	vsel vm7, $0xFFFFFFFF, v5  }
0x86: {  	vm6 =	veq.f32 v13, v14;
	[tilespmem:$0x1FDB0] =	vst v5;
	v5 =	vimm.s32 $0x0  }
0x87: {  	v16 =	vperm.xlane v15, v3;
	vm3 =	veq.f32 v8, v14;
	v5 =	vsel vm6, $0xFFFFFFFF, v5  }
0x88: {  	v6 =	vsel vm7, $0xFF800000, v6;
	[tilespmem:$0x1FDC0] =	vst v5;
	v5 =	vsel vm6, $0xFF800000, v13;
	v13 =	vsel vm3, $0xFF800000, v8  }
0x89: {  	v15 =	vmax.f32 v15, v16;
	v8 =	vmax.f32 v7, v6;
	v14 =	vmax.f32 v5, v13  }
0x8a: {  	v16 =	vimm.s32 $0x0;
	vm7 =	veq.f32 v10, v15;
	v8 =	vmax.f32 v8, v14  }
0x8b: {  	v16 =	vsel vm7, $0xFFFFFFFF, v16;
	v14 =	vperm.xlane v8, v0  }
0x8c: {  	v10 =	vsel vm7, $0xFF800000, v10;
	vm7 =	veq.f32 v12, v15;
	[tilespmem:$0x1FEF0] =	vst v16;
	v16 =	vimm.s32 $0x0  }
0x8d: {  	vm6 =	veq.f32 v11, v15;
	v8 =	vmax.f32 v8, v14;
	v14 =	vimm.s32 $0x0  }
0x8e: {  	v16 =	vsel vm6, $0xFFFFFFFF, v16;
	v14 =	vsel vm7, $0xFFFFFFFF, v14  }
0x8f: {  	v11 =	vsel vm6, $0xFF800000, v11;
	vm6 =	veq.f32 v9, v15;
	[tilespmem:$0x1FF30] =	vst v14;
	v14 =	vimm.s32 $0x0  }
0x90: {  	v14 =	vsel vm6, $0xFFFFFFFF, v14  }
0x91: {  	[tilespmem:$0x1FDD0] =	vst v14;
	v14 =	vperm.xlane v8, v1  }
0x92: {  	v12 =	vsel vm7, $0xFF800000, v12;
	v9 =	vsel vm6, $0xFF800000, v9  }
0x93: {  	[tilespmem:$0x1FF10] =	vst v16;
	v15 =	vmax.f32 v10, v11;
	v16 =	vmax.f32 v12, v9;
	v8 =	vmax.f32 v8, v14  }
0x94: {  	v15 =	vmax.f32 v15, v16;
	v16 =	vperm.xlane v8, v2;
	_ =	sdelay $0x1  }
0x95: {  	v8 =	vmax.f32 v8, v16  }
0x96: {  	v16 =	vperm.xlane v8, v3;
	_ =	sdelay $0x1  }
0x97: {  	v14 =	vperm.xlane v15, v0;
	v8 =	vmax.f32 v8, v16  }
0x98: {  	vm4 =	vmmov vm4;
	vm6 =	veq.f32 v13, v8  }
0x99: {  	v19 =	vld [tilespmem:$0x1FE00];
	v14 =	vmax.f32 v15, v14;
	vm4 =	vmor vm4, vm6;
	vm6 =	vmmov vm15  }
0x9a: {  	vm0 =	vmmov vm0;
	v15 =	vperm.xlane v14, v1;
	vm4 =	vmor vm6, vm4  }
0x9b: {  	vm0 =	vmor vm0, vm4;
	vm4 =	vmmov vm5  }
0x9c: {  	v14 =	vmax.f32 v14, v15;
	vm0 =	vmor vm4, vm0  }
0x9d: {  	vm7 =	vmmov vm14;
	v15 =	vperm.xlane v14, v2;
	vm0 =	vmor vm2, vm0  }
0x9e: {  	vm14 =	vnez.u8 v19;
	vm5 =	vmor vm1, vm0;
	vm1 =	vmmov vm10  }
0x9f: {  	v19 =	vimm.s32 $0x0;
	v13 =	vmax.f32 v14, v15;
	vm1 =	vmmov vm1  }
0xa0: {  	v14 =	vperm.xlane v13, v3;
	v19 =	vsel vm1, $0xFFFFFFFF, v19  }
0xa1: {  	[tilespmem:$0x1FE10] =	vst v19;
	v19 =	vld [tilespmem:$0x1FE20]  }
0xa2: {  	v13 =	vmax.f32 v13, v14  }
0xa3: {  	vm6 =	veq.f32 v10, v13  }
0xa4: {  	vm15 =	veq.f32 v12, v13;
	vm2 =	veq.f32 v9, v13;
	v14 =	vsel vm6, $0xFF800000, v10  }
0xa5: {  	vm0 =	veq.f32 v11, v13;
	v15 =	vsel vm15, $0xFF800000, v12;
	v17 =	vsel vm2, $0xFF800000, v9  }
0xa6: {  	v13 =	vsel vm0, $0xFF800000, v11;
	v16 =	vmax.f32 v15, v17;
	vm1 =	vnez.u8 v19  }
0xa7: {  	v12 =	vmax.f32 v14, v13;
	v19 =	vimm.s32 $0x0;
	vm1 =	vmmov vm1  }
0xa8: {  	vm4 =	vmmov vm8;
	v16 =	vmax.f32 v12, v16;
	v19 =	vsel vm1, $0xFFFFFFFF, v19  }
0xa9: {  	v18 =	vperm.xlane v16, v0;
	vm1 =	vmmov vm4;
	[tilespmem:$0x1FE30] =	vst v19;
	v19 =	vimm.s32 $0x0  }
0xaa: {  	vm9 =	vmmov vm9;
	v19 =	vsel vm1, $0xFFFFFFFF, v19  }
0xab: {  	v16 =	vmax.f32 v16, v18;
	vm1 =	vmmov vm13;
	[tilespmem:$0x1FE40] =	vst v19;
	v19 =	vimm.s32 $0x0  }
0xac: {  	v18 =	vimm.s32 $0x0;
	v19 =	vsel vm1, $0xFFFFFFFF, v19;
	vm1 =	vmmov vm9  }
0xad: {  	v18 =	vsel vm1, $0xFFFFFFFF, v18  }
0xae: {  	[tilespmem:$0x1FE60] =	vst v18;
	v18 =	vld [tilespmem:$0x1FE70];
	_ =	sdelay $0x1  }
0xaf: {  	[tilespmem:$0x1FE50] =	vst v19;
	v19 =	vld [tilespmem:$0x1FE90];
	_ =	sdelay $0x2  }
0xb0: {  	vm1 =	vnez.u8 v18  }
0xb1: {  	v18 =	vimm.s32 $0x0;
	vm1 =	vmmov vm1  }
0xb2: {  	v18 =	vsel vm1, $0xFFFFFFFF, v18;
	vm1 =	vnez.u8 v19  }
0xb3: {  	v19 =	vimm.s32 $0x0;
	vm1 =	vmmov vm1  }
0xb4: {  	v19 =	vsel vm1, $0xFFFFFFFF, v19  }
0xb5: {  	[tilespmem:$0x1FEA0] =	vst v19;
	v19 =	vld [tilespmem:$0x1FEB0]  }
0xb6: {  	v12 =	vld [tilespmem:$0x1FDE0];
	_ =	sdelay $0x3  }
0xb7: {  	vm8 =	vmmov vm11;
	vm1 =	vnez.u8 v19  }
0xb8: {  	s15 =	simm.s32 $0x80;
	vm11 =	vnez.u8 v12;
	v12 =	vld [tilespmem:$0x1FDF0];
	v19 =	vimm.s32 $0x0;
	vm1 =	vmmov vm1  }
0xb9: {  	v9 =	vld [tilespmem:s15+$0x0];
	v19 =	vsel vm1, $0xFFFFFFFF, v19  }
0xba: {  	[tilespmem:$0x1FEC0] =	vst v19;
	v19 =	vld [tilespmem:$0x1FED0]  }
0xbb: {  	v10 =	vld [tilespmem:s15+$0x10]  }
0xbc: {  	v11 =	vld [tilespmem:s15+$0x20]  }
0xbd: {  	vm10 =	vmmov vm12;
	vm12 =	vnez.u8 v12;
	v12 =	vld [tilespmem:s15+$0x30];
	_ =	sdelay $0x1  }
0xbe: {  	vm1 =	vnez.u8 v19  }
0xbf: {  	v19 =	vimm.s32 $0x0;
	vm1 =	vmmov vm1  }
0xc0: {  	[tilespmem:$0x1FE80] =	vst v18;
	v18 =	vperm.xlane v16, v1;
	v19 =	vsel vm1, $0xFFFFFFFF, v19  }
0xc1: {  	v20 =	vmax.f32 v11, v12;
	[tilespmem:$0x1FEE0] =	vst v19;
	v19 =	vmax.f32 v9, v10  }
0xc2: {  	v16 =	vmax.f32 v16, v18;
	v18 =	vmax.f32 v19, v20;
	v20 =	vld [tilespmem:$0x1FEF0];
	_ =	sdelay $0x1  }
0xc3: {  	v21 =	vld [tilespmem:$0x1FF10];
	v19 =	vperm.xlane v16, v2;
	_ =	sdelay $0x1  }
0xc4: {  	v16 =	vmax.f32 v16, v19;
	v19 =	vld [tilespmem:$0x1FF30]  }
0xc5: {  	vm1 =	vnez.u8 v20  }
0xc6: {  	v20 =	vimm.s32 $0x0;
	vm1 =	vmmov vm1  }
0xc7: {  	v20 =	vsel vm1, $0xFFFFFFFF, v20;
	vm1 =	vnez.u8 v21  }
0xc8: {  	v21 =	vimm.s32 $0x0;
	vm1 =	vmmov vm1  }
0xc9: {  	v21 =	vsel vm1, $0xFFFFFFFF, v21;
	vm1 =	vnez.u8 v19  }
0xca: {  	v19 =	vimm.s32 $0x0;
	vm1 =	vmmov vm1  }
0xcb: {  	[tilespmem:$0x1FF20] =	vst v21;
	v19 =	vsel vm1, $0xFFFFFFFF, v19  }
0xcc: {  	vm0 =	vmmov vm0;
	v21 =	vimm.s32 $0x0;
	[tilespmem:$0x1FF40] =	vst v19;
	v19 =	vperm.xlane v16, v3  }
0xcd: {  	vm14 =	vmmov vm14;
	[tilespmem:$0x1FF00] =	vst v20;
	v20 =	vperm.xlane v18, v0;
	v21 =	vsel vm0, $0xFFFFFFFF, v21  }
0xce: {  	vm0 =	vmmov vm14;
	v19 =	vmax.f32 v16, v19;
	v16 =	vimm.s32 $0x0  }
0xcf: {  	v16 =	vsel vm0, $0xFFFFFFFF, v16  }
0xd0: {  	v18 =	vmax.f32 v18, v20;
	vm0 =	vmmov vm15;
	[tilespmem:$0x1FF70] =	vst v16;
	v16 =	vimm.s32 $0x0  }
0xd1: {  	v20 =	vimm.s32 $0x0;
	vm1 =	vmmov vm6;
	v16 =	vsel vm0, $0xFFFFFFFF, v16  }
0xd2: {  	v20 =	vsel vm1, $0xFFFFFFFF, v20;
	vm1 =	veq.f32 v14, v19;
	[tilespmem:$0x1FF80] =	vst v16;
	v16 =	vimm.s32 $0x0  }
0xd3: {  	v16 =	vsel vm1, $0xFFFFFFFF, v16  }
0xd4: {  	[tilespmem:$0x1FF90] =	vst v16;
	v16 =	vsel vm1, $0xFF800000, v14;
	vm1 =	veq.f32 v13, v19;
	v14 =	vimm.s32 $0x0  }
0xd5: {  	v14 =	vsel vm1, $0xFFFFFFFF, v14  }
0xd6: {  	vm0 =	veq.f32 v15, v19;
	[tilespmem:$0x1FFA0] =	vst v14;
	v14 =	vimm.s32 $0x0  }
0xd7: {  	v14 =	vsel vm0, $0xFFFFFFFF, v14  }
0xd8: {  	vm4 =	veq.f32 v17, v19;
	[tilespmem:$0x1FFB0] =	vst v14;
	v14 =	vsel vm0, $0xFF800000, v15;
	v15 =	vimm.s32 $0x0  }
0xd9: {  	v15 =	vsel vm4, $0xFFFFFFFF, v15  }
0xda: {  	[tilespmem:$0x1FFC0] =	vst v15;
	v15 =	vsel vm4, $0xFF800000, v17;
	v17 =	vld [tilespmem:$0x1FFD0]  }
0xdb: {  	[tilespmem:$0x1FF50] =	vst v20;
	v20 =	vperm.xlane v18, v1;
	v19 =	vld [tilespmem:$0x1FFE0];
	_ =	sdelay $0x1  }
0xdc: {  	v18 =	vmax.f32 v18, v20  }
0xdd: {  	v20 =	vperm.xlane v18, v2  }
0xde: {  	vm0 =	vnez.u8 v17  }
0xdf: {  	vm6 =	vmmov vm0;
	vm0 =	vnez.u8 v19;
	v19 =	vmax.f32 v18, v20;
	v18 =	vld [tilespmem:$0x1FFF0]  }
0xe0: {  	vm11 =	vmmov vm11  }
0xe1: {  	vm10 =	vmmov vm10;
	vm11 =	vmmov vm11;
	vm13 =	vmmov vm7  }
0xe2: {  	vm12 =	vmmov vm12;
	vm9 =	vmmov vm8;
	v13 =	vsel vm1, $0xFF800000, v13  }
0xe3: {  	vm12 =	vmmov vm12;
	[tilespmem:$0x1FF60] =	vst v21;
	v21 =	vmax.f32 v14, v15;
	v17 =	vmax.f32 v16, v13  }
0xe4: {  	v17 =	vmax.f32 v17, v21;
	vm14 =	vmmov vm0;
	vm0 =	vnez.u8 v18  }
0xe5: {  	s16 =	simm.s32 $0x300;
	v20 =	vperm.xlane v19, v3;
	v18 =	vperm.xlane v17, v0;
	vm4 =	vmmov vm0  }
.LBB2_2:
0xe6: {  	vm7 =	veq.f32 v6, v8;
	v6 =	vld [tilespmem:$0x1FD90];
	_ =	sdelay $0x4  }
0xe7: {  	vm0 =	vmor vm3, vm5;
	vm3 =	vnez.u8 v6  }
0xe8: {  	v6 =	vimm.s32 $0x0;
	vm1 =	vmmov vm3  }
0xe9: {  	v6 =	vsel vm1, $0xFFFFFFFF, v6  }
0xea: {  	[tilespmem:$0x1FD20] =	vst v6;
	v6 =	vld [tilespmem:$0x1FDD0];
	_ =	sdelay $0x4  }
0xeb: {  	vm1 =	vnez.u8 v6  }
0xec: {  	v6 =	vimm.s32 $0x0;
	vm3 =	vmmov vm1  }
0xed: {  	vm8 =	veq.f32 v7, v8;
	v7 =	vmax.f32 v17, v18;
	v6 =	vsel vm3, $0xFFFFFFFF, v6  }
0xee: {  	v17 =	vsel vm0, $0x3F800000, v4;
	vm1 =	vmmov vm2;
	[tilespmem:$0x1FD00] =	vst v6;
	v6 =	vimm.s32 $0x0  }
0xef: {  	[tilespmem:s13+$0x4030] =	vst v17;
	v17 =	vld [tilespmem:$0x1FE10];
	v6 =	vsel vm1, $0xFFFFFFFF, v6  }
0xf0: {  	[tilespmem:$0x1FD30] =	vst v6;
	v6 =	vmax.f32 v19, v20  }
0xf1: {  	vm5 =	veq.f32 v5, v8;
	vm0 =	veq.f32 v9, v6  }
0xf2: {  	vm1 =	veq.f32 v12, v6;
	v5 =	vsel vm0, $0xFF800000, v9;
	v9 =	vimm.s32 $0x0  }
0xf3: {  	v18 =	vperm.xlane v7, v1;
	v9 =	vsel vm1, $0xFFFFFFFF, v9  }
0xf4: {  	[tilespmem:$0x1FD90] =	vst v9;
	v9 =	vsel vm1, $0xFF800000, v12;
	vm1 =	vnez.u8 v17;
	v17 =	vld [tilespmem:$0x1FE40]  }
0xf5: {  	v7 =	vmax.f32 v7, v18;
	vm3 =	veq.f32 v10, v6  }
0xf6: {  	vm2 =	veq.f32 v11, v6;
	v6 =	vsel vm3, $0xFF800000, v10;
	v10 =	vperm.xlane v7, v2  }
0xf7: {  	vm8 =	vmor vm13, vm8  }
0xf8: {  	v8 =	vsel vm2, $0xFF800000, v11;
	v11 =	vmax.f32 v5, v6;
	v7 =	vmax.f32 v7, v10  }
0xf9: {  	v12 =	vmax.f32 v8, v9;
	vm8 =	vmor vm1, vm8;
	vm1 =	vnez.u8 v17;
	v17 =	vld [tilespmem:$0x1FE60]  }
0xfa: {  	v11 =	vmax.f32 v11, v12;
	v12 =	vperm.xlane v7, v3  }
0xfb: {  	vm7 =	vmor vm9, vm7;
	v10 =	vperm.xlane v11, v0  }
0xfc: {  	vm5 =	vmor vm10, vm5;
	vm8 =	vmor vm11, vm8;
	v7 =	vmax.f32 v7, v12  }
0xfd: {  	v10 =	vmax.f32 v11, v10;
	vm10 =	veq.f32 v16, v7;
	vm11 =	veq.f32 v13, v7  }
0xfe: {  	vm9 =	veq.f32 v14, v7;
	vm7 =	vmor vm1, vm7;
	vm1 =	vnez.u8 v17  }
0xff: {  	vm1 =	vmor vm1, vm5;
	vm5 =	veq.f32 v15, v7;
	v7 =	vimm.s32 $0x0  }
0x100: {  	v11 =	vperm.xlane v10, v1;
	v12 =	vsel vm10, $0xFF800000, v16;
	v7 =	vsel vm5, $0xFFFFFFFF, v7  }
0x101: {  	[tilespmem:$0x1FD40] =	vst v7;
	v7 =	vsel vm11, $0xFF800000, v13;
	v13 =	vsel vm9, $0xFF800000, v14;
	v14 =	vsel vm5, $0xFF800000, v15  }
0x102: {  	v15 =	vmax.f32 v12, v7;
	v16 =	vmax.f32 v13, v14  }
0x103: {  	v10 =	vmax.f32 v10, v11;
	v11 =	vmax.f32 v15, v16;
	v15 =	vld [tilespmem:$0x1FF70];
	_ =	sdelay $0x2  }
0x104: {  	v17 =	vld [tilespmem:$0x1FEA0];
	_ =	sdelay $0x1  }
0x105: {  	vm5 =	vnez.u8 v15;
	v15 =	vperm.xlane v10, v2;
	_ =	sdelay $0x1  }
0x106: {  	v10 =	vmax.f32 v10, v15;
	v15 =	vld [tilespmem:$0x1FEC0]  }
0x107: {  	vm6 =	vmor vm6, vm8;
	vm8 =	vnez.u8 v17;
	v17 =	vld [tilespmem:$0x1FEE0];
	_ =	sdelay $0x2  }
0x108: {  	vm7 =	vmor vm12, vm7;
	vm1 =	vmor vm5, vm1  }
0x109: {  	vm7 =	vmor vm14, vm7;
	vm1 =	vmor vm4, vm1;
	vm4 =	vnez.u8 v15  }
0x10a: {  	vm4 =	vmor vm4, vm7;
	vm7 =	vnez.u8 v17;
	v17 =	vld [tilespmem:$0x1FD60];
	_ =	sdelay $0x4  }
0x10b: {  	vm1 =	vmor vm7, vm1;
	vm7 =	vnez.u8 v17;
	v17 =	vld [tilespmem:$0x1FD70];
	_ =	sdelay $0x1  }
0x10c: {  	v16 =	vperm.xlane v11, v0;
	_ =	sdelay $0x1  }
0x10d: {  	vm6 =	vmor vm8, vm6;
	v11 =	vmax.f32 v11, v16;
	v15 =	vperm.xlane v10, v3  }
0x10e: {  	v16 =	vperm.xlane v11, v1;
	vm6 =	vmor vm7, vm6;
	vm7 =	vnez.u8 v17;
	v17 =	vld [tilespmem:$0x1FD80]  }
0x10f: {  	v10 =	vmax.f32 v10, v15;
	v15 =	vld [tilespmem:$0x1FDA0]  }
0x110: {  	v11 =	vmax.f32 v11, v16;
	v16 =	vld [tilespmem:$0x1FDB0];
	_ =	sdelay $0x2  }
0x111: {  	vm4 =	vmor vm7, vm4;
	vm7 =	vnez.u8 v17  }
0x112: {  	vm12 =	veq.f32 v6, v10;
	vm7 =	vmor vm7, vm1;
	vm1 =	vnez.u8 v15  }
0x113: {  	v15 =	vperm.xlane v11, v2;
	vm8 =	vmor vm1, vm6;
	vm1 =	vnez.u8 v16  }
0x114: {  	vm13 =	veq.f32 v9, v10;
	v17 =	vld [tilespmem:$0x1FDC0];
	vm6 =	veq.f32 v5, v10;
	vm1 =	vmor vm1, vm4  }
0x115: {  	vm4 =	veq.f32 v8, v10;
	v10 =	vmax.f32 v11, v15;
	v11 =	vimm.s32 $0x0  }
0x116: {  	v11 =	vsel vm13, $0xFFFFFFFF, v11  }
0x117: {  	v6 =	vsel vm12, $0xFF800000, v6;
	v5 =	vsel vm6, $0xFF800000, v5;
	[tilespmem:$0x1FDD0] =	vst v11;
	v11 =	vperm.xlane v10, v3  }
0x118: {  	v9 =	vsel vm13, $0xFF800000, v9;
	v8 =	vsel vm4, $0xFF800000, v8;
	v15 =	vmax.f32 v5, v6  }
0x119: {  	v16 =	vmax.f32 v8, v9;
	vm13 =	vnez.u8 v17;
	v10 =	vmax.f32 v10, v11  }
0x11a: {  	vm13 =	vmor vm13, vm7;
	v11 =	vsel vm8, $0x3F800000, v4;
	vm7 =	veq.f32 v12, v10  }
0x11b: {  	vm8 =	veq.f32 v7, v10;
	[tilespmem:s13+$0x4000] =	vst v11;
	v11 =	vimm.s32 $0x0;
	vm14 =	veq.f32 v13, v10  }
0x11c: {  	vm5 =	veq.f32 v14, v10;
	v10 =	vimm.s32 $0x0;
	v11 =	vsel vm7, $0xFFFFFFFF, v11  }
0x11d: {  	v15 =	vmax.f32 v15, v16;
	v10 =	vsel vm5, $0xFFFFFFFF, v10;
	[tilespmem:$0x1FD60] =	vst v11  }
0x11e: {  	v18 =	vld [tilespmem:$0x1FE30];
	v16 =	vperm.xlane v15, v0;
	v11 =	vsel vm7, $0xFF800000, v12;
	[tilespmem:$0x1FD50] =	vst v10;
	v10 =	vimm.s32 $0x0  }
0x11f: {  	v12 =	vsel vm8, $0xFF800000, v7;
	v7 =	vimm.s32 $0x0;
	v10 =	vsel vm8, $0xFFFFFFFF, v10  }
0x120: {  	v13 =	vsel vm14, $0xFF800000, v13;
	v14 =	vsel vm5, $0xFF800000, v14;
	v7 =	vsel vm14, $0xFFFFFFFF, v7;
	[tilespmem:$0x1FD70] =	vst v10  }
0x121: {  	[tilespmem:$0x1FD80] =	vst v7;
	v7 =	vmax.f32 v15, v16;
	v10 =	vmax.f32 v11, v12;
	v15 =	vmax.f32 v13, v14  }
0x122: {  	v10 =	vmax.f32 v10, v15;
	v15 =	vsel vm1, $0x3F800000, v4  }
0x123: {  	vm1 =	vnez.u8 v18;
	[tilespmem:s13+$0x4010] =	vst v15;
	v15 =	vsel vm13, $0x3F800000, v4  }
0x124: {  	vm8 =	vmmov vm1;
	vm1 =	vmmov vm0;
	[tilespmem:s13+$0x4020] =	vst v15;
	v15 =	vimm.s32 $0x0  }
0x125: {  	v15 =	vsel vm1, $0xFFFFFFFF, v15  }
0x126: {  	v17 =	vperm.xlane v10, v0;
	[tilespmem:$0x1FE30] =	vst v15;
	v15 =	vld [tilespmem:$0x1FE50];
	_ =	sdelay $0x1  }
0x127: {  	v10 =	vmax.f32 v10, v17;
	v17 =	vld [tilespmem:$0x1FE80]  }
0x128: {  	v16 =	vperm.xlane v7, v1;
	_ =	sdelay $0x1  }
0x129: {  	v7 =	vmax.f32 v7, v16;
	v16 =	vimm.s32 $0x0;
	vm0 =	vnez.u8 v15  }
0x12a: {  	v15 =	vimm.s32 $0x0;
	vm1 =	vmmov vm0;
	vm0 =	vmmov vm3  }
0x12b: {  	v15 =	vsel vm1, $0xFFFFFFFF, v15;
	v16 =	vsel vm0, $0xFFFFFFFF, v16;
	vm0 =	vnez.u8 v17  }
0x12c: {  	v17 =	vimm.s32 $0x0;
	[tilespmem:$0x1FE40] =	vst v15;
	v15 =	vperm.xlane v7, v2;
	vm1 =	vmmov vm0  }
0x12d: {  	v17 =	vsel vm1, $0xFFFFFFFF, v17  }
0x12e: {  	vm0 =	vmmov vm2;
	[tilespmem:$0x1FE60] =	vst v17;
	v17 =	vimm.s32 $0x0;
	v7 =	vmax.f32 v7, v15  }
0x12f: {  	v15 =	vimm.s32 $0x0;
	v17 =	vsel vm0, $0xFFFFFFFF, v17;
	vm0 =	vmmov vm10  }
0x130: {  	[tilespmem:$0x1FE80] =	vst v17;
	v15 =	vsel vm0, $0xFFFFFFFF, v15  }
0x131: {  	vm0 =	vmmov vm11;
	v17 =	vld [tilespmem:$0x1FF00];
	[tilespmem:$0x1FEA0] =	vst v15;
	v15 =	vimm.s32 $0x0  }
0x132: {  	[tilespmem:$0x1FE50] =	vst v16;
	v16 =	vperm.xlane v10, v1;
	v15 =	vsel vm0, $0xFFFFFFFF, v15  }
0x133: {  	[tilespmem:$0x1FEC0] =	vst v15;
	v15 =	vperm.xlane v7, v3  }
0x134: {  	v10 =	vmax.f32 v10, v16  }
0x135: {  	v16 =	vimm.s32 $0x0;
	vm0 =	vmmov vm9;
	v7 =	vmax.f32 v7, v15;
	v15 =	vld [tilespmem:$0x1FF20]  }
0x136: {  	v16 =	vsel vm0, $0xFFFFFFFF, v16;
	vm0 =	vnez.u8 v17  }
0x137: {  	v17 =	vimm.s32 $0x0;
	vm1 =	vmmov vm0  }
0x138: {  	v17 =	vsel vm1, $0xFFFFFFFF, v17  }
0x139: {  	vm0 =	vmmov vm6;
	[tilespmem:$0x1FD10] =	vst v17;
	v17 =	vimm.s32 $0x0  }
0x13a: {  	v17 =	vsel vm0, $0xFFFFFFFF, v17;
	vm0 =	vnez.u8 v15  }
0x13b: {  	v15 =	vimm.s32 $0x0;
	vm13 =	vmmov vm0;
	vm0 =	vmmov vm12  }
0x13c: {  	v15 =	vsel vm0, $0xFFFFFFFF, v15  }
0x13d: {  	[tilespmem:$0x1FF20] =	vst v15;
	v15 =	vld [tilespmem:$0x1FF40];
	_ =	sdelay $0x1  }
0x13e: {  	[tilespmem:$0x1FEE0] =	vst v16;
	v16 =	vperm.xlane v10, v2  }
0x13f: {  	v18 =	vimm.s32 $0x0  }
0x140: {  	v18 =	vsel vm8, $0xFFFFFFFF, v18;
	v10 =	vmax.f32 v10, v16  }
0x141: {  	vm6 =	veq.f32 v5, v7;
	vm0 =	vnez.u8 v15;
	v15 =	vperm.xlane v10, v3  }
0x142: {  	vm14 =	veq.f32 v6, v7;
	vm5 =	veq.f32 v9, v7;
	v16 =	vsel vm6, $0xFF800000, v5  }
0x143: {  	[tilespmem:$0x1FF00] =	vst v17;
	v17 =	vsel vm14, $0xFF800000, v6;
	v6 =	vimm.s32 $0x0;
	v5 =	vmax.f32 v10, v15  }
0x144: {  	vm7 =	vmmov vm0;
	vm0 =	veq.f32 v8, v7;
	vm1 =	veq.f32 v11, v5  }
0x145: {  	vm8 =	veq.f32 v12, v5;
	vm3 =	veq.f32 v14, v5;
	v6 =	vsel vm1, $0xFFFFFFFF, v6  }
0x146: {  	v7 =	vsel vm1, $0xFF800000, v11;
	vm1 =	veq.f32 v13, v5;
	v5 =	vimm.s32 $0x0  }
0x147: {  	[tilespmem:$0x1FE10] =	vst v18;
	v5 =	vsel vm8, $0xFFFFFFFF, v5  }
0x148: {  	v21 =	vld [tilespmem:$0x1FF50];
	v19 =	vsel vm5, $0xFF800000, v9;
	v18 =	vsel vm0, $0xFF800000, v8;
	[tilespmem:$0x1FDB0] =	vst v5;
	v5 =	vimm.s32 $0x0  }
0x149: {  	v8 =	vmax.f32 v16, v17;
	[tilespmem:$0x1FDA0] =	vst v6;
	v6 =	vsel vm8, $0xFF800000, v12;
	v5 =	vsel vm1, $0xFFFFFFFF, v5  }
0x14a: {  	v15 =	vmax.f32 v7, v6;
	[tilespmem:$0x1FDC0] =	vst v5;
	v5 =	vsel vm1, $0xFF800000, v13;
	v13 =	vsel vm3, $0xFF800000, v14  }
0x14b: {  	v14 =	vmax.f32 v18, v19;
	vm1 =	vmmov vm4;
	v20 =	vmax.f32 v5, v13  }
0x14c: {  	v8 =	vmax.f32 v8, v14;
	v14 =	vmax.f32 v15, v20;
	v15 =	vimm.s32 $0x0  }
0x14d: {  	v15 =	vsel vm1, $0xFFFFFFFF, v15;
	vm1 =	vnez.u8 v21  }
0x14e: {  	s13 =	smov.u32 s14;
	s14 =	smov.u32 s15;
	s15 =	sshra.s32 s16, $0x2;
	v21 =	vimm.s32 $0x0;
	vm11 =	vmmov vm1;
	vm1 =	vmmov vm6  }
0x14f: {  	v9 =	vld [tilespmem:s15+$0x0];
	v21 =	vsel vm1, $0xFFFFFFFF, v21  }
0x150: {  	[tilespmem:$0x1FF50] =	vst v21;
	v21 =	vld [tilespmem:$0x1FF60]  }
0x151: {  	v10 =	vld [tilespmem:s15+$0x10]  }
0x152: {  	v11 =	vld [tilespmem:s15+$0x20]  }
0x153: {  	v12 =	vld [tilespmem:s15+$0x30];
	_ =	sdelay $0x1  }
0x154: {  	[tilespmem:$0x1FF40] =	vst v15;
	v15 =	vperm.xlane v8, v0;
	vm1 =	vnez.u8 v21  }
0x155: {  	v21 =	vimm.s32 $0x0;
	vm15 =	vmmov vm1;
	vm1 =	vmmov vm14  }
0x156: {  	v21 =	vsel vm1, $0xFFFFFFFF, v21  }
0x157: {  	v8 =	vmax.f32 v8, v15;
	v15 =	vmax.f32 v11, v12;
	[tilespmem:$0x1FF60] =	vst v21;
	v21 =	vmax.f32 v9, v10  }
0x158: {  	v15 =	vmax.f32 v21, v15;
	v21 =	vld [tilespmem:$0x1FF80];
	_ =	sdelay $0x4  }
0x159: {  	vm1 =	vnez.u8 v21  }
0x15a: {  	v21 =	vimm.s32 $0x0;
	vm4 =	vmmov vm1  }
0x15b: {  	v21 =	vsel vm4, $0xFFFFFFFF, v21  }
0x15c: {  	vm1 =	vmmov vm0;
	[tilespmem:$0x1FF70] =	vst v21;
	v21 =	vimm.s32 $0x0  }
0x15d: {  	v21 =	vsel vm1, $0xFFFFFFFF, v21  }
0x15e: {  	[tilespmem:$0x1FF80] =	vst v21;
	v21 =	vperm.xlane v15, v0  }
0x15f: {  	v23 =	vld [tilespmem:$0x1FF90];
	v20 =	vperm.xlane v14, v0  }
0x160: {  	v15 =	vmax.f32 v15, v21;
	v21 =	vld [tilespmem:$0x1FFA0]  }
0x161: {  	v14 =	vmax.f32 v14, v20  }
0x162: {  	v22 =	vperm.xlane v14, v1  }
0x163: {  	v20 =	vperm.xlane v8, v1  }
0x164: {  	v14 =	vmax.f32 v14, v22;
	vm0 =	vnez.u8 v23  }
0x165: {  	v8 =	vmax.f32 v8, v20;
	vm2 =	vmmov vm0;
	vm0 =	vnez.u8 v21;
	v21 =	vld [tilespmem:$0x1FFB0]  }
0x166: {  	v22 =	vperm.xlane v14, v2;
	v20 =	vperm.xlane v8, v2;
	_ =	sdelay $0x1  }
0x167: {  	v14 =	vmax.f32 v14, v22;
	v8 =	vmax.f32 v8, v20  }
0x168: {  	v22 =	vperm.xlane v14, v3;
	v20 =	vperm.xlane v8, v3  }
0x169: {  	vm6 =	vmmov vm0;
	vm0 =	vnez.u8 v21;
	v21 =	vperm.xlane v15, v1;
	_ =	sdelay $0x1  }
0x16a: {  	v21 =	vmax.f32 v15, v21;
	v15 =	vmax.f32 v8, v20;
	v8 =	vmax.f32 v14, v22  }
0x16b: {  	vm8 =	veq.f32 v13, v8;
	v13 =	vld [tilespmem:$0x1FD00];
	_ =	sdelay $0x2  }
0x16c: {  	v23 =	vld [tilespmem:$0x1FFC0]  }
0x16d: {  	v14 =	vld [tilespmem:$0x1FD10]  }
0x16e: {  	vm10 =	veq.f32 v16, v15;
	vm14 =	vnez.u8 v13;
	v13 =	vimm.s32 $0x0  }
0x16f: {  	v13 =	vsel vm10, $0xFFFFFFFF, v13  }
0x170: {  	vm9 =	veq.f32 v17, v15;
	[tilespmem:$0x1FF90] =	vst v13;
	v13 =	vimm.s32 $0x0  }
0x171: {  	vm1 =	vnez.u8 v23;
	v13 =	vsel vm9, $0xFFFFFFFF, v13  }
0x172: {  	[tilespmem:$0x1FFA0] =	vst v13;
	v13 =	vsel vm9, $0xFF800000, v17;
	vm9 =	vmmov vm13;
	vm13 =	vnez.u8 v14;
	v14 =	vld [tilespmem:$0x1FD20]  }
0x173: {  	vm4 =	vmmov vm0;
	vm0 =	vmmov vm1  }
0x174: {  	vm1 =	veq.f32 v18, v15;
	vm12 =	veq.f32 v19, v15;
	v15 =	vimm.s32 $0x0  }
0x175: {  	v15 =	vsel vm12, $0xFFFFFFFF, v15;
	v17 =	vld [tilespmem:$0x1FD30]  }
0x176: {  	vm8 =	vmor vm14, vm8;
	vm14 =	vmmov vm6;
	vm6 =	vmmov vm2  }
0x177: {  	vm2 =	vmmov vm5;
	vm5 =	vnez.u8 v14;
	v14 =	vimm.s32 $0x0  }
0x178: {  	v23 =	vperm.xlane v21, v2;
	[tilespmem:$0x1FFC0] =	vst v15;
	v14 =	vsel vm1, $0xFFFFFFFF, v14  }
0x179: {  	v16 =	vsel vm10, $0xFF800000, v16;
	v15 =	vsel vm12, $0xFF800000, v19;
	[tilespmem:$0x1FFB0] =	vst v14;
	v14 =	vsel vm1, $0xFF800000, v18  }
0x17a: {  	vm1 =	vnez.u8 v17;
	v17 =	vmax.f32 v16, v13;
	v18 =	vmax.f32 v14, v15  }
0x17b: {  	v17 =	vmax.f32 v17, v18;
	v18 =	vld [tilespmem:$0x1FD40]  }
0x17c: {  	v19 =	vmax.f32 v21, v23;
	v21 =	vld [tilespmem:$0x1FD50]  }
0x17d: {  	p0 =	sne.s32 s16, $0xFF00  }
.Ltmp0:
0x17e: {  	vm8 =	vmor vm5, vm8;
	(pc) =	sbr.rel @p0 .LBB2_2-.Ltmp0, $4  }
0x17f: {  	vm8 =	vmor vm1, vm8  }
0x180: {  	vm12 =	vmmov vm15;
	vm0 =	vmor vm0, vm8;
	vm1 =	vnez.u8 v18  }
0x181: {  	v20 =	vperm.xlane v19, v3;
	vm0 =	vmor vm1, vm0;
	vm1 =	vnez.u8 v21  }
0x182: {  	s16 =	sadd.s32 $0x100, s16;
	vm10 =	vmmov vm7;
	v18 =	vperm.xlane v17, v0;
	vm5 =	vmor vm1, vm0  }
0x183: {  	v19 =	vmax.f32 v19, v20  }
0x184: {  	v20 =	vimm.s32 $0x0;
	vm0 =	veq.f32 v9, v19  }
0x185: {  	vm7 =	veq.f32 v11, v19;
	v20 =	vsel vm0, $0xFFFFFFFF, v20  }
0x186: {  	v9 =	vsel vm0, $0xFF800000, v9;
	vm0 =	veq.f32 v10, v19;
	[tilespmem:$0x1F990] =	vst v20;
	v20 =	vimm.s32 $0x0  }
0x187: {  	vm1 =	veq.f32 v12, v19;
	v19 =	vimm.s32 $0x0;
	v20 =	vsel vm0, $0xFFFFFFFF, v20  }
0x188: {  	v11 =	vsel vm7, $0xFF800000, v11;
	v19 =	vsel vm1, $0xFFFFFFFF, v19;
	[tilespmem:$0x1F9A0] =	vst v20;
	v20 =	vimm.s32 $0x0  }
0x189: {  	v12 =	vsel vm1, $0xFF800000, v12;
	v10 =	vsel vm0, $0xFF800000, v10;
	[tilespmem:$0x1F8E0] =	vst v19;
	v20 =	vsel vm7, $0xFFFFFFFF, v20  }
0x18a: {  	v19 =	vmax.f32 v9, v10;
	[tilespmem:$0x1F9C0] =	vst v20;
	v20 =	vmax.f32 v11, v12  }
0x18b: {  	v19 =	vmax.f32 v19, v20  }
0x18c: {  	v20 =	vperm.xlane v19, v0;
	_ =	sdelay $0x1  }
0x18d: {  	v19 =	vmax.f32 v19, v20  }
0x18e: {  	v20 =	vperm.xlane v19, v1;
	_ =	sdelay $0x1  }
0x18f: {  	v19 =	vmax.f32 v19, v20  }
0x190: {  	v20 =	vperm.xlane v19, v2;
	_ =	sdelay $0x1  }
0x191: {  	v19 =	vmax.f32 v19, v20  }
0x192: {  	v20 =	vperm.xlane v19, v3;
	_ =	sdelay $0x1  }
0x193: {  	v19 =	vmax.f32 v19, v20  }
0x194: {  	v20 =	vimm.s32 $0x0;
	vm0 =	veq.f32 v9, v19  }
0x195: {  	vm1 =	veq.f32 v10, v19;
	v20 =	vsel vm0, $0xFFFFFFFF, v20  }
0x196: {  	vm7 =	veq.f32 v12, v19;
	v9 =	vsel vm0, $0xFF800000, v9;
	[tilespmem:$0x1F970] =	vst v20;
	v20 =	vimm.s32 $0x0  }
0x197: {  	vm0 =	veq.f32 v11, v19;
	v19 =	vimm.s32 $0x0;
	v20 =	vsel vm1, $0xFFFFFFFF, v20  }
0x198: {  	v10 =	vsel vm1, $0xFF800000, v10;
	v19 =	vsel vm7, $0xFFFFFFFF, v19;
	[tilespmem:$0x1F980] =	vst v20;
	v20 =	vimm.s32 $0x0  }
0x199: {  	v12 =	vsel vm7, $0xFF800000, v12;
	v11 =	vsel vm0, $0xFF800000, v11;
	[tilespmem:$0x1F8D0] =	vst v19;
	v20 =	vsel vm0, $0xFFFFFFFF, v20  }
0x19a: {  	v19 =	vmax.f32 v9, v10;
	[tilespmem:$0x1F9B0] =	vst v20;
	v20 =	vmax.f32 v11, v12  }
0x19b: {  	v19 =	vmax.f32 v19, v20  }
0x19c: {  	v20 =	vperm.xlane v19, v0;
	_ =	sdelay $0x1  }
0x19d: {  	v19 =	vmax.f32 v19, v20  }
0x19e: {  	v20 =	vperm.xlane v19, v1;
	_ =	sdelay $0x1  }
0x19f: {  	v19 =	vmax.f32 v19, v20  }
0x1a0: {  	v20 =	vperm.xlane v19, v2  }
0x1a1: {  	v17 =	vmax.f32 v17, v18  }
0x1a2: {  	v19 =	vmax.f32 v19, v20;
	v20 =	vperm.xlane v17, v1  }
0x1a3: {  	v18 =	vperm.xlane v19, v3  }
0x1a4: {  	v17 =	vmax.f32 v17, v20  }
0x1a5: {  	v20 =	vimm.s32 $0x0;
	v18 =	vmax.f32 v19, v18;
	v19 =	vimm.s32 $0x0  }
0x1a6: {  	vm0 =	veq.f32 v9, v18;
	vm1 =	veq.f32 v10, v18;
	vm7 =	veq.f32 v12, v18  }
0x1a7: {  	v19 =	vsel vm0, $0xFFFFFFFF, v19;
	v9 =	vsel vm0, $0xFF800000, v9;
	v20 =	vsel vm1, $0xFFFFFFFF, v20  }
0x1a8: {  	vm0 =	veq.f32 v11, v18;
	v18 =	vimm.s32 $0x0;
	v10 =	vsel vm1, $0xFF800000, v10;
	[tilespmem:$0x1F9D0] =	vst v19  }
0x1a9: {  	v12 =	vsel vm7, $0xFF800000, v12;
	v19 =	vperm.xlane v17, v2;
	[tilespmem:$0x1F9E0] =	vst v20;
	v20 =	vimm.s32 $0x0  }
0x1aa: {  	v18 =	vsel vm7, $0xFFFFFFFF, v18;
	v11 =	vsel vm0, $0xFF800000, v11;
	v20 =	vsel vm0, $0xFFFFFFFF, v20  }
0x1ab: {  	[tilespmem:$0x1F900] =	vst v18;
	v18 =	vmax.f32 v9, v10;
	v17 =	vmax.f32 v17, v19;
	v19 =	vmax.f32 v11, v12  }
0x1ac: {  	[tilespmem:$0x1F9F0] =	vst v20;
	v20 =	vperm.xlane v17, v3;
	v18 =	vmax.f32 v18, v19  }
0x1ad: {  	v19 =	vperm.xlane v18, v0  }
0x1ae: {  	v17 =	vmax.f32 v17, v20  }
0x1af: {  	v20 =	vimm.s32 $0x0;
	v18 =	vmax.f32 v18, v19;
	vm0 =	veq.f32 v16, v17  }
0x1b0: {  	v19 =	vimm.s32 $0x0;
	vm1 =	veq.f32 v13, v17;
	vm7 =	veq.f32 v15, v17  }
0x1b1: {  	v19 =	vsel vm0, $0xFFFFFFFF, v19;
	v16 =	vsel vm0, $0xFF800000, v16;
	v20 =	vsel vm1, $0xFFFFFFFF, v20  }
0x1b2: {  	vm0 =	veq.f32 v14, v17;
	v17 =	vimm.s32 $0x0;
	v13 =	vsel vm1, $0xFF800000, v13;
	[tilespmem:$0x1F8A0] =	vst v19  }
0x1b3: {  	v19 =	vperm.xlane v18, v1;
	[tilespmem:$0x1F8B0] =	vst v20;
	v20 =	vimm.s32 $0x0;
	v17 =	vsel vm7, $0xFFFFFFFF, v17  }
0x1b4: {  	v15 =	vsel vm7, $0xFF800000, v15;
	v14 =	vsel vm0, $0xFF800000, v14;
	v20 =	vsel vm0, $0xFFFFFFFF, v20;
	[tilespmem:$0x1F880] =	vst v17  }
0x1b5: {  	v17 =	vmax.f32 v16, v13;
	[tilespmem:$0x1F8C0] =	vst v20;
	v20 =	vmax.f32 v14, v15;
	v18 =	vmax.f32 v18, v19  }
0x1b6: {  	v17 =	vmax.f32 v17, v20;
	v19 =	vperm.xlane v18, v2  }
0x1b7: {  	v20 =	vperm.xlane v17, v0  }
0x1b8: {  	v18 =	vmax.f32 v18, v19  }
0x1b9: {  	v17 =	vmax.f32 v17, v20;
	v19 =	vperm.xlane v18, v3  }
0x1ba: {  	v20 =	vperm.xlane v17, v1  }
0x1bb: {  	v18 =	vmax.f32 v18, v19  }
0x1bc: {  	v19 =	vimm.s32 $0x0;
	v17 =	vmax.f32 v17, v20;
	vm0 =	veq.f32 v9, v18  }
0x1bd: {  	v20 =	vimm.s32 $0x0;
	vm1 =	veq.f32 v11, v18;
	vm7 =	veq.f32 v12, v18  }
0x1be: {  	v19 =	vsel vm0, $0xFFFFFFFF, v19;
	v9 =	vsel vm0, $0xFF800000, v9;
	vm0 =	veq.f32 v10, v18  }
0x1bf: {  	v18 =	vimm.s32 $0x0;
	v11 =	vsel vm1, $0xFF800000, v11;
	[tilespmem:$0x1FA30] =	vst v19;
	v20 =	vsel vm0, $0xFFFFFFFF, v20  }
0x1c0: {  	v19 =	vperm.xlane v17, v2;
	v18 =	vsel vm7, $0xFFFFFFFF, v18;
	v10 =	vsel vm0, $0xFF800000, v10;
	[tilespmem:$0x1FA40] =	vst v20  }
0x1c1: {  	v12 =	vsel vm7, $0xFF800000, v12;
	v20 =	vimm.s32 $0x0;
	[tilespmem:$0x1F920] =	vst v18;
	v18 =	vmax.f32 v9, v10  }
0x1c2: {  	v20 =	vsel vm1, $0xFFFFFFFF, v20;
	v17 =	vmax.f32 v17, v19;
	v19 =	vmax.f32 v11, v12  }
0x1c3: {  	[tilespmem:$0x1FA50] =	vst v20;
	v20 =	vperm.xlane v17, v3;
	v18 =	vmax.f32 v18, v19  }
0x1c4: {  	v19 =	vperm.xlane v18, v0  }
0x1c5: {  	v17 =	vmax.f32 v17, v20  }
0x1c6: {  	v18 =	vmax.f32 v18, v19;
	vm0 =	veq.f32 v16, v17;
	v19 =	vimm.s32 $0x0  }
0x1c7: {  	v20 =	vimm.s32 $0x0;
	vm1 =	veq.f32 v15, v17;
	v19 =	vsel vm0, $0xFFFFFFFF, v19  }
0x1c8: {  	v16 =	vsel vm0, $0xFF800000, v16;
	vm0 =	veq.f32 v13, v17;
	v15 =	vsel vm1, $0xFF800000, v15  }
0x1c9: {  	[tilespmem:$0x1F8F0] =	vst v19;
	v19 =	vperm.xlane v18, v1;
	v20 =	vsel vm0, $0xFFFFFFFF, v20;
	v13 =	vsel vm0, $0xFF800000, v13  }
0x1ca: {  	vm0 =	veq.f32 v14, v17;
	v17 =	vimm.s32 $0x0;
	[tilespmem:$0x1F910] =	vst v20;
	v20 =	vimm.s32 $0x0  }
0x1cb: {  	v17 =	vsel vm1, $0xFFFFFFFF, v17;
	v14 =	vsel vm0, $0xFF800000, v14;
	v20 =	vsel vm0, $0xFFFFFFFF, v20  }
0x1cc: {  	[tilespmem:$0x1F890] =	vst v17;
	v17 =	vmax.f32 v18, v19;
	v18 =	vmax.f32 v16, v13;
	v19 =	vmax.f32 v14, v15  }
0x1cd: {  	[tilespmem:$0x1F930] =	vst v20;
	v20 =	vperm.xlane v17, v2;
	v18 =	vmax.f32 v18, v19  }
0x1ce: {  	v19 =	vperm.xlane v18, v0  }
0x1cf: {  	v17 =	vmax.f32 v17, v20  }
0x1d0: {  	v20 =	vperm.xlane v17, v3;
	v18 =	vmax.f32 v18, v19  }
0x1d1: {  	v19 =	vperm.xlane v18, v1  }
0x1d2: {  	v17 =	vmax.f32 v17, v20  }
0x1d3: {  	v20 =	vimm.s32 $0x0;
	vm0 =	veq.f32 v9, v17;
	v18 =	vmax.f32 v18, v19  }
0x1d4: {  	vm1 =	veq.f32 v10, v17;
	v19 =	vimm.s32 $0x0;
	vm7 =	veq.f32 v12, v17  }
0x1d5: {  	v20 =	vsel vm0, $0xFFFFFFFF, v20;
	v9 =	vsel vm0, $0xFF800000, v9;
	v19 =	vsel vm1, $0xFFFFFFFF, v19  }
0x1d6: {  	vm0 =	veq.f32 v11, v17;
	v17 =	vimm.s32 $0x0;
	v10 =	vsel vm1, $0xFF800000, v10;
	[tilespmem:$0x1FA00] =	vst v20  }
0x1d7: {  	v12 =	vsel vm7, $0xFF800000, v12;
	[tilespmem:$0x1FA10] =	vst v19;
	v19 =	vimm.s32 $0x0;
	v17 =	vsel vm7, $0xFFFFFFFF, v17  }
0x1d8: {  	v11 =	vsel vm0, $0xFF800000, v11;
	v19 =	vsel vm0, $0xFFFFFFFF, v19;
	[tilespmem:$0x1F960] =	vst v17;
	v17 =	vperm.xlane v18, v2  }
0x1d9: {  	v20 =	vmax.f32 v11, v12;
	[tilespmem:$0x1FA20] =	vst v19;
	v19 =	vmax.f32 v9, v10  }
0x1da: {  	v19 =	vmax.f32 v19, v20;
	v17 =	vmax.f32 v18, v17  }
0x1db: {  	v18 =	vperm.xlane v19, v0;
	v20 =	vperm.xlane v17, v3;
	_ =	sdelay $0x1  }
0x1dc: {  	vm0 =	veq.f32 v7, v8;
	v18 =	vmax.f32 v19, v18;
	v17 =	vmax.f32 v17, v20  }
0x1dd: {  	v7 =	vimm.s32 $0x0;
	v19 =	vperm.xlane v18, v1;
	vm1 =	veq.f32 v16, v17  }
0x1de: {  	v7 =	vsel vm1, $0xFFFFFFFF, v7  }
0x1df: {  	[tilespmem:$0x1F940] =	vst v7;
	v7 =	vsel vm1, $0xFF800000, v16;
	v16 =	vmax.f32 v18, v19  }
0x1e0: {  	v18 =	vperm.xlane v16, v2  }
0x1e1: {  	vm8 =	vmor vm13, vm0;
	vm0 =	veq.f32 v14, v17;
	v19 =	vimm.s32 $0x0  }
0x1e2: {  	v19 =	vsel vm0, $0xFFFFFFFF, v19;
	v16 =	vmax.f32 v16, v18  }
0x1e3: {  	[tilespmem:$0x1F950] =	vst v19;
	v19 =	vperm.xlane v16, v3  }
0x1e4: {  	vm7 =	vmor vm3, vm5;
	vm5 =	veq.f32 v6, v8  }
0x1e5: {  	vm5 =	vmor vm9, vm5;
	vm9 =	veq.f32 v5, v8;
	v8 =	vmax.f32 v16, v19;
	v16 =	vld [tilespmem:$0x1FE10];
	_ =	sdelay $0x4  }
0x1e6: {  	v14 =	vsel vm0, $0xFF800000, v14;
	vm0 =	vnez.u8 v16;
	v16 =	vld [tilespmem:$0x1FE40];
	_ =	sdelay $0x1  }
0x1e7: {  	vm13 =	veq.f32 v13, v17  }
0x1e8: {  	vm3 =	veq.f32 v15, v17;
	v13 =	vsel vm13, $0xFF800000, v13  }
0x1e9: {  	v15 =	vsel vm3, $0xFF800000, v15;
	v17 =	vmax.f32 v7, v13  }
0x1ea: {  	v18 =	vmax.f32 v14, v15;
	vm8 =	vmor vm0, vm8;
	vm0 =	vnez.u8 v16;
	v16 =	vld [tilespmem:$0x1FE60]  }
0x1eb: {  	v6 =	vmax.f32 v17, v18  }
0x1ec: {  	v5 =	vperm.xlane v6, v0  }
0x1ed: {  	vm10 =	vmor vm10, vm9  }
0x1ee: {  	vm9 =	veq.f32 v9, v8;
	v5 =	vmax.f32 v6, v5;
	vm1 =	veq.f32 v10, v8  }
0x1ef: {  	vm15 =	veq.f32 v11, v8;
	vm5 =	vmor vm0, vm5;
	vm0 =	vnez.u8 v16  }
0x1f0: {  	v6 =	vsel vm9, $0xFF800000, v9;
	vm0 =	vmor vm0, vm10;
	vm10 =	veq.f32 v12, v8  }
0x1f1: {  	v9 =	vsel vm15, $0xFF800000, v11;
	v8 =	vsel vm1, $0xFF800000, v10;
	v10 =	vsel vm10, $0xFF800000, v12  }
0x1f2: {  	v12 =	vmax.f32 v6, v8;
	v16 =	vmax.f32 v9, v10  }
0x1f3: {  	v12 =	vmax.f32 v12, v16;
	v16 =	vld [tilespmem:$0x1FF70];
	_ =	sdelay $0x3  }
0x1f4: {  	vm8 =	vmor vm11, vm8  }
0x1f5: {  	vm6 =	vmor vm6, vm8;
	vm8 =	vnez.u8 v16;
	v16 =	vld [tilespmem:$0x1FEA0];
	_ =	sdelay $0x1  }
0x1f6: {  	v11 =	vperm.xlane v5, v1;
	_ =	sdelay $0x1  }
0x1f7: {  	v5 =	vmax.f32 v5, v11;
	v11 =	vperm.xlane v12, v0  }
0x1f8: {  	vm0 =	vmor vm8, vm0;
	vm8 =	vnez.u8 v16;
	v16 =	vperm.xlane v5, v2  }
0x1f9: {  	v11 =	vmax.f32 v12, v11;
	v12 =	vld [tilespmem:$0x1FEC0]  }
0x1fa: {  	v5 =	vmax.f32 v5, v16;
	v16 =	vld [tilespmem:$0x1FEE0];
	_ =	sdelay $0x2  }
0x1fb: {  	vm5 =	vmor vm12, vm5  }
0x1fc: {  	vm5 =	vmor vm14, vm5;
	vm0 =	vmor vm4, vm0;
	vm4 =	vnez.u8 v12  }
0x1fd: {  	vm4 =	vmor vm4, vm5;
	vm5 =	vnez.u8 v16;
	v16 =	vld [tilespmem:$0x1FD60]  }
0x1fe: {  	v17 =	vld [tilespmem:$0x1FD70];
	_ =	sdelay $0x2  }
0x1ff: {  	v12 =	vperm.xlane v11, v1  }
0x200: {  	vm6 =	vmor vm8, vm6;
	vm0 =	vmor vm5, vm0;
	vm5 =	vnez.u8 v16  }
0x201: {  	vm5 =	vmor vm5, vm6;
	vm6 =	vnez.u8 v17;
	v17 =	vld [tilespmem:$0x1FD80]  }
0x202: {  	v11 =	vmax.f32 v11, v12;
	v12 =	vld [tilespmem:$0x1FDA0];
	_ =	sdelay $0x3  }
0x203: {  	vm4 =	vmor vm6, vm4;
	vm6 =	vnez.u8 v17  }
0x204: {  	v17 =	vld [tilespmem:$0x1FDD0];
	vm0 =	vmor vm6, vm0;
	vm6 =	vnez.u8 v12;
	v12 =	vperm.xlane v11, v2  }
0x205: {  	v16 =	vperm.xlane v5, v3  }
0x206: {  	v11 =	vmax.f32 v11, v12;
	v12 =	vld [tilespmem:$0x1FD90]  }
0x207: {  	v5 =	vmax.f32 v5, v16  }
0x208: {  	v16 =	vsel vm7, $0x3F800000, v4;
	vm7 =	veq.f32 v15, v5;
	v15 =	vld [tilespmem:$0x1FDB0]  }
0x209: {  	vm5 =	vmor vm6, vm5;
	vm6 =	vnez.u8 v17  }
0x20a: {  	vm6 =	vmmov vm6  }
0x20b: {  	vm6 =	vmor vm6, vm7;
	vm7 =	vnez.u8 v12  }
0x20c: {  	vm7 =	vmmov vm7  }
0x20d: {  	vm6 =	vmor vm7, vm6;
	vm7 =	vnez.u8 v15;
	v15 =	vld [tilespmem:$0x1FFC0];
	_ =	sdelay $0x3  }
0x20e: {  	vm2 =	vmmov vm2  }
0x20f: {  	vm2 =	vmor vm2, vm6;
	vm6 =	vnez.u8 v15;
	v15 =	vld [tilespmem:$0x1FDC0];
	_ =	sdelay $0x4  }
0x210: {  	v12 =	vperm.xlane v11, v3;
	vm4 =	vmor vm7, vm4;
	vm7 =	vnez.u8 v15;
	v15 =	vld [tilespmem:$0x1F880]  }
0x211: {  	v17 =	vld [tilespmem:$0x1F890]  }
0x212: {  	v11 =	vmax.f32 v11, v12;
	vm6 =	vmmov vm6  }
0x213: {  	vm2 =	vmor vm6, vm2;
	vm6 =	veq.f32 v8, v11  }
0x214: {  	v12 =	vsel vm5, $0x3F800000, v4;
	v8 =	vsel vm6, $0xFF800000, v8  }
0x215: {  	vm0 =	vmor vm7, vm0;
	vm7 =	veq.f32 v10, v11;
	vm5 =	vnez.u8 v15  }
0x216: {  	v15 =	vsel vm4, $0x3F800000, v4;
	vm4 =	vnez.u8 v17;
	vm5 =	vmor vm5, vm2  }
0x217: {  	vm2 =	veq.f32 v6, v11;
	vm5 =	vmor vm4, vm5;
	vm4 =	veq.f32 v9, v11  }
0x218: {  	v10 =	vsel vm7, $0xFF800000, v10;
	v6 =	vsel vm2, $0xFF800000, v6;
	v9 =	vsel vm4, $0xFF800000, v9  }
0x219: {  	v11 =	vmax.f32 v6, v8;
	v17 =	vmax.f32 v9, v10  }
0x21a: {  	v11 =	vmax.f32 v11, v17;
	v17 =	vld [tilespmem:$0x1FF00];
	_ =	sdelay $0x4  }
0x21b: {  	v18 =	vsel vm0, $0x3F800000, v4;
	vm0 =	vnez.u8 v17;
	v17 =	vld [tilespmem:$0x1FF20];
	_ =	sdelay $0x3  }
0x21c: {  	vm8 =	veq.f32 v7, v5  }
0x21d: {  	vm3 =	vmor vm3, vm5;
	v7 =	vperm.xlane v11, v0;
	vm5 =	vnez.u8 v17;
	v17 =	vld [tilespmem:$0x1FF40]  }
0x21e: {  	vm11 =	veq.f32 v13, v5;
	vm0 =	vmmov vm0  }
0x21f: {  	vm0 =	vmor vm0, vm8;
	vm8 =	veq.f32 v14, v5;
	v5 =	vmax.f32 v11, v7;
	v7 =	vld [tilespmem:$0x1FE30];
	_ =	sdelay $0x2  }
0x220: {  	v13 =	vsel vm3, $0x3F800000, v4;
	vm3 =	vnez.u8 v17  }
0x221: {  	vm3 =	vmmov vm3  }
0x222: {  	vm3 =	vmor vm3, vm8;
	vm8 =	vnez.u8 v7;
	v7 =	vld [tilespmem:$0x1FE50];
	_ =	sdelay $0x2  }
0x223: {  	v11 =	vld [tilespmem:$0x1FE80]  }
0x224: {  	vm8 =	vmmov vm8  }
0x225: {  	vm0 =	vmor vm8, vm0;
	vm8 =	vnez.u8 v7;
	v7 =	vperm.xlane v5, v1  }
0x226: {  	vm5 =	vmmov vm5  }
0x227: {  	vm5 =	vmor vm5, vm11;
	vm8 =	vmmov vm8;
	v5 =	vmax.f32 v5, v7;
	v7 =	vld [tilespmem:$0x1FF60]  }
0x228: {  	vm5 =	vmor vm8, vm5;
	vm8 =	vnez.u8 v11;
	v11 =	vld [tilespmem:$0x1FF50];
	_ =	sdelay $0x2  }
0x229: {  	vm8 =	vmmov vm8  }
0x22a: {  	vm3 =	vmor vm8, vm3;
	vm8 =	vnez.u8 v7;
	v7 =	vld [tilespmem:$0x1FF80]  }
0x22b: {  	vm11 =	vnez.u8 v11;
	v11 =	vld [tilespmem:$0x1FF90];
	_ =	sdelay $0x2  }
0x22c: {  	vm11 =	vmmov vm11;
	vm8 =	vmmov vm8  }
0x22d: {  	vm0 =	vmor vm11, vm0;
	vm5 =	vmor vm8, vm5  }
0x22e: {  	vm11 =	vnez.u8 v7;
	v7 =	vperm.xlane v5, v2;
	vm8 =	vnez.u8 v11;
	v11 =	vld [tilespmem:$0x1F8A0];
	_ =	sdelay $0x1  }
0x22f: {  	v5 =	vmax.f32 v5, v7;
	v7 =	vld [tilespmem:$0x1FFA0];
	_ =	sdelay $0x1  }
0x230: {  	vm8 =	vmmov vm8  }
0x231: {  	vm0 =	vmor vm8, vm0;
	vm8 =	vnez.u8 v11  }
0x232: {  	vm8 =	vmmov vm8  }
0x233: {  	v11 =	vld [tilespmem:$0x1F8B0];
	vm0 =	vmor vm8, vm0;
	vm8 =	vnez.u8 v7;
	v7 =	vperm.xlane v5, v3;
	_ =	sdelay $0x1  }
0x234: {  	v5 =	vmax.f32 v5, v7;
	v7 =	vld [tilespmem:$0x1F8C0];
	_ =	sdelay $0x1  }
0x235: {  	vm8 =	vmmov vm8  }
0x236: {  	vm5 =	vmor vm8, vm5;
	vm8 =	vnez.u8 v11;
	v11 =	vld [tilespmem:$0x1FFB0]  }
0x237: {  	vm8 =	vmmov vm8  }
0x238: {  	vm5 =	vmor vm8, vm5;
	vm8 =	vnez.u8 v7;
	v7 =	vld [tilespmem:$0x1F8D0];
	_ =	sdelay $0x1  }
0x239: {  	vm11 =	vmmov vm11  }
0x23a: {  	vm3 =	vmor vm11, vm3;
	vm11 =	vnez.u8 v11  }
0x23b: {  	vm11 =	vmmov vm11  }
0x23c: {  	vm3 =	vmor vm11, vm3;
	vm11 =	vnez.u8 v7;
	v7 =	vld [tilespmem:$0x1F8E0];
	_ =	sdelay $0x3  }
0x23d: {  	vm12 =	veq.f32 v10, v5;
	vm8 =	vmmov vm8;
	vm11 =	vmmov vm11  }
0x23e: {  	vm3 =	vmor vm8, vm3;
	vm8 =	vmor vm11, vm12;
	vm11 =	vnez.u8 v7;
	v7 =	vld [tilespmem:$0x1F8F0];
	_ =	sdelay $0x4  }
0x23f: {  	vm12 =	vnez.u8 v7;
	v7 =	vld [tilespmem:$0x1F900];
	_ =	sdelay $0x3  }
0x240: {  	vm11 =	vmmov vm11  }
0x241: {  	vm8 =	vmor vm11, vm8;
	vm11 =	vnez.u8 v7;
	v7 =	vld [tilespmem:$0x1F910];
	_ =	sdelay $0x4  }
0x242: {  	vm0 =	vmor vm12, vm0;
	vm12 =	vnez.u8 v7;
	v7 =	vld [tilespmem:$0x1F920];
	_ =	sdelay $0x3  }
0x243: {  	vm11 =	vmmov vm11  }
0x244: {  	vm8 =	vmor vm11, vm8;
	vm11 =	vnez.u8 v7;
	v7 =	vld [tilespmem:$0x1F930];
	_ =	sdelay $0x4  }
0x245: {  	vm5 =	vmor vm12, vm5;
	vm12 =	vnez.u8 v7;
	v7 =	vld [tilespmem:$0x1F940];
	_ =	sdelay $0x4  }
0x246: {  	vm3 =	vmor vm12, vm3;
	vm12 =	vnez.u8 v7;
	v7 =	vld [tilespmem:$0x1F950];
	_ =	sdelay $0x3  }
0x247: {  	vm11 =	vmmov vm11  }
0x248: {  	vm8 =	vmor vm11, vm8;
	vm11 =	vnez.u8 v7;
	v7 =	vld [tilespmem:$0x1F960]  }
0x249: {  	v14 =	vld [tilespmem:$0x1F970];
	_ =	sdelay $0x1  }
0x24a: {  	vm5 =	vmor vm13, vm5  }
0x24b: {  	v10 =	vsel vm5, $0x3F800000, v4;
	vm5 =	veq.f32 v6, v5  }
0x24c: {  	v6 =	vld [tilespmem:$0x1F990];
	vm0 =	vmor vm12, vm0;
	vm3 =	vmor vm11, vm3;
	vm11 =	vnez.u8 v7  }
0x24d: {  	v11 =	vsel vm3, $0x3F800000, v4;
	vm3 =	vnez.u8 v14;
	vm8 =	vmor vm11, vm8  }
0x24e: {  	v17 =	vld [tilespmem:$0x1F980];
	vm3 =	vmmov vm3;
	v7 =	vsel vm0, $0x3F800000, v4;
	vm0 =	vmor vm10, vm8  }
0x24f: {  	vm10 =	veq.f32 v9, v5;
	vm0 =	vmor vm7, vm0;
	vm7 =	veq.f32 v8, v5;
	v5 =	vld [tilespmem:$0x1F9C0]  }
0x250: {  	vm3 =	vmmov vm3  }
0x251: {  	vm3 =	vmor vm3, vm5;
	vm5 =	vnez.u8 v6;
	v6 =	vld [tilespmem:$0x1F9A0]  }
0x252: {  	vm5 =	vmmov vm5  }
0x253: {  	vm5 =	vmmov vm5;
	v14 =	vsel vm0, $0x3F800000, v4;
	vm0 =	vnez.u8 v17  }
0x254: {  	vm3 =	vmor vm5, vm3;
	vm0 =	vmmov vm0;
	vm5 =	vnez.u8 v5;
	v5 =	vld [tilespmem:$0x1F9D0]  }
0x255: {  	vm0 =	vmmov vm0  }
0x256: {  	vm0 =	vmor vm0, vm7;
	vm7 =	vnez.u8 v6;
	v6 =	vld [tilespmem:$0x1F9B0]  }
0x257: {  	vm7 =	vmmov vm7  }
0x258: {  	vm7 =	vmmov vm7  }
0x259: {  	vm0 =	vmor vm7, vm0;
	vm7 =	vnez.u8 v5;
	v5 =	vld [tilespmem:$0x1F9E0];
	_ =	sdelay $0x1  }
0x25a: {  	vm8 =	vnez.u8 v6  }
0x25b: {  	vm8 =	vmmov vm8  }
0x25c: {  	vm8 =	vmmov vm8  }
0x25d: {  	vm8 =	vmor vm8, vm10;
	vm10 =	vnez.u8 v5;
	v5 =	vld [tilespmem:$0x1F9F0];
	_ =	sdelay $0x2  }
0x25e: {  	vm7 =	vmmov vm7  }
0x25f: {  	vm7 =	vmmov vm7  }
0x260: {  	vm3 =	vmor vm7, vm3;
	vm7 =	vnez.u8 v5;
	v5 =	vld [tilespmem:$0x1FA00];
	_ =	sdelay $0x2  }
0x261: {  	vm5 =	vmmov vm5  }
0x262: {  	vm5 =	vmmov vm5  }
0x263: {  	vm5 =	vmor vm5, vm8;
	vm8 =	vnez.u8 v5;
	v5 =	vld [tilespmem:$0x1FA10];
	_ =	sdelay $0x2  }
0x264: {  	vm10 =	vmmov vm10  }
0x265: {  	vm10 =	vmmov vm10  }
0x266: {  	vm0 =	vmor vm10, vm0;
	vm10 =	vnez.u8 v5;
	v5 =	vld [tilespmem:$0x1FA20];
	_ =	sdelay $0x4  }
0x267: {  	vm11 =	vnez.u8 v5;
	v5 =	vld [tilespmem:$0x1FA30];
	_ =	sdelay $0x4  }
0x268: {  	vm12 =	vnez.u8 v5;
	v5 =	vld [tilespmem:$0x1FA40];
	_ =	sdelay $0x4  }
0x269: {  	vm13 =	vnez.u8 v5;
	v5 =	vld [tilespmem:$0x1FA50]  }
0x26a: {  	[tilespmem:s13+$0x4030] =	vst v16;
	vm7 =	vmmov vm7  }
0x26b: {  	[tilespmem:s13+$0x4000] =	vst v12;
	vm7 =	vmmov vm7  }
0x26c: {  	[tilespmem:s13+$0x4020] =	vst v18;
	vm5 =	vmor vm7, vm5;
	vm8 =	vmmov vm8  }
0x26d: {  	[tilespmem:s13+$0x4010] =	vst v15;
	vm10 =	vmmov vm10;
	vm11 =	vmmov vm11;
	vm12 =	vmmov vm12  }
0x26e: {  	[tilespmem:s14+$0x4030] =	vst v13;
	vm3 =	vmor vm12, vm3;
	vm13 =	vmmov vm13;
	vm14 =	vnez.u8 v5  }
0x26f: {  	[tilespmem:s14+$0x4010] =	vst v10;
	vm3 =	vmor vm8, vm3;
	vm0 =	vmor vm13, vm0;
	vm14 =	vmmov vm14  }
0x270: {  	[tilespmem:s14+$0x4020] =	vst v11;
	vm3 =	vmor vm9, vm3;
	vm0 =	vmor vm10, vm0;
	vm5 =	vmor vm14, vm5  }
0x271: {  	[tilespmem:s14+$0x4000] =	vst v7;
	vm0 =	vmor vm1, vm0;
	vm1 =	vmor vm2, vm3;
	vm5 =	vmor vm11, vm5  }
0x272: {  	[tilespmem:s15+$0x4030] =	vst v14;
	vm0 =	vmor vm6, vm0;
	v5 =	vsel vm1, $0x3F800000, v4;
	vm2 =	vmor vm15, vm5  }
0x273: {  	[tilespmem:s15+$0x4000] =	vst v5;
	v5 =	vsel vm0, $0x3F800000, v4;
	vm1 =	vmor vm4, vm2  }
0x274: {  	[tilespmem:s15+$0x4010] =	vst v5;
	v5 =	vsel vm1, $0x3F800000, v4  }
0x275: {  	s31 =	simm.s32 $0x0;
	[tilespmem:s15+$0x4020] =	vst v5  }
0x276: {  	[hbm4b:s4+s31] =	stream.linear.scatter [tilespmem:s11], [sflag:$0x1], $0x4000, $0x38;
	[tilespmem:$0x8000] =	vst v63  }
0x277: {  	_ =	swait.ge [sflag:s10], $0x4000  }
0x278: {  	[sflag:s10] =	ssyncset.done $0x0  }
0x279: {  	[sflag:s10] =	ssyncadd.s32 $0xFFFFC000  }
0x27a: {  	[tilespmem:s31], [sflag:$0x1] =	stream.linear.gather [hbm4b:s5+s31], $0x4000, $0x38;
	[tilespmem:$0x8000] =	vst v63  }
0x27b: {  	_ =	swait.ge [sflag:s10], $0x4000  }
0x27c: {  	[sflag:s10] =	ssyncset.done $0x0  }
0x27d: {  	s13 =	simm.s32 $0x0;
	[sflag:s10] =	ssyncadd.s32 $0xFFFFC000  }
0x27e: {  	v5 =	vld [tilespmem:s13+$0x0]  }
0x27f: {  	v6 =	vld [tilespmem:s13+$0x10]  }
0x280: {  	v7 =	vld [tilespmem:s13+$0x20]  }
0x281: {  	v8 =	vld [tilespmem:s13+$0x30];
	_ =	sdelay $0x4  }
0x282: {  	v9 =	vmax.f32 v5, v6;
	v10 =	vmax.f32 v7, v8  }
0x283: {  	v9 =	vmax.f32 v9, v10  }
0x284: {  	v10 =	vperm.xlane v9, v0;
	_ =	sdelay $0x1  }
0x285: {  	v9 =	vmax.f32 v9, v10  }
0x286: {  	v10 =	vperm.xlane v9, v1;
	_ =	sdelay $0x1  }
0x287: {  	v9 =	vmax.f32 v9, v10  }
0x288: {  	v10 =	vperm.xlane v9, v2;
	_ =	sdelay $0x1  }
0x289: {  	v9 =	vmax.f32 v9, v10  }
0x28a: {  	v10 =	vperm.xlane v9, v3;
	_ =	sdelay $0x1  }
0x28b: {  	v9 =	vmax.f32 v9, v10  }
0x28c: {  	vm10 =	veq.f32 v5, v9;
	vm8 =	veq.f32 v6, v9  }
0x28d: {  	vm9 =	veq.f32 v7, v9;
	vm15 =	veq.f32 v8, v9;
	v5 =	vsel vm10, $0xFF800000, v5  }
0x28e: {  	v6 =	vsel vm8, $0xFF800000, v6;
	v7 =	vsel vm9, $0xFF800000, v7;
	v8 =	vsel vm15, $0xFF800000, v8  }
0x28f: {  	v9 =	vmax.f32 v5, v6;
	v10 =	vmax.f32 v7, v8  }
0x290: {  	v9 =	vmax.f32 v9, v10  }
0x291: {  	v10 =	vperm.xlane v9, v0;
	_ =	sdelay $0x1  }
0x292: {  	v9 =	vmax.f32 v9, v10  }
0x293: {  	v10 =	vperm.xlane v9, v1;
	_ =	sdelay $0x1  }
0x294: {  	v9 =	vmax.f32 v9, v10  }
0x295: {  	v10 =	vperm.xlane v9, v2;
	_ =	sdelay $0x1  }
0x296: {  	v9 =	vmax.f32 v9, v10  }
0x297: {  	v10 =	vperm.xlane v9, v3;
	_ =	sdelay $0x1  }
0x298: {  	v9 =	vmax.f32 v9, v10  }
0x299: {  	vm14 =	veq.f32 v5, v9;
	vm11 =	veq.f32 v6, v9  }
0x29a: {  	vm12 =	veq.f32 v7, v9;
	vm4 =	veq.f32 v8, v9;
	v5 =	vsel vm14, $0xFF800000, v5  }
0x29b: {  	v6 =	vsel vm11, $0xFF800000, v6;
	v7 =	vsel vm12, $0xFF800000, v7;
	v8 =	vsel vm4, $0xFF800000, v8  }
0x29c: {  	v9 =	vmax.f32 v5, v6;
	v10 =	vmax.f32 v7, v8  }
0x29d: {  	v9 =	vmax.f32 v9, v10  }
0x29e: {  	v10 =	vperm.xlane v9, v0;
	_ =	sdelay $0x1  }
0x29f: {  	v9 =	vmax.f32 v9, v10  }
0x2a0: {  	v10 =	vperm.xlane v9, v1;
	_ =	sdelay $0x1  }
0x2a1: {  	v9 =	vmax.f32 v9, v10  }
0x2a2: {  	v10 =	vperm.xlane v9, v2;
	_ =	sdelay $0x1  }
0x2a3: {  	v9 =	vmax.f32 v9, v10  }
0x2a4: {  	v10 =	vperm.xlane v9, v3;
	_ =	sdelay $0x1  }
0x2a5: {  	v9 =	vmax.f32 v9, v10  }
0x2a6: {  	v10 =	vimm.s32 $0x0;
	vm0 =	veq.f32 v5, v9  }
0x2a7: {  	v10 =	vsel vm0, $0xFFFFFFFF, v10  }
0x2a8: {  	vm2 =	veq.f32 v6, v9;
	[tilespmem:$0x1FAE0] =	vst v10;
	v10 =	vimm.s32 $0x0  }
0x2a9: {  	vm1 =	veq.f32 v7, v9;
	v5 =	vsel vm0, $0xFF800000, v5;
	v10 =	vsel vm2, $0xFFFFFFFF, v10  }
0x2aa: {  	vm0 =	veq.f32 v8, v9;
	v6 =	vsel vm2, $0xFF800000, v6;
	[tilespmem:$0x1FAF0] =	vst v10;
	v10 =	vimm.s32 $0x0  }
0x2ab: {  	v7 =	vsel vm1, $0xFF800000, v7;
	v8 =	vsel vm0, $0xFF800000, v8;
	v10 =	vsel vm1, $0xFFFFFFFF, v10  }
0x2ac: {  	v9 =	vmax.f32 v5, v6;
	[tilespmem:$0x1FB00] =	vst v10;
	v10 =	vmax.f32 v7, v8  }
0x2ad: {  	v9 =	vmax.f32 v9, v10  }
0x2ae: {  	v10 =	vperm.xlane v9, v0;
	_ =	sdelay $0x1  }
0x2af: {  	v9 =	vmax.f32 v9, v10  }
0x2b0: {  	v10 =	vperm.xlane v9, v1;
	_ =	sdelay $0x1  }
0x2b1: {  	v9 =	vmax.f32 v9, v10  }
0x2b2: {  	v10 =	vperm.xlane v9, v2;
	_ =	sdelay $0x1  }
0x2b3: {  	v9 =	vmax.f32 v9, v10  }
0x2b4: {  	v10 =	vperm.xlane v9, v3;
	_ =	sdelay $0x1  }
0x2b5: {  	v9 =	vmax.f32 v9, v10  }
0x2b6: {  	v10 =	vimm.s32 $0x0;
	vm3 =	veq.f32 v5, v9  }
0x2b7: {  	v10 =	vsel vm3, $0xFFFFFFFF, v10  }
0x2b8: {  	vm2 =	veq.f32 v6, v9;
	[tilespmem:$0x1FCD0] =	vst v10;
	v10 =	vimm.s32 $0x0  }
0x2b9: {  	vm1 =	veq.f32 v7, v9;
	vm5 =	veq.f32 v8, v9;
	v10 =	vsel vm2, $0xFFFFFFFF, v10  }
0x2ba: {  	v5 =	vsel vm3, $0xFF800000, v5;
	v6 =	vsel vm2, $0xFF800000, v6;
	[tilespmem:$0x1FCE0] =	vst v10;
	v10 =	vimm.s32 $0x0  }
0x2bb: {  	v7 =	vsel vm1, $0xFF800000, v7;
	v8 =	vsel vm5, $0xFF800000, v8;
	v10 =	vsel vm1, $0xFFFFFFFF, v10  }
0x2bc: {  	v9 =	vmax.f32 v5, v6;
	[tilespmem:$0x1FCF0] =	vst v10;
	v10 =	vmax.f32 v7, v8  }
0x2bd: {  	v9 =	vmax.f32 v9, v10  }
0x2be: {  	v10 =	vperm.xlane v9, v0;
	_ =	sdelay $0x1  }
0x2bf: {  	v9 =	vmax.f32 v9, v10  }
0x2c0: {  	v10 =	vperm.xlane v9, v1;
	_ =	sdelay $0x1  }
0x2c1: {  	v9 =	vmax.f32 v9, v10  }
0x2c2: {  	v10 =	vperm.xlane v9, v2;
	_ =	sdelay $0x1  }
0x2c3: {  	v9 =	vmax.f32 v9, v10  }
0x2c4: {  	v10 =	vperm.xlane v9, v3;
	_ =	sdelay $0x1  }
0x2c5: {  	v9 =	vmax.f32 v9, v10  }
0x2c6: {  	v13 =	vimm.s32 $0x0;
	v11 =	vimm.s32 $0x0;
	s14 =	simm.s32 $0x40;
	vm1 =	veq.f32 v5, v9  }
0x2c7: {  	v12 =	vld [tilespmem:s14+$0x20];
	v11 =	vsel vm1, $0xFFFFFFFF, v11;
	v5 =	vsel vm1, $0xFF800000, v5;
	vm1 =	veq.f32 v6, v9  }
0x2c8: {  	v10 =	vld [tilespmem:s14+$0x0];
	vm3 =	veq.f32 v7, v9;
	v13 =	vsel vm1, $0xFFFFFFFF, v13  }
0x2c9: {  	vm2 =	veq.f32 v8, v9;
	v9 =	vld [tilespmem:s14+$0x30];
	v7 =	vsel vm3, $0xFF800000, v7;
	[tilespmem:$0x1FBB0] =	vst v13;
	v13 =	vimm.s32 $0x0  }
0x2ca: {  	v8 =	vsel vm2, $0xFF800000, v8;
	[tilespmem:$0x1FB90] =	vst v11;
	v11 =	vld [tilespmem:s14+$0x10];
	v6 =	vsel vm1, $0xFF800000, v6;
	v13 =	vsel vm3, $0xFFFFFFFF, v13  }
0x2cb: {  	v14 =	vmax.f32 v7, v8;
	[tilespmem:$0x1FBD0] =	vst v13;
	v13 =	vmax.f32 v5, v6  }
0x2cc: {  	v13 =	vmax.f32 v13, v14  }
0x2cd: {  	v14 =	vperm.xlane v13, v0;
	_ =	sdelay $0x1  }
0x2ce: {  	v16 =	vmax.f32 v12, v9;
	v15 =	vmax.f32 v10, v11;
	v13 =	vmax.f32 v13, v14  }
0x2cf: {  	v14 =	vmax.f32 v15, v16;
	v15 =	vperm.xlane v13, v1  }
0x2d0: {  	v16 =	vperm.xlane v14, v0  }
0x2d1: {  	v13 =	vmax.f32 v13, v15  }
0x2d2: {  	v14 =	vmax.f32 v14, v16;
	v15 =	vperm.xlane v13, v2  }
0x2d3: {  	v16 =	vperm.xlane v14, v1  }
0x2d4: {  	v13 =	vmax.f32 v13, v15  }
0x2d5: {  	v14 =	vmax.f32 v14, v16;
	v15 =	vperm.xlane v13, v3  }
0x2d6: {  	v16 =	vperm.xlane v14, v2  }
0x2d7: {  	v13 =	vmax.f32 v13, v15  }
0x2d8: {  	v14 =	vmax.f32 v14, v16;
	v16 =	vimm.s32 $0x0;
	vm1 =	veq.f32 v5, v13  }
0x2d9: {  	vm3 =	veq.f32 v6, v13;
	vm6 =	veq.f32 v7, v13;
	v16 =	vsel vm1, $0xFFFFFFFF, v16  }
0x2da: {  	v5 =	vsel vm1, $0xFF800000, v5;
	vm1 =	veq.f32 v8, v13;
	v13 =	vimm.s32 $0x0  }
0x2db: {  	v13 =	vsel vm3, $0xFFFFFFFF, v13  }
0x2dc: {  	[tilespmem:$0x1FA70] =	vst v13;
	v13 =	vimm.s32 $0x0  }
0x2dd: {  	v15 =	vperm.xlane v14, v3;
	v6 =	vsel vm3, $0xFF800000, v6;
	[tilespmem:$0x1FA60] =	vst v16;
	v13 =	vsel vm6, $0xFFFFFFFF, v13  }
0x2de: {  	v8 =	vsel vm1, $0xFF800000, v8;
	v16 =	vimm.s32 $0x0;
	[tilespmem:$0x1FA80] =	vst v13;
	v13 =	vsel vm6, $0xFF800000, v7  }
0x2df: {  	v7 =	vmax.f32 v14, v15;
	v14 =	vmax.f32 v5, v6;
	v15 =	vmax.f32 v13, v8  }
0x2e0: {  	vm3 =	veq.f32 v10, v7;
	vm13 =	veq.f32 v11, v7;
	vm6 =	veq.f32 v12, v7  }
0x2e1: {  	v14 =	vmax.f32 v14, v15;
	v15 =	vimm.s32 $0x0;
	v10 =	vsel vm3, $0xFF800000, v10  }
0x2e2: {  	v16 =	vsel vm6, $0xFFFFFFFF, v16;
	v11 =	vsel vm13, $0xFF800000, v11;
	v15 =	vsel vm3, $0xFFFFFFFF, v15  }
0x2e3: {  	vm3 =	veq.f32 v9, v7;
	v7 =	vimm.s32 $0x0;
	[tilespmem:$0x1FB20] =	vst v15;
	v15 =	vperm.xlane v14, v0  }
0x2e4: {  	v12 =	vsel vm6, $0xFF800000, v12;
	[tilespmem:$0x1FB70] =	vst v16;
	v7 =	vsel vm3, $0xFFFFFFFF, v7;
	v9 =	vsel vm3, $0xFF800000, v9  }
0x2e5: {  	[tilespmem:$0x1FA90] =	vst v7;
	v7 =	vmax.f32 v10, v11;
	v16 =	vmax.f32 v12, v9;
	v14 =	vmax.f32 v14, v15  }
0x2e6: {  	v7 =	vmax.f32 v7, v16;
	v15 =	vperm.xlane v14, v1  }
0x2e7: {  	v16 =	vperm.xlane v7, v0  }
0x2e8: {  	v14 =	vmax.f32 v14, v15  }
0x2e9: {  	v7 =	vmax.f32 v7, v16;
	v15 =	vperm.xlane v14, v2  }
0x2ea: {  	v16 =	vperm.xlane v7, v1  }
0x2eb: {  	v14 =	vmax.f32 v14, v15  }
0x2ec: {  	v7 =	vmax.f32 v7, v16;
	v15 =	vperm.xlane v14, v3  }
0x2ed: {  	v16 =	vperm.xlane v7, v2  }
0x2ee: {  	v14 =	vmax.f32 v14, v15  }
0x2ef: {  	v15 =	vmax.f32 v7, v16;
	v7 =	vimm.s32 $0x0;
	vm3 =	veq.f32 v5, v14  }
0x2f0: {  	v7 =	vsel vm3, $0xFFFFFFFF, v7  }
0x2f1: {  	vm7 =	veq.f32 v6, v14;
	[tilespmem:$0x1FAA0] =	vst v7;
	v7 =	vsel vm3, $0xFF800000, v5;
	v5 =	vimm.s32 $0x0  }
0x2f2: {  	v5 =	vsel vm7, $0xFFFFFFFF, v5  }
0x2f3: {  	vm6 =	veq.f32 v13, v14;
	[tilespmem:$0x1FAB0] =	vst v5;
	v5 =	vimm.s32 $0x0  }
0x2f4: {  	v16 =	vperm.xlane v15, v3;
	vm3 =	veq.f32 v8, v14;
	v5 =	vsel vm6, $0xFFFFFFFF, v5  }
0x2f5: {  	v6 =	vsel vm7, $0xFF800000, v6;
	[tilespmem:$0x1FAC0] =	vst v5;
	v5 =	vsel vm6, $0xFF800000, v13;
	v13 =	vsel vm3, $0xFF800000, v8  }
0x2f6: {  	v15 =	vmax.f32 v15, v16;
	v8 =	vmax.f32 v7, v6;
	v14 =	vmax.f32 v5, v13  }
0x2f7: {  	v16 =	vimm.s32 $0x0;
	vm7 =	veq.f32 v10, v15;
	v8 =	vmax.f32 v8, v14  }
0x2f8: {  	v16 =	vsel vm7, $0xFFFFFFFF, v16;
	v14 =	vperm.xlane v8, v0  }
0x2f9: {  	v10 =	vsel vm7, $0xFF800000, v10;
	vm7 =	veq.f32 v12, v15;
	[tilespmem:$0x1FBF0] =	vst v16;
	v16 =	vimm.s32 $0x0  }
0x2fa: {  	vm6 =	veq.f32 v11, v15;
	v8 =	vmax.f32 v8, v14;
	v14 =	vimm.s32 $0x0  }
0x2fb: {  	v16 =	vsel vm6, $0xFFFFFFFF, v16;
	v14 =	vsel vm7, $0xFFFFFFFF, v14  }
0x2fc: {  	v11 =	vsel vm6, $0xFF800000, v11;
	vm6 =	veq.f32 v9, v15;
	[tilespmem:$0x1FC30] =	vst v14;
	v14 =	vimm.s32 $0x0  }
0x2fd: {  	v14 =	vsel vm6, $0xFFFFFFFF, v14  }
0x2fe: {  	[tilespmem:$0x1FAD0] =	vst v14;
	v14 =	vperm.xlane v8, v1  }
0x2ff: {  	v12 =	vsel vm7, $0xFF800000, v12;
	v9 =	vsel vm6, $0xFF800000, v9  }
0x300: {  	[tilespmem:$0x1FC10] =	vst v16;
	v15 =	vmax.f32 v10, v11;
	v16 =	vmax.f32 v12, v9;
	v8 =	vmax.f32 v8, v14  }
0x301: {  	v15 =	vmax.f32 v15, v16;
	v16 =	vperm.xlane v8, v2;
	_ =	sdelay $0x1  }
0x302: {  	v8 =	vmax.f32 v8, v16  }
0x303: {  	v16 =	vperm.xlane v8, v3;
	_ =	sdelay $0x1  }
0x304: {  	v14 =	vperm.xlane v15, v0;
	v8 =	vmax.f32 v8, v16  }
0x305: {  	vm4 =	vmmov vm4;
	vm6 =	veq.f32 v13, v8  }
0x306: {  	v19 =	vld [tilespmem:$0x1FB00];
	v14 =	vmax.f32 v15, v14;
	vm4 =	vmor vm4, vm6;
	vm6 =	vmmov vm15  }
0x307: {  	vm0 =	vmmov vm0;
	v15 =	vperm.xlane v14, v1;
	vm4 =	vmor vm6, vm4  }
0x308: {  	vm0 =	vmor vm0, vm4;
	vm4 =	vmmov vm5  }
0x309: {  	v14 =	vmax.f32 v14, v15;
	vm0 =	vmor vm4, vm0  }
0x30a: {  	vm7 =	vmmov vm14;
	v15 =	vperm.xlane v14, v2;
	vm0 =	vmor vm2, vm0  }
0x30b: {  	vm14 =	vnez.u8 v19;
	vm5 =	vmor vm1, vm0;
	vm1 =	vmmov vm10  }
0x30c: {  	v19 =	vimm.s32 $0x0;
	v13 =	vmax.f32 v14, v15;
	vm1 =	vmmov vm1  }
0x30d: {  	v14 =	vperm.xlane v13, v3;
	v19 =	vsel vm1, $0xFFFFFFFF, v19  }
0x30e: {  	[tilespmem:$0x1FB10] =	vst v19;
	v19 =	vld [tilespmem:$0x1FB20]  }
0x30f: {  	v13 =	vmax.f32 v13, v14  }
0x310: {  	vm6 =	veq.f32 v10, v13  }
0x311: {  	vm15 =	veq.f32 v12, v13;
	vm2 =	veq.f32 v9, v13;
	v14 =	vsel vm6, $0xFF800000, v10  }
0x312: {  	vm0 =	veq.f32 v11, v13;
	v15 =	vsel vm15, $0xFF800000, v12;
	v17 =	vsel vm2, $0xFF800000, v9  }
0x313: {  	v13 =	vsel vm0, $0xFF800000, v11;
	v16 =	vmax.f32 v15, v17;
	vm1 =	vnez.u8 v19  }
0x314: {  	v12 =	vmax.f32 v14, v13;
	v19 =	vimm.s32 $0x0;
	vm1 =	vmmov vm1  }
0x315: {  	vm4 =	vmmov vm8;
	v16 =	vmax.f32 v12, v16;
	v19 =	vsel vm1, $0xFFFFFFFF, v19  }
0x316: {  	v18 =	vperm.xlane v16, v0;
	vm1 =	vmmov vm4;
	[tilespmem:$0x1FB30] =	vst v19;
	v19 =	vimm.s32 $0x0  }
0x317: {  	vm9 =	vmmov vm9;
	v19 =	vsel vm1, $0xFFFFFFFF, v19  }
0x318: {  	v16 =	vmax.f32 v16, v18;
	vm1 =	vmmov vm13;
	[tilespmem:$0x1FB40] =	vst v19;
	v19 =	vimm.s32 $0x0  }
0x319: {  	v18 =	vimm.s32 $0x0;
	v19 =	vsel vm1, $0xFFFFFFFF, v19;
	vm1 =	vmmov vm9  }
0x31a: {  	v18 =	vsel vm1, $0xFFFFFFFF, v18  }
0x31b: {  	[tilespmem:$0x1FB60] =	vst v18;
	v18 =	vld [tilespmem:$0x1FB70];
	_ =	sdelay $0x1  }
0x31c: {  	[tilespmem:$0x1FB50] =	vst v19;
	v19 =	vld [tilespmem:$0x1FB90];
	_ =	sdelay $0x2  }
0x31d: {  	vm1 =	vnez.u8 v18  }
0x31e: {  	v18 =	vimm.s32 $0x0;
	vm1 =	vmmov vm1  }
0x31f: {  	v18 =	vsel vm1, $0xFFFFFFFF, v18;
	vm1 =	vnez.u8 v19  }
0x320: {  	v19 =	vimm.s32 $0x0;
	vm1 =	vmmov vm1  }
0x321: {  	v19 =	vsel vm1, $0xFFFFFFFF, v19  }
0x322: {  	[tilespmem:$0x1FBA0] =	vst v19;
	v19 =	vld [tilespmem:$0x1FBB0]  }
0x323: {  	v12 =	vld [tilespmem:$0x1FAE0];
	_ =	sdelay $0x3  }
0x324: {  	vm8 =	vmmov vm11;
	vm1 =	vnez.u8 v19  }
0x325: {  	s15 =	simm.s32 $0x80;
	vm11 =	vnez.u8 v12;
	v12 =	vld [tilespmem:$0x1FAF0];
	v19 =	vimm.s32 $0x0;
	vm1 =	vmmov vm1  }
0x326: {  	v9 =	vld [tilespmem:s15+$0x0];
	v19 =	vsel vm1, $0xFFFFFFFF, v19  }
0x327: {  	[tilespmem:$0x1FBC0] =	vst v19;
	v19 =	vld [tilespmem:$0x1FBD0]  }
0x328: {  	v10 =	vld [tilespmem:s15+$0x10]  }
0x329: {  	v11 =	vld [tilespmem:s15+$0x20]  }
0x32a: {  	vm10 =	vmmov vm12;
	vm12 =	vnez.u8 v12;
	v12 =	vld [tilespmem:s15+$0x30];
	_ =	sdelay $0x1  }
0x32b: {  	vm1 =	vnez.u8 v19  }
0x32c: {  	v19 =	vimm.s32 $0x0;
	vm1 =	vmmov vm1  }
0x32d: {  	[tilespmem:$0x1FB80] =	vst v18;
	v18 =	vperm.xlane v16, v1;
	v19 =	vsel vm1, $0xFFFFFFFF, v19  }
0x32e: {  	v20 =	vmax.f32 v11, v12;
	[tilespmem:$0x1FBE0] =	vst v19;
	v19 =	vmax.f32 v9, v10  }
0x32f: {  	v16 =	vmax.f32 v16, v18;
	v18 =	vmax.f32 v19, v20;
	v20 =	vld [tilespmem:$0x1FBF0];
	_ =	sdelay $0x1  }
0x330: {  	v21 =	vld [tilespmem:$0x1FC10];
	v19 =	vperm.xlane v16, v2;
	_ =	sdelay $0x1  }
0x331: {  	v16 =	vmax.f32 v16, v19;
	v19 =	vld [tilespmem:$0x1FC30]  }
0x332: {  	vm1 =	vnez.u8 v20  }
0x333: {  	v20 =	vimm.s32 $0x0;
	vm1 =	vmmov vm1  }
0x334: {  	v20 =	vsel vm1, $0xFFFFFFFF, v20;
	vm1 =	vnez.u8 v21  }
0x335: {  	v21 =	vimm.s32 $0x0;
	vm1 =	vmmov vm1  }
0x336: {  	v21 =	vsel vm1, $0xFFFFFFFF, v21;
	vm1 =	vnez.u8 v19  }
0x337: {  	v19 =	vimm.s32 $0x0;
	vm1 =	vmmov vm1  }
0x338: {  	[tilespmem:$0x1FC20] =	vst v21;
	v19 =	vsel vm1, $0xFFFFFFFF, v19  }
0x339: {  	vm0 =	vmmov vm0;
	v21 =	vimm.s32 $0x0;
	[tilespmem:$0x1FC40] =	vst v19;
	v19 =	vperm.xlane v16, v3  }
0x33a: {  	vm14 =	vmmov vm14;
	[tilespmem:$0x1FC00] =	vst v20;
	v20 =	vperm.xlane v18, v0;
	v21 =	vsel vm0, $0xFFFFFFFF, v21  }
0x33b: {  	vm0 =	vmmov vm14;
	v19 =	vmax.f32 v16, v19;
	v16 =	vimm.s32 $0x0  }
0x33c: {  	v16 =	vsel vm0, $0xFFFFFFFF, v16  }
0x33d: {  	v18 =	vmax.f32 v18, v20;
	vm0 =	vmmov vm15;
	[tilespmem:$0x1FC70] =	vst v16;
	v16 =	vimm.s32 $0x0  }
0x33e: {  	v20 =	vimm.s32 $0x0;
	vm1 =	vmmov vm6;
	v16 =	vsel vm0, $0xFFFFFFFF, v16  }
0x33f: {  	v20 =	vsel vm1, $0xFFFFFFFF, v20;
	vm1 =	veq.f32 v14, v19;
	[tilespmem:$0x1FC80] =	vst v16;
	v16 =	vimm.s32 $0x0  }
0x340: {  	v16 =	vsel vm1, $0xFFFFFFFF, v16  }
0x341: {  	[tilespmem:$0x1FC90] =	vst v16;
	v16 =	vsel vm1, $0xFF800000, v14;
	vm1 =	veq.f32 v13, v19;
	v14 =	vimm.s32 $0x0  }
0x342: {  	v14 =	vsel vm1, $0xFFFFFFFF, v14  }
0x343: {  	vm0 =	veq.f32 v15, v19;
	[tilespmem:$0x1FCA0] =	vst v14;
	v14 =	vimm.s32 $0x0  }
0x344: {  	v14 =	vsel vm0, $0xFFFFFFFF, v14  }
0x345: {  	vm4 =	veq.f32 v17, v19;
	[tilespmem:$0x1FCB0] =	vst v14;
	v14 =	vsel vm0, $0xFF800000, v15;
	v15 =	vimm.s32 $0x0  }
0x346: {  	v15 =	vsel vm4, $0xFFFFFFFF, v15  }
0x347: {  	[tilespmem:$0x1FCC0] =	vst v15;
	v15 =	vsel vm4, $0xFF800000, v17;
	v17 =	vld [tilespmem:$0x1FCD0]  }
0x348: {  	[tilespmem:$0x1FC50] =	vst v20;
	v20 =	vperm.xlane v18, v1;
	v19 =	vld [tilespmem:$0x1FCE0];
	_ =	sdelay $0x1  }
0x349: {  	v18 =	vmax.f32 v18, v20  }
0x34a: {  	v20 =	vperm.xlane v18, v2  }
0x34b: {  	vm0 =	vnez.u8 v17  }
0x34c: {  	vm6 =	vmmov vm0;
	vm0 =	vnez.u8 v19;
	v19 =	vmax.f32 v18, v20;
	v18 =	vld [tilespmem:$0x1FCF0]  }
0x34d: {  	vm11 =	vmmov vm11  }
0x34e: {  	vm10 =	vmmov vm10;
	vm11 =	vmmov vm11;
	vm13 =	vmmov vm7  }
0x34f: {  	vm12 =	vmmov vm12;
	vm9 =	vmmov vm8;
	v13 =	vsel vm1, $0xFF800000, v13  }
0x350: {  	vm12 =	vmmov vm12;
	[tilespmem:$0x1FC60] =	vst v21;
	v21 =	vmax.f32 v14, v15;
	v17 =	vmax.f32 v16, v13  }
0x351: {  	v17 =	vmax.f32 v17, v21;
	vm14 =	vmmov vm0;
	vm0 =	vnez.u8 v18  }
0x352: {  	s16 =	simm.s32 $0x300;
	v20 =	vperm.xlane v19, v3;
	v18 =	vperm.xlane v17, v0;
	vm4 =	vmmov vm0  }
.LBB2_4:
0x353: {  	vm7 =	veq.f32 v6, v8;
	v6 =	vld [tilespmem:$0x1FA90];
	_ =	sdelay $0x4  }
0x354: {  	vm0 =	vmor vm3, vm5;
	vm3 =	vnez.u8 v6  }
0x355: {  	v6 =	vimm.s32 $0x0;
	vm1 =	vmmov vm3  }
0x356: {  	v6 =	vsel vm1, $0xFFFFFFFF, v6  }
0x357: {  	[tilespmem:$0x1F840] =	vst v6;
	v6 =	vld [tilespmem:$0x1FAD0];
	_ =	sdelay $0x4  }
0x358: {  	vm1 =	vnez.u8 v6  }
0x359: {  	v6 =	vimm.s32 $0x0;
	vm3 =	vmmov vm1  }
0x35a: {  	vm8 =	veq.f32 v7, v8;
	v7 =	vmax.f32 v17, v18;
	v6 =	vsel vm3, $0xFFFFFFFF, v6  }
0x35b: {  	v17 =	vsel vm0, $0x3F800000, v4;
	vm1 =	vmmov vm2;
	[tilespmem:$0x1F820] =	vst v6;
	v6 =	vimm.s32 $0x0  }
0x35c: {  	[tilespmem:s13+$0x4030] =	vst v17;
	v17 =	vld [tilespmem:$0x1FB10];
	v6 =	vsel vm1, $0xFFFFFFFF, v6  }
0x35d: {  	[tilespmem:$0x1F850] =	vst v6;
	v6 =	vmax.f32 v19, v20  }
0x35e: {  	vm5 =	veq.f32 v5, v8;
	vm0 =	veq.f32 v9, v6  }
0x35f: {  	vm1 =	veq.f32 v12, v6;
	v5 =	vsel vm0, $0xFF800000, v9;
	v9 =	vimm.s32 $0x0  }
0x360: {  	v18 =	vperm.xlane v7, v1;
	v9 =	vsel vm1, $0xFFFFFFFF, v9  }
0x361: {  	[tilespmem:$0x1FA90] =	vst v9;
	v9 =	vsel vm1, $0xFF800000, v12;
	vm1 =	vnez.u8 v17;
	v17 =	vld [tilespmem:$0x1FB40]  }
0x362: {  	v7 =	vmax.f32 v7, v18;
	vm3 =	veq.f32 v10, v6  }
0x363: {  	vm2 =	veq.f32 v11, v6;
	v6 =	vsel vm3, $0xFF800000, v10;
	v10 =	vperm.xlane v7, v2  }
0x364: {  	vm8 =	vmor vm13, vm8  }
0x365: {  	v8 =	vsel vm2, $0xFF800000, v11;
	v11 =	vmax.f32 v5, v6;
	v7 =	vmax.f32 v7, v10  }
0x366: {  	v12 =	vmax.f32 v8, v9;
	vm8 =	vmor vm1, vm8;
	vm1 =	vnez.u8 v17;
	v17 =	vld [tilespmem:$0x1FB60]  }
0x367: {  	v11 =	vmax.f32 v11, v12;
	v12 =	vperm.xlane v7, v3  }
0x368: {  	vm7 =	vmor vm9, vm7;
	v10 =	vperm.xlane v11, v0  }
0x369: {  	vm5 =	vmor vm10, vm5;
	vm8 =	vmor vm11, vm8;
	v7 =	vmax.f32 v7, v12  }
0x36a: {  	v10 =	vmax.f32 v11, v10;
	vm10 =	veq.f32 v16, v7;
	vm11 =	veq.f32 v13, v7  }
0x36b: {  	vm9 =	veq.f32 v14, v7;
	vm7 =	vmor vm1, vm7;
	vm1 =	vnez.u8 v17  }
0x36c: {  	vm1 =	vmor vm1, vm5;
	vm5 =	veq.f32 v15, v7;
	v7 =	vimm.s32 $0x0  }
0x36d: {  	v11 =	vperm.xlane v10, v1;
	v12 =	vsel vm10, $0xFF800000, v16;
	v7 =	vsel vm5, $0xFFFFFFFF, v7  }
0x36e: {  	[tilespmem:$0x1F860] =	vst v7;
	v7 =	vsel vm11, $0xFF800000, v13;
	v13 =	vsel vm9, $0xFF800000, v14;
	v14 =	vsel vm5, $0xFF800000, v15  }
0x36f: {  	v15 =	vmax.f32 v12, v7;
	v16 =	vmax.f32 v13, v14  }
0x370: {  	v10 =	vmax.f32 v10, v11;
	v11 =	vmax.f32 v15, v16;
	v15 =	vld [tilespmem:$0x1FC70];
	_ =	sdelay $0x2  }
0x371: {  	v17 =	vld [tilespmem:$0x1FBA0];
	_ =	sdelay $0x1  }
0x372: {  	vm5 =	vnez.u8 v15;
	v15 =	vperm.xlane v10, v2;
	_ =	sdelay $0x1  }
0x373: {  	v10 =	vmax.f32 v10, v15;
	v15 =	vld [tilespmem:$0x1FBC0]  }
0x374: {  	vm6 =	vmor vm6, vm8;
	vm8 =	vnez.u8 v17;
	v17 =	vld [tilespmem:$0x1FBE0];
	_ =	sdelay $0x2  }
0x375: {  	vm7 =	vmor vm12, vm7;
	vm1 =	vmor vm5, vm1  }
0x376: {  	vm7 =	vmor vm14, vm7;
	vm1 =	vmor vm4, vm1;
	vm4 =	vnez.u8 v15  }
0x377: {  	vm4 =	vmor vm4, vm7;
	vm7 =	vnez.u8 v17;
	v17 =	vld [tilespmem:$0x1FA60];
	_ =	sdelay $0x4  }
0x378: {  	vm1 =	vmor vm7, vm1;
	vm7 =	vnez.u8 v17;
	v17 =	vld [tilespmem:$0x1FA70];
	_ =	sdelay $0x1  }
0x379: {  	v16 =	vperm.xlane v11, v0;
	_ =	sdelay $0x1  }
0x37a: {  	vm6 =	vmor vm8, vm6;
	v11 =	vmax.f32 v11, v16;
	v15 =	vperm.xlane v10, v3  }
0x37b: {  	v16 =	vperm.xlane v11, v1;
	vm6 =	vmor vm7, vm6;
	vm7 =	vnez.u8 v17;
	v17 =	vld [tilespmem:$0x1FA80]  }
0x37c: {  	v10 =	vmax.f32 v10, v15;
	v15 =	vld [tilespmem:$0x1FAA0]  }
0x37d: {  	v11 =	vmax.f32 v11, v16;
	v16 =	vld [tilespmem:$0x1FAB0];
	_ =	sdelay $0x2  }
0x37e: {  	vm4 =	vmor vm7, vm4;
	vm7 =	vnez.u8 v17  }
0x37f: {  	vm12 =	veq.f32 v6, v10;
	vm7 =	vmor vm7, vm1;
	vm1 =	vnez.u8 v15  }
0x380: {  	v15 =	vperm.xlane v11, v2;
	vm8 =	vmor vm1, vm6;
	vm1 =	vnez.u8 v16  }
0x381: {  	vm13 =	veq.f32 v9, v10;
	v17 =	vld [tilespmem:$0x1FAC0];
	vm6 =	veq.f32 v5, v10;
	vm1 =	vmor vm1, vm4  }
0x382: {  	vm4 =	veq.f32 v8, v10;
	v10 =	vmax.f32 v11, v15;
	v11 =	vimm.s32 $0x0  }
0x383: {  	v11 =	vsel vm13, $0xFFFFFFFF, v11  }
0x384: {  	v6 =	vsel vm12, $0xFF800000, v6;
	v5 =	vsel vm6, $0xFF800000, v5;
	[tilespmem:$0x1FAD0] =	vst v11;
	v11 =	vperm.xlane v10, v3  }
0x385: {  	v9 =	vsel vm13, $0xFF800000, v9;
	v8 =	vsel vm4, $0xFF800000, v8;
	v15 =	vmax.f32 v5, v6  }
0x386: {  	v16 =	vmax.f32 v8, v9;
	vm13 =	vnez.u8 v17;
	v10 =	vmax.f32 v10, v11  }
0x387: {  	vm13 =	vmor vm13, vm7;
	v11 =	vsel vm8, $0x3F800000, v4;
	vm7 =	veq.f32 v12, v10  }
0x388: {  	vm8 =	veq.f32 v7, v10;
	[tilespmem:s13+$0x4000] =	vst v11;
	v11 =	vimm.s32 $0x0;
	vm14 =	veq.f32 v13, v10  }
0x389: {  	vm5 =	veq.f32 v14, v10;
	v10 =	vimm.s32 $0x0;
	v11 =	vsel vm7, $0xFFFFFFFF, v11  }
0x38a: {  	v15 =	vmax.f32 v15, v16;
	v10 =	vsel vm5, $0xFFFFFFFF, v10;
	[tilespmem:$0x1FA60] =	vst v11  }
0x38b: {  	v18 =	vld [tilespmem:$0x1FB30];
	v16 =	vperm.xlane v15, v0;
	v11 =	vsel vm7, $0xFF800000, v12;
	[tilespmem:$0x1F870] =	vst v10;
	v10 =	vimm.s32 $0x0  }
0x38c: {  	v12 =	vsel vm8, $0xFF800000, v7;
	v7 =	vimm.s32 $0x0;
	v10 =	vsel vm8, $0xFFFFFFFF, v10  }
0x38d: {  	v13 =	vsel vm14, $0xFF800000, v13;
	v14 =	vsel vm5, $0xFF800000, v14;
	v7 =	vsel vm14, $0xFFFFFFFF, v7;
	[tilespmem:$0x1FA70] =	vst v10  }
0x38e: {  	[tilespmem:$0x1FA80] =	vst v7;
	v7 =	vmax.f32 v15, v16;
	v10 =	vmax.f32 v11, v12;
	v15 =	vmax.f32 v13, v14  }
0x38f: {  	v10 =	vmax.f32 v10, v15;
	v15 =	vsel vm1, $0x3F800000, v4  }
0x390: {  	vm1 =	vnez.u8 v18;
	[tilespmem:s13+$0x4010] =	vst v15;
	v15 =	vsel vm13, $0x3F800000, v4  }
0x391: {  	vm8 =	vmmov vm1;
	vm1 =	vmmov vm0;
	[tilespmem:s13+$0x4020] =	vst v15;
	v15 =	vimm.s32 $0x0  }
0x392: {  	v15 =	vsel vm1, $0xFFFFFFFF, v15  }
0x393: {  	v17 =	vperm.xlane v10, v0;
	[tilespmem:$0x1FB30] =	vst v15;
	v15 =	vld [tilespmem:$0x1FB50];
	_ =	sdelay $0x1  }
0x394: {  	v10 =	vmax.f32 v10, v17;
	v17 =	vld [tilespmem:$0x1FB80]  }
0x395: {  	v16 =	vperm.xlane v7, v1;
	_ =	sdelay $0x1  }
0x396: {  	v7 =	vmax.f32 v7, v16;
	v16 =	vimm.s32 $0x0;
	vm0 =	vnez.u8 v15  }
0x397: {  	v15 =	vimm.s32 $0x0;
	vm1 =	vmmov vm0;
	vm0 =	vmmov vm3  }
0x398: {  	v15 =	vsel vm1, $0xFFFFFFFF, v15;
	v16 =	vsel vm0, $0xFFFFFFFF, v16;
	vm0 =	vnez.u8 v17  }
0x399: {  	v17 =	vimm.s32 $0x0;
	[tilespmem:$0x1FB40] =	vst v15;
	v15 =	vperm.xlane v7, v2;
	vm1 =	vmmov vm0  }
0x39a: {  	v17 =	vsel vm1, $0xFFFFFFFF, v17  }
0x39b: {  	vm0 =	vmmov vm2;
	[tilespmem:$0x1FB60] =	vst v17;
	v17 =	vimm.s32 $0x0;
	v7 =	vmax.f32 v7, v15  }
0x39c: {  	v15 =	vimm.s32 $0x0;
	v17 =	vsel vm0, $0xFFFFFFFF, v17;
	vm0 =	vmmov vm10  }
0x39d: {  	[tilespmem:$0x1FB80] =	vst v17;
	v15 =	vsel vm0, $0xFFFFFFFF, v15  }
0x39e: {  	vm0 =	vmmov vm11;
	v17 =	vld [tilespmem:$0x1FC00];
	[tilespmem:$0x1FBA0] =	vst v15;
	v15 =	vimm.s32 $0x0  }
0x39f: {  	[tilespmem:$0x1FB50] =	vst v16;
	v16 =	vperm.xlane v10, v1;
	v15 =	vsel vm0, $0xFFFFFFFF, v15  }
0x3a0: {  	[tilespmem:$0x1FBC0] =	vst v15;
	v15 =	vperm.xlane v7, v3  }
0x3a1: {  	v10 =	vmax.f32 v10, v16  }
0x3a2: {  	v16 =	vimm.s32 $0x0;
	vm0 =	vmmov vm9;
	v7 =	vmax.f32 v7, v15;
	v15 =	vld [tilespmem:$0x1FC20]  }
0x3a3: {  	v16 =	vsel vm0, $0xFFFFFFFF, v16;
	vm0 =	vnez.u8 v17  }
0x3a4: {  	v17 =	vimm.s32 $0x0;
	vm1 =	vmmov vm0  }
0x3a5: {  	v17 =	vsel vm1, $0xFFFFFFFF, v17  }
0x3a6: {  	vm0 =	vmmov vm6;
	[tilespmem:$0x1F830] =	vst v17;
	v17 =	vimm.s32 $0x0  }
0x3a7: {  	v17 =	vsel vm0, $0xFFFFFFFF, v17;
	vm0 =	vnez.u8 v15  }
0x3a8: {  	v15 =	vimm.s32 $0x0;
	vm13 =	vmmov vm0;
	vm0 =	vmmov vm12  }
0x3a9: {  	v15 =	vsel vm0, $0xFFFFFFFF, v15  }
0x3aa: {  	[tilespmem:$0x1FC20] =	vst v15;
	v15 =	vld [tilespmem:$0x1FC40];
	_ =	sdelay $0x1  }
0x3ab: {  	[tilespmem:$0x1FBE0] =	vst v16;
	v16 =	vperm.xlane v10, v2  }
0x3ac: {  	v18 =	vimm.s32 $0x0  }
0x3ad: {  	v18 =	vsel vm8, $0xFFFFFFFF, v18;
	v10 =	vmax.f32 v10, v16  }
0x3ae: {  	vm6 =	veq.f32 v5, v7;
	vm0 =	vnez.u8 v15;
	v15 =	vperm.xlane v10, v3  }
0x3af: {  	vm14 =	veq.f32 v6, v7;
	vm5 =	veq.f32 v9, v7;
	v16 =	vsel vm6, $0xFF800000, v5  }
0x3b0: {  	[tilespmem:$0x1FC00] =	vst v17;
	v17 =	vsel vm14, $0xFF800000, v6;
	v6 =	vimm.s32 $0x0;
	v5 =	vmax.f32 v10, v15  }
0x3b1: {  	vm7 =	vmmov vm0;
	vm0 =	veq.f32 v8, v7;
	vm1 =	veq.f32 v11, v5  }
0x3b2: {  	vm8 =	veq.f32 v12, v5;
	vm3 =	veq.f32 v14, v5;
	v6 =	vsel vm1, $0xFFFFFFFF, v6  }
0x3b3: {  	v7 =	vsel vm1, $0xFF800000, v11;
	vm1 =	veq.f32 v13, v5;
	v5 =	vimm.s32 $0x0  }
0x3b4: {  	[tilespmem:$0x1FB10] =	vst v18;
	v5 =	vsel vm8, $0xFFFFFFFF, v5  }
0x3b5: {  	v21 =	vld [tilespmem:$0x1FC50];
	v19 =	vsel vm5, $0xFF800000, v9;
	v18 =	vsel vm0, $0xFF800000, v8;
	[tilespmem:$0x1FAB0] =	vst v5;
	v5 =	vimm.s32 $0x0  }
0x3b6: {  	v8 =	vmax.f32 v16, v17;
	[tilespmem:$0x1FAA0] =	vst v6;
	v6 =	vsel vm8, $0xFF800000, v12;
	v5 =	vsel vm1, $0xFFFFFFFF, v5  }
0x3b7: {  	v15 =	vmax.f32 v7, v6;
	[tilespmem:$0x1FAC0] =	vst v5;
	v5 =	vsel vm1, $0xFF800000, v13;
	v13 =	vsel vm3, $0xFF800000, v14  }
0x3b8: {  	v14 =	vmax.f32 v18, v19;
	vm1 =	vmmov vm4;
	v20 =	vmax.f32 v5, v13  }
0x3b9: {  	v8 =	vmax.f32 v8, v14;
	v14 =	vmax.f32 v15, v20;
	v15 =	vimm.s32 $0x0  }
0x3ba: {  	v15 =	vsel vm1, $0xFFFFFFFF, v15;
	vm1 =	vnez.u8 v21  }
0x3bb: {  	s13 =	smov.u32 s14;
	s14 =	smov.u32 s15;
	s15 =	sshra.s32 s16, $0x2;
	v21 =	vimm.s32 $0x0;
	vm11 =	vmmov vm1;
	vm1 =	vmmov vm6  }
0x3bc: {  	v9 =	vld [tilespmem:s15+$0x0];
	v21 =	vsel vm1, $0xFFFFFFFF, v21  }
0x3bd: {  	[tilespmem:$0x1FC50] =	vst v21;
	v21 =	vld [tilespmem:$0x1FC60]  }
0x3be: {  	v10 =	vld [tilespmem:s15+$0x10]  }
0x3bf: {  	v11 =	vld [tilespmem:s15+$0x20]  }
0x3c0: {  	v12 =	vld [tilespmem:s15+$0x30];
	_ =	sdelay $0x1  }
0x3c1: {  	[tilespmem:$0x1FC40] =	vst v15;
	v15 =	vperm.xlane v8, v0;
	vm1 =	vnez.u8 v21  }
0x3c2: {  	v21 =	vimm.s32 $0x0;
	vm15 =	vmmov vm1;
	vm1 =	vmmov vm14  }
0x3c3: {  	v21 =	vsel vm1, $0xFFFFFFFF, v21  }
0x3c4: {  	v8 =	vmax.f32 v8, v15;
	v15 =	vmax.f32 v11, v12;
	[tilespmem:$0x1FC60] =	vst v21;
	v21 =	vmax.f32 v9, v10  }
0x3c5: {  	v15 =	vmax.f32 v21, v15;
	v21 =	vld [tilespmem:$0x1FC80];
	_ =	sdelay $0x4  }
0x3c6: {  	vm1 =	vnez.u8 v21  }
0x3c7: {  	v21 =	vimm.s32 $0x0;
	vm4 =	vmmov vm1  }
0x3c8: {  	v21 =	vsel vm4, $0xFFFFFFFF, v21  }
0x3c9: {  	vm1 =	vmmov vm0;
	[tilespmem:$0x1FC70] =	vst v21;
	v21 =	vimm.s32 $0x0  }
0x3ca: {  	v21 =	vsel vm1, $0xFFFFFFFF, v21  }
0x3cb: {  	[tilespmem:$0x1FC80] =	vst v21;
	v21 =	vperm.xlane v15, v0  }
0x3cc: {  	v23 =	vld [tilespmem:$0x1FC90];
	v20 =	vperm.xlane v14, v0  }
0x3cd: {  	v15 =	vmax.f32 v15, v21;
	v21 =	vld [tilespmem:$0x1FCA0]  }
0x3ce: {  	v14 =	vmax.f32 v14, v20  }
0x3cf: {  	v22 =	vperm.xlane v14, v1  }
0x3d0: {  	v20 =	vperm.xlane v8, v1  }
0x3d1: {  	v14 =	vmax.f32 v14, v22;
	vm0 =	vnez.u8 v23  }
0x3d2: {  	v8 =	vmax.f32 v8, v20;
	vm2 =	vmmov vm0;
	vm0 =	vnez.u8 v21;
	v21 =	vld [tilespmem:$0x1FCB0]  }
0x3d3: {  	v22 =	vperm.xlane v14, v2;
	v20 =	vperm.xlane v8, v2;
	_ =	sdelay $0x1  }
0x3d4: {  	v14 =	vmax.f32 v14, v22;
	v8 =	vmax.f32 v8, v20  }
0x3d5: {  	v22 =	vperm.xlane v14, v3;
	v20 =	vperm.xlane v8, v3  }
0x3d6: {  	vm6 =	vmmov vm0;
	vm0 =	vnez.u8 v21;
	v21 =	vperm.xlane v15, v1;
	_ =	sdelay $0x1  }
0x3d7: {  	v21 =	vmax.f32 v15, v21;
	v15 =	vmax.f32 v8, v20;
	v8 =	vmax.f32 v14, v22  }
0x3d8: {  	vm8 =	veq.f32 v13, v8;
	v13 =	vld [tilespmem:$0x1F820];
	_ =	sdelay $0x2  }
0x3d9: {  	v23 =	vld [tilespmem:$0x1FCC0]  }
0x3da: {  	v14 =	vld [tilespmem:$0x1F830]  }
0x3db: {  	vm10 =	veq.f32 v16, v15;
	vm14 =	vnez.u8 v13;
	v13 =	vimm.s32 $0x0  }
0x3dc: {  	v13 =	vsel vm10, $0xFFFFFFFF, v13  }
0x3dd: {  	vm9 =	veq.f32 v17, v15;
	[tilespmem:$0x1FC90] =	vst v13;
	v13 =	vimm.s32 $0x0  }
0x3de: {  	vm1 =	vnez.u8 v23;
	v13 =	vsel vm9, $0xFFFFFFFF, v13  }
0x3df: {  	[tilespmem:$0x1FCA0] =	vst v13;
	v13 =	vsel vm9, $0xFF800000, v17;
	vm9 =	vmmov vm13;
	vm13 =	vnez.u8 v14;
	v14 =	vld [tilespmem:$0x1F840]  }
0x3e0: {  	vm4 =	vmmov vm0;
	vm0 =	vmmov vm1  }
0x3e1: {  	vm1 =	veq.f32 v18, v15;
	vm12 =	veq.f32 v19, v15;
	v15 =	vimm.s32 $0x0  }
0x3e2: {  	v15 =	vsel vm12, $0xFFFFFFFF, v15;
	v17 =	vld [tilespmem:$0x1F850]  }
0x3e3: {  	vm8 =	vmor vm14, vm8;
	vm14 =	vmmov vm6;
	vm6 =	vmmov vm2  }
0x3e4: {  	vm2 =	vmmov vm5;
	vm5 =	vnez.u8 v14;
	v14 =	vimm.s32 $0x0  }
0x3e5: {  	v23 =	vperm.xlane v21, v2;
	[tilespmem:$0x1FCC0] =	vst v15;
	v14 =	vsel vm1, $0xFFFFFFFF, v14  }
0x3e6: {  	v16 =	vsel vm10, $0xFF800000, v16;
	v15 =	vsel vm12, $0xFF800000, v19;
	[tilespmem:$0x1FCB0] =	vst v14;
	v14 =	vsel vm1, $0xFF800000, v18  }
0x3e7: {  	vm1 =	vnez.u8 v17;
	v17 =	vmax.f32 v16, v13;
	v18 =	vmax.f32 v14, v15  }
0x3e8: {  	v17 =	vmax.f32 v17, v18;
	v18 =	vld [tilespmem:$0x1F860]  }
0x3e9: {  	v19 =	vmax.f32 v21, v23;
	v21 =	vld [tilespmem:$0x1F870]  }
0x3ea: {  	p0 =	sne.s32 s16, $0xFF00  }
.Ltmp1:
0x3eb: {  	vm8 =	vmor vm5, vm8;
	(pc) =	sbr.rel @p0 .LBB2_4-.Ltmp1, $4  }
0x3ec: {  	vm8 =	vmor vm1, vm8  }
0x3ed: {  	vm12 =	vmmov vm15;
	vm0 =	vmor vm0, vm8;
	vm1 =	vnez.u8 v18  }
0x3ee: {  	v20 =	vperm.xlane v19, v3;
	vm0 =	vmor vm1, vm0;
	vm1 =	vnez.u8 v21  }
0x3ef: {  	s16 =	sadd.s32 $0x100, s16;
	vm10 =	vmmov vm7;
	v18 =	vperm.xlane v17, v0;
	vm5 =	vmor vm1, vm0  }
0x3f0: {  	v19 =	vmax.f32 v19, v20  }
0x3f1: {  	v20 =	vimm.s32 $0x0;
	vm0 =	veq.f32 v9, v19  }
0x3f2: {  	vm7 =	veq.f32 v11, v19;
	v20 =	vsel vm0, $0xFFFFFFFF, v20  }
0x3f3: {  	v9 =	vsel vm0, $0xFF800000, v9;
	vm0 =	veq.f32 v10, v19;
	[tilespmem:$0x1F4B0] =	vst v20;
	v20 =	vimm.s32 $0x0  }
0x3f4: {  	vm1 =	veq.f32 v12, v19;
	v19 =	vimm.s32 $0x0;
	v20 =	vsel vm0, $0xFFFFFFFF, v20  }
0x3f5: {  	v11 =	vsel vm7, $0xFF800000, v11;
	v19 =	vsel vm1, $0xFFFFFFFF, v19;
	[tilespmem:$0x1F4C0] =	vst v20;
	v20 =	vimm.s32 $0x0  }
0x3f6: {  	v12 =	vsel vm1, $0xFF800000, v12;
	v10 =	vsel vm0, $0xFF800000, v10;
	[tilespmem:$0x1F400] =	vst v19;
	v20 =	vsel vm7, $0xFFFFFFFF, v20  }
0x3f7: {  	v19 =	vmax.f32 v9, v10;
	[tilespmem:$0x1F4E0] =	vst v20;
	v20 =	vmax.f32 v11, v12  }
0x3f8: {  	v19 =	vmax.f32 v19, v20  }
0x3f9: {  	v20 =	vperm.xlane v19, v0;
	_ =	sdelay $0x1  }
0x3fa: {  	v19 =	vmax.f32 v19, v20  }
0x3fb: {  	v20 =	vperm.xlane v19, v1;
	_ =	sdelay $0x1  }
0x3fc: {  	v19 =	vmax.f32 v19, v20  }
0x3fd: {  	v20 =	vperm.xlane v19, v2;
	_ =	sdelay $0x1  }
0x3fe: {  	v19 =	vmax.f32 v19, v20  }
0x3ff: {  	v20 =	vperm.xlane v19, v3;
	_ =	sdelay $0x1  }
0x400: {  	v19 =	vmax.f32 v19, v20  }
0x401: {  	v20 =	vimm.s32 $0x0;
	vm0 =	veq.f32 v9, v19  }
0x402: {  	vm1 =	veq.f32 v10, v19;
	v20 =	vsel vm0, $0xFFFFFFFF, v20  }
0x403: {  	vm7 =	veq.f32 v12, v19;
	v9 =	vsel vm0, $0xFF800000, v9;
	[tilespmem:$0x1F490] =	vst v20;
	v20 =	vimm.s32 $0x0  }
0x404: {  	vm0 =	veq.f32 v11, v19;
	v19 =	vimm.s32 $0x0;
	v20 =	vsel vm1, $0xFFFFFFFF, v20  }
0x405: {  	v10 =	vsel vm1, $0xFF800000, v10;
	v19 =	vsel vm7, $0xFFFFFFFF, v19;
	[tilespmem:$0x1F4A0] =	vst v20;
	v20 =	vimm.s32 $0x0  }
0x406: {  	v12 =	vsel vm7, $0xFF800000, v12;
	v11 =	vsel vm0, $0xFF800000, v11;
	[tilespmem:$0x1F3F0] =	vst v19;
	v20 =	vsel vm0, $0xFFFFFFFF, v20  }
0x407: {  	v19 =	vmax.f32 v9, v10;
	[tilespmem:$0x1F4D0] =	vst v20;
	v20 =	vmax.f32 v11, v12  }
0x408: {  	v19 =	vmax.f32 v19, v20  }
0x409: {  	v20 =	vperm.xlane v19, v0;
	_ =	sdelay $0x1  }
0x40a: {  	v19 =	vmax.f32 v19, v20  }
0x40b: {  	v20 =	vperm.xlane v19, v1;
	_ =	sdelay $0x1  }
0x40c: {  	v19 =	vmax.f32 v19, v20  }
0x40d: {  	v20 =	vperm.xlane v19, v2  }
0x40e: {  	v17 =	vmax.f32 v17, v18  }
0x40f: {  	v19 =	vmax.f32 v19, v20;
	v20 =	vperm.xlane v17, v1  }
0x410: {  	v18 =	vperm.xlane v19, v3  }
0x411: {  	v17 =	vmax.f32 v17, v20  }
0x412: {  	v20 =	vimm.s32 $0x0;
	v18 =	vmax.f32 v19, v18;
	v19 =	vimm.s32 $0x0  }
0x413: {  	vm0 =	veq.f32 v9, v18;
	vm1 =	veq.f32 v10, v18;
	vm7 =	veq.f32 v12, v18  }
0x414: {  	v19 =	vsel vm0, $0xFFFFFFFF, v19;
	v9 =	vsel vm0, $0xFF800000, v9;
	v20 =	vsel vm1, $0xFFFFFFFF, v20  }
0x415: {  	vm0 =	veq.f32 v11, v18;
	v18 =	vimm.s32 $0x0;
	v10 =	vsel vm1, $0xFF800000, v10;
	[tilespmem:$0x1F4F0] =	vst v19  }
0x416: {  	v12 =	vsel vm7, $0xFF800000, v12;
	v19 =	vperm.xlane v17, v2;
	[tilespmem:$0x1F500] =	vst v20;
	v20 =	vimm.s32 $0x0  }
0x417: {  	v18 =	vsel vm7, $0xFFFFFFFF, v18;
	v11 =	vsel vm0, $0xFF800000, v11;
	v20 =	vsel vm0, $0xFFFFFFFF, v20  }
0x418: {  	[tilespmem:$0x1F420] =	vst v18;
	v18 =	vmax.f32 v9, v10;
	v17 =	vmax.f32 v17, v19;
	v19 =	vmax.f32 v11, v12  }
0x419: {  	[tilespmem:$0x1F510] =	vst v20;
	v20 =	vperm.xlane v17, v3;
	v18 =	vmax.f32 v18, v19  }
0x41a: {  	v19 =	vperm.xlane v18, v0  }
0x41b: {  	v17 =	vmax.f32 v17, v20  }
0x41c: {  	v20 =	vimm.s32 $0x0;
	v18 =	vmax.f32 v18, v19;
	vm0 =	veq.f32 v16, v17  }
0x41d: {  	v19 =	vimm.s32 $0x0;
	vm1 =	veq.f32 v13, v17;
	vm7 =	veq.f32 v15, v17  }
0x41e: {  	v19 =	vsel vm0, $0xFFFFFFFF, v19;
	v16 =	vsel vm0, $0xFF800000, v16;
	v20 =	vsel vm1, $0xFFFFFFFF, v20  }
0x41f: {  	vm0 =	veq.f32 v14, v17;
	v17 =	vimm.s32 $0x0;
	v13 =	vsel vm1, $0xFF800000, v13;
	[tilespmem:$0x1F3C0] =	vst v19  }
0x420: {  	v19 =	vperm.xlane v18, v1;
	[tilespmem:$0x1F3D0] =	vst v20;
	v20 =	vimm.s32 $0x0;
	v17 =	vsel vm7, $0xFFFFFFFF, v17  }
0x421: {  	v15 =	vsel vm7, $0xFF800000, v15;
	v14 =	vsel vm0, $0xFF800000, v14;
	v20 =	vsel vm0, $0xFFFFFFFF, v20;
	[tilespmem:$0x1F3A0] =	vst v17  }
0x422: {  	v17 =	vmax.f32 v16, v13;
	[tilespmem:$0x1F3E0] =	vst v20;
	v20 =	vmax.f32 v14, v15;
	v18 =	vmax.f32 v18, v19  }
0x423: {  	v17 =	vmax.f32 v17, v20;
	v19 =	vperm.xlane v18, v2  }
0x424: {  	v20 =	vperm.xlane v17, v0  }
0x425: {  	v18 =	vmax.f32 v18, v19  }
0x426: {  	v17 =	vmax.f32 v17, v20;
	v19 =	vperm.xlane v18, v3  }
0x427: {  	v20 =	vperm.xlane v17, v1  }
0x428: {  	v18 =	vmax.f32 v18, v19  }
0x429: {  	v19 =	vimm.s32 $0x0;
	v17 =	vmax.f32 v17, v20;
	vm0 =	veq.f32 v9, v18  }
0x42a: {  	v20 =	vimm.s32 $0x0;
	vm1 =	veq.f32 v11, v18;
	vm7 =	veq.f32 v12, v18  }
0x42b: {  	v19 =	vsel vm0, $0xFFFFFFFF, v19;
	v9 =	vsel vm0, $0xFF800000, v9;
	vm0 =	veq.f32 v10, v18  }
0x42c: {  	v18 =	vimm.s32 $0x0;
	v11 =	vsel vm1, $0xFF800000, v11;
	[tilespmem:$0x1F550] =	vst v19;
	v20 =	vsel vm0, $0xFFFFFFFF, v20  }
0x42d: {  	v19 =	vperm.xlane v17, v2;
	v18 =	vsel vm7, $0xFFFFFFFF, v18;
	v10 =	vsel vm0, $0xFF800000, v10;
	[tilespmem:$0x1F560] =	vst v20  }
0x42e: {  	v12 =	vsel vm7, $0xFF800000, v12;
	v20 =	vimm.s32 $0x0;
	[tilespmem:$0x1F440] =	vst v18;
	v18 =	vmax.f32 v9, v10  }
0x42f: {  	v20 =	vsel vm1, $0xFFFFFFFF, v20;
	v17 =	vmax.f32 v17, v19;
	v19 =	vmax.f32 v11, v12  }
0x430: {  	[tilespmem:$0x1F570] =	vst v20;
	v20 =	vperm.xlane v17, v3;
	v18 =	vmax.f32 v18, v19  }
0x431: {  	v19 =	vperm.xlane v18, v0  }
0x432: {  	v17 =	vmax.f32 v17, v20  }
0x433: {  	v18 =	vmax.f32 v18, v19;
	vm0 =	veq.f32 v16, v17;
	v19 =	vimm.s32 $0x0  }
0x434: {  	v20 =	vimm.s32 $0x0;
	vm1 =	veq.f32 v15, v17;
	v19 =	vsel vm0, $0xFFFFFFFF, v19  }
0x435: {  	v16 =	vsel vm0, $0xFF800000, v16;
	vm0 =	veq.f32 v13, v17;
	v15 =	vsel vm1, $0xFF800000, v15  }
0x436: {  	[tilespmem:$0x1F410] =	vst v19;
	v19 =	vperm.xlane v18, v1;
	v20 =	vsel vm0, $0xFFFFFFFF, v20;
	v13 =	vsel vm0, $0xFF800000, v13  }
0x437: {  	vm0 =	veq.f32 v14, v17;
	v17 =	vimm.s32 $0x0;
	[tilespmem:$0x1F430] =	vst v20;
	v20 =	vimm.s32 $0x0  }
0x438: {  	v17 =	vsel vm1, $0xFFFFFFFF, v17;
	v14 =	vsel vm0, $0xFF800000, v14;
	v20 =	vsel vm0, $0xFFFFFFFF, v20  }
0x439: {  	[tilespmem:$0x1F3B0] =	vst v17;
	v17 =	vmax.f32 v18, v19;
	v18 =	vmax.f32 v16, v13;
	v19 =	vmax.f32 v14, v15  }
0x43a: {  	[tilespmem:$0x1F450] =	vst v20;
	v20 =	vperm.xlane v17, v2;
	v18 =	vmax.f32 v18, v19  }
0x43b: {  	v19 =	vperm.xlane v18, v0  }
0x43c: {  	v17 =	vmax.f32 v17, v20  }
0x43d: {  	v20 =	vperm.xlane v17, v3;
	v18 =	vmax.f32 v18, v19  }
0x43e: {  	v19 =	vperm.xlane v18, v1  }
0x43f: {  	v17 =	vmax.f32 v17, v20  }
0x440: {  	v20 =	vimm.s32 $0x0;
	vm0 =	veq.f32 v9, v17;
	v18 =	vmax.f32 v18, v19  }
0x441: {  	vm1 =	veq.f32 v10, v17;
	v19 =	vimm.s32 $0x0;
	vm7 =	veq.f32 v12, v17  }
0x442: {  	v20 =	vsel vm0, $0xFFFFFFFF, v20;
	v9 =	vsel vm0, $0xFF800000, v9;
	v19 =	vsel vm1, $0xFFFFFFFF, v19  }
0x443: {  	vm0 =	veq.f32 v11, v17;
	v17 =	vimm.s32 $0x0;
	v10 =	vsel vm1, $0xFF800000, v10;
	[tilespmem:$0x1F520] =	vst v20  }
0x444: {  	v12 =	vsel vm7, $0xFF800000, v12;
	[tilespmem:$0x1F530] =	vst v19;
	v19 =	vimm.s32 $0x0;
	v17 =	vsel vm7, $0xFFFFFFFF, v17  }
0x445: {  	v11 =	vsel vm0, $0xFF800000, v11;
	v19 =	vsel vm0, $0xFFFFFFFF, v19;
	[tilespmem:$0x1F480] =	vst v17;
	v17 =	vperm.xlane v18, v2  }
0x446: {  	v20 =	vmax.f32 v11, v12;
	[tilespmem:$0x1F540] =	vst v19;
	v19 =	vmax.f32 v9, v10  }
0x447: {  	v19 =	vmax.f32 v19, v20;
	v17 =	vmax.f32 v18, v17  }
0x448: {  	v18 =	vperm.xlane v19, v0;
	v20 =	vperm.xlane v17, v3;
	_ =	sdelay $0x1  }
0x449: {  	vm0 =	veq.f32 v7, v8;
	v18 =	vmax.f32 v19, v18;
	v17 =	vmax.f32 v17, v20  }
0x44a: {  	v7 =	vimm.s32 $0x0;
	v19 =	vperm.xlane v18, v1;
	vm1 =	veq.f32 v16, v17  }
0x44b: {  	v7 =	vsel vm1, $0xFFFFFFFF, v7  }
0x44c: {  	[tilespmem:$0x1F460] =	vst v7;
	v7 =	vsel vm1, $0xFF800000, v16;
	v16 =	vmax.f32 v18, v19  }
0x44d: {  	v18 =	vperm.xlane v16, v2  }
0x44e: {  	vm8 =	vmor vm13, vm0;
	vm0 =	veq.f32 v14, v17;
	v19 =	vimm.s32 $0x0  }
0x44f: {  	v19 =	vsel vm0, $0xFFFFFFFF, v19;
	v16 =	vmax.f32 v16, v18  }
0x450: {  	[tilespmem:$0x1F470] =	vst v19;
	v19 =	vperm.xlane v16, v3  }
0x451: {  	vm7 =	vmor vm3, vm5;
	vm5 =	veq.f32 v6, v8  }
0x452: {  	vm5 =	vmor vm9, vm5;
	vm9 =	veq.f32 v5, v8;
	v8 =	vmax.f32 v16, v19;
	v16 =	vld [tilespmem:$0x1FB10];
	_ =	sdelay $0x4  }
0x453: {  	v14 =	vsel vm0, $0xFF800000, v14;
	vm0 =	vnez.u8 v16;
	v16 =	vld [tilespmem:$0x1FB40];
	_ =	sdelay $0x1  }
0x454: {  	vm13 =	veq.f32 v13, v17  }
0x455: {  	vm3 =	veq.f32 v15, v17;
	v13 =	vsel vm13, $0xFF800000, v13  }
0x456: {  	v15 =	vsel vm3, $0xFF800000, v15;
	v17 =	vmax.f32 v7, v13  }
0x457: {  	v18 =	vmax.f32 v14, v15;
	vm8 =	vmor vm0, vm8;
	vm0 =	vnez.u8 v16;
	v16 =	vld [tilespmem:$0x1FB60]  }
0x458: {  	v6 =	vmax.f32 v17, v18  }
0x459: {  	v5 =	vperm.xlane v6, v0  }
0x45a: {  	vm10 =	vmor vm10, vm9  }
0x45b: {  	vm9 =	veq.f32 v9, v8;
	v5 =	vmax.f32 v6, v5;
	vm1 =	veq.f32 v10, v8  }
0x45c: {  	vm15 =	veq.f32 v11, v8;
	vm5 =	vmor vm0, vm5;
	vm0 =	vnez.u8 v16  }
0x45d: {  	v6 =	vsel vm9, $0xFF800000, v9;
	vm0 =	vmor vm0, vm10;
	vm10 =	veq.f32 v12, v8  }
0x45e: {  	v9 =	vsel vm15, $0xFF800000, v11;
	v8 =	vsel vm1, $0xFF800000, v10;
	v10 =	vsel vm10, $0xFF800000, v12  }
0x45f: {  	v12 =	vmax.f32 v6, v8;
	v16 =	vmax.f32 v9, v10  }
0x460: {  	v12 =	vmax.f32 v12, v16;
	v16 =	vld [tilespmem:$0x1FC70];
	_ =	sdelay $0x3  }
0x461: {  	vm8 =	vmor vm11, vm8  }
0x462: {  	vm6 =	vmor vm6, vm8;
	vm8 =	vnez.u8 v16;
	v16 =	vld [tilespmem:$0x1FBA0];
	_ =	sdelay $0x1  }
0x463: {  	v11 =	vperm.xlane v5, v1;
	_ =	sdelay $0x1  }
0x464: {  	v5 =	vmax.f32 v5, v11;
	v11 =	vperm.xlane v12, v0  }
0x465: {  	vm0 =	vmor vm8, vm0;
	vm8 =	vnez.u8 v16;
	v16 =	vperm.xlane v5, v2  }
0x466: {  	v11 =	vmax.f32 v12, v11;
	v12 =	vld [tilespmem:$0x1FBC0]  }
0x467: {  	v5 =	vmax.f32 v5, v16;
	v16 =	vld [tilespmem:$0x1FBE0];
	_ =	sdelay $0x2  }
0x468: {  	vm5 =	vmor vm12, vm5  }
0x469: {  	vm5 =	vmor vm14, vm5;
	vm0 =	vmor vm4, vm0;
	vm4 =	vnez.u8 v12  }
0x46a: {  	vm4 =	vmor vm4, vm5;
	vm5 =	vnez.u8 v16;
	v16 =	vld [tilespmem:$0x1FA60]  }
0x46b: {  	v17 =	vld [tilespmem:$0x1FA70];
	_ =	sdelay $0x2  }
0x46c: {  	v12 =	vperm.xlane v11, v1  }
0x46d: {  	vm6 =	vmor vm8, vm6;
	vm0 =	vmor vm5, vm0;
	vm5 =	vnez.u8 v16  }
0x46e: {  	vm5 =	vmor vm5, vm6;
	vm6 =	vnez.u8 v17;
	v17 =	vld [tilespmem:$0x1FA80]  }
0x46f: {  	v11 =	vmax.f32 v11, v12;
	v12 =	vld [tilespmem:$0x1FAA0];
	_ =	sdelay $0x3  }
0x470: {  	vm4 =	vmor vm6, vm4;
	vm6 =	vnez.u8 v17  }
0x471: {  	v17 =	vld [tilespmem:$0x1FAD0];
	vm0 =	vmor vm6, vm0;
	vm6 =	vnez.u8 v12;
	v12 =	vperm.xlane v11, v2  }
0x472: {  	v16 =	vperm.xlane v5, v3  }
0x473: {  	v11 =	vmax.f32 v11, v12;
	v12 =	vld [tilespmem:$0x1FA90]  }
0x474: {  	v5 =	vmax.f32 v5, v16  }
0x475: {  	v16 =	vsel vm7, $0x3F800000, v4;
	vm7 =	veq.f32 v15, v5;
	v15 =	vld [tilespmem:$0x1FAB0]  }
0x476: {  	vm5 =	vmor vm6, vm5;
	vm6 =	vnez.u8 v17  }
0x477: {  	vm6 =	vmmov vm6  }
0x478: {  	vm6 =	vmor vm6, vm7;
	vm7 =	vnez.u8 v12  }
0x479: {  	vm7 =	vmmov vm7  }
0x47a: {  	vm6 =	vmor vm7, vm6;
	vm7 =	vnez.u8 v15;
	v15 =	vld [tilespmem:$0x1FCC0];
	_ =	sdelay $0x3  }
0x47b: {  	vm2 =	vmmov vm2  }
0x47c: {  	vm2 =	vmor vm2, vm6;
	vm6 =	vnez.u8 v15;
	v15 =	vld [tilespmem:$0x1FAC0];
	_ =	sdelay $0x4  }
0x47d: {  	v12 =	vperm.xlane v11, v3;
	vm4 =	vmor vm7, vm4;
	vm7 =	vnez.u8 v15;
	v15 =	vld [tilespmem:$0x1F3A0]  }
0x47e: {  	v17 =	vld [tilespmem:$0x1F3B0]  }
0x47f: {  	v11 =	vmax.f32 v11, v12;
	vm6 =	vmmov vm6  }
0x480: {  	vm2 =	vmor vm6, vm2;
	vm6 =	veq.f32 v8, v11  }
0x481: {  	v12 =	vsel vm5, $0x3F800000, v4;
	v8 =	vsel vm6, $0xFF800000, v8  }
0x482: {  	vm0 =	vmor vm7, vm0;
	vm7 =	veq.f32 v10, v11;
	vm5 =	vnez.u8 v15  }
0x483: {  	v15 =	vsel vm4, $0x3F800000, v4;
	vm4 =	vnez.u8 v17;
	vm5 =	vmor vm5, vm2  }
0x484: {  	vm2 =	veq.f32 v6, v11;
	vm5 =	vmor vm4, vm5;
	vm4 =	veq.f32 v9, v11  }
0x485: {  	v10 =	vsel vm7, $0xFF800000, v10;
	v6 =	vsel vm2, $0xFF800000, v6;
	v9 =	vsel vm4, $0xFF800000, v9  }
0x486: {  	v11 =	vmax.f32 v6, v8;
	v17 =	vmax.f32 v9, v10  }
0x487: {  	v11 =	vmax.f32 v11, v17;
	v17 =	vld [tilespmem:$0x1FC00];
	_ =	sdelay $0x4  }
0x488: {  	v18 =	vsel vm0, $0x3F800000, v4;
	vm0 =	vnez.u8 v17;
	v17 =	vld [tilespmem:$0x1FC20];
	_ =	sdelay $0x3  }
0x489: {  	vm8 =	veq.f32 v7, v5  }
0x48a: {  	vm3 =	vmor vm3, vm5;
	v7 =	vperm.xlane v11, v0;
	vm5 =	vnez.u8 v17;
	v17 =	vld [tilespmem:$0x1FC40]  }
0x48b: {  	vm11 =	veq.f32 v13, v5;
	vm0 =	vmmov vm0  }
0x48c: {  	vm0 =	vmor vm0, vm8;
	vm8 =	veq.f32 v14, v5;
	v5 =	vmax.f32 v11, v7;
	v7 =	vld [tilespmem:$0x1FB30];
	_ =	sdelay $0x2  }
0x48d: {  	v13 =	vsel vm3, $0x3F800000, v4;
	vm3 =	vnez.u8 v17  }
0x48e: {  	vm3 =	vmmov vm3  }
0x48f: {  	vm3 =	vmor vm3, vm8;
	vm8 =	vnez.u8 v7;
	v7 =	vld [tilespmem:$0x1FB50];
	_ =	sdelay $0x2  }
0x490: {  	v11 =	vld [tilespmem:$0x1FB80]  }
0x491: {  	vm8 =	vmmov vm8  }
0x492: {  	vm0 =	vmor vm8, vm0;
	vm8 =	vnez.u8 v7;
	v7 =	vperm.xlane v5, v1  }
0x493: {  	vm5 =	vmmov vm5  }
0x494: {  	vm5 =	vmor vm5, vm11;
	vm8 =	vmmov vm8;
	v5 =	vmax.f32 v5, v7;
	v7 =	vld [tilespmem:$0x1FC60]  }
0x495: {  	vm5 =	vmor vm8, vm5;
	vm8 =	vnez.u8 v11;
	v11 =	vld [tilespmem:$0x1FC50];
	_ =	sdelay $0x2  }
0x496: {  	vm8 =	vmmov vm8  }
0x497: {  	vm3 =	vmor vm8, vm3;
	vm8 =	vnez.u8 v7;
	v7 =	vld [tilespmem:$0x1FC80]  }
0x498: {  	vm11 =	vnez.u8 v11;
	v11 =	vld [tilespmem:$0x1FC90];
	_ =	sdelay $0x2  }
0x499: {  	vm11 =	vmmov vm11;
	vm8 =	vmmov vm8  }
0x49a: {  	vm0 =	vmor vm11, vm0;
	vm5 =	vmor vm8, vm5  }
0x49b: {  	vm11 =	vnez.u8 v7;
	v7 =	vperm.xlane v5, v2;
	vm8 =	vnez.u8 v11;
	v11 =	vld [tilespmem:$0x1F3C0];
	_ =	sdelay $0x1  }
0x49c: {  	v5 =	vmax.f32 v5, v7;
	v7 =	vld [tilespmem:$0x1FCA0];
	_ =	sdelay $0x1  }
0x49d: {  	vm8 =	vmmov vm8  }
0x49e: {  	vm0 =	vmor vm8, vm0;
	vm8 =	vnez.u8 v11  }
0x49f: {  	vm8 =	vmmov vm8  }
0x4a0: {  	v11 =	vld [tilespmem:$0x1F3D0];
	vm0 =	vmor vm8, vm0;
	vm8 =	vnez.u8 v7;
	v7 =	vperm.xlane v5, v3;
	_ =	sdelay $0x1  }
0x4a1: {  	v5 =	vmax.f32 v5, v7;
	v7 =	vld [tilespmem:$0x1F3E0];
	_ =	sdelay $0x1  }
0x4a2: {  	vm8 =	vmmov vm8  }
0x4a3: {  	vm5 =	vmor vm8, vm5;
	vm8 =	vnez.u8 v11;
	v11 =	vld [tilespmem:$0x1FCB0]  }
0x4a4: {  	vm8 =	vmmov vm8  }
0x4a5: {  	vm5 =	vmor vm8, vm5;
	vm8 =	vnez.u8 v7;
	v7 =	vld [tilespmem:$0x1F3F0];
	_ =	sdelay $0x1  }
0x4a6: {  	vm11 =	vmmov vm11  }
0x4a7: {  	vm3 =	vmor vm11, vm3;
	vm11 =	vnez.u8 v11  }
0x4a8: {  	vm11 =	vmmov vm11  }
0x4a9: {  	vm3 =	vmor vm11, vm3;
	vm11 =	vnez.u8 v7;
	v7 =	vld [tilespmem:$0x1F400];
	_ =	sdelay $0x3  }
0x4aa: {  	vm12 =	veq.f32 v10, v5;
	vm8 =	vmmov vm8;
	vm11 =	vmmov vm11  }
0x4ab: {  	vm3 =	vmor vm8, vm3;
	vm8 =	vmor vm11, vm12;
	vm11 =	vnez.u8 v7;
	v7 =	vld [tilespmem:$0x1F410];
	_ =	sdelay $0x4  }
0x4ac: {  	vm12 =	vnez.u8 v7;
	v7 =	vld [tilespmem:$0x1F420];
	_ =	sdelay $0x3  }
0x4ad: {  	vm11 =	vmmov vm11  }
0x4ae: {  	vm8 =	vmor vm11, vm8;
	vm11 =	vnez.u8 v7;
	v7 =	vld [tilespmem:$0x1F430];
	_ =	sdelay $0x4  }
0x4af: {  	vm0 =	vmor vm12, vm0;
	vm12 =	vnez.u8 v7;
	v7 =	vld [tilespmem:$0x1F440];
	_ =	sdelay $0x3  }
0x4b0: {  	vm11 =	vmmov vm11  }
0x4b1: {  	vm8 =	vmor vm11, vm8;
	vm11 =	vnez.u8 v7;
	v7 =	vld [tilespmem:$0x1F450];
	_ =	sdelay $0x4  }
0x4b2: {  	vm5 =	vmor vm12, vm5;
	vm12 =	vnez.u8 v7;
	v7 =	vld [tilespmem:$0x1F460];
	_ =	sdelay $0x4  }
0x4b3: {  	vm3 =	vmor vm12, vm3;
	vm12 =	vnez.u8 v7;
	v7 =	vld [tilespmem:$0x1F470];
	_ =	sdelay $0x3  }
0x4b4: {  	vm11 =	vmmov vm11  }
0x4b5: {  	vm8 =	vmor vm11, vm8;
	vm11 =	vnez.u8 v7;
	v7 =	vld [tilespmem:$0x1F480]  }
0x4b6: {  	v14 =	vld [tilespmem:$0x1F490];
	_ =	sdelay $0x1  }
0x4b7: {  	vm5 =	vmor vm13, vm5  }
0x4b8: {  	v10 =	vsel vm5, $0x3F800000, v4;
	vm5 =	veq.f32 v6, v5  }
0x4b9: {  	v6 =	vld [tilespmem:$0x1F4B0];
	vm0 =	vmor vm12, vm0;
	vm3 =	vmor vm11, vm3;
	vm11 =	vnez.u8 v7  }
0x4ba: {  	v11 =	vsel vm3, $0x3F800000, v4;
	vm3 =	vnez.u8 v14;
	vm8 =	vmor vm11, vm8  }
0x4bb: {  	v17 =	vld [tilespmem:$0x1F4A0];
	vm3 =	vmmov vm3;
	v7 =	vsel vm0, $0x3F800000, v4;
	vm0 =	vmor vm10, vm8  }
0x4bc: {  	vm10 =	veq.f32 v9, v5;
	vm0 =	vmor vm7, vm0;
	vm7 =	veq.f32 v8, v5;
	v5 =	vld [tilespmem:$0x1F4E0]  }
0x4bd: {  	vm3 =	vmmov vm3  }
0x4be: {  	vm3 =	vmor vm3, vm5;
	vm5 =	vnez.u8 v6;
	v6 =	vld [tilespmem:$0x1F4C0]  }
0x4bf: {  	vm5 =	vmmov vm5  }
0x4c0: {  	vm5 =	vmmov vm5;
	v14 =	vsel vm0, $0x3F800000, v4;
	vm0 =	vnez.u8 v17  }
0x4c1: {  	vm3 =	vmor vm5, vm3;
	vm0 =	vmmov vm0;
	vm5 =	vnez.u8 v5;
	v5 =	vld [tilespmem:$0x1F4F0]  }
0x4c2: {  	vm0 =	vmmov vm0  }
0x4c3: {  	vm0 =	vmor vm0, vm7;
	vm7 =	vnez.u8 v6;
	v6 =	vld [tilespmem:$0x1F4D0]  }
0x4c4: {  	vm7 =	vmmov vm7  }
0x4c5: {  	vm7 =	vmmov vm7  }
0x4c6: {  	vm0 =	vmor vm7, vm0;
	vm7 =	vnez.u8 v5;
	v5 =	vld [tilespmem:$0x1F500];
	_ =	sdelay $0x1  }
0x4c7: {  	vm8 =	vnez.u8 v6  }
0x4c8: {  	vm8 =	vmmov vm8  }
0x4c9: {  	vm8 =	vmmov vm8  }
0x4ca: {  	vm8 =	vmor vm8, vm10;
	vm10 =	vnez.u8 v5;
	v5 =	vld [tilespmem:$0x1F510];
	_ =	sdelay $0x2  }
0x4cb: {  	vm7 =	vmmov vm7  }
0x4cc: {  	vm7 =	vmmov vm7  }
0x4cd: {  	vm3 =	vmor vm7, vm3;
	vm7 =	vnez.u8 v5;
	v5 =	vld [tilespmem:$0x1F520];
	_ =	sdelay $0x2  }
0x4ce: {  	vm5 =	vmmov vm5  }
0x4cf: {  	vm5 =	vmmov vm5  }
0x4d0: {  	vm5 =	vmor vm5, vm8;
	vm8 =	vnez.u8 v5;
	v5 =	vld [tilespmem:$0x1F530];
	_ =	sdelay $0x2  }
0x4d1: {  	vm10 =	vmmov vm10  }
0x4d2: {  	vm10 =	vmmov vm10  }
0x4d3: {  	vm0 =	vmor vm10, vm0;
	vm10 =	vnez.u8 v5;
	v5 =	vld [tilespmem:$0x1F540];
	_ =	sdelay $0x4  }
0x4d4: {  	vm11 =	vnez.u8 v5;
	v5 =	vld [tilespmem:$0x1F550];
	_ =	sdelay $0x4  }
0x4d5: {  	vm12 =	vnez.u8 v5;
	v5 =	vld [tilespmem:$0x1F560];
	_ =	sdelay $0x4  }
0x4d6: {  	vm13 =	vnez.u8 v5;
	v5 =	vld [tilespmem:$0x1F570]  }
0x4d7: {  	[tilespmem:s13+$0x4030] =	vst v16;
	vm7 =	vmmov vm7  }
0x4d8: {  	[tilespmem:s13+$0x4000] =	vst v12;
	vm7 =	vmmov vm7  }
0x4d9: {  	[tilespmem:s13+$0x4020] =	vst v18;
	vm5 =	vmor vm7, vm5;
	vm8 =	vmmov vm8  }
0x4da: {  	[tilespmem:s13+$0x4010] =	vst v15;
	vm10 =	vmmov vm10;
	vm11 =	vmmov vm11;
	vm12 =	vmmov vm12  }
0x4db: {  	[tilespmem:s14+$0x4030] =	vst v13;
	vm3 =	vmor vm12, vm3;
	vm13 =	vmmov vm13;
	vm14 =	vnez.u8 v5  }
0x4dc: {  	[tilespmem:s14+$0x4010] =	vst v10;
	vm3 =	vmor vm8, vm3;
	vm0 =	vmor vm13, vm0;
	vm14 =	vmmov vm14  }
0x4dd: {  	[tilespmem:s14+$0x4020] =	vst v11;
	vm3 =	vmor vm9, vm3;
	vm0 =	vmor vm10, vm0;
	vm5 =	vmor vm14, vm5  }
0x4de: {  	[tilespmem:s14+$0x4000] =	vst v7;
	vm0 =	vmor vm1, vm0;
	vm1 =	vmor vm2, vm3;
	vm5 =	vmor vm11, vm5  }
0x4df: {  	[tilespmem:s15+$0x4030] =	vst v14;
	vm0 =	vmor vm6, vm0;
	v5 =	vsel vm1, $0x3F800000, v4;
	vm2 =	vmor vm15, vm5  }
0x4e0: {  	[tilespmem:s15+$0x4000] =	vst v5;
	v5 =	vsel vm0, $0x3F800000, v4;
	vm1 =	vmor vm4, vm2  }
0x4e1: {  	[tilespmem:s15+$0x4010] =	vst v5;
	v5 =	vsel vm1, $0x3F800000, v4  }
0x4e2: {  	s31 =	simm.s32 $0x0;
	[tilespmem:s15+$0x4020] =	vst v5  }
0x4e3: {  	[hbm4b:s6+s31] =	stream.linear.scatter [tilespmem:s11], [sflag:$0x1], $0x4000, $0x38;
	[tilespmem:$0x8000] =	vst v63  }
0x4e4: {  	_ =	swait.ge [sflag:s10], $0x4000  }
0x4e5: {  	[sflag:s10] =	ssyncset.done $0x0  }
0x4e6: {  	[sflag:s10] =	ssyncadd.s32 $0xFFFFC000  }
0x4e7: {  	[tilespmem:s31], [sflag:$0x1] =	stream.linear.gather [hbm4b:s7+s31], $0x4000, $0x38;
	[tilespmem:$0x8000] =	vst v63  }
0x4e8: {  	_ =	swait.ge [sflag:s10], $0x4000  }
0x4e9: {  	[sflag:s10] =	ssyncset.done $0x0  }
0x4ea: {  	s13 =	simm.s32 $0x0;
	[sflag:s10] =	ssyncadd.s32 $0xFFFFC000  }
0x4eb: {  	v5 =	vld [tilespmem:s13+$0x0]  }
0x4ec: {  	v6 =	vld [tilespmem:s13+$0x10]  }
0x4ed: {  	v7 =	vld [tilespmem:s13+$0x20]  }
0x4ee: {  	v8 =	vld [tilespmem:s13+$0x30];
	_ =	sdelay $0x4  }
0x4ef: {  	v9 =	vmax.f32 v5, v6;
	v10 =	vmax.f32 v7, v8  }
0x4f0: {  	v9 =	vmax.f32 v9, v10  }
0x4f1: {  	v10 =	vperm.xlane v9, v0;
	_ =	sdelay $0x1  }
0x4f2: {  	v9 =	vmax.f32 v9, v10  }
0x4f3: {  	v10 =	vperm.xlane v9, v1;
	_ =	sdelay $0x1  }
0x4f4: {  	v9 =	vmax.f32 v9, v10  }
0x4f5: {  	v10 =	vperm.xlane v9, v2;
	_ =	sdelay $0x1  }
0x4f6: {  	v9 =	vmax.f32 v9, v10  }
0x4f7: {  	v10 =	vperm.xlane v9, v3;
	_ =	sdelay $0x1  }
0x4f8: {  	v9 =	vmax.f32 v9, v10  }
0x4f9: {  	vm10 =	veq.f32 v5, v9;
	vm8 =	veq.f32 v6, v9  }
0x4fa: {  	vm9 =	veq.f32 v7, v9;
	vm15 =	veq.f32 v8, v9;
	v5 =	vsel vm10, $0xFF800000, v5  }
0x4fb: {  	v6 =	vsel vm8, $0xFF800000, v6;
	v7 =	vsel vm9, $0xFF800000, v7;
	v8 =	vsel vm15, $0xFF800000, v8  }
0x4fc: {  	v9 =	vmax.f32 v5, v6;
	v10 =	vmax.f32 v7, v8  }
0x4fd: {  	v9 =	vmax.f32 v9, v10  }
0x4fe: {  	v10 =	vperm.xlane v9, v0;
	_ =	sdelay $0x1  }
0x4ff: {  	v9 =	vmax.f32 v9, v10  }
0x500: {  	v10 =	vperm.xlane v9, v1;
	_ =	sdelay $0x1  }
0x501: {  	v9 =	vmax.f32 v9, v10  }
0x502: {  	v10 =	vperm.xlane v9, v2;
	_ =	sdelay $0x1  }
0x503: {  	v9 =	vmax.f32 v9, v10  }
0x504: {  	v10 =	vperm.xlane v9, v3;
	_ =	sdelay $0x1  }
0x505: {  	v9 =	vmax.f32 v9, v10  }
0x506: {  	vm14 =	veq.f32 v5, v9;
	vm11 =	veq.f32 v6, v9  }
0x507: {  	vm12 =	veq.f32 v7, v9;
	vm4 =	veq.f32 v8, v9;
	v5 =	vsel vm14, $0xFF800000, v5  }
0x508: {  	v6 =	vsel vm11, $0xFF800000, v6;
	v7 =	vsel vm12, $0xFF800000, v7;
	v8 =	vsel vm4, $0xFF800000, v8  }
0x509: {  	v9 =	vmax.f32 v5, v6;
	v10 =	vmax.f32 v7, v8  }
0x50a: {  	v9 =	vmax.f32 v9, v10  }
0x50b: {  	v10 =	vperm.xlane v9, v0;
	_ =	sdelay $0x1  }
0x50c: {  	v9 =	vmax.f32 v9, v10  }
0x50d: {  	v10 =	vperm.xlane v9, v1;
	_ =	sdelay $0x1  }
0x50e: {  	v9 =	vmax.f32 v9, v10  }
0x50f: {  	v10 =	vperm.xlane v9, v2;
	_ =	sdelay $0x1  }
0x510: {  	v9 =	vmax.f32 v9, v10  }
0x511: {  	v10 =	vperm.xlane v9, v3;
	_ =	sdelay $0x1  }
0x512: {  	v9 =	vmax.f32 v9, v10  }
0x513: {  	v10 =	vimm.s32 $0x0;
	vm0 =	veq.f32 v5, v9  }
0x514: {  	v10 =	vsel vm0, $0xFFFFFFFF, v10  }
0x515: {  	vm2 =	veq.f32 v6, v9;
	[tilespmem:$0x1F600] =	vst v10;
	v10 =	vimm.s32 $0x0  }
0x516: {  	vm1 =	veq.f32 v7, v9;
	v5 =	vsel vm0, $0xFF800000, v5;
	v10 =	vsel vm2, $0xFFFFFFFF, v10  }
0x517: {  	vm0 =	veq.f32 v8, v9;
	v6 =	vsel vm2, $0xFF800000, v6;
	[tilespmem:$0x1F610] =	vst v10;
	v10 =	vimm.s32 $0x0  }
0x518: {  	v7 =	vsel vm1, $0xFF800000, v7;
	v8 =	vsel vm0, $0xFF800000, v8;
	v10 =	vsel vm1, $0xFFFFFFFF, v10  }
0x519: {  	v9 =	vmax.f32 v5, v6;
	[tilespmem:$0x1F620] =	vst v10;
	v10 =	vmax.f32 v7, v8  }
0x51a: {  	v9 =	vmax.f32 v9, v10  }
0x51b: {  	v10 =	vperm.xlane v9, v0;
	_ =	sdelay $0x1  }
0x51c: {  	v9 =	vmax.f32 v9, v10  }
0x51d: {  	v10 =	vperm.xlane v9, v1;
	_ =	sdelay $0x1  }
0x51e: {  	v9 =	vmax.f32 v9, v10  }
0x51f: {  	v10 =	vperm.xlane v9, v2;
	_ =	sdelay $0x1  }
0x520: {  	v9 =	vmax.f32 v9, v10  }
0x521: {  	v10 =	vperm.xlane v9, v3;
	_ =	sdelay $0x1  }
0x522: {  	v9 =	vmax.f32 v9, v10  }
0x523: {  	v10 =	vimm.s32 $0x0;
	vm3 =	veq.f32 v5, v9  }
0x524: {  	v10 =	vsel vm3, $0xFFFFFFFF, v10  }
0x525: {  	vm2 =	veq.f32 v6, v9;
	[tilespmem:$0x1F7F0] =	vst v10;
	v10 =	vimm.s32 $0x0  }
0x526: {  	vm1 =	veq.f32 v7, v9;
	vm5 =	veq.f32 v8, v9;
	v10 =	vsel vm2, $0xFFFFFFFF, v10  }
0x527: {  	v5 =	vsel vm3, $0xFF800000, v5;
	v6 =	vsel vm2, $0xFF800000, v6;
	[tilespmem:$0x1F800] =	vst v10;
	v10 =	vimm.s32 $0x0  }
0x528: {  	v7 =	vsel vm1, $0xFF800000, v7;
	v8 =	vsel vm5, $0xFF800000, v8;
	v10 =	vsel vm1, $0xFFFFFFFF, v10  }
0x529: {  	v9 =	vmax.f32 v5, v6;
	[tilespmem:$0x1F810] =	vst v10;
	v10 =	vmax.f32 v7, v8  }
0x52a: {  	v9 =	vmax.f32 v9, v10  }
0x52b: {  	v10 =	vperm.xlane v9, v0;
	_ =	sdelay $0x1  }
0x52c: {  	v9 =	vmax.f32 v9, v10  }
0x52d: {  	v10 =	vperm.xlane v9, v1;
	_ =	sdelay $0x1  }
0x52e: {  	v9 =	vmax.f32 v9, v10  }
0x52f: {  	v10 =	vperm.xlane v9, v2;
	_ =	sdelay $0x1  }
0x530: {  	v9 =	vmax.f32 v9, v10  }
0x531: {  	v10 =	vperm.xlane v9, v3;
	_ =	sdelay $0x1  }
0x532: {  	v9 =	vmax.f32 v9, v10  }
0x533: {  	v13 =	vimm.s32 $0x0;
	v11 =	vimm.s32 $0x0;
	s14 =	simm.s32 $0x40;
	vm1 =	veq.f32 v5, v9  }
0x534: {  	v12 =	vld [tilespmem:s14+$0x20];
	v11 =	vsel vm1, $0xFFFFFFFF, v11;
	v5 =	vsel vm1, $0xFF800000, v5;
	vm1 =	veq.f32 v6, v9  }
0x535: {  	v10 =	vld [tilespmem:s14+$0x0];
	vm3 =	veq.f32 v7, v9;
	v13 =	vsel vm1, $0xFFFFFFFF, v13  }
0x536: {  	vm2 =	veq.f32 v8, v9;
	v9 =	vld [tilespmem:s14+$0x30];
	v7 =	vsel vm3, $0xFF800000, v7;
	[tilespmem:$0x1F6D0] =	vst v13;
	v13 =	vimm.s32 $0x0  }
0x537: {  	v8 =	vsel vm2, $0xFF800000, v8;
	[tilespmem:$0x1F6B0] =	vst v11;
	v11 =	vld [tilespmem:s14+$0x10];
	v6 =	vsel vm1, $0xFF800000, v6;
	v13 =	vsel vm3, $0xFFFFFFFF, v13  }
0x538: {  	v14 =	vmax.f32 v7, v8;
	[tilespmem:$0x1F6F0] =	vst v13;
	v13 =	vmax.f32 v5, v6  }
0x539: {  	v13 =	vmax.f32 v13, v14  }
0x53a: {  	v14 =	vperm.xlane v13, v0;
	_ =	sdelay $0x1  }
0x53b: {  	v16 =	vmax.f32 v12, v9;
	v15 =	vmax.f32 v10, v11;
	v13 =	vmax.f32 v13, v14  }
0x53c: {  	v14 =	vmax.f32 v15, v16;
	v15 =	vperm.xlane v13, v1  }
0x53d: {  	v16 =	vperm.xlane v14, v0  }
0x53e: {  	v13 =	vmax.f32 v13, v15  }
0x53f: {  	v14 =	vmax.f32 v14, v16;
	v15 =	vperm.xlane v13, v2  }
0x540: {  	v16 =	vperm.xlane v14, v1  }
0x541: {  	v13 =	vmax.f32 v13, v15  }
0x542: {  	v14 =	vmax.f32 v14, v16;
	v15 =	vperm.xlane v13, v3  }
0x543: {  	v16 =	vperm.xlane v14, v2  }
0x544: {  	v13 =	vmax.f32 v13, v15  }
0x545: {  	v14 =	vmax.f32 v14, v16;
	v16 =	vimm.s32 $0x0;
	vm1 =	veq.f32 v5, v13  }
0x546: {  	vm3 =	veq.f32 v6, v13;
	vm6 =	veq.f32 v7, v13;
	v16 =	vsel vm1, $0xFFFFFFFF, v16  }
0x547: {  	v5 =	vsel vm1, $0xFF800000, v5;
	vm1 =	veq.f32 v8, v13;
	v13 =	vimm.s32 $0x0  }
0x548: {  	v13 =	vsel vm3, $0xFFFFFFFF, v13  }
0x549: {  	[tilespmem:$0x1F590] =	vst v13;
	v13 =	vimm.s32 $0x0  }
0x54a: {  	v15 =	vperm.xlane v14, v3;
	v6 =	vsel vm3, $0xFF800000, v6;
	[tilespmem:$0x1F580] =	vst v16;
	v13 =	vsel vm6, $0xFFFFFFFF, v13  }
0x54b: {  	v8 =	vsel vm1, $0xFF800000, v8;
	v16 =	vimm.s32 $0x0;
	[tilespmem:$0x1F5A0] =	vst v13;
	v13 =	vsel vm6, $0xFF800000, v7  }
0x54c: {  	v7 =	vmax.f32 v14, v15;
	v14 =	vmax.f32 v5, v6;
	v15 =	vmax.f32 v13, v8  }
0x54d: {  	vm3 =	veq.f32 v10, v7;
	vm13 =	veq.f32 v11, v7;
	vm6 =	veq.f32 v12, v7  }
0x54e: {  	v14 =	vmax.f32 v14, v15;
	v15 =	vimm.s32 $0x0;
	v10 =	vsel vm3, $0xFF800000, v10  }
0x54f: {  	v16 =	vsel vm6, $0xFFFFFFFF, v16;
	v11 =	vsel vm13, $0xFF800000, v11;
	v15 =	vsel vm3, $0xFFFFFFFF, v15  }
0x550: {  	vm3 =	veq.f32 v9, v7;
	v7 =	vimm.s32 $0x0;
	[tilespmem:$0x1F640] =	vst v15;
	v15 =	vperm.xlane v14, v0  }
0x551: {  	v12 =	vsel vm6, $0xFF800000, v12;
	[tilespmem:$0x1F690] =	vst v16;
	v7 =	vsel vm3, $0xFFFFFFFF, v7;
	v9 =	vsel vm3, $0xFF800000, v9  }
0x552: {  	[tilespmem:$0x1F5B0] =	vst v7;
	v7 =	vmax.f32 v10, v11;
	v16 =	vmax.f32 v12, v9;
	v14 =	vmax.f32 v14, v15  }
0x553: {  	v7 =	vmax.f32 v7, v16;
	v15 =	vperm.xlane v14, v1  }
0x554: {  	v16 =	vperm.xlane v7, v0  }
0x555: {  	v14 =	vmax.f32 v14, v15  }
0x556: {  	v7 =	vmax.f32 v7, v16;
	v15 =	vperm.xlane v14, v2  }
0x557: {  	v16 =	vperm.xlane v7, v1  }
0x558: {  	v14 =	vmax.f32 v14, v15  }
0x559: {  	v7 =	vmax.f32 v7, v16;
	v15 =	vperm.xlane v14, v3  }
0x55a: {  	v16 =	vperm.xlane v7, v2  }
0x55b: {  	v14 =	vmax.f32 v14, v15  }
0x55c: {  	v15 =	vmax.f32 v7, v16;
	v7 =	vimm.s32 $0x0;
	vm3 =	veq.f32 v5, v14  }
0x55d: {  	v7 =	vsel vm3, $0xFFFFFFFF, v7  }
0x55e: {  	vm7 =	veq.f32 v6, v14;
	[tilespmem:$0x1F5C0] =	vst v7;
	v7 =	vsel vm3, $0xFF800000, v5;
	v5 =	vimm.s32 $0x0  }
0x55f: {  	v5 =	vsel vm7, $0xFFFFFFFF, v5  }
0x560: {  	vm6 =	veq.f32 v13, v14;
	[tilespmem:$0x1F5D0] =	vst v5;
	v5 =	vimm.s32 $0x0  }
0x561: {  	v16 =	vperm.xlane v15, v3;
	vm3 =	veq.f32 v8, v14;
	v5 =	vsel vm6, $0xFFFFFFFF, v5  }
0x562: {  	v6 =	vsel vm7, $0xFF800000, v6;
	[tilespmem:$0x1F5E0] =	vst v5;
	v5 =	vsel vm6, $0xFF800000, v13;
	v13 =	vsel vm3, $0xFF800000, v8  }
0x563: {  	v15 =	vmax.f32 v15, v16;
	v8 =	vmax.f32 v7, v6;
	v14 =	vmax.f32 v5, v13  }
0x564: {  	v16 =	vimm.s32 $0x0;
	vm7 =	veq.f32 v10, v15;
	v8 =	vmax.f32 v8, v14  }
0x565: {  	v16 =	vsel vm7, $0xFFFFFFFF, v16;
	v14 =	vperm.xlane v8, v0  }
0x566: {  	v10 =	vsel vm7, $0xFF800000, v10;
	vm7 =	veq.f32 v12, v15;
	[tilespmem:$0x1F710] =	vst v16;
	v16 =	vimm.s32 $0x0  }
0x567: {  	vm6 =	veq.f32 v11, v15;
	v8 =	vmax.f32 v8, v14;
	v14 =	vimm.s32 $0x0  }
0x568: {  	v16 =	vsel vm6, $0xFFFFFFFF, v16;
	v14 =	vsel vm7, $0xFFFFFFFF, v14  }
0x569: {  	v11 =	vsel vm6, $0xFF800000, v11;
	vm6 =	veq.f32 v9, v15;
	[tilespmem:$0x1F750] =	vst v14;
	v14 =	vimm.s32 $0x0  }
0x56a: {  	v14 =	vsel vm6, $0xFFFFFFFF, v14  }
0x56b: {  	[tilespmem:$0x1F5F0] =	vst v14;
	v14 =	vperm.xlane v8, v1  }
0x56c: {  	v12 =	vsel vm7, $0xFF800000, v12;
	v9 =	vsel vm6, $0xFF800000, v9  }
0x56d: {  	[tilespmem:$0x1F730] =	vst v16;
	v15 =	vmax.f32 v10, v11;
	v16 =	vmax.f32 v12, v9;
	v8 =	vmax.f32 v8, v14  }
0x56e: {  	v15 =	vmax.f32 v15, v16;
	v16 =	vperm.xlane v8, v2;
	_ =	sdelay $0x1  }
0x56f: {  	v8 =	vmax.f32 v8, v16  }
0x570: {  	v16 =	vperm.xlane v8, v3;
	_ =	sdelay $0x1  }
0x571: {  	v14 =	vperm.xlane v15, v0;
	v8 =	vmax.f32 v8, v16  }
0x572: {  	vm4 =	vmmov vm4;
	vm6 =	veq.f32 v13, v8  }
0x573: {  	v19 =	vld [tilespmem:$0x1F620];
	v14 =	vmax.f32 v15, v14;
	vm4 =	vmor vm4, vm6;
	vm6 =	vmmov vm15  }
0x574: {  	vm0 =	vmmov vm0;
	v15 =	vperm.xlane v14, v1;
	vm4 =	vmor vm6, vm4  }
0x575: {  	vm0 =	vmor vm0, vm4;
	vm4 =	vmmov vm5  }
0x576: {  	v14 =	vmax.f32 v14, v15;
	vm0 =	vmor vm4, vm0  }
0x577: {  	vm7 =	vmmov vm14;
	v15 =	vperm.xlane v14, v2;
	vm0 =	vmor vm2, vm0  }
0x578: {  	vm14 =	vnez.u8 v19;
	vm5 =	vmor vm1, vm0;
	vm1 =	vmmov vm10  }
0x579: {  	v19 =	vimm.s32 $0x0;
	v13 =	vmax.f32 v14, v15;
	vm1 =	vmmov vm1  }
0x57a: {  	v14 =	vperm.xlane v13, v3;
	v19 =	vsel vm1, $0xFFFFFFFF, v19  }
0x57b: {  	[tilespmem:$0x1F630] =	vst v19;
	v19 =	vld [tilespmem:$0x1F640]  }
0x57c: {  	v13 =	vmax.f32 v13, v14  }
0x57d: {  	vm6 =	veq.f32 v10, v13  }
0x57e: {  	vm15 =	veq.f32 v12, v13;
	vm2 =	veq.f32 v9, v13;
	v14 =	vsel vm6, $0xFF800000, v10  }
0x57f: {  	vm0 =	veq.f32 v11, v13;
	v15 =	vsel vm15, $0xFF800000, v12;
	v17 =	vsel vm2, $0xFF800000, v9  }
0x580: {  	v13 =	vsel vm0, $0xFF800000, v11;
	v16 =	vmax.f32 v15, v17;
	vm1 =	vnez.u8 v19  }
0x581: {  	v12 =	vmax.f32 v14, v13;
	v19 =	vimm.s32 $0x0;
	vm1 =	vmmov vm1  }
0x582: {  	vm4 =	vmmov vm8;
	v16 =	vmax.f32 v12, v16;
	v19 =	vsel vm1, $0xFFFFFFFF, v19  }
0x583: {  	v18 =	vperm.xlane v16, v0;
	vm1 =	vmmov vm4;
	[tilespmem:$0x1F650] =	vst v19;
	v19 =	vimm.s32 $0x0  }
0x584: {  	vm9 =	vmmov vm9;
	v19 =	vsel vm1, $0xFFFFFFFF, v19  }
0x585: {  	v16 =	vmax.f32 v16, v18;
	vm1 =	vmmov vm13;
	[tilespmem:$0x1F660] =	vst v19;
	v19 =	vimm.s32 $0x0  }
0x586: {  	v18 =	vimm.s32 $0x0;
	v19 =	vsel vm1, $0xFFFFFFFF, v19;
	vm1 =	vmmov vm9  }
0x587: {  	v18 =	vsel vm1, $0xFFFFFFFF, v18  }
0x588: {  	[tilespmem:$0x1F680] =	vst v18;
	v18 =	vld [tilespmem:$0x1F690];
	_ =	sdelay $0x1  }
0x589: {  	[tilespmem:$0x1F670] =	vst v19;
	v19 =	vld [tilespmem:$0x1F6B0];
	_ =	sdelay $0x2  }
0x58a: {  	vm1 =	vnez.u8 v18  }
0x58b: {  	v18 =	vimm.s32 $0x0;
	vm1 =	vmmov vm1  }
0x58c: {  	v18 =	vsel vm1, $0xFFFFFFFF, v18;
	vm1 =	vnez.u8 v19  }
0x58d: {  	v19 =	vimm.s32 $0x0;
	vm1 =	vmmov vm1  }
0x58e: {  	v19 =	vsel vm1, $0xFFFFFFFF, v19  }
0x58f: {  	[tilespmem:$0x1F6C0] =	vst v19;
	v19 =	vld [tilespmem:$0x1F6D0]  }
0x590: {  	v12 =	vld [tilespmem:$0x1F600];
	_ =	sdelay $0x3  }
0x591: {  	vm8 =	vmmov vm11;
	vm1 =	vnez.u8 v19  }
0x592: {  	s15 =	simm.s32 $0x80;
	vm11 =	vnez.u8 v12;
	v12 =	vld [tilespmem:$0x1F610];
	v19 =	vimm.s32 $0x0;
	vm1 =	vmmov vm1  }
0x593: {  	v9 =	vld [tilespmem:s15+$0x0];
	v19 =	vsel vm1, $0xFFFFFFFF, v19  }
0x594: {  	[tilespmem:$0x1F6E0] =	vst v19;
	v19 =	vld [tilespmem:$0x1F6F0]  }
0x595: {  	v10 =	vld [tilespmem:s15+$0x10]  }
0x596: {  	v11 =	vld [tilespmem:s15+$0x20]  }
0x597: {  	vm10 =	vmmov vm12;
	vm12 =	vnez.u8 v12;
	v12 =	vld [tilespmem:s15+$0x30];
	_ =	sdelay $0x1  }
0x598: {  	vm1 =	vnez.u8 v19  }
0x599: {  	v19 =	vimm.s32 $0x0;
	vm1 =	vmmov vm1  }
0x59a: {  	[tilespmem:$0x1F6A0] =	vst v18;
	v18 =	vperm.xlane v16, v1;
	v19 =	vsel vm1, $0xFFFFFFFF, v19  }
0x59b: {  	v20 =	vmax.f32 v11, v12;
	[tilespmem:$0x1F700] =	vst v19;
	v19 =	vmax.f32 v9, v10  }
0x59c: {  	v16 =	vmax.f32 v16, v18;
	v18 =	vmax.f32 v19, v20;
	v20 =	vld [tilespmem:$0x1F710];
	_ =	sdelay $0x1  }
0x59d: {  	v21 =	vld [tilespmem:$0x1F730];
	v19 =	vperm.xlane v16, v2;
	_ =	sdelay $0x1  }
0x59e: {  	v16 =	vmax.f32 v16, v19;
	v19 =	vld [tilespmem:$0x1F750]  }
0x59f: {  	vm1 =	vnez.u8 v20  }
0x5a0: {  	v20 =	vimm.s32 $0x0;
	vm1 =	vmmov vm1  }
0x5a1: {  	v20 =	vsel vm1, $0xFFFFFFFF, v20;
	vm1 =	vnez.u8 v21  }
0x5a2: {  	v21 =	vimm.s32 $0x0;
	vm1 =	vmmov vm1  }
0x5a3: {  	v21 =	vsel vm1, $0xFFFFFFFF, v21;
	vm1 =	vnez.u8 v19  }
0x5a4: {  	v19 =	vimm.s32 $0x0;
	vm1 =	vmmov vm1  }
0x5a5: {  	[tilespmem:$0x1F740] =	vst v21;
	v19 =	vsel vm1, $0xFFFFFFFF, v19  }
0x5a6: {  	vm0 =	vmmov vm0;
	v21 =	vimm.s32 $0x0;
	[tilespmem:$0x1F760] =	vst v19;
	v19 =	vperm.xlane v16, v3  }
0x5a7: {  	vm14 =	vmmov vm14;
	[tilespmem:$0x1F720] =	vst v20;
	v20 =	vperm.xlane v18, v0;
	v21 =	vsel vm0, $0xFFFFFFFF, v21  }
0x5a8: {  	vm0 =	vmmov vm14;
	v19 =	vmax.f32 v16, v19;
	v16 =	vimm.s32 $0x0  }
0x5a9: {  	v16 =	vsel vm0, $0xFFFFFFFF, v16  }
0x5aa: {  	v18 =	vmax.f32 v18, v20;
	vm0 =	vmmov vm15;
	[tilespmem:$0x1F790] =	vst v16;
	v16 =	vimm.s32 $0x0  }
0x5ab: {  	v20 =	vimm.s32 $0x0;
	vm1 =	vmmov vm6;
	v16 =	vsel vm0, $0xFFFFFFFF, v16  }
0x5ac: {  	v20 =	vsel vm1, $0xFFFFFFFF, v20;
	vm1 =	veq.f32 v14, v19;
	[tilespmem:$0x1F7A0] =	vst v16;
	v16 =	vimm.s32 $0x0  }
0x5ad: {  	v16 =	vsel vm1, $0xFFFFFFFF, v16  }
0x5ae: {  	[tilespmem:$0x1F7B0] =	vst v16;
	v16 =	vsel vm1, $0xFF800000, v14;
	vm1 =	veq.f32 v13, v19;
	v14 =	vimm.s32 $0x0  }
0x5af: {  	v14 =	vsel vm1, $0xFFFFFFFF, v14  }
0x5b0: {  	vm0 =	veq.f32 v15, v19;
	[tilespmem:$0x1F7C0] =	vst v14;
	v14 =	vimm.s32 $0x0  }
0x5b1: {  	v14 =	vsel vm0, $0xFFFFFFFF, v14  }
0x5b2: {  	vm4 =	veq.f32 v17, v19;
	[tilespmem:$0x1F7D0] =	vst v14;
	v14 =	vsel vm0, $0xFF800000, v15;
	v15 =	vimm.s32 $0x0  }
0x5b3: {  	v15 =	vsel vm4, $0xFFFFFFFF, v15  }
0x5b4: {  	[tilespmem:$0x1F7E0] =	vst v15;
	v15 =	vsel vm4, $0xFF800000, v17;
	v17 =	vld [tilespmem:$0x1F7F0]  }
0x5b5: {  	[tilespmem:$0x1F770] =	vst v20;
	v20 =	vperm.xlane v18, v1;
	v19 =	vld [tilespmem:$0x1F800];
	_ =	sdelay $0x1  }
0x5b6: {  	v18 =	vmax.f32 v18, v20  }
0x5b7: {  	v20 =	vperm.xlane v18, v2  }
0x5b8: {  	vm0 =	vnez.u8 v17  }
0x5b9: {  	vm6 =	vmmov vm0;
	vm0 =	vnez.u8 v19;
	v19 =	vmax.f32 v18, v20;
	v18 =	vld [tilespmem:$0x1F810]  }
0x5ba: {  	vm11 =	vmmov vm11  }
0x5bb: {  	vm10 =	vmmov vm10;
	vm11 =	vmmov vm11;
	vm13 =	vmmov vm7  }
0x5bc: {  	vm12 =	vmmov vm12;
	vm9 =	vmmov vm8;
	v13 =	vsel vm1, $0xFF800000, v13  }
0x5bd: {  	vm12 =	vmmov vm12;
	[tilespmem:$0x1F780] =	vst v21;
	v21 =	vmax.f32 v14, v15;
	v17 =	vmax.f32 v16, v13  }
0x5be: {  	v17 =	vmax.f32 v17, v21;
	vm14 =	vmmov vm0;
	vm0 =	vnez.u8 v18  }
0x5bf: {  	s16 =	simm.s32 $0x300;
	v20 =	vperm.xlane v19, v3;
	v18 =	vperm.xlane v17, v0;
	vm4 =	vmmov vm0  }
.LBB2_6:
0x5c0: {  	vm7 =	veq.f32 v6, v8;
	v6 =	vld [tilespmem:$0x1F5B0];
	_ =	sdelay $0x4  }
0x5c1: {  	vm0 =	vmor vm3, vm5;
	vm3 =	vnez.u8 v6  }
0x5c2: {  	v6 =	vimm.s32 $0x0;
	vm1 =	vmmov vm3  }
0x5c3: {  	v6 =	vsel vm1, $0xFFFFFFFF, v6  }
0x5c4: {  	[tilespmem:$0x1F360] =	vst v6;
	v6 =	vld [tilespmem:$0x1F5F0];
	_ =	sdelay $0x4  }
0x5c5: {  	vm1 =	vnez.u8 v6  }
0x5c6: {  	v6 =	vimm.s32 $0x0;
	vm3 =	vmmov vm1  }
0x5c7: {  	vm8 =	veq.f32 v7, v8;
	v7 =	vmax.f32 v17, v18;
	v6 =	vsel vm3, $0xFFFFFFFF, v6  }
0x5c8: {  	v17 =	vsel vm0, $0x3F800000, v4;
	vm1 =	vmmov vm2;
	[tilespmem:$0x1F340] =	vst v6;
	v6 =	vimm.s32 $0x0  }
0x5c9: {  	[tilespmem:s13+$0x4030] =	vst v17;
	v17 =	vld [tilespmem:$0x1F630];
	v6 =	vsel vm1, $0xFFFFFFFF, v6  }
0x5ca: {  	[tilespmem:$0x1F370] =	vst v6;
	v6 =	vmax.f32 v19, v20  }
0x5cb: {  	vm5 =	veq.f32 v5, v8;
	vm0 =	veq.f32 v9, v6  }
0x5cc: {  	vm1 =	veq.f32 v12, v6;
	v5 =	vsel vm0, $0xFF800000, v9;
	v9 =	vimm.s32 $0x0  }
0x5cd: {  	v18 =	vperm.xlane v7, v1;
	v9 =	vsel vm1, $0xFFFFFFFF, v9  }
0x5ce: {  	[tilespmem:$0x1F5B0] =	vst v9;
	v9 =	vsel vm1, $0xFF800000, v12;
	vm1 =	vnez.u8 v17;
	v17 =	vld [tilespmem:$0x1F660]  }
0x5cf: {  	v7 =	vmax.f32 v7, v18;
	vm3 =	veq.f32 v10, v6  }
0x5d0: {  	vm2 =	veq.f32 v11, v6;
	v6 =	vsel vm3, $0xFF800000, v10;
	v10 =	vperm.xlane v7, v2  }
0x5d1: {  	vm8 =	vmor vm13, vm8  }
0x5d2: {  	v8 =	vsel vm2, $0xFF800000, v11;
	v11 =	vmax.f32 v5, v6;
	v7 =	vmax.f32 v7, v10  }
0x5d3: {  	v12 =	vmax.f32 v8, v9;
	vm8 =	vmor vm1, vm8;
	vm1 =	vnez.u8 v17;
	v17 =	vld [tilespmem:$0x1F680]  }
0x5d4: {  	v11 =	vmax.f32 v11, v12;
	v12 =	vperm.xlane v7, v3  }
0x5d5: {  	vm7 =	vmor vm9, vm7;
	v10 =	vperm.xlane v11, v0  }
0x5d6: {  	vm5 =	vmor vm10, vm5;
	vm8 =	vmor vm11, vm8;
	v7 =	vmax.f32 v7, v12  }
0x5d7: {  	v10 =	vmax.f32 v11, v10;
	vm10 =	veq.f32 v16, v7;
	vm11 =	veq.f32 v13, v7  }
0x5d8: {  	vm9 =	veq.f32 v14, v7;
	vm7 =	vmor vm1, vm7;
	vm1 =	vnez.u8 v17  }
0x5d9: {  	vm1 =	vmor vm1, vm5;
	vm5 =	veq.f32 v15, v7;
	v7 =	vimm.s32 $0x0  }
0x5da: {  	v11 =	vperm.xlane v10, v1;
	v12 =	vsel vm10, $0xFF800000, v16;
	v7 =	vsel vm5, $0xFFFFFFFF, v7  }
0x5db: {  	[tilespmem:$0x1F380] =	vst v7;
	v7 =	vsel vm11, $0xFF800000, v13;
	v13 =	vsel vm9, $0xFF800000, v14;
	v14 =	vsel vm5, $0xFF800000, v15  }
0x5dc: {  	v15 =	vmax.f32 v12, v7;
	v16 =	vmax.f32 v13, v14  }
0x5dd: {  	v10 =	vmax.f32 v10, v11;
	v11 =	vmax.f32 v15, v16;
	v15 =	vld [tilespmem:$0x1F790];
	_ =	sdelay $0x2  }
0x5de: {  	v17 =	vld [tilespmem:$0x1F6C0];
	_ =	sdelay $0x1  }
0x5df: {  	vm5 =	vnez.u8 v15;
	v15 =	vperm.xlane v10, v2;
	_ =	sdelay $0x1  }
0x5e0: {  	v10 =	vmax.f32 v10, v15;
	v15 =	vld [tilespmem:$0x1F6E0]  }
0x5e1: {  	vm6 =	vmor vm6, vm8;
	vm8 =	vnez.u8 v17;
	v17 =	vld [tilespmem:$0x1F700];
	_ =	sdelay $0x2  }
0x5e2: {  	vm7 =	vmor vm12, vm7;
	vm1 =	vmor vm5, vm1  }
0x5e3: {  	vm7 =	vmor vm14, vm7;
	vm1 =	vmor vm4, vm1;
	vm4 =	vnez.u8 v15  }
0x5e4: {  	vm4 =	vmor vm4, vm7;
	vm7 =	vnez.u8 v17;
	v17 =	vld [tilespmem:$0x1F580];
	_ =	sdelay $0x4  }
0x5e5: {  	vm1 =	vmor vm7, vm1;
	vm7 =	vnez.u8 v17;
	v17 =	vld [tilespmem:$0x1F590];
	_ =	sdelay $0x1  }
0x5e6: {  	v16 =	vperm.xlane v11, v0;
	_ =	sdelay $0x1  }
0x5e7: {  	vm6 =	vmor vm8, vm6;
	v11 =	vmax.f32 v11, v16;
	v15 =	vperm.xlane v10, v3  }
0x5e8: {  	v16 =	vperm.xlane v11, v1;
	vm6 =	vmor vm7, vm6;
	vm7 =	vnez.u8 v17;
	v17 =	vld [tilespmem:$0x1F5A0]  }
0x5e9: {  	v10 =	vmax.f32 v10, v15;
	v15 =	vld [tilespmem:$0x1F5C0]  }
0x5ea: {  	v11 =	vmax.f32 v11, v16;
	v16 =	vld [tilespmem:$0x1F5D0];
	_ =	sdelay $0x2  }
0x5eb: {  	vm4 =	vmor vm7, vm4;
	vm7 =	vnez.u8 v17  }
0x5ec: {  	vm12 =	veq.f32 v6, v10;
	vm7 =	vmor vm7, vm1;
	vm1 =	vnez.u8 v15  }
0x5ed: {  	v15 =	vperm.xlane v11, v2;
	vm8 =	vmor vm1, vm6;
	vm1 =	vnez.u8 v16  }
0x5ee: {  	vm13 =	veq.f32 v9, v10;
	v17 =	vld [tilespmem:$0x1F5E0];
	vm6 =	veq.f32 v5, v10;
	vm1 =	vmor vm1, vm4  }
0x5ef: {  	vm4 =	veq.f32 v8, v10;
	v10 =	vmax.f32 v11, v15;
	v11 =	vimm.s32 $0x0  }
0x5f0: {  	v11 =	vsel vm13, $0xFFFFFFFF, v11  }
0x5f1: {  	v6 =	vsel vm12, $0xFF800000, v6;
	v5 =	vsel vm6, $0xFF800000, v5;
	[tilespmem:$0x1F5F0] =	vst v11;
	v11 =	vperm.xlane v10, v3  }
0x5f2: {  	v9 =	vsel vm13, $0xFF800000, v9;
	v8 =	vsel vm4, $0xFF800000, v8;
	v15 =	vmax.f32 v5, v6  }
0x5f3: {  	v16 =	vmax.f32 v8, v9;
	vm13 =	vnez.u8 v17;
	v10 =	vmax.f32 v10, v11  }
0x5f4: {  	vm13 =	vmor vm13, vm7;
	v11 =	vsel vm8, $0x3F800000, v4;
	vm7 =	veq.f32 v12, v10  }
0x5f5: {  	vm8 =	veq.f32 v7, v10;
	[tilespmem:s13+$0x4000] =	vst v11;
	v11 =	vimm.s32 $0x0;
	vm14 =	veq.f32 v13, v10  }
0x5f6: {  	vm5 =	veq.f32 v14, v10;
	v10 =	vimm.s32 $0x0;
	v11 =	vsel vm7, $0xFFFFFFFF, v11  }
0x5f7: {  	v15 =	vmax.f32 v15, v16;
	v10 =	vsel vm5, $0xFFFFFFFF, v10;
	[tilespmem:$0x1F580] =	vst v11  }
0x5f8: {  	v18 =	vld [tilespmem:$0x1F650];
	v16 =	vperm.xlane v15, v0;
	v11 =	vsel vm7, $0xFF800000, v12;
	[tilespmem:$0x1F390] =	vst v10;
	v10 =	vimm.s32 $0x0  }
0x5f9: {  	v12 =	vsel vm8, $0xFF800000, v7;
	v7 =	vimm.s32 $0x0;
	v10 =	vsel vm8, $0xFFFFFFFF, v10  }
0x5fa: {  	v13 =	vsel vm14, $0xFF800000, v13;
	v14 =	vsel vm5, $0xFF800000, v14;
	v7 =	vsel vm14, $0xFFFFFFFF, v7;
	[tilespmem:$0x1F590] =	vst v10  }
0x5fb: {  	[tilespmem:$0x1F5A0] =	vst v7;
	v7 =	vmax.f32 v15, v16;
	v10 =	vmax.f32 v11, v12;
	v15 =	vmax.f32 v13, v14  }
0x5fc: {  	v10 =	vmax.f32 v10, v15;
	v15 =	vsel vm1, $0x3F800000, v4  }
0x5fd: {  	vm1 =	vnez.u8 v18;
	[tilespmem:s13+$0x4010] =	vst v15;
	v15 =	vsel vm13, $0x3F800000, v4  }
0x5fe: {  	vm8 =	vmmov vm1;
	vm1 =	vmmov vm0;
	[tilespmem:s13+$0x4020] =	vst v15;
	v15 =	vimm.s32 $0x0  }
0x5ff: {  	v15 =	vsel vm1, $0xFFFFFFFF, v15  }
0x600: {  	v17 =	vperm.xlane v10, v0;
	[tilespmem:$0x1F650] =	vst v15;
	v15 =	vld [tilespmem:$0x1F670];
	_ =	sdelay $0x1  }
0x601: {  	v10 =	vmax.f32 v10, v17;
	v17 =	vld [tilespmem:$0x1F6A0]  }
0x602: {  	v16 =	vperm.xlane v7, v1;
	_ =	sdelay $0x1  }
0x603: {  	v7 =	vmax.f32 v7, v16;
	v16 =	vimm.s32 $0x0;
	vm0 =	vnez.u8 v15  }
0x604: {  	v15 =	vimm.s32 $0x0;
	vm1 =	vmmov vm0;
	vm0 =	vmmov vm3  }
0x605: {  	v15 =	vsel vm1, $0xFFFFFFFF, v15;
	v16 =	vsel vm0, $0xFFFFFFFF, v16;
	vm0 =	vnez.u8 v17  }
0x606: {  	v17 =	vimm.s32 $0x0;
	[tilespmem:$0x1F660] =	vst v15;
	v15 =	vperm.xlane v7, v2;
	vm1 =	vmmov vm0  }
0x607: {  	v17 =	vsel vm1, $0xFFFFFFFF, v17  }
0x608: {  	vm0 =	vmmov vm2;
	[tilespmem:$0x1F680] =	vst v17;
	v17 =	vimm.s32 $0x0;
	v7 =	vmax.f32 v7, v15  }
0x609: {  	v15 =	vimm.s32 $0x0;
	v17 =	vsel vm0, $0xFFFFFFFF, v17;
	vm0 =	vmmov vm10  }
0x60a: {  	[tilespmem:$0x1F6A0] =	vst v17;
	v15 =	vsel vm0, $0xFFFFFFFF, v15  }
0x60b: {  	vm0 =	vmmov vm11;
	v17 =	vld [tilespmem:$0x1F720];
	[tilespmem:$0x1F6C0] =	vst v15;
	v15 =	vimm.s32 $0x0  }
0x60c: {  	[tilespmem:$0x1F670] =	vst v16;
	v16 =	vperm.xlane v10, v1;
	v15 =	vsel vm0, $0xFFFFFFFF, v15  }
0x60d: {  	[tilespmem:$0x1F6E0] =	vst v15;
	v15 =	vperm.xlane v7, v3  }
0x60e: {  	v10 =	vmax.f32 v10, v16  }
0x60f: {  	v16 =	vimm.s32 $0x0;
	vm0 =	vmmov vm9;
	v7 =	vmax.f32 v7, v15;
	v15 =	vld [tilespmem:$0x1F740]  }
0x610: {  	v16 =	vsel vm0, $0xFFFFFFFF, v16;
	vm0 =	vnez.u8 v17  }
0x611: {  	v17 =	vimm.s32 $0x0;
	vm1 =	vmmov vm0  }
0x612: {  	v17 =	vsel vm1, $0xFFFFFFFF, v17  }
0x613: {  	vm0 =	vmmov vm6;
	[tilespmem:$0x1F350] =	vst v17;
	v17 =	vimm.s32 $0x0  }
0x614: {  	v17 =	vsel vm0, $0xFFFFFFFF, v17;
	vm0 =	vnez.u8 v15  }
0x615: {  	v15 =	vimm.s32 $0x0;
	vm13 =	vmmov vm0;
	vm0 =	vmmov vm12  }
0x616: {  	v15 =	vsel vm0, $0xFFFFFFFF, v15  }
0x617: {  	[tilespmem:$0x1F740] =	vst v15;
	v15 =	vld [tilespmem:$0x1F760];
	_ =	sdelay $0x1  }
0x618: {  	[tilespmem:$0x1F700] =	vst v16;
	v16 =	vperm.xlane v10, v2  }
0x619: {  	v18 =	vimm.s32 $0x0  }
0x61a: {  	v18 =	vsel vm8, $0xFFFFFFFF, v18;
	v10 =	vmax.f32 v10, v16  }
0x61b: {  	vm6 =	veq.f32 v5, v7;
	vm0 =	vnez.u8 v15;
	v15 =	vperm.xlane v10, v3  }
0x61c: {  	vm14 =	veq.f32 v6, v7;
	vm5 =	veq.f32 v9, v7;
	v16 =	vsel vm6, $0xFF800000, v5  }
0x61d: {  	[tilespmem:$0x1F720] =	vst v17;
	v17 =	vsel vm14, $0xFF800000, v6;
	v6 =	vimm.s32 $0x0;
	v5 =	vmax.f32 v10, v15  }
0x61e: {  	vm7 =	vmmov vm0;
	vm0 =	veq.f32 v8, v7;
	vm1 =	veq.f32 v11, v5  }
0x61f: {  	vm8 =	veq.f32 v12, v5;
	vm3 =	veq.f32 v14, v5;
	v6 =	vsel vm1, $0xFFFFFFFF, v6  }
0x620: {  	v7 =	vsel vm1, $0xFF800000, v11;
	vm1 =	veq.f32 v13, v5;
	v5 =	vimm.s32 $0x0  }
0x621: {  	[tilespmem:$0x1F630] =	vst v18;
	v5 =	vsel vm8, $0xFFFFFFFF, v5  }
0x622: {  	v21 =	vld [tilespmem:$0x1F770];
	v19 =	vsel vm5, $0xFF800000, v9;
	v18 =	vsel vm0, $0xFF800000, v8;
	[tilespmem:$0x1F5D0] =	vst v5;
	v5 =	vimm.s32 $0x0  }
0x623: {  	v8 =	vmax.f32 v16, v17;
	[tilespmem:$0x1F5C0] =	vst v6;
	v6 =	vsel vm8, $0xFF800000, v12;
	v5 =	vsel vm1, $0xFFFFFFFF, v5  }
0x624: {  	v15 =	vmax.f32 v7, v6;
	[tilespmem:$0x1F5E0] =	vst v5;
	v5 =	vsel vm1, $0xFF800000, v13;
	v13 =	vsel vm3, $0xFF800000, v14  }
0x625: {  	v14 =	vmax.f32 v18, v19;
	vm1 =	vmmov vm4;
	v20 =	vmax.f32 v5, v13  }
0x626: {  	v8 =	vmax.f32 v8, v14;
	v14 =	vmax.f32 v15, v20;
	v15 =	vimm.s32 $0x0  }
0x627: {  	v15 =	vsel vm1, $0xFFFFFFFF, v15;
	vm1 =	vnez.u8 v21  }
0x628: {  	s13 =	smov.u32 s14;
	s14 =	smov.u32 s15;
	s15 =	sshra.s32 s16, $0x2;
	v21 =	vimm.s32 $0x0;
	vm11 =	vmmov vm1;
	vm1 =	vmmov vm6  }
0x629: {  	v9 =	vld [tilespmem:s15+$0x0];
	v21 =	vsel vm1, $0xFFFFFFFF, v21  }
0x62a: {  	[tilespmem:$0x1F770] =	vst v21;
	v21 =	vld [tilespmem:$0x1F780]  }
0x62b: {  	v10 =	vld [tilespmem:s15+$0x10]  }
0x62c: {  	v11 =	vld [tilespmem:s15+$0x20]  }
0x62d: {  	v12 =	vld [tilespmem:s15+$0x30];
	_ =	sdelay $0x1  }
0x62e: {  	[tilespmem:$0x1F760] =	vst v15;
	v15 =	vperm.xlane v8, v0;
	vm1 =	vnez.u8 v21  }
0x62f: {  	v21 =	vimm.s32 $0x0;
	vm15 =	vmmov vm1;
	vm1 =	vmmov vm14  }
0x630: {  	v21 =	vsel vm1, $0xFFFFFFFF, v21  }
0x631: {  	v8 =	vmax.f32 v8, v15;
	v15 =	vmax.f32 v11, v12;
	[tilespmem:$0x1F780] =	vst v21;
	v21 =	vmax.f32 v9, v10  }
0x632: {  	v15 =	vmax.f32 v21, v15;
	v21 =	vld [tilespmem:$0x1F7A0];
	_ =	sdelay $0x4  }
0x633: {  	vm1 =	vnez.u8 v21  }
0x634: {  	v21 =	vimm.s32 $0x0;
	vm4 =	vmmov vm1  }
0x635: {  	v21 =	vsel vm4, $0xFFFFFFFF, v21  }
0x636: {  	vm1 =	vmmov vm0;
	[tilespmem:$0x1F790] =	vst v21;
	v21 =	vimm.s32 $0x0  }
0x637: {  	v21 =	vsel vm1, $0xFFFFFFFF, v21  }
0x638: {  	[tilespmem:$0x1F7A0] =	vst v21;
	v21 =	vperm.xlane v15, v0  }
0x639: {  	v23 =	vld [tilespmem:$0x1F7B0];
	v20 =	vperm.xlane v14, v0  }
0x63a: {  	v15 =	vmax.f32 v15, v21;
	v21 =	vld [tilespmem:$0x1F7C0]  }
0x63b: {  	v14 =	vmax.f32 v14, v20  }
0x63c: {  	v22 =	vperm.xlane v14, v1  }
0x63d: {  	v20 =	vperm.xlane v8, v1  }
0x63e: {  	v14 =	vmax.f32 v14, v22;
	vm0 =	vnez.u8 v23  }
0x63f: {  	v8 =	vmax.f32 v8, v20;
	vm2 =	vmmov vm0;
	vm0 =	vnez.u8 v21;
	v21 =	vld [tilespmem:$0x1F7D0]  }
0x640: {  	v22 =	vperm.xlane v14, v2;
	v20 =	vperm.xlane v8, v2;
	_ =	sdelay $0x1  }
0x641: {  	v14 =	vmax.f32 v14, v22;
	v8 =	vmax.f32 v8, v20  }
0x642: {  	v22 =	vperm.xlane v14, v3;
	v20 =	vperm.xlane v8, v3  }
0x643: {  	vm6 =	vmmov vm0;
	vm0 =	vnez.u8 v21;
	v21 =	vperm.xlane v15, v1;
	_ =	sdelay $0x1  }
0x644: {  	v21 =	vmax.f32 v15, v21;
	v15 =	vmax.f32 v8, v20;
	v8 =	vmax.f32 v14, v22  }
0x645: {  	vm8 =	veq.f32 v13, v8;
	v13 =	vld [tilespmem:$0x1F340];
	_ =	sdelay $0x2  }
0x646: {  	v23 =	vld [tilespmem:$0x1F7E0]  }
0x647: {  	v14 =	vld [tilespmem:$0x1F350]  }
0x648: {  	vm10 =	veq.f32 v16, v15;
	vm14 =	vnez.u8 v13;
	v13 =	vimm.s32 $0x0  }
0x649: {  	v13 =	vsel vm10, $0xFFFFFFFF, v13  }
0x64a: {  	vm9 =	veq.f32 v17, v15;
	[tilespmem:$0x1F7B0] =	vst v13;
	v13 =	vimm.s32 $0x0  }
0x64b: {  	vm1 =	vnez.u8 v23;
	v13 =	vsel vm9, $0xFFFFFFFF, v13  }
0x64c: {  	[tilespmem:$0x1F7C0] =	vst v13;
	v13 =	vsel vm9, $0xFF800000, v17;
	vm9 =	vmmov vm13;
	vm13 =	vnez.u8 v14;
	v14 =	vld [tilespmem:$0x1F360]  }
0x64d: {  	vm4 =	vmmov vm0;
	vm0 =	vmmov vm1  }
0x64e: {  	vm1 =	veq.f32 v18, v15;
	vm12 =	veq.f32 v19, v15;
	v15 =	vimm.s32 $0x0  }
0x64f: {  	v15 =	vsel vm12, $0xFFFFFFFF, v15;
	v17 =	vld [tilespmem:$0x1F370]  }
0x650: {  	vm8 =	vmor vm14, vm8;
	vm14 =	vmmov vm6;
	vm6 =	vmmov vm2  }
0x651: {  	vm2 =	vmmov vm5;
	vm5 =	vnez.u8 v14;
	v14 =	vimm.s32 $0x0  }
0x652: {  	v23 =	vperm.xlane v21, v2;
	[tilespmem:$0x1F7E0] =	vst v15;
	v14 =	vsel vm1, $0xFFFFFFFF, v14  }
0x653: {  	v16 =	vsel vm10, $0xFF800000, v16;
	v15 =	vsel vm12, $0xFF800000, v19;
	[tilespmem:$0x1F7D0] =	vst v14;
	v14 =	vsel vm1, $0xFF800000, v18  }
0x654: {  	vm1 =	vnez.u8 v17;
	v17 =	vmax.f32 v16, v13;
	v18 =	vmax.f32 v14, v15  }
0x655: {  	v17 =	vmax.f32 v17, v18;
	v18 =	vld [tilespmem:$0x1F380]  }
0x656: {  	v19 =	vmax.f32 v21, v23;
	v21 =	vld [tilespmem:$0x1F390]  }
0x657: {  	p0 =	sne.s32 s16, $0xFF00  }
.Ltmp2:
0x658: {  	vm8 =	vmor vm5, vm8;
	(pc) =	sbr.rel @p0 .LBB2_6-.Ltmp2, $4  }
0x659: {  	vm8 =	vmor vm1, vm8  }
0x65a: {  	vm12 =	vmmov vm15;
	vm0 =	vmor vm0, vm8;
	vm1 =	vnez.u8 v18  }
0x65b: {  	v20 =	vperm.xlane v19, v3;
	vm0 =	vmor vm1, vm0;
	vm1 =	vnez.u8 v21  }
0x65c: {  	s16 =	sadd.s32 $0x100, s16;
	vm10 =	vmmov vm7;
	v18 =	vperm.xlane v17, v0;
	vm5 =	vmor vm1, vm0  }
0x65d: {  	v19 =	vmax.f32 v19, v20;
	v36 =	vimm.s32 $0x0;
	v37 =	vimm.s32 $0x0  }
0x65e: {  	v38 =	vimm.s32 $0x0;
	v39 =	vimm.s32 $0x0;
	vm0 =	veq.f32 v9, v19  }
0x65f: {  	vm15 =	veq.f32 v10, v19;
	vm7 =	veq.f32 v11, v19;
	vm1 =	veq.f32 v12, v19  }
0x660: {  	v20 =	vsel vm0, $0xFFFFFFFF, v36;
	v9 =	vsel vm0, $0xFF800000, v9;
	v19 =	vsel vm1, $0xFFFFFFFF, v39  }
0x661: {  	v10 =	vsel vm15, $0xFF800000, v10;
	v11 =	vsel vm7, $0xFF800000, v11;
	v12 =	vsel vm1, $0xFF800000, v12;
	[tilespmem:$0x1F280] =	vst v20  }
0x662: {  	v20 =	vsel vm15, $0xFFFFFFFF, v37;
	[tilespmem:$0x1F1C0] =	vst v19;
	v40 =	vmax.f32 v9, v10;
	v41 =	vmax.f32 v11, v12  }
0x663: {  	[tilespmem:$0x1F290] =	vst v20;
	v20 =	vsel vm7, $0xFFFFFFFF, v38;
	v19 =	vmax.f32 v40, v41  }
0x664: {  	[tilespmem:$0x1F2A0] =	vst v20;
	v20 =	vperm.xlane v19, v0;
	_ =	sdelay $0x1  }
0x665: {  	v19 =	vmax.f32 v19, v20  }
0x666: {  	v20 =	vperm.xlane v19, v1;
	_ =	sdelay $0x1  }
0x667: {  	v19 =	vmax.f32 v19, v20  }
0x668: {  	v20 =	vperm.xlane v19, v2;
	_ =	sdelay $0x1  }
0x669: {  	v19 =	vmax.f32 v19, v20  }
0x66a: {  	v20 =	vperm.xlane v19, v3;
	_ =	sdelay $0x1  }
0x66b: {  	v42 =	vimm.s32 $0x0;
	v43 =	vimm.s32 $0x0;
	v19 =	vmax.f32 v19, v20  }
0x66c: {  	v44 =	vimm.s32 $0x0;
	v45 =	vimm.s32 $0x0;
	vm8 =	veq.f32 v9, v19  }
0x66d: {  	vm1 =	veq.f32 v10, v19;
	vm0 =	veq.f32 v11, v19;
	vm15 =	veq.f32 v12, v19  }
0x66e: {  	v20 =	vsel vm8, $0xFFFFFFFF, v42;
	v9 =	vsel vm8, $0xFF800000, v9;
	v19 =	vsel vm15, $0xFFFFFFFF, v45  }
0x66f: {  	v10 =	vsel vm1, $0xFF800000, v10;
	v11 =	vsel vm0, $0xFF800000, v11;
	v12 =	vsel vm15, $0xFF800000, v12;
	[tilespmem:$0x1F250] =	vst v20  }
0x670: {  	v20 =	vsel vm1, $0xFFFFFFFF, v43;
	[tilespmem:$0x1F1B0] =	vst v19;
	v46 =	vmax.f32 v9, v10;
	v47 =	vmax.f32 v11, v12  }
0x671: {  	[tilespmem:$0x1F260] =	vst v20;
	v20 =	vsel vm0, $0xFFFFFFFF, v44;
	v19 =	vmax.f32 v46, v47  }
0x672: {  	[tilespmem:$0x1F270] =	vst v20;
	v20 =	vperm.xlane v19, v0  }
0x673: {  	v17 =	vmax.f32 v17, v18  }
0x674: {  	v49 =	vperm.xlane v17, v1;
	v19 =	vmax.f32 v19, v20  }
0x675: {  	v20 =	vperm.xlane v19, v1  }
0x676: {  	v17 =	vmax.f32 v17, v49  }
0x677: {  	v51 =	vperm.xlane v17, v2;
	v19 =	vmax.f32 v19, v20  }
0x678: {  	v20 =	vperm.xlane v19, v2  }
0x679: {  	v50 =	vimm.s32 $0x0;
	v17 =	vmax.f32 v17, v51  }
0x67a: {  	v52 =	vimm.s32 $0x0;
	v57 =	vperm.xlane v17, v3;
	v19 =	vmax.f32 v19, v20  }
0x67b: {  	v53 =	vimm.s32 $0x0;
	v54 =	vimm.s32 $0x0;
	v48 =	vperm.xlane v19, v3  }
0x67c: {  	v60 =	vimm.s32 $0x0;
	v61 =	vimm.s32 $0x0;
	v17 =	vmax.f32 v17, v57  }
0x67d: {  	v62 =	vimm.s32 $0x0;
	vm0 =	veq.f32 v14, v17;
	v18 =	vmax.f32 v19, v48  }
0x67e: {  	v14 =	vsel vm0, $0xFF800000, v14;
	vm8 =	veq.f32 v9, v18;
	vm1 =	veq.f32 v10, v18  }
0x67f: {  	vm15 =	veq.f32 v11, v18;
	vm7 =	veq.f32 v12, v18;
	v19 =	vsel vm8, $0xFFFFFFFF, v50  }
0x680: {  	v9 =	vsel vm8, $0xFF800000, v9;
	v20 =	vsel vm1, $0xFFFFFFFF, v52;
	v18 =	vsel vm7, $0xFFFFFFFF, v54  }
0x681: {  	v10 =	vsel vm1, $0xFF800000, v10;
	v11 =	vsel vm15, $0xFF800000, v11;
	v12 =	vsel vm7, $0xFF800000, v12  }
0x682: {  	vm8 =	veq.f32 v16, v17;
	vm1 =	veq.f32 v13, v17;
	[tilespmem:$0x1F2C0] =	vst v20;
	v20 =	vsel vm15, $0xFFFFFFFF, v53  }
0x683: {  	[tilespmem:$0x1F2B0] =	vst v19;
	v55 =	vmax.f32 v9, v10;
	v56 =	vmax.f32 v11, v12;
	v16 =	vsel vm8, $0xFF800000, v16  }
0x684: {  	[tilespmem:$0x1F1E0] =	vst v18;
	vm15 =	veq.f32 v15, v17;
	v13 =	vsel vm1, $0xFF800000, v13;
	v18 =	vmax.f32 v55, v56  }
0x685: {  	[tilespmem:$0x1F2D0] =	vst v20;
	v20 =	vsel vm1, $0xFFFFFFFF, v60;
	v17 =	vsel vm15, $0xFFFFFFFF, v62;
	v15 =	vsel vm15, $0xFF800000, v15  }
0x686: {  	v63 =	vmax.f32 v16, v13;
	v19 =	vperm.xlane v18, v0;
	[tilespmem:$0x1F190] =	vst v20;
	v24 =	vmax.f32 v14, v15  }
0x687: {  	v20 =	vsel vm0, $0xFFFFFFFF, v61;
	[tilespmem:$0x1F160] =	vst v17;
	v17 =	vmax.f32 v63, v24  }
0x688: {  	[tilespmem:$0x1F1A0] =	vst v20;
	v18 =	vmax.f32 v18, v19;
	v20 =	vperm.xlane v17, v0  }
0x689: {  	v59 =	vperm.xlane v18, v1  }
0x68a: {  	v58 =	vimm.s32 $0x0;
	v17 =	vmax.f32 v17, v20  }
0x68b: {  	v19 =	vsel vm8, $0xFFFFFFFF, v58;
	v18 =	vmax.f32 v18, v59;
	v20 =	vperm.xlane v17, v1  }
0x68c: {  	[tilespmem:$0x1F180] =	vst v19;
	v19 =	vperm.xlane v18, v2  }
0x68d: {  	v25 =	vimm.s32 $0x0;
	v17 =	vmax.f32 v17, v20  }
0x68e: {  	v27 =	vimm.s32 $0x0;
	v18 =	vmax.f32 v18, v19;
	v26 =	vperm.xlane v17, v2  }
0x68f: {  	v28 =	vimm.s32 $0x0;
	v29 =	vimm.s32 $0x0;
	v19 =	vperm.xlane v18, v3  }
0x690: {  	v33 =	vimm.s32 $0x0;
	v35 =	vimm.s32 $0x0;
	v17 =	vmax.f32 v17, v26  }
0x691: {  	vm2 =	vmmov vm2;
	v18 =	vmax.f32 v18, v19;
	v32 =	vperm.xlane v17, v3  }
0x692: {  	vm8 =	veq.f32 v9, v18;
	vm0 =	veq.f32 v10, v18;
	vm1 =	veq.f32 v11, v18  }
0x693: {  	vm15 =	veq.f32 v12, v18;
	v19 =	vsel vm8, $0xFFFFFFFF, v25;
	v9 =	vsel vm8, $0xFF800000, v9  }
0x694: {  	v10 =	vsel vm0, $0xFF800000, v10;
	v11 =	vsel vm1, $0xFF800000, v11;
	v12 =	vsel vm15, $0xFF800000, v12  }
0x695: {  	v18 =	vsel vm15, $0xFFFFFFFF, v29;
	v30 =	vmax.f32 v9, v10;
	v31 =	vmax.f32 v11, v12  }
0x696: {  	v20 =	vsel vm0, $0xFFFFFFFF, v27;
	v17 =	vmax.f32 v17, v32;
	[tilespmem:$0x1F200] =	vst v18;
	v18 =	vmax.f32 v30, v31  }
0x697: {  	[tilespmem:$0x1F2E0] =	vst v19;
	vm7 =	veq.f32 v16, v17;
	vm8 =	veq.f32 v13, v17;
	v19 =	vperm.xlane v18, v0  }
0x698: {  	vm15 =	veq.f32 v14, v17;
	v16 =	vsel vm7, $0xFF800000, v16;
	v13 =	vsel vm8, $0xFF800000, v13  }
0x699: {  	v18 =	vmax.f32 v18, v19;
	v19 =	vsel vm7, $0xFFFFFFFF, v33;
	vm7 =	veq.f32 v15, v17  }
0x69a: {  	v14 =	vsel vm15, $0xFF800000, v14;
	v34 =	vperm.xlane v18, v1;
	v15 =	vsel vm7, $0xFF800000, v15  }
0x69b: {  	[tilespmem:$0x1F300] =	vst v20;
	v20 =	vsel vm1, $0xFFFFFFFF, v28;
	v39 =	vmax.f32 v16, v13;
	v40 =	vmax.f32 v14, v15  }
0x69c: {  	v37 =	vimm.s32 $0x0;
	[tilespmem:$0x1F310] =	vst v20;
	v38 =	vmax.f32 v18, v34;
	v18 =	vmax.f32 v39, v40  }
0x69d: {  	v20 =	vsel vm8, $0xFFFFFFFF, v35;
	[tilespmem:$0x1F1D0] =	vst v19;
	v41 =	vperm.xlane v38, v2;
	v19 =	vperm.xlane v18, v0  }
0x69e: {  	v36 =	vimm.s32 $0x0;
	v42 =	vimm.s32 $0x0;
	[tilespmem:$0x1F1F0] =	vst v20;
	v17 =	vsel vm7, $0xFFFFFFFF, v37  }
0x69f: {  	v20 =	vsel vm15, $0xFFFFFFFF, v36;
	[tilespmem:$0x1F170] =	vst v17;
	v17 =	vmax.f32 v38, v41;
	v18 =	vmax.f32 v18, v19  }
0x6a0: {  	v45 =	vimm.s32 $0x0;
	[tilespmem:$0x1F210] =	vst v20;
	v20 =	vperm.xlane v17, v3;
	v19 =	vperm.xlane v18, v1  }
0x6a1: {  	v43 =	vimm.s32 $0x0;
	v44 =	vimm.s32 $0x0;
	v52 =	vimm.s32 $0x0  }
0x6a2: {  	vm0 =	veq.f32 v6, v8;
	v17 =	vmax.f32 v17, v20;
	v18 =	vmax.f32 v18, v19  }
0x6a3: {  	vm8 =	veq.f32 v9, v17;
	vm1 =	veq.f32 v10, v17;
	vm15 =	veq.f32 v11, v17  }
0x6a4: {  	vm7 =	veq.f32 v12, v17;
	v46 =	vperm.xlane v18, v2;
	v20 =	vsel vm8, $0xFFFFFFFF, v42  }
0x6a5: {  	v9 =	vsel vm8, $0xFF800000, v9;
	v19 =	vsel vm1, $0xFFFFFFFF, v43;
	v17 =	vsel vm7, $0xFFFFFFFF, v45  }
0x6a6: {  	v10 =	vsel vm1, $0xFF800000, v10;
	v11 =	vsel vm15, $0xFF800000, v11;
	v12 =	vsel vm7, $0xFF800000, v12  }
0x6a7: {  	vm7 =	vmor vm3, vm5;
	vm1 =	veq.f32 v5, v8;
	[tilespmem:$0x1F320] =	vst v19;
	v19 =	vsel vm15, $0xFFFFFFFF, v44  }
0x6a8: {  	[tilespmem:$0x1F240] =	vst v17;
	v47 =	vmax.f32 v9, v10;
	v48 =	vmax.f32 v11, v12;
	v17 =	vmax.f32 v18, v46  }
0x6a9: {  	vm15 =	veq.f32 v7, v8;
	[tilespmem:$0x1F330] =	vst v19;
	v19 =	vmax.f32 v47, v48;
	v50 =	vperm.xlane v17, v3  }
0x6aa: {  	v7 =	vimm.s32 $0x0;
	vm10 =	vmor vm10, vm1;
	v49 =	vperm.xlane v19, v0  }
0x6ab: {  	v58 =	vld [tilespmem:$0x1F660];
	v35 =	vsel vm7, $0x3F800000, v4;
	vm8 =	vmor vm13, vm15;
	v17 =	vmax.f32 v17, v50  }
0x6ac: {  	v57 =	vld [tilespmem:$0x1F630];
	v18 =	vmax.f32 v19, v49;
	vm5 =	veq.f32 v16, v17;
	vm13 =	veq.f32 v13, v17  }
0x6ad: {  	vm15 =	veq.f32 v14, v17;
	vm3 =	veq.f32 v15, v17;
	v19 =	vperm.xlane v18, v1  }
0x6ae: {  	v59 =	vld [tilespmem:$0x1F680];
	v7 =	vsel vm5, $0xFFFFFFFF, v7;
	v14 =	vsel vm15, $0xFF800000, v14;
	v15 =	vsel vm3, $0xFF800000, v15  }
0x6af: {  	v23 =	vld [tilespmem:$0x1F790];
	v13 =	vsel vm13, $0xFF800000, v13;
	[tilespmem:$0x1F220] =	vst v7;
	v7 =	vsel vm5, $0xFF800000, v16;
	v54 =	vmax.f32 v14, v15  }
0x6b0: {  	v28 =	vld [tilespmem:$0x1F700];
	vm5 =	vmor vm9, vm0;
	vm9 =	vnez.u8 v58;
	v51 =	vmax.f32 v18, v19  }
0x6b1: {  	v31 =	vld [tilespmem:$0x1F590];
	v19 =	vsel vm15, $0xFFFFFFFF, v52;
	v53 =	vmax.f32 v7, v13;
	vm15 =	vnez.u8 v57  }
0x6b2: {  	v24 =	vld [tilespmem:$0x1F6C0];
	vm5 =	vmor vm9, vm5;
	v18 =	vperm.xlane v51, v2;
	v6 =	vmax.f32 v53, v54  }
0x6b3: {  	v26 =	vld [tilespmem:$0x1F6E0];
	vm8 =	vmor vm15, vm8;
	vm15 =	vnez.u8 v59;
	vm5 =	vmor vm12, vm5  }
0x6b4: {  	vm12 =	vnez.u8 v23;
	v5 =	vperm.xlane v6, v0;
	vm0 =	vmor vm15, vm10  }
0x6b5: {  	vm8 =	vmor vm11, vm8;
	vm5 =	vmor vm14, vm5;
	vm11 =	vnez.u8 v28  }
0x6b6: {  	vm14 =	vnez.u8 v31;
	v16 =	vmax.f32 v51, v18;
	vm6 =	vmor vm6, vm8  }
0x6b7: {  	vm0 =	vmor vm12, vm0;
	vm12 =	vnez.u8 v24;
	v55 =	vperm.xlane v16, v3  }
0x6b8: {  	v29 =	vld [tilespmem:$0x1F580];
	vm8 =	vnez.u8 v26;
	v5 =	vmax.f32 v6, v5;
	vm6 =	vmor vm12, vm6  }
0x6b9: {  	v40 =	vld [tilespmem:$0x1F7E0];
	vm0 =	vmor vm4, vm0;
	vm4 =	vmor vm8, vm5;
	v56 =	vmax.f32 v16, v55  }
0x6ba: {  	v63 =	vperm.xlane v5, v1;
	vm9 =	veq.f32 v9, v56;
	vm1 =	veq.f32 v10, v56  }
0x6bb: {  	v32 =	vld [tilespmem:$0x1F5A0];
	vm15 =	veq.f32 v11, v56;
	vm10 =	veq.f32 v12, v56;
	v6 =	vsel vm9, $0xFF800000, v9  }
0x6bc: {  	v33 =	vld [tilespmem:$0x1F5C0];
	v60 =	vsel vm1, $0xFF800000, v10;
	v61 =	vsel vm15, $0xFF800000, v11;
	v62 =	vsel vm10, $0xFF800000, v12  }
0x6bd: {  	v36 =	vld [tilespmem:$0x1F5F0];
	[tilespmem:$0x1F2F0] =	vst v20;
	vm12 =	vnez.u8 v29;
	v20 =	vmax.f32 v6, v60;
	v21 =	vmax.f32 v61, v62  }
0x6be: {  	vm8 =	vnez.u8 v40;
	v5 =	vmax.f32 v5, v63;
	v12 =	vmax.f32 v20, v21  }
0x6bf: {  	v37 =	vld [tilespmem:$0x1F5B0];
	vm0 =	vmor vm11, vm0;
	v25 =	vperm.xlane v5, v2;
	v22 =	vperm.xlane v12, v0  }
0x6c0: {  	v39 =	vld [tilespmem:$0x1F5D0];
	vm5 =	vmor vm12, vm6;
	vm4 =	vmor vm14, vm4;
	vm11 =	vnez.u8 v32  }
0x6c1: {  	vm12 =	vnez.u8 v33;
	v5 =	vmax.f32 v5, v25;
	v11 =	vmax.f32 v12, v22  }
0x6c2: {  	vm14 =	vnez.u8 v36;
	v30 =	vperm.xlane v5, v3;
	v27 =	vperm.xlane v11, v1  }
0x6c3: {  	v43 =	vld [tilespmem:$0x1F160];
	vm0 =	vmor vm11, vm0;
	vm5 =	vmor vm12, vm5;
	vm6 =	vmmov vm14  }
0x6c4: {  	v45 =	vld [tilespmem:$0x1F170];
	vm12 =	vnez.u8 v37;
	v5 =	vmax.f32 v5, v30;
	v11 =	vmax.f32 v11, v27  }
0x6c5: {  	vm14 =	vnez.u8 v39;
	vm11 =	veq.f32 v15, v5;
	v34 =	vperm.xlane v11, v2  }
0x6c6: {  	vm7 =	vmmov vm12;
	v42 =	vsel vm5, $0x3F800000, v4;
	vm6 =	vmor vm6, vm11  }
0x6c7: {  	vm6 =	vmor vm7, vm6;
	vm7 =	vmor vm14, vm4;
	v11 =	vmax.f32 v11, v34  }
0x6c8: {  	vm4 =	vmmov vm8;
	vm2 =	vmor vm2, vm6;
	v38 =	vperm.xlane v11, v3  }
0x6c9: {  	v41 =	vld [tilespmem:$0x1F5E0];
	vm12 =	vnez.u8 v43;
	vm14 =	vnez.u8 v45;
	vm2 =	vmor vm4, vm2  }
0x6ca: {  	v44 =	vsel vm7, $0x3F800000, v4;
	vm2 =	vmor vm12, vm2;
	v11 =	vmax.f32 v11, v38  }
0x6cb: {  	v49 =	vld [tilespmem:$0x1F720];
	vm5 =	vmor vm14, vm2;
	vm4 =	veq.f32 v6, v11;
	vm6 =	veq.f32 v60, v11  }
0x6cc: {  	vm2 =	veq.f32 v61, v11;
	vm7 =	veq.f32 v62, v11;
	v6 =	vsel vm4, $0xFF800000, v6  }
0x6cd: {  	v8 =	vsel vm6, $0xFF800000, v60;
	v9 =	vsel vm2, $0xFF800000, v61;
	v10 =	vsel vm7, $0xFF800000, v62  }
0x6ce: {  	vm11 =	vnez.u8 v41;
	v46 =	vmax.f32 v6, v8;
	v47 =	vmax.f32 v9, v10  }
0x6cf: {  	vm0 =	vmor vm11, vm0;
	v11 =	vmax.f32 v46, v47  }
0x6d0: {  	v50 =	vld [tilespmem:$0x1F740];
	vm8 =	vnez.u8 v49;
	vm12 =	veq.f32 v7, v5;
	v7 =	vperm.xlane v11, v0  }
0x6d1: {  	v48 =	vsel vm0, $0x3F800000, v4;
	vm0 =	vmmov vm8;
	vm14 =	veq.f32 v13, v5  }
0x6d2: {  	vm0 =	vmor vm0, vm12;
	vm12 =	veq.f32 v14, v5;
	v5 =	vmax.f32 v11, v7;
	v7 =	vld [tilespmem:$0x1F650];
	_ =	sdelay $0x2  }
0x6d3: {  	v52 =	vld [tilespmem:$0x1F760];
	vm11 =	vnez.u8 v50  }
0x6d4: {  	vm3 =	vmor vm3, vm5;
	vm5 =	vmmov vm11  }
0x6d5: {  	vm5 =	vmor vm5, vm14;
	vm14 =	vnez.u8 v7;
	v7 =	vld [tilespmem:$0x1F670];
	_ =	sdelay $0x2  }
0x6d6: {  	vm11 =	vnez.u8 v52  }
0x6d7: {  	v51 =	vsel vm3, $0x3F800000, v4;
	vm3 =	vmmov vm11  }
0x6d8: {  	vm3 =	vmor vm3, vm12;
	vm12 =	vnez.u8 v7;
	v7 =	vperm.xlane v5, v1  }
0x6d9: {  	v53 =	vld [tilespmem:$0x1F6A0]  }
0x6da: {  	v5 =	vmax.f32 v5, v7;
	v7 =	vld [tilespmem:$0x1F780];
	_ =	sdelay $0x2  }
0x6db: {  	vm8 =	vmmov vm14  }
0x6dc: {  	v54 =	vld [tilespmem:$0x1F770];
	vm14 =	vnez.u8 v53;
	vm0 =	vmor vm8, vm0;
	vm8 =	vmmov vm12  }
0x6dd: {  	vm5 =	vmor vm8, vm5;
	vm8 =	vmmov vm14;
	vm14 =	vnez.u8 v7;
	v7 =	vld [tilespmem:$0x1F7A0];
	_ =	sdelay $0x3  }
0x6de: {  	vm12 =	vnez.u8 v54  }
0x6df: {  	vm11 =	vmmov vm12;
	vm12 =	vnez.u8 v7;
	v7 =	vperm.xlane v5, v2  }
0x6e0: {  	v55 =	vld [tilespmem:$0x1F7B0]  }
0x6e1: {  	v5 =	vmax.f32 v5, v7;
	v7 =	vld [tilespmem:$0x1F7C0];
	_ =	sdelay $0x2  }
0x6e2: {  	vm3 =	vmor vm8, vm3;
	vm8 =	vmmov vm14  }
0x6e3: {  	v56 =	vld [tilespmem:$0x1F180];
	vm14 =	vnez.u8 v55;
	vm5 =	vmor vm8, vm5  }
0x6e4: {  	vm8 =	vmmov vm14;
	vm14 =	vnez.u8 v7;
	v7 =	vperm.xlane v5, v3  }
0x6e5: {  	v57 =	vld [tilespmem:$0x1F190]  }
0x6e6: {  	v5 =	vmax.f32 v5, v7;
	v7 =	vld [tilespmem:$0x1F1A0];
	_ =	sdelay $0x1  }
0x6e7: {  	vm0 =	vmor vm11, vm0;
	vm11 =	vmmov vm12;
	vm12 =	vnez.u8 v56  }
0x6e8: {  	vm0 =	vmor vm8, vm0;
	vm8 =	vmmov vm12  }
0x6e9: {  	v58 =	vld [tilespmem:$0x1F7D0];
	vm12 =	vnez.u8 v57;
	vm0 =	vmor vm8, vm0;
	vm8 =	vmmov vm14  }
0x6ea: {  	vm5 =	vmor vm8, vm5;
	vm8 =	vmmov vm12;
	vm12 =	vnez.u8 v7;
	v7 =	vld [tilespmem:$0x1F1B0];
	_ =	sdelay $0x3  }
0x6eb: {  	vm14 =	vnez.u8 v58  }
0x6ec: {  	vm3 =	vmor vm11, vm3;
	vm11 =	vmmov vm14;
	vm14 =	vnez.u8 v7;
	v7 =	vld [tilespmem:$0x1F1C0];
	_ =	sdelay $0x2  }
0x6ed: {  	vm3 =	vmor vm11, vm3;
	vm5 =	vmor vm8, vm5  }
0x6ee: {  	vm8 =	vmmov vm12;
	vm12 =	veq.f32 v10, v5;
	vm11 =	vmmov vm14  }
0x6ef: {  	vm3 =	vmor vm8, vm3;
	vm8 =	vmor vm11, vm12;
	vm12 =	vnez.u8 v7;
	v7 =	vld [tilespmem:$0x1F1D0];
	_ =	sdelay $0x4  }
0x6f0: {  	vm11 =	vmmov vm12;
	vm12 =	vnez.u8 v7;
	v7 =	vld [tilespmem:$0x1F1E0];
	_ =	sdelay $0x4  }
0x6f1: {  	vm14 =	vnez.u8 v7;
	v7 =	vld [tilespmem:$0x1F1F0];
	_ =	sdelay $0x4  }
0x6f2: {  	vm0 =	vmor vm12, vm0;
	vm12 =	vnez.u8 v7;
	v7 =	vld [tilespmem:$0x1F200];
	_ =	sdelay $0x4  }
0x6f3: {  	vm5 =	vmor vm12, vm5;
	vm12 =	vnez.u8 v7;
	v7 =	vld [tilespmem:$0x1F210];
	_ =	sdelay $0x3  }
0x6f4: {  	vm8 =	vmor vm11, vm8;
	vm11 =	vmmov vm14  }
0x6f5: {  	vm8 =	vmor vm11, vm8;
	vm11 =	vmmov vm12;
	vm12 =	vnez.u8 v7;
	v7 =	vld [tilespmem:$0x1F220];
	_ =	sdelay $0x3  }
0x6f6: {  	[tilespmem:$0x1F230] =	vst v19  }
0x6f7: {  	vm3 =	vmor vm12, vm3;
	vm12 =	vnez.u8 v7;
	v7 =	vld [tilespmem:$0x1F230];
	_ =	sdelay $0x4  }
0x6f8: {  	vm5 =	vmor vm13, vm5;
	vm13 =	vnez.u8 v7;
	v7 =	vld [tilespmem:$0x1F240];
	_ =	sdelay $0x4  }
0x6f9: {  	vm8 =	vmor vm11, vm8;
	vm14 =	vnez.u8 v7  }
0x6fa: {  	vm8 =	vmor vm14, vm8  }
0x6fb: {  	v59 =	vsel vm5, $0x3F800000, v4;
	vm5 =	vmor vm10, vm8;
	vm10 =	veq.f32 v6, v5;
	v6 =	vld [tilespmem:$0x1F270]  }
0x6fc: {  	vm11 =	veq.f32 v8, v5;
	vm14 =	veq.f32 v9, v5;
	v5 =	vld [tilespmem:$0x1F290];
	_ =	sdelay $0x2  }
0x6fd: {  	v61 =	vld [tilespmem:$0x1F250];
	vm0 =	vmor vm12, vm0  }
0x6fe: {  	v7 =	vsel vm0, $0x3F800000, v4;
	vm12 =	vnez.u8 v6;
	v6 =	vld [tilespmem:$0x1F280]  }
0x6ff: {  	vm0 =	vmor vm7, vm5;
	vm5 =	vmmov vm12;
	vm12 =	vnez.u8 v5;
	v5 =	vld [tilespmem:$0x1F2A0];
	_ =	sdelay $0x2  }
0x700: {  	vm3 =	vmor vm13, vm3  }
0x701: {  	v60 =	vsel vm3, $0x3F800000, v4;
	vm7 =	vnez.u8 v61;
	vm13 =	vnez.u8 v6  }
0x702: {  	vm3 =	vmmov vm7;
	vm7 =	vmmov vm13;
	vm13 =	vnez.u8 v5;
	v5 =	vld [tilespmem:$0x1F2B0];
	_ =	sdelay $0x1  }
0x703: {  	v63 =	vld [tilespmem:$0x1F260];
	_ =	sdelay $0x1  }
0x704: {  	vm5 =	vmmov vm5  }
0x705: {  	vm5 =	vmor vm5, vm14;
	vm14 =	vnez.u8 v5;
	v5 =	vld [tilespmem:$0x1F2C0];
	_ =	sdelay $0x1  }
0x706: {  	vm8 =	vnez.u8 v63  }
0x707: {  	v62 =	vsel vm0, $0x3F800000, v4;
	vm0 =	vmmov vm8  }
0x708: {  	vm0 =	vmmov vm0  }
0x709: {  	vm0 =	vmor vm0, vm11;
	vm11 =	vnez.u8 v5;
	v5 =	vld [tilespmem:$0x1F2D0];
	_ =	sdelay $0x4  }
0x70a: {  	vm8 =	vmmov vm12;
	vm12 =	vnez.u8 v5;
	v5 =	vld [tilespmem:$0x1F2E0];
	_ =	sdelay $0x3  }
0x70b: {  	vm8 =	vmmov vm8  }
0x70c: {  	vm0 =	vmor vm8, vm0;
	vm8 =	vmmov vm14;
	vm14 =	vnez.u8 v5;
	v5 =	vld [tilespmem:$0x1F2F0];
	_ =	sdelay $0x1  }
0x70d: {  	vm3 =	vmmov vm3  }
0x70e: {  	vm3 =	vmor vm3, vm10;
	vm7 =	vmmov vm7  }
0x70f: {  	vm3 =	vmor vm7, vm3;
	vm8 =	vmmov vm8  }
0x710: {  	vm3 =	vmor vm8, vm3;
	vm8 =	vmmov vm12;
	vm12 =	vnez.u8 v5;
	v5 =	vld [tilespmem:$0x1F300];
	_ =	sdelay $0x1  }
0x711: {  	vm7 =	vmmov vm13  }
0x712: {  	vm7 =	vmmov vm7  }
0x713: {  	vm5 =	vmor vm7, vm5;
	vm13 =	vmmov vm8  }
0x714: {  	vm5 =	vmor vm13, vm5;
	vm13 =	vnez.u8 v5;
	v5 =	vld [tilespmem:$0x1F310];
	_ =	sdelay $0x4  }
0x715: {  	vm8 =	vmmov vm14;
	vm14 =	vnez.u8 v5;
	v5 =	vld [tilespmem:$0x1F320];
	_ =	sdelay $0x4  }
0x716: {  	[tilespmem:s13+$0x4030] =	vst v35;
	vm7 =	vmmov vm11;
	vm11 =	vnez.u8 v5;
	v5 =	vld [tilespmem:$0x1F330]  }
0x717: {  	[tilespmem:s13+$0x4000] =	vst v42;
	vm7 =	vmmov vm7  }
0x718: {  	[tilespmem:s13+$0x4010] =	vst v44;
	vm0 =	vmor vm7, vm0;
	vm3 =	vmor vm8, vm3;
	vm7 =	vmmov vm12  }
0x719: {  	[tilespmem:s13+$0x4020] =	vst v48;
	vm3 =	vmor vm7, vm3;
	vm7 =	vmmov vm13  }
0x71a: {  	[tilespmem:s14+$0x4030] =	vst v51;
	vm3 =	vmor vm9, vm3;
	vm0 =	vmor vm7, vm0  }
0x71b: {  	[tilespmem:s14+$0x4010] =	vst v59;
	vm8 =	vmmov vm14;
	vm7 =	vmmov vm11;
	vm12 =	vnez.u8 v5  }
0x71c: {  	[tilespmem:s14+$0x4020] =	vst v60;
	vm5 =	vmor vm8, vm5;
	vm0 =	vmor vm7, vm0;
	vm7 =	vmmov vm12  }
0x71d: {  	[tilespmem:s14+$0x4000] =	vst v7;
	vm13 =	vmor vm4, vm3;
	vm0 =	vmor vm1, vm0;
	vm5 =	vmor vm7, vm5  }
0x71e: {  	[tilespmem:s15+$0x4030] =	vst v62;
	vm0 =	vmor vm6, vm0;
	v5 =	vsel vm13, $0x3F800000, v4;
	vm14 =	vmor vm15, vm5  }
0x71f: {  	s12 =	sadd.s32 $0x1, s12;
	v6 =	vsel vm0, $0x3F800000, v4;
	[tilespmem:s15+$0x4000] =	vst v5;
	vm15 =	vmor vm2, vm14  }
0x720: {  	p0 =	sne.s32 s12, s9;
	[tilespmem:s15+$0x4010] =	vst v6;
	v5 =	vsel vm15, $0x3F800000, v4  }
.Ltmp3:
0x721: {  	[tilespmem:s15+$0x4020] =	vst v5;
	(pc) =	sbr.rel @p0 .LBB2_1-.Ltmp3, $4  }
0x722: {  	[hbm4b:s8+s2] =	stream.linear.scatter [tilespmem:s11], [sflag:$0x1], $0x4000, $0x38;
	[tilespmem:$0x8000] =	vst v63  }
0x723: {  	_ =	swait.ge [sflag:s10], $0x4000  }
0x724: {  	[sflag:s10] =	ssyncset.done $0x0  }
0x725: {  	[sflag:s10] =	ssyncadd.s32 $0xFFFFC000  }
0x726: {  	_ =	sfence.sel $0x180000  }
0x727: {  	[bflag:$0x0] =	sbarrier.arrive $0xFFFF  }
0x728: {  	p0 =	sne.s32 s0, $0x0;
	_ =	strace $0x90000047  }
0x729: {  	s0 =	sadd.s32 @!p0 $0x100000, s1;
	[bflag:$0x2] =	sbarrier.arrive $0xFFFF  }
0x72a: {  	[sflag:s0] =	ssyncadd.tile.s32 @!p0 $0x1;
	_ =	shalt  }
.Lfunc_end2:
_tile_overlayer_lowered:
.L_overlay_start_2:
0x72b: {  	(tag) =	ssettag $0x2  }
0x72c: {  	s0 =	rddreg [dreg:$0x0];
	s2 =	stileid.u32  }
0x72d: {  	s1 =	rddreg [dreg:$0x1];
	p0 =	sne.s32 s2, $0x0  }
0x72e: {  	s3 =	rddreg [dreg:$0x2];
	[bflag:$0x3] =	sbarrier.arrive $0xFFFF;
	s2 =	simm.s32 @!p0 $0x1C01  }
0x72f: {  	[timem:s3], [sflag:s2] =	dma.local @!p0 [hbm:s0], s1  }
0x730: {  	s0 =	simm.s32 @!p0 $0x1  }
0x731: {  	_ =	swait.ge @!p0 [sflag:s0], s1  }
0x732: {  	s1 =	ssub.s32 @!p0 $0x0, s1;
	[sflag:s0] =	ssyncset.done @!p0 $0x0  }
0x733: {  	[sflag:s0] =	ssyncadd.s32 @!p0 s1  }
0x734: {  	[bflag:$0x3] =	sbarrier.arrive $0xFFFF  }
0x735: {  	_ =	shalt  }

</sc_bundles>
